<compile_context>
chip_gen: v7x
topology: tpu7x:2x2x1
jax: 0.10.2.dev20260603
libtpu: 0.0.44.dev20260713+nightly
codegen_flags: <defaults>
</compile_context>

<pallas_src>
import numpy as np

import jax
import jax.numpy as jnp
from jax import lax
from jax.experimental import pallas as pl
from jax.experimental.pallas import tpu as pltpu
from jax.experimental.pallas import tpu_sc as plsc

N_ROWS = 16384
D = 64
C = 64
MARGIN_ = 2.0

NUM_CORES = 2
NUM_SUBCORES = 16
NW = NUM_CORES * NUM_SUBCORES
RPW = N_ROWS // NW
L = 16
GROUPS = RPW // L

_RSQRT_MAGIC = np.int32(0x5F3759DF)


def _rsqrt16(s):
    bits = plsc.bitcast(s, jnp.int32)
    y = plsc.bitcast(_RSQRT_MAGIC - (bits >> 1), jnp.float32)
    for _ in range(3):
        y = y * (1.5 - 0.5 * s * y * y)
    return y


def _sc_body(fT, labels, sums_out, cnt_out, sq_out, fvm, lvm, acc, cnt2, sqv):
    cid = lax.axis_index("c")
    sid = lax.axis_index("s")
    wid = sid * NUM_CORES + cid

    pltpu.sync_copy(fT.at[:, pl.ds(wid * RPW, RPW)], fvm)
    pltpu.sync_copy(labels.at[pl.ds(wid * RPW, RPW)], lvm)

    zeros = jnp.zeros((L,), jnp.float32)
    ones = jnp.ones((L,), jnp.float32)
    iota = lax.iota(jnp.int32, L)

    def zero_acc(k, carry):
        for j in range(D // L):
            acc[k, pl.ds(L * j, L)] = zeros
        cnt2[k, pl.ds(0, L)] = zeros
        return carry

    lax.fori_loop(0, C, zero_acc, 0)

    @plsc.parallel_loop(0, GROUPS, 1, unroll=3, carry=zeros)
    def sqfn(g, sqfn):
        col = pl.ds(g * L, L)
        lab = lvm[col]
        s0 = zeros
        s1 = zeros
        s2 = zeros
        s3 = zeros
        for d in range(0, D, 4):
            v0 = fvm[d, col]
            v1 = fvm[d + 1, col]
            v2 = fvm[d + 2, col]
            v3 = fvm[d + 3, col]
            s0 = s0 + v0 * v0
            s1 = s1 + v1 * v1
            s2 = s2 + v2 * v2
            s3 = s3 + v3 * v3
        sq = (s0 + s1) + (s2 + s3)
        inv = _rsqrt16(jnp.maximum(sq, 1e-24))
        sqfn = sqfn + sq * (inv * inv)
        rowv = iota + g * L
        for d in range(D):
            drot = (iota + d) & (D - 1)
            v = plsc.load_gather(fvm, [drot, rowv]) * inv
            plsc.addupdate_scatter(acc, [lab, drot], v)
        plsc.addupdate_scatter(cnt2, [lab, iota], ones)
        return sqfn

    sqv[pl.ds(0, L)] = sqfn

    pltpu.sync_copy(acc, sums_out.at[wid])
    pltpu.sync_copy(cnt2, cnt_out.at[wid])
    pltpu.sync_copy(sqv, sq_out.at[wid])


_sc_segment = pl.kernel(
    _sc_body,
    out_type=[
        jax.ShapeDtypeStruct((NW, C, D), jnp.float32),
        jax.ShapeDtypeStruct((NW, C, L), jnp.float32),
        jax.ShapeDtypeStruct((NW, L), jnp.float32),
    ],
    mesh=plsc.VectorSubcoreMesh(
        core_axis_name="c", subcore_axis_name="s",
        num_cores=NUM_CORES, num_subcores=NUM_SUBCORES,
    ),
    scratch_types=[
        pltpu.VMEM((D, RPW), jnp.float32),
        pltpu.VMEM((RPW,), jnp.int32),
        pltpu.VMEM((C, D), jnp.float32),
        pltpu.VMEM((C, L), jnp.float32),
        pltpu.VMEM((L,), jnp.float32),
    ],
    compiler_params=pltpu.CompilerParams(needs_layout_passes=False),
)


def _epi_body(sums_ref, cnt_ref, sq_ref, out_ref):
    sums = jnp.sum(sums_ref[...], axis=0)
    counts = jnp.sum(jnp.sum(cnt_ref[...], axis=0), axis=1)
    sqtot = jnp.sum(sq_ref[...])
    csafe = jnp.maximum(counts, 1.0)
    centers = sums / csafe[:, None]
    cnorm2 = jnp.sum(centers * centers, axis=1)
    intra = (sqtot - jnp.sum(counts * cnorm2)) / jnp.float32(N_ROWS)
    gram = jnp.dot(centers, centers.T, preferred_element_type=jnp.float32)
    d2 = cnorm2[:, None] + cnorm2[None, :] - 2.0 * gram
    d2 = jnp.maximum(d2, 0.0)
    row = lax.broadcasted_iota(jnp.int32, (C, C), 0)
    col = lax.broadcasted_iota(jnp.int32, (C, C), 1)
    pres = counts > 0.5
    mask = (row != col) & pres[:, None] & pres[None, :]
    min_d2 = jnp.min(jnp.where(mask, d2, jnp.float32(1e30)))
    min_inter = jnp.sqrt(min_d2)
    inter = jnp.maximum(MARGIN_ - min_inter, 0.0)
    sr = jnp.clip(min_inter / MARGIN_, 0.0, 1.0)
    loss = (1.0 + 2.0 * (1.0 - sr)) * intra + (2.0 * sr) * inter
    npres = jnp.sum(pres.astype(jnp.float32))
    loss = jnp.where(npres < 1.5, jnp.float32(0.0), loss)
    out_ref[...] = jnp.broadcast_to(loss, (1, 1))


_epilogue = pl.pallas_call(
    _epi_body,
    out_shape=jax.ShapeDtypeStruct((1, 1), jnp.float32),
)


@jax.jit
def kernel(features, labels):
    fT = features.T
    sums, cnt, sq = _sc_segment(fT, labels)
    return _epilogue(sums, cnt, sq)[0, 0]

# --- scband reference (transcript-rebuilt; emitter-appended) ---
"""Pipeline reference for scband-euclidean-metric-loss-pro-20426864460145 (READ-ONLY COPY).

The authoritative reference and input builder live on the scoring server;
editing this copy changes nothing except your own understanding.
"""

import jax, jax.numpy as jnp
import numpy as np

MARGIN = 2.0
NUM_CLASSES = 64

def setup_inputs(seed: int = 0) -> dict:
    key = jax.random.key(seed)
    k1, k2 = jax.random.split(key)
    features = jax.random.normal(k1, (16384, 64), dtype=jnp.float32)
    labels = jax.random.randint(k2, (16384,), 0, 64, dtype=jnp.int32)
    return {"features": features, "labels": labels}

def reference(features, labels):
    # F.normalize(features, p=2, dim=1)
    norms = jnp.linalg.norm(features, axis=1, keepdims=True)
    fn = features / jnp.maximum(norms, 1e-12)
    counts = jax.ops.segment_sum(jnp.ones_like(labels), labels, num_segments=NUM_CLASSES)
    present = counts > 0
    num_present = jnp.sum(present.astype(jnp.int32))
    # per-class centers: mean of normalized features with that label
    sums = jax.ops.segment_sum(fn, labels, num_segments=NUM_CLASSES)
    centers = sums / jnp.maximum(counts, 1)[:, None].astype(fn.dtype)
    # intra-class pull: squared distance to own center
    intra_dists = jnp.sum((fn - centers[labels]) ** 2, axis=1)
    intra_loss = jnp.mean(intra_dists)
    # pairwise euclidean distances between centers (torch.cdist p=2)
    d2 = jnp.sum((centers[:, None, :] - centers[None, :, :]) ** 2, axis=-1)
    mask = (~jnp.eye(NUM_CLASSES, dtype=bool)) & present[:, None] & present[None, :]
    d2_safe = jnp.where(mask, d2, 1.0)  # avoid sqrt(0) on diagonal
    c_dist = jnp.sqrt(d2_safe)
    min_inter = jnp.min(jnp.where(mask, c_dist, jnp.inf))
    inter_loss = jax.nn.relu(MARGIN - min_inter)
    safe_ratio = jnp.clip(jax.lax.stop_gradient(min_inter) / MARGIN, 0.0, 1.0)
    intra_weight = 1.0 + 2.0 * (1.0 - safe_ratio)
    inter_weight = 2.0 * safe_ratio
    loss = intra_weight * intra_loss + inter_weight * inter_loss
    return jnp.where(num_present < 2, jnp.asarray(0.0, dtype=features.dtype), loss)

if __name__ == "__main__":
    import jax
    _d = setup_inputs()
    print(jax.jit(kernel)(*tuple(_d.values())))

</pallas_src>

<mosaic_0001>
#map = affine_map<(d0, d1) -> (0, 0)>
#map1 = affine_map<(d0, d1) -> (0)>
#map2 = affine_map<(d0, d1) -> (0, 0, 0)>
module attributes {stable_mosaic.version = 14 : i64} {
  func.func @_sc_body(%arg0: i32, %arg1: i32, %arg2: memref<64x16384xf32, #tpu.memory_space<hbm>>, %arg3: memref<16384xi32, #tpu.memory_space<hbm>>, %arg4: memref<32x64x64xf32, #tpu.memory_space<hbm>>, %arg5: memref<32x64x16xf32, #tpu.memory_space<hbm>>, %arg6: memref<32x16xf32, #tpu.memory_space<hbm>>, %arg7: memref<64x512xf32, #tpu.memory_space<vmem>>, %arg8: memref<512xi32, #tpu.memory_space<vmem>>, %arg9: memref<64x64xf32, #tpu.memory_space<vmem>>, %arg10: memref<64x16xf32, #tpu.memory_space<vmem>>, %arg11: memref<16xf32, #tpu.memory_space<vmem>>) attributes {dimension_semantics = [#tpu.dimension_semantics<core_parallel>, #tpu.dimension_semantics<subcore_parallel>], iteration_bounds = array<i64: 2, 16>, scalar_prefetch = 0 : i64, scratch_operands = 5 : i64, tpu.core_type = #tpu.core_type<sc_vector_subcore>, window_params = [{transform_indices = #map}, {transform_indices = #map1}, {transform_indices = #map2}, {transform_indices = #map2}, {transform_indices = #map}]} {
    %mul3A = arith.constant 2 : i32
    %mul3A_0 = arith.muli %arg1, %mul3A : i32
    %add3A = arith.addi %mul3A_0, %arg0 : i32
    %mul3A_1 = arith.constant 512 : i32
    %mul3A_2 = arith.muli %add3A, %mul3A_1 : i32
    "tpu.region"() ({
      %run_scoped3A = tpu.sem_alloc : memref<!tpu.dma_semaphore, #tpu.memory_space<semaphore_mem>>
      %dma_start3A = arith.constant 0 : i32
      %dma_start3A_17 = tpu.memref_slice %arg2[%dma_start3A, %mul3A_2] : memref<64x16384xf32, #tpu.memory_space<hbm>> -> memref<64x512xf32, #tpu.memory_space<hbm>>
      %dma_start3A_18 = arith.constant 0 : i32
      %dma_start3A_19 = tpu.memref_slice %arg2[%dma_start3A_18, %mul3A_2] : memref<64x16384xf32, #tpu.memory_space<hbm>> -> memref<64x512xf32, #tpu.memory_space<hbm>>
      tpu.enqueue_dma source(%dma_start3A_19 : memref<64x512xf32, #tpu.memory_space<hbm>>) target(%arg7 : memref<64x512xf32, #tpu.memory_space<vmem>>) target_semaphore(%run_scoped3A : memref<!tpu.dma_semaphore, #tpu.memory_space<semaphore_mem>>)
      %dma_wait3A = arith.constant 0 : i32
      %dma_wait3A_20 = tpu.memref_slice %arg2[%dma_wait3A, %mul3A_2] : memref<64x16384xf32, #tpu.memory_space<hbm>> -> memref<64x512xf32, #tpu.memory_space<hbm>>
      %dma_wait3A_21 = arith.constant 0 : i32
      %dma_wait3A_22 = tpu.memref_slice %arg2[%dma_wait3A_21, %mul3A_2] : memref<64x16384xf32, #tpu.memory_space<hbm>> -> memref<64x512xf32, #tpu.memory_space<hbm>>
      tpu.wait_dma2 semaphore(%run_scoped3A : memref<!tpu.dma_semaphore, #tpu.memory_space<semaphore_mem>>) src(%dma_wait3A_22 : memref<64x512xf32, #tpu.memory_space<hbm>>) dst(%arg7 : memref<64x512xf32, #tpu.memory_space<vmem>>)
      tpu.yield
    }) : () -> ()
    %mul3A_3 = arith.constant 512 : i32
    %mul3A_4 = arith.muli %add3A, %mul3A_3 : i32
    "tpu.region"() ({
      %run_scoped3A = tpu.sem_alloc : memref<!tpu.dma_semaphore, #tpu.memory_space<semaphore_mem>>
      %dma_start3A = tpu.memref_slice %arg3[%mul3A_4] : memref<16384xi32, #tpu.memory_space<hbm>> -> memref<512xi32, #tpu.memory_space<hbm>>
      %dma_start3A_17 = tpu.memref_slice %arg3[%mul3A_4] : memref<16384xi32, #tpu.memory_space<hbm>> -> memref<512xi32, #tpu.memory_space<hbm>>
      tpu.enqueue_dma source(%dma_start3A_17 : memref<512xi32, #tpu.memory_space<hbm>>) target(%arg8 : memref<512xi32, #tpu.memory_space<vmem>>) target_semaphore(%run_scoped3A : memref<!tpu.dma_semaphore, #tpu.memory_space<semaphore_mem>>)
      %dma_wait3A = tpu.memref_slice %arg3[%mul3A_4] : memref<16384xi32, #tpu.memory_space<hbm>> -> memref<512xi32, #tpu.memory_space<hbm>>
      %dma_wait3A_18 = tpu.memref_slice %arg3[%mul3A_4] : memref<16384xi32, #tpu.memory_space<hbm>> -> memref<512xi32, #tpu.memory_space<hbm>>
      tpu.wait_dma2 semaphore(%run_scoped3A : memref<!tpu.dma_semaphore, #tpu.memory_space<semaphore_mem>>) src(%dma_wait3A_18 : memref<512xi32, #tpu.memory_space<hbm>>) dst(%arg8 : memref<512xi32, #tpu.memory_space<vmem>>)
      tpu.yield
    }) : () -> ()
    %broadcast_in_dim3A = arith.constant 0.000000e+00 : f32
    %broadcast_in_dim3A_5 = vector.broadcast %broadcast_in_dim3A : f32 to vector<16xf32>
    %broadcast_in_dim3A_6 = arith.constant 1.000000e+00 : f32
    %broadcast_in_dim3A_7 = vector.broadcast %broadcast_in_dim3A_6 : f32 to vector<16xf32>
    %iota3A = tpu.iota {dimensions = array<i32: 0>} : vector<16xi32>
    %scan3A = arith.constant 0 : i32
    %scan3A_8 = arith.constant 0 : i32
    %scan3A_9 = arith.constant 64 : i32
    %scan3A_10 = arith.addi %scan3A_8, %scan3A_9 : i32
    %scan3A_11 = arith.constant 1 : i32
    scf.for %scan3A_17 = %scan3A_8 to %scan3A_10 step %scan3A_11  : i32 {
      %swap3A_18 = arith.index_cast %scan3A_17 : i32 to index
      %swap3A_19 = arith.constant 0 : index
      %swap3A_20 = tpu.vector_load %arg9[%swap3A_18, %swap3A_19] {strides = array<i32>} : memref<64x64xf32, #tpu.memory_space<vmem>>, vector<16xf32>,
      tpu.vector_store %arg9[%swap3A_18, %swap3A_19], %broadcast_in_dim3A_5 {strides = array<i32>} : memref<64x64xf32, #tpu.memory_space<vmem>>, vector<16xf32>,
      %swap3A_21 = arith.index_cast %scan3A_17 : i32 to index
      %swap3A_22 = arith.constant 16 : index
      %swap3A_23 = tpu.vector_load %arg9[%swap3A_21, %swap3A_22] {strides = array<i32>} : memref<64x64xf32, #tpu.memory_space<vmem>>, vector<16xf32>,
      tpu.vector_store %arg9[%swap3A_21, %swap3A_22], %broadcast_in_dim3A_5 {strides = array<i32>} : memref<64x64xf32, #tpu.memory_space<vmem>>, vector<16xf32>,
      %swap3A_24 = arith.index_cast %scan3A_17 : i32 to index
      %swap3A_25 = arith.constant 32 : index
      %swap3A_26 = tpu.vector_load %arg9[%swap3A_24, %swap3A_25] {strides = array<i32>} : memref<64x64xf32, #tpu.memory_space<vmem>>, vector<16xf32>,
      tpu.vector_store %arg9[%swap3A_24, %swap3A_25], %broadcast_in_dim3A_5 {strides = array<i32>} : memref<64x64xf32, #tpu.memory_space<vmem>>, vector<16xf32>,
      %swap3A_27 = arith.index_cast %scan3A_17 : i32 to index
      %swap3A_28 = arith.constant 48 : index
      %swap3A_29 = tpu.vector_load %arg9[%swap3A_27, %swap3A_28] {strides = array<i32>} : memref<64x64xf32, #tpu.memory_space<vmem>>, vector<16xf32>,
      tpu.vector_store %arg9[%swap3A_27, %swap3A_28], %broadcast_in_dim3A_5 {strides = array<i32>} : memref<64x64xf32, #tpu.memory_space<vmem>>, vector<16xf32>,
      %swap3A_30 = arith.index_cast %scan3A_17 : i32 to index
      %swap3A_31 = arith.constant 0 : index
      %swap3A_32 = tpu.vector_load %arg10[%swap3A_30, %swap3A_31] {strides = array<i32>} : memref<64x16xf32, #tpu.memory_space<vmem>>, vector<16xf32>,
      tpu.vector_store %arg10[%swap3A_30, %swap3A_31], %broadcast_in_dim3A_5 {strides = array<i32>} : memref<64x16xf32, #tpu.memory_space<vmem>>, vector<16xf32>,
    }
    %scan3A_12 = arith.constant 64 : i32
    %parallel_loop3A = arith.constant 0 : i32
    %parallel_loop3A_13 = arith.constant 32 : i32
    %parallel_loop3A_14 = arith.constant 1 : i32
    %parallel_loop3A_15 = scf.for %parallel_loop3A_17 = %parallel_loop3A to %parallel_loop3A_13 step %parallel_loop3A_14 iter_args(%parallel_loop3A_18 = %broadcast_in_dim3A_5) -> (vector<16xf32>)  : i32 {
      %parallel_loop3A_19 = arith.constant 16 : i32
      %parallel_loop3A_20 = arith.muli %parallel_loop3A_17, %parallel_loop3A_19 : i32
      %parallel_loop3A_21 = arith.index_cast %parallel_loop3A_20 : i32 to index
      %parallel_loop3A_22 = tpu.vector_load %arg8[%parallel_loop3A_21] {strides = array<i32>} : memref<512xi32, #tpu.memory_space<vmem>>, vector<16xi32>,
      %parallel_loop3A_23 = arith.constant 0 : i32
      %parallel_loop3A_24 = arith.index_cast %parallel_loop3A_23 : i32 to index
      %parallel_loop3A_25 = arith.index_cast %parallel_loop3A_20 : i32 to index
      %parallel_loop3A_26 = tpu.vector_load %arg7[%parallel_loop3A_24, %parallel_loop3A_25] {strides = array<i32>} : memref<64x512xf32, #tpu.memory_space<vmem>>, vector<16xf32>,
      %parallel_loop3A_27 = arith.constant 1 : i32
      %parallel_loop3A_28 = arith.index_cast %parallel_loop3A_27 : i32 to index
      %parallel_loop3A_29 = arith.index_cast %parallel_loop3A_20 : i32 to index
      %parallel_loop3A_30 = tpu.vector_load %arg7[%parallel_loop3A_28, %parallel_loop3A_29] {strides = array<i32>} : memref<64x512xf32, #tpu.memory_space<vmem>>, vector<16xf32>,
      %parallel_loop3A_31 = arith.constant 2 : i32
      %parallel_loop3A_32 = arith.index_cast %parallel_loop3A_31 : i32 to index
      %parallel_loop3A_33 = arith.index_cast %parallel_loop3A_20 : i32 to index
      %parallel_loop3A_34 = tpu.vector_load %arg7[%parallel_loop3A_32, %parallel_loop3A_33] {strides = array<i32>} : memref<64x512xf32, #tpu.memory_space<vmem>>, vector<16xf32>,
      %parallel_loop3A_35 = arith.constant 3 : i32
      %parallel_loop3A_36 = arith.index_cast %parallel_loop3A_35 : i32 to index
      %parallel_loop3A_37 = arith.index_cast %parallel_loop3A_20 : i32 to index
      %parallel_loop3A_38 = tpu.vector_load %arg7[%parallel_loop3A_36, %parallel_loop3A_37] {strides = array<i32>} : memref<64x512xf32, #tpu.memory_space<vmem>>, vector<16xf32>,
      %parallel_loop3A_39 = arith.mulf %parallel_loop3A_26, %parallel_loop3A_26 : vector<16xf32>
      %parallel_loop3A_40 = arith.addf %broadcast_in_dim3A_5, %parallel_loop3A_39 : vector<16xf32>
      %parallel_loop3A_41 = arith.mulf %parallel_loop3A_30, %parallel_loop3A_30 : vector<16xf32>
      %parallel_loop3A_42 = arith.addf %broadcast_in_dim3A_5, %parallel_loop3A_41 : vector<16xf32>
      %parallel_loop3A_43 = arith.mulf %parallel_loop3A_34, %parallel_loop3A_34 : vector<16xf32>
      %parallel_loop3A_44 = arith.addf %broadcast_in_dim3A_5, %parallel_loop3A_43 : vector<16xf32>
      %parallel_loop3A_45 = arith.mulf %parallel_loop3A_38, %parallel_loop3A_38 : vector<16xf32>
      %parallel_loop3A_46 = arith.addf %broadcast_in_dim3A_5, %parallel_loop3A_45 : vector<16xf32>
      %parallel_loop3A_47 = arith.constant 4 : i32
      %parallel_loop3A_48 = arith.index_cast %parallel_loop3A_47 : i32 to index
      %parallel_loop3A_49 = arith.index_cast %parallel_loop3A_20 : i32 to index
      %parallel_loop3A_50 = tpu.vector_load %arg7[%parallel_loop3A_48, %parallel_loop3A_49] {strides = array<i32>} : memref<64x512xf32, #tpu.memory_space<vmem>>, vector<16xf32>,
      %parallel_loop3A_51 = arith.constant 5 : i32
      %parallel_loop3A_52 = arith.index_cast %parallel_loop3A_51 : i32 to index
      %parallel_loop3A_53 = arith.index_cast %parallel_loop3A_20 : i32 to index
      %parallel_loop3A_54 = tpu.vector_load %arg7[%parallel_loop3A_52, %parallel_loop3A_53] {strides = array<i32>} : memref<64x512xf32, #tpu.memory_space<vmem>>, vector<16xf32>,
      %parallel_loop3A_55 = arith.constant 6 : i32
      %parallel_loop3A_56 = arith.index_cast %parallel_loop3A_55 : i32 to index
      %parallel_loop3A_57 = arith.index_cast %parallel_loop3A_20 : i32 to index
      %parallel_loop3A_58 = tpu.vector_load %arg7[%parallel_loop3A_56, %parallel_loop3A_57] {strides = array<i32>} : memref<64x512xf32, #tpu.memory_space<vmem>>, vector<16xf32>,
      %parallel_loop3A_59 = arith.constant 7 : i32
      %parallel_loop3A_60 = arith.index_cast %parallel_loop3A_59 : i32 to index
      %parallel_loop3A_61 = arith.index_cast %parallel_loop3A_20 : i32 to index
      %parallel_loop3A_62 = tpu.vector_load %arg7[%parallel_loop3A_60, %parallel_loop3A_61] {strides = array<i32>} : memref<64x512xf32, #tpu.memory_space<vmem>>, vector<16xf32>,
      %parallel_loop3A_63 = arith.mulf %parallel_loop3A_50, %parallel_loop3A_50 : vector<16xf32>
      %parallel_loop3A_64 = arith.addf %parallel_loop3A_40, %parallel_loop3A_63 : vector<16xf32>
      %parallel_loop3A_65 = arith.mulf %parallel_loop3A_54, %parallel_loop3A_54 : vector<16xf32>
      %parallel_loop3A_66 = arith.addf %parallel_loop3A_42, %parallel_loop3A_65 : vector<16xf32>
      %parallel_loop3A_67 = arith.mulf %parallel_loop3A_58, %parallel_loop3A_58 : vector<16xf32>
      %parallel_loop3A_68 = arith.addf %parallel_loop3A_44, %parallel_loop3A_67 : vector<16xf32>
      %parallel_loop3A_69 = arith.mulf %parallel_loop3A_62, %parallel_loop3A_62 : vector<16xf32>
      %parallel_loop3A_70 = arith.addf %parallel_loop3A_46, %parallel_loop3A_69 : vector<16xf32>
      %parallel_loop3A_71 = arith.constant 8 : i32
      %parallel_loop3A_72 = arith.index_cast %parallel_loop3A_71 : i32 to index
      %parallel_loop3A_73 = arith.index_cast %parallel_loop3A_20 : i32 to index
      %parallel_loop3A_74 = tpu.vector_load %arg7[%parallel_loop3A_72, %parallel_loop3A_73] {strides = array<i32>} : memref<64x512xf32, #tpu.memory_space<vmem>>, vector<16xf32>,
      %parallel_loop3A_75 = arith.constant 9 : i32
      %parallel_loop3A_76 = arith.index_cast %parallel_loop3A_75 : i32 to index
      %parallel_loop3A_77 = arith.index_cast %parallel_loop3A_20 : i32 to index
      %parallel_loop3A_78 = tpu.vector_load %arg7[%parallel_loop3A_76, %parallel_loop3A_77] {strides = array<i32>} : memref<64x512xf32, #tpu.memory_space<vmem>>, vector<16xf32>,
      %parallel_loop3A_79 = arith.constant 10 : i32
      %parallel_loop3A_80 = arith.index_cast %parallel_loop3A_79 : i32 to index
      %parallel_loop3A_81 = arith.index_cast %parallel_loop3A_20 : i32 to index
      %parallel_loop3A_82 = tpu.vector_load %arg7[%parallel_loop3A_80, %parallel_loop3A_81] {strides = array<i32>} : memref<64x512xf32, #tpu.memory_space<vmem>>, vector<16xf32>,
      %parallel_loop3A_83 = arith.constant 11 : i32
      %parallel_loop3A_84 = arith.index_cast %parallel_loop3A_83 : i32 to index
      %parallel_loop3A_85 = arith.index_cast %parallel_loop3A_20 : i32 to index
      %parallel_loop3A_86 = tpu.vector_load %arg7[%parallel_loop3A_84, %parallel_loop3A_85] {strides = array<i32>} : memref<64x512xf32, #tpu.memory_space<vmem>>, vector<16xf32>,
      %parallel_loop3A_87 = arith.mulf %parallel_loop3A_74, %parallel_loop3A_74 : vector<16xf32>
      %parallel_loop3A_88 = arith.addf %parallel_loop3A_64, %parallel_loop3A_87 : vector<16xf32>
      %parallel_loop3A_89 = arith.mulf %parallel_loop3A_78, %parallel_loop3A_78 : vector<16xf32>
      %parallel_loop3A_90 = arith.addf %parallel_loop3A_66, %parallel_loop3A_89 : vector<16xf32>
      %parallel_loop3A_91 = arith.mulf %parallel_loop3A_82, %parallel_loop3A_82 : vector<16xf32>
      %parallel_loop3A_92 = arith.addf %parallel_loop3A_68, %parallel_loop3A_91 : vector<16xf32>
      %parallel_loop3A_93 = arith.mulf %parallel_loop3A_86, %parallel_loop3A_86 : vector<16xf32>
      %parallel_loop3A_94 = arith.addf %parallel_loop3A_70, %parallel_loop3A_93 : vector<16xf32>
      %parallel_loop3A_95 = arith.constant 12 : i32
      %parallel_loop3A_96 = arith.index_cast %parallel_loop3A_95 : i32 to index
      %parallel_loop3A_97 = arith.index_cast %parallel_loop3A_20 : i32 to index
      %parallel_loop3A_98 = tpu.vector_load %arg7[%parallel_loop3A_96, %parallel_loop3A_97] {strides = array<i32>} : memref<64x512xf32, #tpu.memory_space<vmem>>, vector<16xf32>,
      %parallel_loop3A_99 = arith.constant 13 : i32
      %parallel_loop3A_100 = arith.index_cast %parallel_loop3A_99 : i32 to index
      %parallel_loop3A_101 = arith.index_cast %parallel_loop3A_20 : i32 to index
      %parallel_loop3A_102 = tpu.vector_load %arg7[%parallel_loop3A_100, %parallel_loop3A_101] {strides = array<i32>} : memref<64x512xf32, #tpu.memory_space<vmem>>, vector<16xf32>,
      %parallel_loop3A_103 = arith.constant 14 : i32
      %parallel_loop3A_104 = arith.index_cast %parallel_loop3A_103 : i32 to index
      %parallel_loop3A_105 = arith.index_cast %parallel_loop3A_20 : i32 to index
      %parallel_loop3A_106 = tpu.vector_load %arg7[%parallel_loop3A_104, %parallel_loop3A_105] {strides = array<i32>} : memref<64x512xf32, #tpu.memory_space<vmem>>, vector<16xf32>,
      %parallel_loop3A_107 = arith.constant 15 : i32
      %parallel_loop3A_108 = arith.index_cast %parallel_loop3A_107 : i32 to index
      %parallel_loop3A_109 = arith.index_cast %parallel_loop3A_20 : i32 to index
      %parallel_loop3A_110 = tpu.vector_load %arg7[%parallel_loop3A_108, %parallel_loop3A_109] {strides = array<i32>} : memref<64x512xf32, #tpu.memory_space<vmem>>, vector<16xf32>,
      %parallel_loop3A_111 = arith.mulf %parallel_loop3A_98, %parallel_loop3A_98 : vector<16xf32>
      %parallel_loop3A_112 = arith.addf %parallel_loop3A_88, %parallel_loop3A_111 : vector<16xf32>
      %parallel_loop3A_113 = arith.mulf %parallel_loop3A_102, %parallel_loop3A_102 : vector<16xf32>
      %parallel_loop3A_114 = arith.addf %parallel_loop3A_90, %parallel_loop3A_113 : vector<16xf32>
      %parallel_loop3A_115 = arith.mulf %parallel_loop3A_106, %parallel_loop3A_106 : vector<16xf32>
      %parallel_loop3A_116 = arith.addf %parallel_loop3A_92, %parallel_loop3A_115 : vector<16xf32>
      %parallel_loop3A_117 = arith.mulf %parallel_loop3A_110, %parallel_loop3A_110 : vector<16xf32>
      %parallel_loop3A_118 = arith.addf %parallel_loop3A_94, %parallel_loop3A_117 : vector<16xf32>
      %parallel_loop3A_119 = arith.constant 16 : i32
      %parallel_loop3A_120 = arith.index_cast %parallel_loop3A_119 : i32 to index
      %parallel_loop3A_121 = arith.index_cast %parallel_loop3A_20 : i32 to index
      %parallel_loop3A_122 = tpu.vector_load %arg7[%parallel_loop3A_120, %parallel_loop3A_121] {strides = array<i32>} : memref<64x512xf32, #tpu.memory_space<vmem>>, vector<16xf32>,
      %parallel_loop3A_123 = arith.constant 17 : i32
      %parallel_loop3A_124 = arith.index_cast %parallel_loop3A_123 : i32 to index
      %parallel_loop3A_125 = arith.index_cast %parallel_loop3A_20 : i32 to index
      %parallel_loop3A_126 = tpu.vector_load %arg7[%parallel_loop3A_124, %parallel_loop3A_125] {strides = array<i32>} : memref<64x512xf32, #tpu.memory_space<vmem>>, vector<16xf32>,
      %parallel_loop3A_127 = arith.constant 18 : i32
      %parallel_loop3A_128 = arith.index_cast %parallel_loop3A_127 : i32 to index
      %parallel_loop3A_129 = arith.index_cast %parallel_loop3A_20 : i32 to index
      %parallel_loop3A_130 = tpu.vector_load %arg7[%parallel_loop3A_128, %parallel_loop3A_129] {strides = array<i32>} : memref<64x512xf32, #tpu.memory_space<vmem>>, vector<16xf32>,
      %parallel_loop3A_131 = arith.constant 19 : i32
      %parallel_loop3A_132 = arith.index_cast %parallel_loop3A_131 : i32 to index
      %parallel_loop3A_133 = arith.index_cast %parallel_loop3A_20 : i32 to index
      %parallel_loop3A_134 = tpu.vector_load %arg7[%parallel_loop3A_132, %parallel_loop3A_133] {strides = array<i32>} : memref<64x512xf32, #tpu.memory_space<vmem>>, vector<16xf32>,
      %parallel_loop3A_135 = arith.mulf %parallel_loop3A_122, %parallel_loop3A_122 : vector<16xf32>
      %parallel_loop3A_136 = arith.addf %parallel_loop3A_112, %parallel_loop3A_135 : vector<16xf32>
      %parallel_loop3A_137 = arith.mulf %parallel_loop3A_126, %parallel_loop3A_126 : vector<16xf32>
      %parallel_loop3A_138 = arith.addf %parallel_loop3A_114, %parallel_loop3A_137 : vector<16xf32>
      %parallel_loop3A_139 = arith.mulf %parallel_loop3A_130, %parallel_loop3A_130 : vector<16xf32>
      %parallel_loop3A_140 = arith.addf %parallel_loop3A_116, %parallel_loop3A_139 : vector<16xf32>
      %parallel_loop3A_141 = arith.mulf %parallel_loop3A_134, %parallel_loop3A_134 : vector<16xf32>
      %parallel_loop3A_142 = arith.addf %parallel_loop3A_118, %parallel_loop3A_141 : vector<16xf32>
      %parallel_loop3A_143 = arith.constant 20 : i32
      %parallel_loop3A_144 = arith.index_cast %parallel_loop3A_143 : i32 to index
      %parallel_loop3A_145 = arith.index_cast %parallel_loop3A_20 : i32 to index
      %parallel_loop3A_146 = tpu.vector_load %arg7[%parallel_loop3A_144, %parallel_loop3A_145] {strides = array<i32>} : memref<64x512xf32, #tpu.memory_space<vmem>>, vector<16xf32>,
      %parallel_loop3A_147 = arith.constant 21 : i32
      %parallel_loop3A_148 = arith.index_cast %parallel_loop3A_147 : i32 to index
      %parallel_loop3A_149 = arith.index_cast %parallel_loop3A_20 : i32 to index
      %parallel_loop3A_150 = tpu.vector_load %arg7[%parallel_loop3A_148, %parallel_loop3A_149] {strides = array<i32>} : memref<64x512xf32, #tpu.memory_space<vmem>>, vector<16xf32>,
      %parallel_loop3A_151 = arith.constant 22 : i32
      %parallel_loop3A_152 = arith.index_cast %parallel_loop3A_151 : i32 to index
      %parallel_loop3A_153 = arith.index_cast %parallel_loop3A_20 : i32 to index
      %parallel_loop3A_154 = tpu.vector_load %arg7[%parallel_loop3A_152, %parallel_loop3A_153] {strides = array<i32>} : memref<64x512xf32, #tpu.memory_space<vmem>>, vector<16xf32>,
      %parallel_loop3A_155 = arith.constant 23 : i32
      %parallel_loop3A_156 = arith.index_cast %parallel_loop3A_155 : i32 to index
      %parallel_loop3A_157 = arith.index_cast %parallel_loop3A_20 : i32 to index
      %parallel_loop3A_158 = tpu.vector_load %arg7[%parallel_loop3A_156, %parallel_loop3A_157] {strides = array<i32>} : memref<64x512xf32, #tpu.memory_space<vmem>>, vector<16xf32>,
      %parallel_loop3A_159 = arith.mulf %parallel_loop3A_146, %parallel_loop3A_146 : vector<16xf32>
      %parallel_loop3A_160 = arith.addf %parallel_loop3A_136, %parallel_loop3A_159 : vector<16xf32>
      %parallel_loop3A_161 = arith.mulf %parallel_loop3A_150, %parallel_loop3A_150 : vector<16xf32>
      %parallel_loop3A_162 = arith.addf %parallel_loop3A_138, %parallel_loop3A_161 : vector<16xf32>
      %parallel_loop3A_163 = arith.mulf %parallel_loop3A_154, %parallel_loop3A_154 : vector<16xf32>
      %parallel_loop3A_164 = arith.addf %parallel_loop3A_140, %parallel_loop3A_163 : vector<16xf32>
      %parallel_loop3A_165 = arith.mulf %parallel_loop3A_158, %parallel_loop3A_158 : vector<16xf32>
      %parallel_loop3A_166 = arith.addf %parallel_loop3A_142, %parallel_loop3A_165 : vector<16xf32>
      %parallel_loop3A_167 = arith.constant 24 : i32
      %parallel_loop3A_168 = arith.index_cast %parallel_loop3A_167 : i32 to index
      %parallel_loop3A_169 = arith.index_cast %parallel_loop3A_20 : i32 to index
      %parallel_loop3A_170 = tpu.vector_load %arg7[%parallel_loop3A_168, %parallel_loop3A_169] {strides = array<i32>} : memref<64x512xf32, #tpu.memory_space<vmem>>, vector<16xf32>,
      %parallel_loop3A_171 = arith.constant 25 : i32
      %parallel_loop3A_172 = arith.index_cast %parallel_loop3A_171 : i32 to index
      %parallel_loop3A_173 = arith.index_cast %parallel_loop3A_20 : i32 to index
      %parallel_loop3A_174 = tpu.vector_load %arg7[%parallel_loop3A_172, %parallel_loop3A_173] {strides = array<i32>} : memref<64x512xf32, #tpu.memory_space<vmem>>, vector<16xf32>,
      %parallel_loop3A_175 = arith.constant 26 : i32
      %parallel_loop3A_176 = arith.index_cast %parallel_loop3A_175 : i32 to index
      %parallel_loop3A_177 = arith.index_cast %parallel_loop3A_20 : i32 to index
      %parallel_loop3A_178 = tpu.vector_load %arg7[%parallel_loop3A_176, %parallel_loop3A_177] {strides = array<i32>} : memref<64x512xf32, #tpu.memory_space<vmem>>, vector<16xf32>,
      %parallel_loop3A_179 = arith.constant 27 : i32
      %parallel_loop3A_180 = arith.index_cast %parallel_loop3A_179 : i32 to index
      %parallel_loop3A_181 = arith.index_cast %parallel_loop3A_20 : i32 to index
      %parallel_loop3A_182 = tpu.vector_load %arg7[%parallel_loop3A_180, %parallel_loop3A_181] {strides = array<i32>} : memref<64x512xf32, #tpu.memory_space<vmem>>, vector<16xf32>,
      %parallel_loop3A_183 = arith.mulf %parallel_loop3A_170, %parallel_loop3A_170 : vector<16xf32>
      %parallel_loop3A_184 = arith.addf %parallel_loop3A_160, %parallel_loop3A_183 : vector<16xf32>
      %parallel_loop3A_185 = arith.mulf %parallel_loop3A_174, %parallel_loop3A_174 : vector<16xf32>
      %parallel_loop3A_186 = arith.addf %parallel_loop3A_162, %parallel_loop3A_185 : vector<16xf32>
      %parallel_loop3A_187 = arith.mulf %parallel_loop3A_178, %parallel_loop3A_178 : vector<16xf32>
      %parallel_loop3A_188 = arith.addf %parallel_loop3A_164, %parallel_loop3A_187 : vector<16xf32>
      %parallel_loop3A_189 = arith.mulf %parallel_loop3A_182, %parallel_loop3A_182 : vector<16xf32>
      %parallel_loop3A_190 = arith.addf %parallel_loop3A_166, %parallel_loop3A_189 : vector<16xf32>
      %parallel_loop3A_191 = arith.constant 28 : i32
      %parallel_loop3A_192 = arith.index_cast %parallel_loop3A_191 : i32 to index
      %parallel_loop3A_193 = arith.index_cast %parallel_loop3A_20 : i32 to index
      %parallel_loop3A_194 = tpu.vector_load %arg7[%parallel_loop3A_192, %parallel_loop3A_193] {strides = array<i32>} : memref<64x512xf32, #tpu.memory_space<vmem>>, vector<16xf32>,
      %parallel_loop3A_195 = arith.constant 29 : i32
      %parallel_loop3A_196 = arith.index_cast %parallel_loop3A_195 : i32 to index
      %parallel_loop3A_197 = arith.index_cast %parallel_loop3A_20 : i32 to index
      %parallel_loop3A_198 = tpu.vector_load %arg7[%parallel_loop3A_196, %parallel_loop3A_197] {strides = array<i32>} : memref<64x512xf32, #tpu.memory_space<vmem>>, vector<16xf32>,
      %parallel_loop3A_199 = arith.constant 30 : i32
      %parallel_loop3A_200 = arith.index_cast %parallel_loop3A_199 : i32 to index
      %parallel_loop3A_201 = arith.index_cast %parallel_loop3A_20 : i32 to index
      %parallel_loop3A_202 = tpu.vector_load %arg7[%parallel_loop3A_200, %parallel_loop3A_201] {strides = array<i32>} : memref<64x512xf32, #tpu.memory_space<vmem>>, vector<16xf32>,
      %parallel_loop3A_203 = arith.constant 31 : i32
      %parallel_loop3A_204 = arith.index_cast %parallel_loop3A_203 : i32 to index
      %parallel_loop3A_205 = arith.index_cast %parallel_loop3A_20 : i32 to index
      %parallel_loop3A_206 = tpu.vector_load %arg7[%parallel_loop3A_204, %parallel_loop3A_205] {strides = array<i32>} : memref<64x512xf32, #tpu.memory_space<vmem>>, vector<16xf32>,
      %parallel_loop3A_207 = arith.mulf %parallel_loop3A_194, %parallel_loop3A_194 : vector<16xf32>
      %parallel_loop3A_208 = arith.addf %parallel_loop3A_184, %parallel_loop3A_207 : vector<16xf32>
      %parallel_loop3A_209 = arith.mulf %parallel_loop3A_198, %parallel_loop3A_198 : vector<16xf32>
      %parallel_loop3A_210 = arith.addf %parallel_loop3A_186, %parallel_loop3A_209 : vector<16xf32>
      %parallel_loop3A_211 = arith.mulf %parallel_loop3A_202, %parallel_loop3A_202 : vector<16xf32>
      %parallel_loop3A_212 = arith.addf %parallel_loop3A_188, %parallel_loop3A_211 : vector<16xf32>
      %parallel_loop3A_213 = arith.mulf %parallel_loop3A_206, %parallel_loop3A_206 : vector<16xf32>
      %parallel_loop3A_214 = arith.addf %parallel_loop3A_190, %parallel_loop3A_213 : vector<16xf32>
      %parallel_loop3A_215 = arith.constant 32 : i32
      %parallel_loop3A_216 = arith.index_cast %parallel_loop3A_215 : i32 to index
      %parallel_loop3A_217 = arith.index_cast %parallel_loop3A_20 : i32 to index
      %parallel_loop3A_218 = tpu.vector_load %arg7[%parallel_loop3A_216, %parallel_loop3A_217] {strides = array<i32>} : memref<64x512xf32, #tpu.memory_space<vmem>>, vector<16xf32>,
      %parallel_loop3A_219 = arith.constant 33 : i32
      %parallel_loop3A_220 = arith.index_cast %parallel_loop3A_219 : i32 to index
      %parallel_loop3A_221 = arith.index_cast %parallel_loop3A_20 : i32 to index
      %parallel_loop3A_222 = tpu.vector_load %arg7[%parallel_loop3A_220, %parallel_loop3A_221] {strides = array<i32>} : memref<64x512xf32, #tpu.memory_space<vmem>>, vector<16xf32>,
      %parallel_loop3A_223 = arith.constant 34 : i32
      %parallel_loop3A_224 = arith.index_cast %parallel_loop3A_223 : i32 to index
      %parallel_loop3A_225 = arith.index_cast %parallel_loop3A_20 : i32 to index
      %parallel_loop3A_226 = tpu.vector_load %arg7[%parallel_loop3A_224, %parallel_loop3A_225] {strides = array<i32>} : memref<64x512xf32, #tpu.memory_space<vmem>>, vector<16xf32>,
      %parallel_loop3A_227 = arith.constant 35 : i32
      %parallel_loop3A_228 = arith.index_cast %parallel_loop3A_227 : i32 to index
      %parallel_loop3A_229 = arith.index_cast %parallel_loop3A_20 : i32 to index
      %parallel_loop3A_230 = tpu.vector_load %arg7[%parallel_loop3A_228, %parallel_loop3A_229] {strides = array<i32>} : memref<64x512xf32, #tpu.memory_space<vmem>>, vector<16xf32>,
      %parallel_loop3A_231 = arith.mulf %parallel_loop3A_218, %parallel_loop3A_218 : vector<16xf32>
      %parallel_loop3A_232 = arith.addf %parallel_loop3A_208, %parallel_loop3A_231 : vector<16xf32>
      %parallel_loop3A_233 = arith.mulf %parallel_loop3A_222, %parallel_loop3A_222 : vector<16xf32>
      %parallel_loop3A_234 = arith.addf %parallel_loop3A_210, %parallel_loop3A_233 : vector<16xf32>
      %parallel_loop3A_235 = arith.mulf %parallel_loop3A_226, %parallel_loop3A_226 : vector<16xf32>
      %parallel_loop3A_236 = arith.addf %parallel_loop3A_212, %parallel_loop3A_235 : vector<16xf32>
      %parallel_loop3A_237 = arith.mulf %parallel_loop3A_230, %parallel_loop3A_230 : vector<16xf32>
      %parallel_loop3A_238 = arith.addf %parallel_loop3A_214, %parallel_loop3A_237 : vector<16xf32>
      %parallel_loop3A_239 = arith.constant 36 : i32
      %parallel_loop3A_240 = arith.index_cast %parallel_loop3A_239 : i32 to index
      %parallel_loop3A_241 = arith.index_cast %parallel_loop3A_20 : i32 to index
      %parallel_loop3A_242 = tpu.vector_load %arg7[%parallel_loop3A_240, %parallel_loop3A_241] {strides = array<i32>} : memref<64x512xf32, #tpu.memory_space<vmem>>, vector<16xf32>,
      %parallel_loop3A_243 = arith.constant 37 : i32
      %parallel_loop3A_244 = arith.index_cast %parallel_loop3A_243 : i32 to index
      %parallel_loop3A_245 = arith.index_cast %parallel_loop3A_20 : i32 to index
      %parallel_loop3A_246 = tpu.vector_load %arg7[%parallel_loop3A_244, %parallel_loop3A_245] {strides = array<i32>} : memref<64x512xf32, #tpu.memory_space<vmem>>, vector<16xf32>,
      %parallel_loop3A_247 = arith.constant 38 : i32
      %parallel_loop3A_248 = arith.index_cast %parallel_loop3A_247 : i32 to index
      %parallel_loop3A_249 = arith.index_cast %parallel_loop3A_20 : i32 to index
      %parallel_loop3A_250 = tpu.vector_load %arg7[%parallel_loop3A_248, %parallel_loop3A_249] {strides = array<i32>} : memref<64x512xf32, #tpu.memory_space<vmem>>, vector<16xf32>,
      %parallel_loop3A_251 = arith.constant 39 : i32
      %parallel_loop3A_252 = arith.index_cast %parallel_loop3A_251 : i32 to index
      %parallel_loop3A_253 = arith.index_cast %parallel_loop3A_20 : i32 to index
      %parallel_loop3A_254 = tpu.vector_load %arg7[%parallel_loop3A_252, %parallel_loop3A_253] {strides = array<i32>} : memref<64x512xf32, #tpu.memory_space<vmem>>, vector<16xf32>,
      %parallel_loop3A_255 = arith.mulf %parallel_loop3A_242, %parallel_loop3A_242 : vector<16xf32>
      %parallel_loop3A_256 = arith.addf %parallel_loop3A_232, %parallel_loop3A_255 : vector<16xf32>
      %parallel_loop3A_257 = arith.mulf %parallel_loop3A_246, %parallel_loop3A_246 : vector<16xf32>
      %parallel_loop3A_258 = arith.addf %parallel_loop3A_234, %parallel_loop3A_257 : vector<16xf32>
      %parallel_loop3A_259 = arith.mulf %parallel_loop3A_250, %parallel_loop3A_250 : vector<16xf32>
      %parallel_loop3A_260 = arith.addf %parallel_loop3A_236, %parallel_loop3A_259 : vector<16xf32>
      %parallel_loop3A_261 = arith.mulf %parallel_loop3A_254, %parallel_loop3A_254 : vector<16xf32>
      %parallel_loop3A_262 = arith.addf %parallel_loop3A_238, %parallel_loop3A_261 : vector<16xf32>
      %parallel_loop3A_263 = arith.constant 40 : i32
      %parallel_loop3A_264 = arith.index_cast %parallel_loop3A_263 : i32 to index
      %parallel_loop3A_265 = arith.index_cast %parallel_loop3A_20 : i32 to index
      %parallel_loop3A_266 = tpu.vector_load %arg7[%parallel_loop3A_264, %parallel_loop3A_265] {strides = array<i32>} : memref<64x512xf32, #tpu.memory_space<vmem>>, vector<16xf32>,
      %parallel_loop3A_267 = arith.constant 41 : i32
      %parallel_loop3A_268 = arith.index_cast %parallel_loop3A_267 : i32 to index
      %parallel_loop3A_269 = arith.index_cast %parallel_loop3A_20 : i32 to index
      %parallel_loop3A_270 = tpu.vector_load %arg7[%parallel_loop3A_268, %parallel_loop3A_269] {strides = array<i32>} : memref<64x512xf32, #tpu.memory_space<vmem>>, vector<16xf32>,
      %parallel_loop3A_271 = arith.constant 42 : i32
      %parallel_loop3A_272 = arith.index_cast %parallel_loop3A_271 : i32 to index
      %parallel_loop3A_273 = arith.index_cast %parallel_loop3A_20 : i32 to index
      %parallel_loop3A_274 = tpu.vector_load %arg7[%parallel_loop3A_272, %parallel_loop3A_273] {strides = array<i32>} : memref<64x512xf32, #tpu.memory_space<vmem>>, vector<16xf32>,
      %parallel_loop3A_275 = arith.constant 43 : i32
      %parallel_loop3A_276 = arith.index_cast %parallel_loop3A_275 : i32 to index
      %parallel_loop3A_277 = arith.index_cast %parallel_loop3A_20 : i32 to index
      %parallel_loop3A_278 = tpu.vector_load %arg7[%parallel_loop3A_276, %parallel_loop3A_277] {strides = array<i32>} : memref<64x512xf32, #tpu.memory_space<vmem>>, vector<16xf32>,
      %parallel_loop3A_279 = arith.mulf %parallel_loop3A_266, %parallel_loop3A_266 : vector<16xf32>
      %parallel_loop3A_280 = arith.addf %parallel_loop3A_256, %parallel_loop3A_279 : vector<16xf32>
      %parallel_loop3A_281 = arith.mulf %parallel_loop3A_270, %parallel_loop3A_270 : vector<16xf32>
      %parallel_loop3A_282 = arith.addf %parallel_loop3A_258, %parallel_loop3A_281 : vector<16xf32>
      %parallel_loop3A_283 = arith.mulf %parallel_loop3A_274, %parallel_loop3A_274 : vector<16xf32>
      %parallel_loop3A_284 = arith.addf %parallel_loop3A_260, %parallel_loop3A_283 : vector<16xf32>
      %parallel_loop3A_285 = arith.mulf %parallel_loop3A_278, %parallel_loop3A_278 : vector<16xf32>
      %parallel_loop3A_286 = arith.addf %parallel_loop3A_262, %parallel_loop3A_285 : vector<16xf32>
      %parallel_loop3A_287 = arith.constant 44 : i32
      %parallel_loop3A_288 = arith.index_cast %parallel_loop3A_287 : i32 to index
      %parallel_loop3A_289 = arith.index_cast %parallel_loop3A_20 : i32 to index
      %parallel_loop3A_290 = tpu.vector_load %arg7[%parallel_loop3A_288, %parallel_loop3A_289] {strides = array<i32>} : memref<64x512xf32, #tpu.memory_space<vmem>>, vector<16xf32>,
      %parallel_loop3A_291 = arith.constant 45 : i32
      %parallel_loop3A_292 = arith.index_cast %parallel_loop3A_291 : i32 to index
      %parallel_loop3A_293 = arith.index_cast %parallel_loop3A_20 : i32 to index
      %parallel_loop3A_294 = tpu.vector_load %arg7[%parallel_loop3A_292, %parallel_loop3A_293] {strides = array<i32>} : memref<64x512xf32, #tpu.memory_space<vmem>>, vector<16xf32>,
      %parallel_loop3A_295 = arith.constant 46 : i32
      %parallel_loop3A_296 = arith.index_cast %parallel_loop3A_295 : i32 to index
      %parallel_loop3A_297 = arith.index_cast %parallel_loop3A_20 : i32 to index
      %parallel_loop3A_298 = tpu.vector_load %arg7[%parallel_loop3A_296, %parallel_loop3A_297] {strides = array<i32>} : memref<64x512xf32, #tpu.memory_space<vmem>>, vector<16xf32>,
      %parallel_loop3A_299 = arith.constant 47 : i32
      %parallel_loop3A_300 = arith.index_cast %parallel_loop3A_299 : i32 to index
      %parallel_loop3A_301 = arith.index_cast %parallel_loop3A_20 : i32 to index
      %parallel_loop3A_302 = tpu.vector_load %arg7[%parallel_loop3A_300, %parallel_loop3A_301] {strides = array<i32>} : memref<64x512xf32, #tpu.memory_space<vmem>>, vector<16xf32>,
      %parallel_loop3A_303 = arith.mulf %parallel_loop3A_290, %parallel_loop3A_290 : vector<16xf32>
      %parallel_loop3A_304 = arith.addf %parallel_loop3A_280, %parallel_loop3A_303 : vector<16xf32>
      %parallel_loop3A_305 = arith.mulf %parallel_loop3A_294, %parallel_loop3A_294 : vector<16xf32>
      %parallel_loop3A_306 = arith.addf %parallel_loop3A_282, %parallel_loop3A_305 : vector<16xf32>
      %parallel_loop3A_307 = arith.mulf %parallel_loop3A_298, %parallel_loop3A_298 : vector<16xf32>
      %parallel_loop3A_308 = arith.addf %parallel_loop3A_284, %parallel_loop3A_307 : vector<16xf32>
      %parallel_loop3A_309 = arith.mulf %parallel_loop3A_302, %parallel_loop3A_302 : vector<16xf32>
      %parallel_loop3A_310 = arith.addf %parallel_loop3A_286, %parallel_loop3A_309 : vector<16xf32>
      %parallel_loop3A_311 = arith.constant 48 : i32
      %parallel_loop3A_312 = arith.index_cast %parallel_loop3A_311 : i32 to index
      %parallel_loop3A_313 = arith.index_cast %parallel_loop3A_20 : i32 to index
      %parallel_loop3A_314 = tpu.vector_load %arg7[%parallel_loop3A_312, %parallel_loop3A_313] {strides = array<i32>} : memref<64x512xf32, #tpu.memory_space<vmem>>, vector<16xf32>,
      %parallel_loop3A_315 = arith.constant 49 : i32
      %parallel_loop3A_316 = arith.index_cast %parallel_loop3A_315 : i32 to index
      %parallel_loop3A_317 = arith.index_cast %parallel_loop3A_20 : i32 to index
      %parallel_loop3A_318 = tpu.vector_load %arg7[%parallel_loop3A_316, %parallel_loop3A_317] {strides = array<i32>} : memref<64x512xf32, #tpu.memory_space<vmem>>, vector<16xf32>,
      %parallel_loop3A_319 = arith.constant 50 : i32
      %parallel_loop3A_320 = arith.index_cast %parallel_loop3A_319 : i32 to index
      %parallel_loop3A_321 = arith.index_cast %parallel_loop3A_20 : i32 to index
      %parallel_loop3A_322 = tpu.vector_load %arg7[%parallel_loop3A_320, %parallel_loop3A_321] {strides = array<i32>} : memref<64x512xf32, #tpu.memory_space<vmem>>, vector<16xf32>,
      %parallel_loop3A_323 = arith.constant 51 : i32
      %parallel_loop3A_324 = arith.index_cast %parallel_loop3A_323 : i32 to index
      %parallel_loop3A_325 = arith.index_cast %parallel_loop3A_20 : i32 to index
      %parallel_loop3A_326 = tpu.vector_load %arg7[%parallel_loop3A_324, %parallel_loop3A_325] {strides = array<i32>} : memref<64x512xf32, #tpu.memory_space<vmem>>, vector<16xf32>,
      %parallel_loop3A_327 = arith.mulf %parallel_loop3A_314, %parallel_loop3A_314 : vector<16xf32>
      %parallel_loop3A_328 = arith.addf %parallel_loop3A_304, %parallel_loop3A_327 : vector<16xf32>
      %parallel_loop3A_329 = arith.mulf %parallel_loop3A_318, %parallel_loop3A_318 : vector<16xf32>
      %parallel_loop3A_330 = arith.addf %parallel_loop3A_306, %parallel_loop3A_329 : vector<16xf32>
      %parallel_loop3A_331 = arith.mulf %parallel_loop3A_322, %parallel_loop3A_322 : vector<16xf32>
      %parallel_loop3A_332 = arith.addf %parallel_loop3A_308, %parallel_loop3A_331 : vector<16xf32>
      %parallel_loop3A_333 = arith.mulf %parallel_loop3A_326, %parallel_loop3A_326 : vector<16xf32>
      %parallel_loop3A_334 = arith.addf %parallel_loop3A_310, %parallel_loop3A_333 : vector<16xf32>
      %parallel_loop3A_335 = arith.constant 52 : i32
      %parallel_loop3A_336 = arith.index_cast %parallel_loop3A_335 : i32 to index
      %parallel_loop3A_337 = arith.index_cast %parallel_loop3A_20 : i32 to index
      %parallel_loop3A_338 = tpu.vector_load %arg7[%parallel_loop3A_336, %parallel_loop3A_337] {strides = array<i32>} : memref<64x512xf32, #tpu.memory_space<vmem>>, vector<16xf32>,
      %parallel_loop3A_339 = arith.constant 53 : i32
      %parallel_loop3A_340 = arith.index_cast %parallel_loop3A_339 : i32 to index
      %parallel_loop3A_341 = arith.index_cast %parallel_loop3A_20 : i32 to index
      %parallel_loop3A_342 = tpu.vector_load %arg7[%parallel_loop3A_340, %parallel_loop3A_341] {strides = array<i32>} : memref<64x512xf32, #tpu.memory_space<vmem>>, vector<16xf32>,
      %parallel_loop3A_343 = arith.constant 54 : i32
      %parallel_loop3A_344 = arith.index_cast %parallel_loop3A_343 : i32 to index
      %parallel_loop3A_345 = arith.index_cast %parallel_loop3A_20 : i32 to index
      %parallel_loop3A_346 = tpu.vector_load %arg7[%parallel_loop3A_344, %parallel_loop3A_345] {strides = array<i32>} : memref<64x512xf32, #tpu.memory_space<vmem>>, vector<16xf32>,
      %parallel_loop3A_347 = arith.constant 55 : i32
      %parallel_loop3A_348 = arith.index_cast %parallel_loop3A_347 : i32 to index
      %parallel_loop3A_349 = arith.index_cast %parallel_loop3A_20 : i32 to index
      %parallel_loop3A_350 = tpu.vector_load %arg7[%parallel_loop3A_348, %parallel_loop3A_349] {strides = array<i32>} : memref<64x512xf32, #tpu.memory_space<vmem>>, vector<16xf32>,
      %parallel_loop3A_351 = arith.mulf %parallel_loop3A_338, %parallel_loop3A_338 : vector<16xf32>
      %parallel_loop3A_352 = arith.addf %parallel_loop3A_328, %parallel_loop3A_351 : vector<16xf32>
      %parallel_loop3A_353 = arith.mulf %parallel_loop3A_342, %parallel_loop3A_342 : vector<16xf32>
      %parallel_loop3A_354 = arith.addf %parallel_loop3A_330, %parallel_loop3A_353 : vector<16xf32>
      %parallel_loop3A_355 = arith.mulf %parallel_loop3A_346, %parallel_loop3A_346 : vector<16xf32>
      %parallel_loop3A_356 = arith.addf %parallel_loop3A_332, %parallel_loop3A_355 : vector<16xf32>
      %parallel_loop3A_357 = arith.mulf %parallel_loop3A_350, %parallel_loop3A_350 : vector<16xf32>
      %parallel_loop3A_358 = arith.addf %parallel_loop3A_334, %parallel_loop3A_357 : vector<16xf32>
      %parallel_loop3A_359 = arith.constant 56 : i32
      %parallel_loop3A_360 = arith.index_cast %parallel_loop3A_359 : i32 to index
      %parallel_loop3A_361 = arith.index_cast %parallel_loop3A_20 : i32 to index
      %parallel_loop3A_362 = tpu.vector_load %arg7[%parallel_loop3A_360, %parallel_loop3A_361] {strides = array<i32>} : memref<64x512xf32, #tpu.memory_space<vmem>>, vector<16xf32>,
      %parallel_loop3A_363 = arith.constant 57 : i32
      %parallel_loop3A_364 = arith.index_cast %parallel_loop3A_363 : i32 to index
      %parallel_loop3A_365 = arith.index_cast %parallel_loop3A_20 : i32 to index
      %parallel_loop3A_366 = tpu.vector_load %arg7[%parallel_loop3A_364, %parallel_loop3A_365] {strides = array<i32>} : memref<64x512xf32, #tpu.memory_space<vmem>>, vector<16xf32>,
      %parallel_loop3A_367 = arith.constant 58 : i32
      %parallel_loop3A_368 = arith.index_cast %parallel_loop3A_367 : i32 to index
      %parallel_loop3A_369 = arith.index_cast %parallel_loop3A_20 : i32 to index
      %parallel_loop3A_370 = tpu.vector_load %arg7[%parallel_loop3A_368, %parallel_loop3A_369] {strides = array<i32>} : memref<64x512xf32, #tpu.memory_space<vmem>>, vector<16xf32>,
      %parallel_loop3A_371 = arith.constant 59 : i32
      %parallel_loop3A_372 = arith.index_cast %parallel_loop3A_371 : i32 to index
      %parallel_loop3A_373 = arith.index_cast %parallel_loop3A_20 : i32 to index
      %parallel_loop3A_374 = tpu.vector_load %arg7[%parallel_loop3A_372, %parallel_loop3A_373] {strides = array<i32>} : memref<64x512xf32, #tpu.memory_space<vmem>>, vector<16xf32>,
      %parallel_loop3A_375 = arith.mulf %parallel_loop3A_362, %parallel_loop3A_362 : vector<16xf32>
      %parallel_loop3A_376 = arith.addf %parallel_loop3A_352, %parallel_loop3A_375 : vector<16xf32>
      %parallel_loop3A_377 = arith.mulf %parallel_loop3A_366, %parallel_loop3A_366 : vector<16xf32>
      %parallel_loop3A_378 = arith.addf %parallel_loop3A_354, %parallel_loop3A_377 : vector<16xf32>
      %parallel_loop3A_379 = arith.mulf %parallel_loop3A_370, %parallel_loop3A_370 : vector<16xf32>
      %parallel_loop3A_380 = arith.addf %parallel_loop3A_356, %parallel_loop3A_379 : vector<16xf32>
      %parallel_loop3A_381 = arith.mulf %parallel_loop3A_374, %parallel_loop3A_374 : vector<16xf32>
      %parallel_loop3A_382 = arith.addf %parallel_loop3A_358, %parallel_loop3A_381 : vector<16xf32>
      %parallel_loop3A_383 = arith.constant 60 : i32
      %parallel_loop3A_384 = arith.index_cast %parallel_loop3A_383 : i32 to index
      %parallel_loop3A_385 = arith.index_cast %parallel_loop3A_20 : i32 to index
      %parallel_loop3A_386 = tpu.vector_load %arg7[%parallel_loop3A_384, %parallel_loop3A_385] {strides = array<i32>} : memref<64x512xf32, #tpu.memory_space<vmem>>, vector<16xf32>,
      %parallel_loop3A_387 = arith.constant 61 : i32
      %parallel_loop3A_388 = arith.index_cast %parallel_loop3A_387 : i32 to index
      %parallel_loop3A_389 = arith.index_cast %parallel_loop3A_20 : i32 to index
      %parallel_loop3A_390 = tpu.vector_load %arg7[%parallel_loop3A_388, %parallel_loop3A_389] {strides = array<i32>} : memref<64x512xf32, #tpu.memory_space<vmem>>, vector<16xf32>,
      %parallel_loop3A_391 = arith.constant 62 : i32
      %parallel_loop3A_392 = arith.index_cast %parallel_loop3A_391 : i32 to index
      %parallel_loop3A_393 = arith.index_cast %parallel_loop3A_20 : i32 to index
      %parallel_loop3A_394 = tpu.vector_load %arg7[%parallel_loop3A_392, %parallel_loop3A_393] {strides = array<i32>} : memref<64x512xf32, #tpu.memory_space<vmem>>, vector<16xf32>,
      %parallel_loop3A_395 = arith.constant 63 : i32
      %parallel_loop3A_396 = arith.index_cast %parallel_loop3A_395 : i32 to index
      %parallel_loop3A_397 = arith.index_cast %parallel_loop3A_20 : i32 to index
      %parallel_loop3A_398 = tpu.vector_load %arg7[%parallel_loop3A_396, %parallel_loop3A_397] {strides = array<i32>} : memref<64x512xf32, #tpu.memory_space<vmem>>, vector<16xf32>,
      %parallel_loop3A_399 = arith.mulf %parallel_loop3A_386, %parallel_loop3A_386 : vector<16xf32>
      %parallel_loop3A_400 = arith.addf %parallel_loop3A_376, %parallel_loop3A_399 : vector<16xf32>
      %parallel_loop3A_401 = arith.mulf %parallel_loop3A_390, %parallel_loop3A_390 : vector<16xf32>
      %parallel_loop3A_402 = arith.addf %parallel_loop3A_378, %parallel_loop3A_401 : vector<16xf32>
      %parallel_loop3A_403 = arith.mulf %parallel_loop3A_394, %parallel_loop3A_394 : vector<16xf32>
      %parallel_loop3A_404 = arith.addf %parallel_loop3A_380, %parallel_loop3A_403 : vector<16xf32>
      %parallel_loop3A_405 = arith.mulf %parallel_loop3A_398, %parallel_loop3A_398 : vector<16xf32>
      %parallel_loop3A_406 = arith.addf %parallel_loop3A_382, %parallel_loop3A_405 : vector<16xf32>
      %parallel_loop3A_407 = arith.addf %parallel_loop3A_400, %parallel_loop3A_402 : vector<16xf32>
      %parallel_loop3A_408 = arith.addf %parallel_loop3A_404, %parallel_loop3A_406 : vector<16xf32>
      %parallel_loop3A_409 = arith.addf %parallel_loop3A_407, %parallel_loop3A_408 : vector<16xf32>
      %parallel_loop3A_410 = arith.constant 1.000000e-24 : f32
      %parallel_loop3A_411 = vector.broadcast %parallel_loop3A_410 : f32 to vector<16xf32>
      %parallel_loop3A_412 = arith.maximumf %parallel_loop3A_409, %parallel_loop3A_411 : vector<16xf32>
      %parallel_loop3A_413 = vector.bitcast %parallel_loop3A_412 : vector<16xf32> to vector<16xi32>
      %parallel_loop3A_414 = arith.constant 1 : i32
      %parallel_loop3A_415 = vector.broadcast %parallel_loop3A_414 : i32 to vector<16xi32>
      %parallel_loop3A_416 = arith.shrsi %parallel_loop3A_413, %parallel_loop3A_415 : vector<16xi32>
      %parallel_loop3A_417 = arith.constant 1597463007 : i32
      %parallel_loop3A_418 = vector.broadcast %parallel_loop3A_417 : i32 to vector<16xi32>
      %parallel_loop3A_419 = arith.subi %parallel_loop3A_418, %parallel_loop3A_416 : vector<16xi32>
      %parallel_loop3A_420 = vector.bitcast %parallel_loop3A_419 : vector<16xi32> to vector<16xf32>
      %parallel_loop3A_421 = arith.constant 5.000000e-01 : f32
      %parallel_loop3A_422 = vector.broadcast %parallel_loop3A_421 : f32 to vector<16xf32>
      %parallel_loop3A_423 = arith.mulf %parallel_loop3A_422, %parallel_loop3A_412 : vector<16xf32>
      %parallel_loop3A_424 = arith.mulf %parallel_loop3A_423, %parallel_loop3A_420 : vector<16xf32>
      %parallel_loop3A_425 = arith.mulf %parallel_loop3A_424, %parallel_loop3A_420 : vector<16xf32>
      %parallel_loop3A_426 = arith.constant 1.500000e+00 : f32
      %parallel_loop3A_427 = vector.broadcast %parallel_loop3A_426 : f32 to vector<16xf32>
      %parallel_loop3A_428 = arith.subf %parallel_loop3A_427, %parallel_loop3A_425 : vector<16xf32>
      %parallel_loop3A_429 = arith.mulf %parallel_loop3A_420, %parallel_loop3A_428 : vector<16xf32>
      %parallel_loop3A_430 = arith.constant 5.000000e-01 : f32
      %parallel_loop3A_431 = vector.broadcast %parallel_loop3A_430 : f32 to vector<16xf32>
      %parallel_loop3A_432 = arith.mulf %parallel_loop3A_431, %parallel_loop3A_412 : vector<16xf32>
      %parallel_loop3A_433 = arith.mulf %parallel_loop3A_432, %parallel_loop3A_429 : vector<16xf32>
      %parallel_loop3A_434 = arith.mulf %parallel_loop3A_433, %parallel_loop3A_429 : vector<16xf32>
      %parallel_loop3A_435 = arith.constant 1.500000e+00 : f32
      %parallel_loop3A_436 = vector.broadcast %parallel_loop3A_435 : f32 to vector<16xf32>
      %parallel_loop3A_437 = arith.subf %parallel_loop3A_436, %parallel_loop3A_434 : vector<16xf32>
      %parallel_loop3A_438 = arith.mulf %parallel_loop3A_429, %parallel_loop3A_437 : vector<16xf32>
      %parallel_loop3A_439 = arith.constant 5.000000e-01 : f32
      %parallel_loop3A_440 = vector.broadcast %parallel_loop3A_439 : f32 to vector<16xf32>
      %parallel_loop3A_441 = arith.mulf %parallel_loop3A_440, %parallel_loop3A_412 : vector<16xf32>
      %parallel_loop3A_442 = arith.mulf %parallel_loop3A_441, %parallel_loop3A_438 : vector<16xf32>
      %parallel_loop3A_443 = arith.mulf %parallel_loop3A_442, %parallel_loop3A_438 : vector<16xf32>
      %parallel_loop3A_444 = arith.constant 1.500000e+00 : f32
      %parallel_loop3A_445 = vector.broadcast %parallel_loop3A_444 : f32 to vector<16xf32>
      %parallel_loop3A_446 = arith.subf %parallel_loop3A_445, %parallel_loop3A_443 : vector<16xf32>
      %parallel_loop3A_447 = arith.mulf %parallel_loop3A_438, %parallel_loop3A_446 : vector<16xf32>
      %parallel_loop3A_448 = arith.mulf %parallel_loop3A_447, %parallel_loop3A_447 : vector<16xf32>
      %parallel_loop3A_449 = arith.mulf %parallel_loop3A_409, %parallel_loop3A_448 : vector<16xf32>
      %parallel_loop3A_450 = arith.addf %parallel_loop3A_18, %parallel_loop3A_449 : vector<16xf32>
      %parallel_loop3A_451 = arith.constant 16 : i32
      %parallel_loop3A_452 = arith.muli %parallel_loop3A_17, %parallel_loop3A_451 : i32
      %parallel_loop3A_453 = vector.broadcast %parallel_loop3A_452 : i32 to vector<16xi32>
      %parallel_loop3A_454 = arith.addi %iota3A, %parallel_loop3A_453 : vector<16xi32>
      %parallel_loop3A_455 = arith.constant 0 : i32
      %parallel_loop3A_456 = vector.broadcast %parallel_loop3A_455 : i32 to vector<16xi32>
      %parallel_loop3A_457 = arith.addi %iota3A, %parallel_loop3A_456 : vector<16xi32>
      %parallel_loop3A_458 = arith.constant 63 : i32
      %parallel_loop3A_459 = vector.broadcast %parallel_loop3A_458 : i32 to vector<16xi32>
      %parallel_loop3A_460 = arith.andi %parallel_loop3A_457, %parallel_loop3A_459 : vector<16xi32>
      %parallel_loop3A_461 = tpu.vector_load_idx %arg7[%parallel_loop3A_460, %parallel_loop3A_454] : memref<64x512xf32, #tpu.memory_space<vmem>>[vector<16xi32>, vector<16xi32>], vector<16xf32>,
      %parallel_loop3A_462 = arith.mulf %parallel_loop3A_461, %parallel_loop3A_447 : vector<16xf32>
      tpu.vector_store_idx %arg9[%parallel_loop3A_22, %parallel_loop3A_460], %parallel_loop3A_462 {add = true} : memref<64x64xf32, #tpu.memory_space<vmem>>[vector<16xi32>, vector<16xi32>], vector<16xf32>,
      %parallel_loop3A_463 = arith.constant 1 : i32
      %parallel_loop3A_464 = vector.broadcast %parallel_loop3A_463 : i32 to vector<16xi32>
      %parallel_loop3A_465 = arith.addi %iota3A, %parallel_loop3A_464 : vector<16xi32>
      %parallel_loop3A_466 = arith.constant 63 : i32
      %parallel_loop3A_467 = vector.broadcast %parallel_loop3A_466 : i32 to vector<16xi32>
      %parallel_loop3A_468 = arith.andi %parallel_loop3A_465, %parallel_loop3A_467 : vector<16xi32>
      %parallel_loop3A_469 = tpu.vector_load_idx %arg7[%parallel_loop3A_468, %parallel_loop3A_454] : memref<64x512xf32, #tpu.memory_space<vmem>>[vector<16xi32>, vector<16xi32>], vector<16xf32>,
      %parallel_loop3A_470 = arith.mulf %parallel_loop3A_469, %parallel_loop3A_447 : vector<16xf32>
      tpu.vector_store_idx %arg9[%parallel_loop3A_22, %parallel_loop3A_468], %parallel_loop3A_470 {add = true} : memref<64x64xf32, #tpu.memory_space<vmem>>[vector<16xi32>, vector<16xi32>], vector<16xf32>,
      %parallel_loop3A_471 = arith.constant 2 : i32
      %parallel_loop3A_472 = vector.broadcast %parallel_loop3A_471 : i32 to vector<16xi32>
      %parallel_loop3A_473 = arith.addi %iota3A, %parallel_loop3A_472 : vector<16xi32>
      %parallel_loop3A_474 = arith.constant 63 : i32
      %parallel_loop3A_475 = vector.broadcast %parallel_loop3A_474 : i32 to vector<16xi32>
      %parallel_loop3A_476 = arith.andi %parallel_loop3A_473, %parallel_loop3A_475 : vector<16xi32>
      %parallel_loop3A_477 = tpu.vector_load_idx %arg7[%parallel_loop3A_476, %parallel_loop3A_454] : memref<64x512xf32, #tpu.memory_space<vmem>>[vector<16xi32>, vector<16xi32>], vector<16xf32>,
      %parallel_loop3A_478 = arith.mulf %parallel_loop3A_477, %parallel_loop3A_447 : vector<16xf32>
      tpu.vector_store_idx %arg9[%parallel_loop3A_22, %parallel_loop3A_476], %parallel_loop3A_478 {add = true} : memref<64x64xf32, #tpu.memory_space<vmem>>[vector<16xi32>, vector<16xi32>], vector<16xf32>,
      %parallel_loop3A_479 = arith.constant 3 : i32
      %parallel_loop3A_480 = vector.broadcast %parallel_loop3A_479 : i32 to vector<16xi32>
      %parallel_loop3A_481 = arith.addi %iota3A, %parallel_loop3A_480 : vector<16xi32>
      %parallel_loop3A_482 = arith.constant 63 : i32
      %parallel_loop3A_483 = vector.broadcast %parallel_loop3A_482 : i32 to vector<16xi32>
      %parallel_loop3A_484 = arith.andi %parallel_loop3A_481, %parallel_loop3A_483 : vector<16xi32>
      %parallel_loop3A_485 = tpu.vector_load_idx %arg7[%parallel_loop3A_484, %parallel_loop3A_454] : memref<64x512xf32, #tpu.memory_space<vmem>>[vector<16xi32>, vector<16xi32>], vector<16xf32>,
      %parallel_loop3A_486 = arith.mulf %parallel_loop3A_485, %parallel_loop3A_447 : vector<16xf32>
      tpu.vector_store_idx %arg9[%parallel_loop3A_22, %parallel_loop3A_484], %parallel_loop3A_486 {add = true} : memref<64x64xf32, #tpu.memory_space<vmem>>[vector<16xi32>, vector<16xi32>], vector<16xf32>,
      %parallel_loop3A_487 = arith.constant 4 : i32
      %parallel_loop3A_488 = vector.broadcast %parallel_loop3A_487 : i32 to vector<16xi32>
      %parallel_loop3A_489 = arith.addi %iota3A, %parallel_loop3A_488 : vector<16xi32>
      %parallel_loop3A_490 = arith.constant 63 : i32
      %parallel_loop3A_491 = vector.broadcast %parallel_loop3A_490 : i32 to vector<16xi32>
      %parallel_loop3A_492 = arith.andi %parallel_loop3A_489, %parallel_loop3A_491 : vector<16xi32>
      %parallel_loop3A_493 = tpu.vector_load_idx %arg7[%parallel_loop3A_492, %parallel_loop3A_454] : memref<64x512xf32, #tpu.memory_space<vmem>>[vector<16xi32>, vector<16xi32>], vector<16xf32>,
      %parallel_loop3A_494 = arith.mulf %parallel_loop3A_493, %parallel_loop3A_447 : vector<16xf32>
      tpu.vector_store_idx %arg9[%parallel_loop3A_22, %parallel_loop3A_492], %parallel_loop3A_494 {add = true} : memref<64x64xf32, #tpu.memory_space<vmem>>[vector<16xi32>, vector<16xi32>], vector<16xf32>,
      %parallel_loop3A_495 = arith.constant 5 : i32
      %parallel_loop3A_496 = vector.broadcast %parallel_loop3A_495 : i32 to vector<16xi32>
      %parallel_loop3A_497 = arith.addi %iota3A, %parallel_loop3A_496 : vector<16xi32>
      %parallel_loop3A_498 = arith.constant 63 : i32
      %parallel_loop3A_499 = vector.broadcast %parallel_loop3A_498 : i32 to vector<16xi32>
      %parallel_loop3A_500 = arith.andi %parallel_loop3A_497, %parallel_loop3A_499 : vector<16xi32>
      %parallel_loop3A_501 = tpu.vector_load_idx %arg7[%parallel_loop3A_500, %parallel_loop3A_454] : memref<64x512xf32, #tpu.memory_space<vmem>>[vector<16xi32>, vector<16xi32>], vector<16xf32>,
      %parallel_loop3A_502 = arith.mulf %parallel_loop3A_501, %parallel_loop3A_447 : vector<16xf32>
      tpu.vector_store_idx %arg9[%parallel_loop3A_22, %parallel_loop3A_500], %parallel_loop3A_502 {add = true} : memref<64x64xf32, #tpu.memory_space<vmem>>[vector<16xi32>, vector<16xi32>], vector<16xf32>,
      %parallel_loop3A_503 = arith.constant 6 : i32
      %parallel_loop3A_504 = vector.broadcast %parallel_loop3A_503 : i32 to vector<16xi32>
      %parallel_loop3A_505 = arith.addi %iota3A, %parallel_loop3A_504 : vector<16xi32>
      %parallel_loop3A_506 = arith.constant 63 : i32
      %parallel_loop3A_507 = vector.broadcast %parallel_loop3A_506 : i32 to vector<16xi32>
      %parallel_loop3A_508 = arith.andi %parallel_loop3A_505, %parallel_loop3A_507 : vector<16xi32>
      %parallel_loop3A_509 = tpu.vector_load_idx %arg7[%parallel_loop3A_508, %parallel_loop3A_454] : memref<64x512xf32, #tpu.memory_space<vmem>>[vector<16xi32>, vector<16xi32>], vector<16xf32>,
      %parallel_loop3A_510 = arith.mulf %parallel_loop3A_509, %parallel_loop3A_447 : vector<16xf32>
      tpu.vector_store_idx %arg9[%parallel_loop3A_22, %parallel_loop3A_508], %parallel_loop3A_510 {add = true} : memref<64x64xf32, #tpu.memory_space<vmem>>[vector<16xi32>, vector<16xi32>], vector<16xf32>,
      %parallel_loop3A_511 = arith.constant 7 : i32
      %parallel_loop3A_512 = vector.broadcast %parallel_loop3A_511 : i32 to vector<16xi32>
      %parallel_loop3A_513 = arith.addi %iota3A, %parallel_loop3A_512 : vector<16xi32>
      %parallel_loop3A_514 = arith.constant 63 : i32
      %parallel_loop3A_515 = vector.broadcast %parallel_loop3A_514 : i32 to vector<16xi32>
      %parallel_loop3A_516 = arith.andi %parallel_loop3A_513, %parallel_loop3A_515 : vector<16xi32>
      %parallel_loop3A_517 = tpu.vector_load_idx %arg7[%parallel_loop3A_516, %parallel_loop3A_454] : memref<64x512xf32, #tpu.memory_space<vmem>>[vector<16xi32>, vector<16xi32>], vector<16xf32>,
      %parallel_loop3A_518 = arith.mulf %parallel_loop3A_517, %parallel_loop3A_447 : vector<16xf32>
      tpu.vector_store_idx %arg9[%parallel_loop3A_22, %parallel_loop3A_516], %parallel_loop3A_518 {add = true} : memref<64x64xf32, #tpu.memory_space<vmem>>[vector<16xi32>, vector<16xi32>], vector<16xf32>,
      %parallel_loop3A_519 = arith.constant 8 : i32
      %parallel_loop3A_520 = vector.broadcast %parallel_loop3A_519 : i32 to vector<16xi32>
      %parallel_loop3A_521 = arith.addi %iota3A, %parallel_loop3A_520 : vector<16xi32>
      %parallel_loop3A_522 = arith.constant 63 : i32
      %parallel_loop3A_523 = vector.broadcast %parallel_loop3A_522 : i32 to vector<16xi32>
      %parallel_loop3A_524 = arith.andi %parallel_loop3A_521, %parallel_loop3A_523 : vector<16xi32>
      %parallel_loop3A_525 = tpu.vector_load_idx %arg7[%parallel_loop3A_524, %parallel_loop3A_454] : memref<64x512xf32, #tpu.memory_space<vmem>>[vector<16xi32>, vector<16xi32>], vector<16xf32>,
      %parallel_loop3A_526 = arith.mulf %parallel_loop3A_525, %parallel_loop3A_447 : vector<16xf32>
      tpu.vector_store_idx %arg9[%parallel_loop3A_22, %parallel_loop3A_524], %parallel_loop3A_526 {add = true} : memref<64x64xf32, #tpu.memory_space<vmem>>[vector<16xi32>, vector<16xi32>], vector<16xf32>,
      %parallel_loop3A_527 = arith.constant 9 : i32
      %parallel_loop3A_528 = vector.broadcast %parallel_loop3A_527 : i32 to vector<16xi32>
      %parallel_loop3A_529 = arith.addi %iota3A, %parallel_loop3A_528 : vector<16xi32>
      %parallel_loop3A_530 = arith.constant 63 : i32
      %parallel_loop3A_531 = vector.broadcast %parallel_loop3A_530 : i32 to vector<16xi32>
      %parallel_loop3A_532 = arith.andi %parallel_loop3A_529, %parallel_loop3A_531 : vector<16xi32>
      %parallel_loop3A_533 = tpu.vector_load_idx %arg7[%parallel_loop3A_532, %parallel_loop3A_454] : memref<64x512xf32, #tpu.memory_space<vmem>>[vector<16xi32>, vector<16xi32>], vector<16xf32>,
      %parallel_loop3A_534 = arith.mulf %parallel_loop3A_533, %parallel_loop3A_447 : vector<16xf32>
      tpu.vector_store_idx %arg9[%parallel_loop3A_22, %parallel_loop3A_532], %parallel_loop3A_534 {add = true} : memref<64x64xf32, #tpu.memory_space<vmem>>[vector<16xi32>, vector<16xi32>], vector<16xf32>,
      %parallel_loop3A_535 = arith.constant 10 : i32
      %parallel_loop3A_536 = vector.broadcast %parallel_loop3A_535 : i32 to vector<16xi32>
      %parallel_loop3A_537 = arith.addi %iota3A, %parallel_loop3A_536 : vector<16xi32>
      %parallel_loop3A_538 = arith.constant 63 : i32
      %parallel_loop3A_539 = vector.broadcast %parallel_loop3A_538 : i32 to vector<16xi32>
      %parallel_loop3A_540 = arith.andi %parallel_loop3A_537, %parallel_loop3A_539 : vector<16xi32>
      %parallel_loop3A_541 = tpu.vector_load_idx %arg7[%parallel_loop3A_540, %parallel_loop3A_454] : memref<64x512xf32, #tpu.memory_space<vmem>>[vector<16xi32>, vector<16xi32>], vector<16xf32>,
      %parallel_loop3A_542 = arith.mulf %parallel_loop3A_541, %parallel_loop3A_447 : vector<16xf32>
      tpu.vector_store_idx %arg9[%parallel_loop3A_22, %parallel_loop3A_540], %parallel_loop3A_542 {add = true} : memref<64x64xf32, #tpu.memory_space<vmem>>[vector<16xi32>, vector<16xi32>], vector<16xf32>,
      %parallel_loop3A_543 = arith.constant 11 : i32
      %parallel_loop3A_544 = vector.broadcast %parallel_loop3A_543 : i32 to vector<16xi32>
      %parallel_loop3A_545 = arith.addi %iota3A, %parallel_loop3A_544 : vector<16xi32>
      %parallel_loop3A_546 = arith.constant 63 : i32
      %parallel_loop3A_547 = vector.broadcast %parallel_loop3A_546 : i32 to vector<16xi32>
      %parallel_loop3A_548 = arith.andi %parallel_loop3A_545, %parallel_loop3A_547 : vector<16xi32>
      %parallel_loop3A_549 = tpu.vector_load_idx %arg7[%parallel_loop3A_548, %parallel_loop3A_454] : memref<64x512xf32, #tpu.memory_space<vmem>>[vector<16xi32>, vector<16xi32>], vector<16xf32>,
      %parallel_loop3A_550 = arith.mulf %parallel_loop3A_549, %parallel_loop3A_447 : vector<16xf32>
      tpu.vector_store_idx %arg9[%parallel_loop3A_22, %parallel_loop3A_548], %parallel_loop3A_550 {add = true} : memref<64x64xf32, #tpu.memory_space<vmem>>[vector<16xi32>, vector<16xi32>], vector<16xf32>,
      %parallel_loop3A_551 = arith.constant 12 : i32
      %parallel_loop3A_552 = vector.broadcast %parallel_loop3A_551 : i32 to vector<16xi32>
      %parallel_loop3A_553 = arith.addi %iota3A, %parallel_loop3A_552 : vector<16xi32>
      %parallel_loop3A_554 = arith.constant 63 : i32
      %parallel_loop3A_555 = vector.broadcast %parallel_loop3A_554 : i32 to vector<16xi32>
      %parallel_loop3A_556 = arith.andi %parallel_loop3A_553, %parallel_loop3A_555 : vector<16xi32>
      %parallel_loop3A_557 = tpu.vector_load_idx %arg7[%parallel_loop3A_556, %parallel_loop3A_454] : memref<64x512xf32, #tpu.memory_space<vmem>>[vector<16xi32>, vector<16xi32>], vector<16xf32>,
      %parallel_loop3A_558 = arith.mulf %parallel_loop3A_557, %parallel_loop3A_447 : vector<16xf32>
      tpu.vector_store_idx %arg9[%parallel_loop3A_22, %parallel_loop3A_556], %parallel_loop3A_558 {add = true} : memref<64x64xf32, #tpu.memory_space<vmem>>[vector<16xi32>, vector<16xi32>], vector<16xf32>,
      %parallel_loop3A_559 = arith.constant 13 : i32
      %parallel_loop3A_560 = vector.broadcast %parallel_loop3A_559 : i32 to vector<16xi32>
      %parallel_loop3A_561 = arith.addi %iota3A, %parallel_loop3A_560 : vector<16xi32>
      %parallel_loop3A_562 = arith.constant 63 : i32
      %parallel_loop3A_563 = vector.broadcast %parallel_loop3A_562 : i32 to vector<16xi32>
      %parallel_loop3A_564 = arith.andi %parallel_loop3A_561, %parallel_loop3A_563 : vector<16xi32>
      %parallel_loop3A_565 = tpu.vector_load_idx %arg7[%parallel_loop3A_564, %parallel_loop3A_454] : memref<64x512xf32, #tpu.memory_space<vmem>>[vector<16xi32>, vector<16xi32>], vector<16xf32>,
      %parallel_loop3A_566 = arith.mulf %parallel_loop3A_565, %parallel_loop3A_447 : vector<16xf32>
      tpu.vector_store_idx %arg9[%parallel_loop3A_22, %parallel_loop3A_564], %parallel_loop3A_566 {add = true} : memref<64x64xf32, #tpu.memory_space<vmem>>[vector<16xi32>, vector<16xi32>], vector<16xf32>,
      %parallel_loop3A_567 = arith.constant 14 : i32
      %parallel_loop3A_568 = vector.broadcast %parallel_loop3A_567 : i32 to vector<16xi32>
      %parallel_loop3A_569 = arith.addi %iota3A, %parallel_loop3A_568 : vector<16xi32>
      %parallel_loop3A_570 = arith.constant 63 : i32
      %parallel_loop3A_571 = vector.broadcast %parallel_loop3A_570 : i32 to vector<16xi32>
      %parallel_loop3A_572 = arith.andi %parallel_loop3A_569, %parallel_loop3A_571 : vector<16xi32>
      %parallel_loop3A_573 = tpu.vector_load_idx %arg7[%parallel_loop3A_572, %parallel_loop3A_454] : memref<64x512xf32, #tpu.memory_space<vmem>>[vector<16xi32>, vector<16xi32>], vector<16xf32>,
      %parallel_loop3A_574 = arith.mulf %parallel_loop3A_573, %parallel_loop3A_447 : vector<16xf32>
      tpu.vector_store_idx %arg9[%parallel_loop3A_22, %parallel_loop3A_572], %parallel_loop3A_574 {add = true} : memref<64x64xf32, #tpu.memory_space<vmem>>[vector<16xi32>, vector<16xi32>], vector<16xf32>,
      %parallel_loop3A_575 = arith.constant 15 : i32
      %parallel_loop3A_576 = vector.broadcast %parallel_loop3A_575 : i32 to vector<16xi32>
      %parallel_loop3A_577 = arith.addi %iota3A, %parallel_loop3A_576 : vector<16xi32>
      %parallel_loop3A_578 = arith.constant 63 : i32
      %parallel_loop3A_579 = vector.broadcast %parallel_loop3A_578 : i32 to vector<16xi32>
      %parallel_loop3A_580 = arith.andi %parallel_loop3A_577, %parallel_loop3A_579 : vector<16xi32>
      %parallel_loop3A_581 = tpu.vector_load_idx %arg7[%parallel_loop3A_580, %parallel_loop3A_454] : memref<64x512xf32, #tpu.memory_space<vmem>>[vector<16xi32>, vector<16xi32>], vector<16xf32>,
      %parallel_loop3A_582 = arith.mulf %parallel_loop3A_581, %parallel_loop3A_447 : vector<16xf32>
      tpu.vector_store_idx %arg9[%parallel_loop3A_22, %parallel_loop3A_580], %parallel_loop3A_582 {add = true} : memref<64x64xf32, #tpu.memory_space<vmem>>[vector<16xi32>, vector<16xi32>], vector<16xf32>,
      %parallel_loop3A_583 = arith.constant 16 : i32
      %parallel_loop3A_584 = vector.broadcast %parallel_loop3A_583 : i32 to vector<16xi32>
      %parallel_loop3A_585 = arith.addi %iota3A, %parallel_loop3A_584 : vector<16xi32>
      %parallel_loop3A_586 = arith.constant 63 : i32
      %parallel_loop3A_587 = vector.broadcast %parallel_loop3A_586 : i32 to vector<16xi32>
      %parallel_loop3A_588 = arith.andi %parallel_loop3A_585, %parallel_loop3A_587 : vector<16xi32>
      %parallel_loop3A_589 = tpu.vector_load_idx %arg7[%parallel_loop3A_588, %parallel_loop3A_454] : memref<64x512xf32, #tpu.memory_space<vmem>>[vector<16xi32>, vector<16xi32>], vector<16xf32>,
      %parallel_loop3A_590 = arith.mulf %parallel_loop3A_589, %parallel_loop3A_447 : vector<16xf32>
      tpu.vector_store_idx %arg9[%parallel_loop3A_22, %parallel_loop3A_588], %parallel_loop3A_590 {add = true} : memref<64x64xf32, #tpu.memory_space<vmem>>[vector<16xi32>, vector<16xi32>], vector<16xf32>,
      %parallel_loop3A_591 = arith.constant 17 : i32
      %parallel_loop3A_592 = vector.broadcast %parallel_loop3A_591 : i32 to vector<16xi32>
      %parallel_loop3A_593 = arith.addi %iota3A, %parallel_loop3A_592 : vector<16xi32>
      %parallel_loop3A_594 = arith.constant 63 : i32
      %parallel_loop3A_595 = vector.broadcast %parallel_loop3A_594 : i32 to vector<16xi32>
      %parallel_loop3A_596 = arith.andi %parallel_loop3A_593, %parallel_loop3A_595 : vector<16xi32>
      %parallel_loop3A_597 = tpu.vector_load_idx %arg7[%parallel_loop3A_596, %parallel_loop3A_454] : memref<64x512xf32, #tpu.memory_space<vmem>>[vector<16xi32>, vector<16xi32>], vector<16xf32>,
      %parallel_loop3A_598 = arith.mulf %parallel_loop3A_597, %parallel_loop3A_447 : vector<16xf32>
      tpu.vector_store_idx %arg9[%parallel_loop3A_22, %parallel_loop3A_596], %parallel_loop3A_598 {add = true} : memref<64x64xf32, #tpu.memory_space<vmem>>[vector<16xi32>, vector<16xi32>], vector<16xf32>,
      %parallel_loop3A_599 = arith.constant 18 : i32
      %parallel_loop3A_600 = vector.broadcast %parallel_loop3A_599 : i32 to vector<16xi32>
      %parallel_loop3A_601 = arith.addi %iota3A, %parallel_loop3A_600 : vector<16xi32>
      %parallel_loop3A_602 = arith.constant 63 : i32
      %parallel_loop3A_603 = vector.broadcast %parallel_loop3A_602 : i32 to vector<16xi32>
      %parallel_loop3A_604 = arith.andi %parallel_loop3A_601, %parallel_loop3A_603 : vector<16xi32>
      %parallel_loop3A_605 = tpu.vector_load_idx %arg7[%parallel_loop3A_604, %parallel_loop3A_454] : memref<64x512xf32, #tpu.memory_space<vmem>>[vector<16xi32>, vector<16xi32>], vector<16xf32>,
      %parallel_loop3A_606 = arith.mulf %parallel_loop3A_605, %parallel_loop3A_447 : vector<16xf32>
      tpu.vector_store_idx %arg9[%parallel_loop3A_22, %parallel_loop3A_604], %parallel_loop3A_606 {add = true} : memref<64x64xf32, #tpu.memory_space<vmem>>[vector<16xi32>, vector<16xi32>], vector<16xf32>,
      %parallel_loop3A_607 = arith.constant 19 : i32
      %parallel_loop3A_608 = vector.broadcast %parallel_loop3A_607 : i32 to vector<16xi32>
      %parallel_loop3A_609 = arith.addi %iota3A, %parallel_loop3A_608 : vector<16xi32>
      %parallel_loop3A_610 = arith.constant 63 : i32
      %parallel_loop3A_611 = vector.broadcast %parallel_loop3A_610 : i32 to vector<16xi32>
      %parallel_loop3A_612 = arith.andi %parallel_loop3A_609, %parallel_loop3A_611 : vector<16xi32>
      %parallel_loop3A_613 = tpu.vector_load_idx %arg7[%parallel_loop3A_612, %parallel_loop3A_454] : memref<64x512xf32, #tpu.memory_space<vmem>>[vector<16xi32>, vector<16xi32>], vector<16xf32>,
      %parallel_loop3A_614 = arith.mulf %parallel_loop3A_613, %parallel_loop3A_447 : vector<16xf32>
      tpu.vector_store_idx %arg9[%parallel_loop3A_22, %parallel_loop3A_612], %parallel_loop3A_614 {add = true} : memref<64x64xf32, #tpu.memory_space<vmem>>[vector<16xi32>, vector<16xi32>], vector<16xf32>,
      %parallel_loop3A_615 = arith.constant 20 : i32
      %parallel_loop3A_616 = vector.broadcast %parallel_loop3A_615 : i32 to vector<16xi32>
      %parallel_loop3A_617 = arith.addi %iota3A, %parallel_loop3A_616 : vector<16xi32>
      %parallel_loop3A_618 = arith.constant 63 : i32
      %parallel_loop3A_619 = vector.broadcast %parallel_loop3A_618 : i32 to vector<16xi32>
      %parallel_loop3A_620 = arith.andi %parallel_loop3A_617, %parallel_loop3A_619 : vector<16xi32>
      %parallel_loop3A_621 = tpu.vector_load_idx %arg7[%parallel_loop3A_620, %parallel_loop3A_454] : memref<64x512xf32, #tpu.memory_space<vmem>>[vector<16xi32>, vector<16xi32>], vector<16xf32>,
      %parallel_loop3A_622 = arith.mulf %parallel_loop3A_621, %parallel_loop3A_447 : vector<16xf32>
      tpu.vector_store_idx %arg9[%parallel_loop3A_22, %parallel_loop3A_620], %parallel_loop3A_622 {add = true} : memref<64x64xf32, #tpu.memory_space<vmem>>[vector<16xi32>, vector<16xi32>], vector<16xf32>,
      %parallel_loop3A_623 = arith.constant 21 : i32
      %parallel_loop3A_624 = vector.broadcast %parallel_loop3A_623 : i32 to vector<16xi32>
      %parallel_loop3A_625 = arith.addi %iota3A, %parallel_loop3A_624 : vector<16xi32>
      %parallel_loop3A_626 = arith.constant 63 : i32
      %parallel_loop3A_627 = vector.broadcast %parallel_loop3A_626 : i32 to vector<16xi32>
      %parallel_loop3A_628 = arith.andi %parallel_loop3A_625, %parallel_loop3A_627 : vector<16xi32>
      %parallel_loop3A_629 = tpu.vector_load_idx %arg7[%parallel_loop3A_628, %parallel_loop3A_454] : memref<64x512xf32, #tpu.memory_space<vmem>>[vector<16xi32>, vector<16xi32>], vector<16xf32>,
      %parallel_loop3A_630 = arith.mulf %parallel_loop3A_629, %parallel_loop3A_447 : vector<16xf32>
      tpu.vector_store_idx %arg9[%parallel_loop3A_22, %parallel_loop3A_628], %parallel_loop3A_630 {add = true} : memref<64x64xf32, #tpu.memory_space<vmem>>[vector<16xi32>, vector<16xi32>], vector<16xf32>,
      %parallel_loop3A_631 = arith.constant 22 : i32
      %parallel_loop3A_632 = vector.broadcast %parallel_loop3A_631 : i32 to vector<16xi32>
      %parallel_loop3A_633 = arith.addi %iota3A, %parallel_loop3A_632 : vector<16xi32>
      %parallel_loop3A_634 = arith.constant 63 : i32
      %parallel_loop3A_635 = vector.broadcast %parallel_loop3A_634 : i32 to vector<16xi32>
      %parallel_loop3A_636 = arith.andi %parallel_loop3A_633, %parallel_loop3A_635 : vector<16xi32>
      %parallel_loop3A_637 = tpu.vector_load_idx %arg7[%parallel_loop3A_636, %parallel_loop3A_454] : memref<64x512xf32, #tpu.memory_space<vmem>>[vector<16xi32>, vector<16xi32>], vector<16xf32>,
      %parallel_loop3A_638 = arith.mulf %parallel_loop3A_637, %parallel_loop3A_447 : vector<16xf32>
      tpu.vector_store_idx %arg9[%parallel_loop3A_22, %parallel_loop3A_636], %parallel_loop3A_638 {add = true} : memref<64x64xf32, #tpu.memory_space<vmem>>[vector<16xi32>, vector<16xi32>], vector<16xf32>,
      %parallel_loop3A_639 = arith.constant 23 : i32
      %parallel_loop3A_640 = vector.broadcast %parallel_loop3A_639 : i32 to vector<16xi32>
      %parallel_loop3A_641 = arith.addi %iota3A, %parallel_loop3A_640 : vector<16xi32>
      %parallel_loop3A_642 = arith.constant 63 : i32
      %parallel_loop3A_643 = vector.broadcast %parallel_loop3A_642 : i32 to vector<16xi32>
      %parallel_loop3A_644 = arith.andi %parallel_loop3A_641, %parallel_loop3A_643 : vector<16xi32>
      %parallel_loop3A_645 = tpu.vector_load_idx %arg7[%parallel_loop3A_644, %parallel_loop3A_454] : memref<64x512xf32, #tpu.memory_space<vmem>>[vector<16xi32>, vector<16xi32>], vector<16xf32>,
      %parallel_loop3A_646 = arith.mulf %parallel_loop3A_645, %parallel_loop3A_447 : vector<16xf32>
      tpu.vector_store_idx %arg9[%parallel_loop3A_22, %parallel_loop3A_644], %parallel_loop3A_646 {add = true} : memref<64x64xf32, #tpu.memory_space<vmem>>[vector<16xi32>, vector<16xi32>], vector<16xf32>,
      %parallel_loop3A_647 = arith.constant 24 : i32
      %parallel_loop3A_648 = vector.broadcast %parallel_loop3A_647 : i32 to vector<16xi32>
      %parallel_loop3A_649 = arith.addi %iota3A, %parallel_loop3A_648 : vector<16xi32>
      %parallel_loop3A_650 = arith.constant 63 : i32
      %parallel_loop3A_651 = vector.broadcast %parallel_loop3A_650 : i32 to vector<16xi32>
      %parallel_loop3A_652 = arith.andi %parallel_loop3A_649, %parallel_loop3A_651 : vector<16xi32>
      %parallel_loop3A_653 = tpu.vector_load_idx %arg7[%parallel_loop3A_652, %parallel_loop3A_454] : memref<64x512xf32, #tpu.memory_space<vmem>>[vector<16xi32>, vector<16xi32>], vector<16xf32>,
      %parallel_loop3A_654 = arith.mulf %parallel_loop3A_653, %parallel_loop3A_447 : vector<16xf32>
      tpu.vector_store_idx %arg9[%parallel_loop3A_22, %parallel_loop3A_652], %parallel_loop3A_654 {add = true} : memref<64x64xf32, #tpu.memory_space<vmem>>[vector<16xi32>, vector<16xi32>], vector<16xf32>,
      %parallel_loop3A_655 = arith.constant 25 : i32
      %parallel_loop3A_656 = vector.broadcast %parallel_loop3A_655 : i32 to vector<16xi32>
      %parallel_loop3A_657 = arith.addi %iota3A, %parallel_loop3A_656 : vector<16xi32>
      %parallel_loop3A_658 = arith.constant 63 : i32
      %parallel_loop3A_659 = vector.broadcast %parallel_loop3A_658 : i32 to vector<16xi32>
      %parallel_loop3A_660 = arith.andi %parallel_loop3A_657, %parallel_loop3A_659 : vector<16xi32>
      %parallel_loop3A_661 = tpu.vector_load_idx %arg7[%parallel_loop3A_660, %parallel_loop3A_454] : memref<64x512xf32, #tpu.memory_space<vmem>>[vector<16xi32>, vector<16xi32>], vector<16xf32>,
      %parallel_loop3A_662 = arith.mulf %parallel_loop3A_661, %parallel_loop3A_447 : vector<16xf32>
      tpu.vector_store_idx %arg9[%parallel_loop3A_22, %parallel_loop3A_660], %parallel_loop3A_662 {add = true} : memref<64x64xf32, #tpu.memory_space<vmem>>[vector<16xi32>, vector<16xi32>], vector<16xf32>,
      %parallel_loop3A_663 = arith.constant 26 : i32
      %parallel_loop3A_664 = vector.broadcast %parallel_loop3A_663 : i32 to vector<16xi32>
      %parallel_loop3A_665 = arith.addi %iota3A, %parallel_loop3A_664 : vector<16xi32>
      %parallel_loop3A_666 = arith.constant 63 : i32
      %parallel_loop3A_667 = vector.broadcast %parallel_loop3A_666 : i32 to vector<16xi32>
      %parallel_loop3A_668 = arith.andi %parallel_loop3A_665, %parallel_loop3A_667 : vector<16xi32>
      %parallel_loop3A_669 = tpu.vector_load_idx %arg7[%parallel_loop3A_668, %parallel_loop3A_454] : memref<64x512xf32, #tpu.memory_space<vmem>>[vector<16xi32>, vector<16xi32>], vector<16xf32>,
      %parallel_loop3A_670 = arith.mulf %parallel_loop3A_669, %parallel_loop3A_447 : vector<16xf32>
      tpu.vector_store_idx %arg9[%parallel_loop3A_22, %parallel_loop3A_668], %parallel_loop3A_670 {add = true} : memref<64x64xf32, #tpu.memory_space<vmem>>[vector<16xi32>, vector<16xi32>], vector<16xf32>,
      %parallel_loop3A_671 = arith.constant 27 : i32
      %parallel_loop3A_672 = vector.broadcast %parallel_loop3A_671 : i32 to vector<16xi32>
      %parallel_loop3A_673 = arith.addi %iota3A, %parallel_loop3A_672 : vector<16xi32>
      %parallel_loop3A_674 = arith.constant 63 : i32
      %parallel_loop3A_675 = vector.broadcast %parallel_loop3A_674 : i32 to vector<16xi32>
      %parallel_loop3A_676 = arith.andi %parallel_loop3A_673, %parallel_loop3A_675 : vector<16xi32>
      %parallel_loop3A_677 = tpu.vector_load_idx %arg7[%parallel_loop3A_676, %parallel_loop3A_454] : memref<64x512xf32, #tpu.memory_space<vmem>>[vector<16xi32>, vector<16xi32>], vector<16xf32>,
      %parallel_loop3A_678 = arith.mulf %parallel_loop3A_677, %parallel_loop3A_447 : vector<16xf32>
      tpu.vector_store_idx %arg9[%parallel_loop3A_22, %parallel_loop3A_676], %parallel_loop3A_678 {add = true} : memref<64x64xf32, #tpu.memory_space<vmem>>[vector<16xi32>, vector<16xi32>], vector<16xf32>,
      %parallel_loop3A_679 = arith.constant 28 : i32
      %parallel_loop3A_680 = vector.broadcast %parallel_loop3A_679 : i32 to vector<16xi32>
      %parallel_loop3A_681 = arith.addi %iota3A, %parallel_loop3A_680 : vector<16xi32>
      %parallel_loop3A_682 = arith.constant 63 : i32
      %parallel_loop3A_683 = vector.broadcast %parallel_loop3A_682 : i32 to vector<16xi32>
      %parallel_loop3A_684 = arith.andi %parallel_loop3A_681, %parallel_loop3A_683 : vector<16xi32>
      %parallel_loop3A_685 = tpu.vector_load_idx %arg7[%parallel_loop3A_684, %parallel_loop3A_454] : memref<64x512xf32, #tpu.memory_space<vmem>>[vector<16xi32>, vector<16xi32>], vector<16xf32>,
      %parallel_loop3A_686 = arith.mulf %parallel_loop3A_685, %parallel_loop3A_447 : vector<16xf32>
      tpu.vector_store_idx %arg9[%parallel_loop3A_22, %parallel_loop3A_684], %parallel_loop3A_686 {add = true} : memref<64x64xf32, #tpu.memory_space<vmem>>[vector<16xi32>, vector<16xi32>], vector<16xf32>,
      %parallel_loop3A_687 = arith.constant 29 : i32
      %parallel_loop3A_688 = vector.broadcast %parallel_loop3A_687 : i32 to vector<16xi32>
      %parallel_loop3A_689 = arith.addi %iota3A, %parallel_loop3A_688 : vector<16xi32>
      %parallel_loop3A_690 = arith.constant 63 : i32
      %parallel_loop3A_691 = vector.broadcast %parallel_loop3A_690 : i32 to vector<16xi32>
      %parallel_loop3A_692 = arith.andi %parallel_loop3A_689, %parallel_loop3A_691 : vector<16xi32>
      %parallel_loop3A_693 = tpu.vector_load_idx %arg7[%parallel_loop3A_692, %parallel_loop3A_454] : memref<64x512xf32, #tpu.memory_space<vmem>>[vector<16xi32>, vector<16xi32>], vector<16xf32>,
      %parallel_loop3A_694 = arith.mulf %parallel_loop3A_693, %parallel_loop3A_447 : vector<16xf32>
      tpu.vector_store_idx %arg9[%parallel_loop3A_22, %parallel_loop3A_692], %parallel_loop3A_694 {add = true} : memref<64x64xf32, #tpu.memory_space<vmem>>[vector<16xi32>, vector<16xi32>], vector<16xf32>,
      %parallel_loop3A_695 = arith.constant 30 : i32
      %parallel_loop3A_696 = vector.broadcast %parallel_loop3A_695 : i32 to vector<16xi32>
      %parallel_loop3A_697 = arith.addi %iota3A, %parallel_loop3A_696 : vector<16xi32>
      %parallel_loop3A_698 = arith.constant 63 : i32
      %parallel_loop3A_699 = vector.broadcast %parallel_loop3A_698 : i32 to vector<16xi32>
      %parallel_loop3A_700 = arith.andi %parallel_loop3A_697, %parallel_loop3A_699 : vector<16xi32>
      %parallel_loop3A_701 = tpu.vector_load_idx %arg7[%parallel_loop3A_700, %parallel_loop3A_454] : memref<64x512xf32, #tpu.memory_space<vmem>>[vector<16xi32>, vector<16xi32>], vector<16xf32>,
      %parallel_loop3A_702 = arith.mulf %parallel_loop3A_701, %parallel_loop3A_447 : vector<16xf32>
      tpu.vector_store_idx %arg9[%parallel_loop3A_22, %parallel_loop3A_700], %parallel_loop3A_702 {add = true} : memref<64x64xf32, #tpu.memory_space<vmem>>[vector<16xi32>, vector<16xi32>], vector<16xf32>,
      %parallel_loop3A_703 = arith.constant 31 : i32
      %parallel_loop3A_704 = vector.broadcast %parallel_loop3A_703 : i32 to vector<16xi32>
      %parallel_loop3A_705 = arith.addi %iota3A, %parallel_loop3A_704 : vector<16xi32>
      %parallel_loop3A_706 = arith.constant 63 : i32
      %parallel_loop3A_707 = vector.broadcast %parallel_loop3A_706 : i32 to vector<16xi32>
      %parallel_loop3A_708 = arith.andi %parallel_loop3A_705, %parallel_loop3A_707 : vector<16xi32>
      %parallel_loop3A_709 = tpu.vector_load_idx %arg7[%parallel_loop3A_708, %parallel_loop3A_454] : memref<64x512xf32, #tpu.memory_space<vmem>>[vector<16xi32>, vector<16xi32>], vector<16xf32>,
      %parallel_loop3A_710 = arith.mulf %parallel_loop3A_709, %parallel_loop3A_447 : vector<16xf32>
      tpu.vector_store_idx %arg9[%parallel_loop3A_22, %parallel_loop3A_708], %parallel_loop3A_710 {add = true} : memref<64x64xf32, #tpu.memory_space<vmem>>[vector<16xi32>, vector<16xi32>], vector<16xf32>,
      %parallel_loop3A_711 = arith.constant 32 : i32
      %parallel_loop3A_712 = vector.broadcast %parallel_loop3A_711 : i32 to vector<16xi32>
      %parallel_loop3A_713 = arith.addi %iota3A, %parallel_loop3A_712 : vector<16xi32>
      %parallel_loop3A_714 = arith.constant 63 : i32
      %parallel_loop3A_715 = vector.broadcast %parallel_loop3A_714 : i32 to vector<16xi32>
      %parallel_loop3A_716 = arith.andi %parallel_loop3A_713, %parallel_loop3A_715 : vector<16xi32>
      %parallel_loop3A_717 = tpu.vector_load_idx %arg7[%parallel_loop3A_716, %parallel_loop3A_454] : memref<64x512xf32, #tpu.memory_space<vmem>>[vector<16xi32>, vector<16xi32>], vector<16xf32>,
      %parallel_loop3A_718 = arith.mulf %parallel_loop3A_717, %parallel_loop3A_447 : vector<16xf32>
      tpu.vector_store_idx %arg9[%parallel_loop3A_22, %parallel_loop3A_716], %parallel_loop3A_718 {add = true} : memref<64x64xf32, #tpu.memory_space<vmem>>[vector<16xi32>, vector<16xi32>], vector<16xf32>,
      %parallel_loop3A_719 = arith.constant 33 : i32
      %parallel_loop3A_720 = vector.broadcast %parallel_loop3A_719 : i32 to vector<16xi32>
      %parallel_loop3A_721 = arith.addi %iota3A, %parallel_loop3A_720 : vector<16xi32>
      %parallel_loop3A_722 = arith.constant 63 : i32
      %parallel_loop3A_723 = vector.broadcast %parallel_loop3A_722 : i32 to vector<16xi32>
      %parallel_loop3A_724 = arith.andi %parallel_loop3A_721, %parallel_loop3A_723 : vector<16xi32>
      %parallel_loop3A_725 = tpu.vector_load_idx %arg7[%parallel_loop3A_724, %parallel_loop3A_454] : memref<64x512xf32, #tpu.memory_space<vmem>>[vector<16xi32>, vector<16xi32>], vector<16xf32>,
      %parallel_loop3A_726 = arith.mulf %parallel_loop3A_725, %parallel_loop3A_447 : vector<16xf32>
      tpu.vector_store_idx %arg9[%parallel_loop3A_22, %parallel_loop3A_724], %parallel_loop3A_726 {add = true} : memref<64x64xf32, #tpu.memory_space<vmem>>[vector<16xi32>, vector<16xi32>], vector<16xf32>,
      %parallel_loop3A_727 = arith.constant 34 : i32
      %parallel_loop3A_728 = vector.broadcast %parallel_loop3A_727 : i32 to vector<16xi32>
      %parallel_loop3A_729 = arith.addi %iota3A, %parallel_loop3A_728 : vector<16xi32>
      %parallel_loop3A_730 = arith.constant 63 : i32
      %parallel_loop3A_731 = vector.broadcast %parallel_loop3A_730 : i32 to vector<16xi32>
      %parallel_loop3A_732 = arith.andi %parallel_loop3A_729, %parallel_loop3A_731 : vector<16xi32>
      %parallel_loop3A_733 = tpu.vector_load_idx %arg7[%parallel_loop3A_732, %parallel_loop3A_454] : memref<64x512xf32, #tpu.memory_space<vmem>>[vector<16xi32>, vector<16xi32>], vector<16xf32>,
      %parallel_loop3A_734 = arith.mulf %parallel_loop3A_733, %parallel_loop3A_447 : vector<16xf32>
      tpu.vector_store_idx %arg9[%parallel_loop3A_22, %parallel_loop3A_732], %parallel_loop3A_734 {add = true} : memref<64x64xf32, #tpu.memory_space<vmem>>[vector<16xi32>, vector<16xi32>], vector<16xf32>,
      %parallel_loop3A_735 = arith.constant 35 : i32
      %parallel_loop3A_736 = vector.broadcast %parallel_loop3A_735 : i32 to vector<16xi32>
      %parallel_loop3A_737 = arith.addi %iota3A, %parallel_loop3A_736 : vector<16xi32>
      %parallel_loop3A_738 = arith.constant 63 : i32
      %parallel_loop3A_739 = vector.broadcast %parallel_loop3A_738 : i32 to vector<16xi32>
      %parallel_loop3A_740 = arith.andi %parallel_loop3A_737, %parallel_loop3A_739 : vector<16xi32>
      %parallel_loop3A_741 = tpu.vector_load_idx %arg7[%parallel_loop3A_740, %parallel_loop3A_454] : memref<64x512xf32, #tpu.memory_space<vmem>>[vector<16xi32>, vector<16xi32>], vector<16xf32>,
      %parallel_loop3A_742 = arith.mulf %parallel_loop3A_741, %parallel_loop3A_447 : vector<16xf32>
      tpu.vector_store_idx %arg9[%parallel_loop3A_22, %parallel_loop3A_740], %parallel_loop3A_742 {add = true} : memref<64x64xf32, #tpu.memory_space<vmem>>[vector<16xi32>, vector<16xi32>], vector<16xf32>,
      %parallel_loop3A_743 = arith.constant 36 : i32
      %parallel_loop3A_744 = vector.broadcast %parallel_loop3A_743 : i32 to vector<16xi32>
      %parallel_loop3A_745 = arith.addi %iota3A, %parallel_loop3A_744 : vector<16xi32>
      %parallel_loop3A_746 = arith.constant 63 : i32
      %parallel_loop3A_747 = vector.broadcast %parallel_loop3A_746 : i32 to vector<16xi32>
      %parallel_loop3A_748 = arith.andi %parallel_loop3A_745, %parallel_loop3A_747 : vector<16xi32>
      %parallel_loop3A_749 = tpu.vector_load_idx %arg7[%parallel_loop3A_748, %parallel_loop3A_454] : memref<64x512xf32, #tpu.memory_space<vmem>>[vector<16xi32>, vector<16xi32>], vector<16xf32>,
      %parallel_loop3A_750 = arith.mulf %parallel_loop3A_749, %parallel_loop3A_447 : vector<16xf32>
      tpu.vector_store_idx %arg9[%parallel_loop3A_22, %parallel_loop3A_748], %parallel_loop3A_750 {add = true} : memref<64x64xf32, #tpu.memory_space<vmem>>[vector<16xi32>, vector<16xi32>], vector<16xf32>,
      %parallel_loop3A_751 = arith.constant 37 : i32
      %parallel_loop3A_752 = vector.broadcast %parallel_loop3A_751 : i32 to vector<16xi32>
      %parallel_loop3A_753 = arith.addi %iota3A, %parallel_loop3A_752 : vector<16xi32>
      %parallel_loop3A_754 = arith.constant 63 : i32
      %parallel_loop3A_755 = vector.broadcast %parallel_loop3A_754 : i32 to vector<16xi32>
      %parallel_loop3A_756 = arith.andi %parallel_loop3A_753, %parallel_loop3A_755 : vector<16xi32>
      %parallel_loop3A_757 = tpu.vector_load_idx %arg7[%parallel_loop3A_756, %parallel_loop3A_454] : memref<64x512xf32, #tpu.memory_space<vmem>>[vector<16xi32>, vector<16xi32>], vector<16xf32>,
      %parallel_loop3A_758 = arith.mulf %parallel_loop3A_757, %parallel_loop3A_447 : vector<16xf32>
      tpu.vector_store_idx %arg9[%parallel_loop3A_22, %parallel_loop3A_756], %parallel_loop3A_758 {add = true} : memref<64x64xf32, #tpu.memory_space<vmem>>[vector<16xi32>, vector<16xi32>], vector<16xf32>,
      %parallel_loop3A_759 = arith.constant 38 : i32
      %parallel_loop3A_760 = vector.broadcast %parallel_loop3A_759 : i32 to vector<16xi32>
      %parallel_loop3A_761 = arith.addi %iota3A, %parallel_loop3A_760 : vector<16xi32>
      %parallel_loop3A_762 = arith.constant 63 : i32
      %parallel_loop3A_763 = vector.broadcast %parallel_loop3A_762 : i32 to vector<16xi32>
      %parallel_loop3A_764 = arith.andi %parallel_loop3A_761, %parallel_loop3A_763 : vector<16xi32>
      %parallel_loop3A_765 = tpu.vector_load_idx %arg7[%parallel_loop3A_764, %parallel_loop3A_454] : memref<64x512xf32, #tpu.memory_space<vmem>>[vector<16xi32>, vector<16xi32>], vector<16xf32>,
      %parallel_loop3A_766 = arith.mulf %parallel_loop3A_765, %parallel_loop3A_447 : vector<16xf32>
      tpu.vector_store_idx %arg9[%parallel_loop3A_22, %parallel_loop3A_764], %parallel_loop3A_766 {add = true} : memref<64x64xf32, #tpu.memory_space<vmem>>[vector<16xi32>, vector<16xi32>], vector<16xf32>,
      %parallel_loop3A_767 = arith.constant 39 : i32
      %parallel_loop3A_768 = vector.broadcast %parallel_loop3A_767 : i32 to vector<16xi32>
      %parallel_loop3A_769 = arith.addi %iota3A, %parallel_loop3A_768 : vector<16xi32>
      %parallel_loop3A_770 = arith.constant 63 : i32
      %parallel_loop3A_771 = vector.broadcast %parallel_loop3A_770 : i32 to vector<16xi32>
      %parallel_loop3A_772 = arith.andi %parallel_loop3A_769, %parallel_loop3A_771 : vector<16xi32>
      %parallel_loop3A_773 = tpu.vector_load_idx %arg7[%parallel_loop3A_772, %parallel_loop3A_454] : memref<64x512xf32, #tpu.memory_space<vmem>>[vector<16xi32>, vector<16xi32>], vector<16xf32>,
      %parallel_loop3A_774 = arith.mulf %parallel_loop3A_773, %parallel_loop3A_447 : vector<16xf32>
      tpu.vector_store_idx %arg9[%parallel_loop3A_22, %parallel_loop3A_772], %parallel_loop3A_774 {add = true} : memref<64x64xf32, #tpu.memory_space<vmem>>[vector<16xi32>, vector<16xi32>], vector<16xf32>,
      %parallel_loop3A_775 = arith.constant 40 : i32
      %parallel_loop3A_776 = vector.broadcast %parallel_loop3A_775 : i32 to vector<16xi32>
      %parallel_loop3A_777 = arith.addi %iota3A, %parallel_loop3A_776 : vector<16xi32>
      %parallel_loop3A_778 = arith.constant 63 : i32
      %parallel_loop3A_779 = vector.broadcast %parallel_loop3A_778 : i32 to vector<16xi32>
      %parallel_loop3A_780 = arith.andi %parallel_loop3A_777, %parallel_loop3A_779 : vector<16xi32>
      %parallel_loop3A_781 = tpu.vector_load_idx %arg7[%parallel_loop3A_780, %parallel_loop3A_454] : memref<64x512xf32, #tpu.memory_space<vmem>>[vector<16xi32>, vector<16xi32>], vector<16xf32>,
      %parallel_loop3A_782 = arith.mulf %parallel_loop3A_781, %parallel_loop3A_447 : vector<16xf32>
      tpu.vector_store_idx %arg9[%parallel_loop3A_22, %parallel_loop3A_780], %parallel_loop3A_782 {add = true} : memref<64x64xf32, #tpu.memory_space<vmem>>[vector<16xi32>, vector<16xi32>], vector<16xf32>,
      %parallel_loop3A_783 = arith.constant 41 : i32
      %parallel_loop3A_784 = vector.broadcast %parallel_loop3A_783 : i32 to vector<16xi32>
      %parallel_loop3A_785 = arith.addi %iota3A, %parallel_loop3A_784 : vector<16xi32>
      %parallel_loop3A_786 = arith.constant 63 : i32
      %parallel_loop3A_787 = vector.broadcast %parallel_loop3A_786 : i32 to vector<16xi32>
      %parallel_loop3A_788 = arith.andi %parallel_loop3A_785, %parallel_loop3A_787 : vector<16xi32>
      %parallel_loop3A_789 = tpu.vector_load_idx %arg7[%parallel_loop3A_788, %parallel_loop3A_454] : memref<64x512xf32, #tpu.memory_space<vmem>>[vector<16xi32>, vector<16xi32>], vector<16xf32>,
      %parallel_loop3A_790 = arith.mulf %parallel_loop3A_789, %parallel_loop3A_447 : vector<16xf32>
      tpu.vector_store_idx %arg9[%parallel_loop3A_22, %parallel_loop3A_788], %parallel_loop3A_790 {add = true} : memref<64x64xf32, #tpu.memory_space<vmem>>[vector<16xi32>, vector<16xi32>], vector<16xf32>,
      %parallel_loop3A_791 = arith.constant 42 : i32
      %parallel_loop3A_792 = vector.broadcast %parallel_loop3A_791 : i32 to vector<16xi32>
      %parallel_loop3A_793 = arith.addi %iota3A, %parallel_loop3A_792 : vector<16xi32>
      %parallel_loop3A_794 = arith.constant 63 : i32
      %parallel_loop3A_795 = vector.broadcast %parallel_loop3A_794 : i32 to vector<16xi32>
      %parallel_loop3A_796 = arith.andi %parallel_loop3A_793, %parallel_loop3A_795 : vector<16xi32>
      %parallel_loop3A_797 = tpu.vector_load_idx %arg7[%parallel_loop3A_796, %parallel_loop3A_454] : memref<64x512xf32, #tpu.memory_space<vmem>>[vector<16xi32>, vector<16xi32>], vector<16xf32>,
      %parallel_loop3A_798 = arith.mulf %parallel_loop3A_797, %parallel_loop3A_447 : vector<16xf32>
      tpu.vector_store_idx %arg9[%parallel_loop3A_22, %parallel_loop3A_796], %parallel_loop3A_798 {add = true} : memref<64x64xf32, #tpu.memory_space<vmem>>[vector<16xi32>, vector<16xi32>], vector<16xf32>,
      %parallel_loop3A_799 = arith.constant 43 : i32
      %parallel_loop3A_800 = vector.broadcast %parallel_loop3A_799 : i32 to vector<16xi32>
      %parallel_loop3A_801 = arith.addi %iota3A, %parallel_loop3A_800 : vector<16xi32>
      %parallel_loop3A_802 = arith.constant 63 : i32
      %parallel_loop3A_803 = vector.broadcast %parallel_loop3A_802 : i32 to vector<16xi32>
      %parallel_loop3A_804 = arith.andi %parallel_loop3A_801, %parallel_loop3A_803 : vector<16xi32>
      %parallel_loop3A_805 = tpu.vector_load_idx %arg7[%parallel_loop3A_804, %parallel_loop3A_454] : memref<64x512xf32, #tpu.memory_space<vmem>>[vector<16xi32>, vector<16xi32>], vector<16xf32>,
      %parallel_loop3A_806 = arith.mulf %parallel_loop3A_805, %parallel_loop3A_447 : vector<16xf32>
      tpu.vector_store_idx %arg9[%parallel_loop3A_22, %parallel_loop3A_804], %parallel_loop3A_806 {add = true} : memref<64x64xf32, #tpu.memory_space<vmem>>[vector<16xi32>, vector<16xi32>], vector<16xf32>,
      %parallel_loop3A_807 = arith.constant 44 : i32
      %parallel_loop3A_808 = vector.broadcast %parallel_loop3A_807 : i32 to vector<16xi32>
      %parallel_loop3A_809 = arith.addi %iota3A, %parallel_loop3A_808 : vector<16xi32>
      %parallel_loop3A_810 = arith.constant 63 : i32
      %parallel_loop3A_811 = vector.broadcast %parallel_loop3A_810 : i32 to vector<16xi32>
      %parallel_loop3A_812 = arith.andi %parallel_loop3A_809, %parallel_loop3A_811 : vector<16xi32>
      %parallel_loop3A_813 = tpu.vector_load_idx %arg7[%parallel_loop3A_812, %parallel_loop3A_454] : memref<64x512xf32, #tpu.memory_space<vmem>>[vector<16xi32>, vector<16xi32>], vector<16xf32>,
      %parallel_loop3A_814 = arith.mulf %parallel_loop3A_813, %parallel_loop3A_447 : vector<16xf32>
      tpu.vector_store_idx %arg9[%parallel_loop3A_22, %parallel_loop3A_812], %parallel_loop3A_814 {add = true} : memref<64x64xf32, #tpu.memory_space<vmem>>[vector<16xi32>, vector<16xi32>], vector<16xf32>,
      %parallel_loop3A_815 = arith.constant 45 : i32
      %parallel_loop3A_816 = vector.broadcast %parallel_loop3A_815 : i32 to vector<16xi32>
      %parallel_loop3A_817 = arith.addi %iota3A, %parallel_loop3A_816 : vector<16xi32>
      %parallel_loop3A_818 = arith.constant 63 : i32
      %parallel_loop3A_819 = vector.broadcast %parallel_loop3A_818 : i32 to vector<16xi32>
      %parallel_loop3A_820 = arith.andi %parallel_loop3A_817, %parallel_loop3A_819 : vector<16xi32>
      %parallel_loop3A_821 = tpu.vector_load_idx %arg7[%parallel_loop3A_820, %parallel_loop3A_454] : memref<64x512xf32, #tpu.memory_space<vmem>>[vector<16xi32>, vector<16xi32>], vector<16xf32>,
      %parallel_loop3A_822 = arith.mulf %parallel_loop3A_821, %parallel_loop3A_447 : vector<16xf32>
      tpu.vector_store_idx %arg9[%parallel_loop3A_22, %parallel_loop3A_820], %parallel_loop3A_822 {add = true} : memref<64x64xf32, #tpu.memory_space<vmem>>[vector<16xi32>, vector<16xi32>], vector<16xf32>,
      %parallel_loop3A_823 = arith.constant 46 : i32
      %parallel_loop3A_824 = vector.broadcast %parallel_loop3A_823 : i32 to vector<16xi32>
      %parallel_loop3A_825 = arith.addi %iota3A, %parallel_loop3A_824 : vector<16xi32>
      %parallel_loop3A_826 = arith.constant 63 : i32
      %parallel_loop3A_827 = vector.broadcast %parallel_loop3A_826 : i32 to vector<16xi32>
      %parallel_loop3A_828 = arith.andi %parallel_loop3A_825, %parallel_loop3A_827 : vector<16xi32>
      %parallel_loop3A_829 = tpu.vector_load_idx %arg7[%parallel_loop3A_828, %parallel_loop3A_454] : memref<64x512xf32, #tpu.memory_space<vmem>>[vector<16xi32>, vector<16xi32>], vector<16xf32>,
      %parallel_loop3A_830 = arith.mulf %parallel_loop3A_829, %parallel_loop3A_447 : vector<16xf32>
      tpu.vector_store_idx %arg9[%parallel_loop3A_22, %parallel_loop3A_828], %parallel_loop3A_830 {add = true} : memref<64x64xf32, #tpu.memory_space<vmem>>[vector<16xi32>, vector<16xi32>], vector<16xf32>,
      %parallel_loop3A_831 = arith.constant 47 : i32
      %parallel_loop3A_832 = vector.broadcast %parallel_loop3A_831 : i32 to vector<16xi32>
      %parallel_loop3A_833 = arith.addi %iota3A, %parallel_loop3A_832 : vector<16xi32>
      %parallel_loop3A_834 = arith.constant 63 : i32
      %parallel_loop3A_835 = vector.broadcast %parallel_loop3A_834 : i32 to vector<16xi32>
      %parallel_loop3A_836 = arith.andi %parallel_loop3A_833, %parallel_loop3A_835 : vector<16xi32>
      %parallel_loop3A_837 = tpu.vector_load_idx %arg7[%parallel_loop3A_836, %parallel_loop3A_454] : memref<64x512xf32, #tpu.memory_space<vmem>>[vector<16xi32>, vector<16xi32>], vector<16xf32>,
      %parallel_loop3A_838 = arith.mulf %parallel_loop3A_837, %parallel_loop3A_447 : vector<16xf32>
      tpu.vector_store_idx %arg9[%parallel_loop3A_22, %parallel_loop3A_836], %parallel_loop3A_838 {add = true} : memref<64x64xf32, #tpu.memory_space<vmem>>[vector<16xi32>, vector<16xi32>], vector<16xf32>,
      %parallel_loop3A_839 = arith.constant 48 : i32
      %parallel_loop3A_840 = vector.broadcast %parallel_loop3A_839 : i32 to vector<16xi32>
      %parallel_loop3A_841 = arith.addi %iota3A, %parallel_loop3A_840 : vector<16xi32>
      %parallel_loop3A_842 = arith.constant 63 : i32
      %parallel_loop3A_843 = vector.broadcast %parallel_loop3A_842 : i32 to vector<16xi32>
      %parallel_loop3A_844 = arith.andi %parallel_loop3A_841, %parallel_loop3A_843 : vector<16xi32>
      %parallel_loop3A_845 = tpu.vector_load_idx %arg7[%parallel_loop3A_844, %parallel_loop3A_454] : memref<64x512xf32, #tpu.memory_space<vmem>>[vector<16xi32>, vector<16xi32>], vector<16xf32>,
      %parallel_loop3A_846 = arith.mulf %parallel_loop3A_845, %parallel_loop3A_447 : vector<16xf32>
      tpu.vector_store_idx %arg9[%parallel_loop3A_22, %parallel_loop3A_844], %parallel_loop3A_846 {add = true} : memref<64x64xf32, #tpu.memory_space<vmem>>[vector<16xi32>, vector<16xi32>], vector<16xf32>,
      %parallel_loop3A_847 = arith.constant 49 : i32
      %parallel_loop3A_848 = vector.broadcast %parallel_loop3A_847 : i32 to vector<16xi32>
      %parallel_loop3A_849 = arith.addi %iota3A, %parallel_loop3A_848 : vector<16xi32>
      %parallel_loop3A_850 = arith.constant 63 : i32
      %parallel_loop3A_851 = vector.broadcast %parallel_loop3A_850 : i32 to vector<16xi32>
      %parallel_loop3A_852 = arith.andi %parallel_loop3A_849, %parallel_loop3A_851 : vector<16xi32>
      %parallel_loop3A_853 = tpu.vector_load_idx %arg7[%parallel_loop3A_852, %parallel_loop3A_454] : memref<64x512xf32, #tpu.memory_space<vmem>>[vector<16xi32>, vector<16xi32>], vector<16xf32>,
      %parallel_loop3A_854 = arith.mulf %parallel_loop3A_853, %parallel_loop3A_447 : vector<16xf32>
      tpu.vector_store_idx %arg9[%parallel_loop3A_22, %parallel_loop3A_852], %parallel_loop3A_854 {add = true} : memref<64x64xf32, #tpu.memory_space<vmem>>[vector<16xi32>, vector<16xi32>], vector<16xf32>,
      %parallel_loop3A_855 = arith.constant 50 : i32
      %parallel_loop3A_856 = vector.broadcast %parallel_loop3A_855 : i32 to vector<16xi32>
      %parallel_loop3A_857 = arith.addi %iota3A, %parallel_loop3A_856 : vector<16xi32>
      %parallel_loop3A_858 = arith.constant 63 : i32
      %parallel_loop3A_859 = vector.broadcast %parallel_loop3A_858 : i32 to vector<16xi32>
      %parallel_loop3A_860 = arith.andi %parallel_loop3A_857, %parallel_loop3A_859 : vector<16xi32>
      %parallel_loop3A_861 = tpu.vector_load_idx %arg7[%parallel_loop3A_860, %parallel_loop3A_454] : memref<64x512xf32, #tpu.memory_space<vmem>>[vector<16xi32>, vector<16xi32>], vector<16xf32>,
      %parallel_loop3A_862 = arith.mulf %parallel_loop3A_861, %parallel_loop3A_447 : vector<16xf32>
      tpu.vector_store_idx %arg9[%parallel_loop3A_22, %parallel_loop3A_860], %parallel_loop3A_862 {add = true} : memref<64x64xf32, #tpu.memory_space<vmem>>[vector<16xi32>, vector<16xi32>], vector<16xf32>,
      %parallel_loop3A_863 = arith.constant 51 : i32
      %parallel_loop3A_864 = vector.broadcast %parallel_loop3A_863 : i32 to vector<16xi32>
      %parallel_loop3A_865 = arith.addi %iota3A, %parallel_loop3A_864 : vector<16xi32>
      %parallel_loop3A_866 = arith.constant 63 : i32
      %parallel_loop3A_867 = vector.broadcast %parallel_loop3A_866 : i32 to vector<16xi32>
      %parallel_loop3A_868 = arith.andi %parallel_loop3A_865, %parallel_loop3A_867 : vector<16xi32>
      %parallel_loop3A_869 = tpu.vector_load_idx %arg7[%parallel_loop3A_868, %parallel_loop3A_454] : memref<64x512xf32, #tpu.memory_space<vmem>>[vector<16xi32>, vector<16xi32>], vector<16xf32>,
      %parallel_loop3A_870 = arith.mulf %parallel_loop3A_869, %parallel_loop3A_447 : vector<16xf32>
      tpu.vector_store_idx %arg9[%parallel_loop3A_22, %parallel_loop3A_868], %parallel_loop3A_870 {add = true} : memref<64x64xf32, #tpu.memory_space<vmem>>[vector<16xi32>, vector<16xi32>], vector<16xf32>,
      %parallel_loop3A_871 = arith.constant 52 : i32
      %parallel_loop3A_872 = vector.broadcast %parallel_loop3A_871 : i32 to vector<16xi32>
      %parallel_loop3A_873 = arith.addi %iota3A, %parallel_loop3A_872 : vector<16xi32>
      %parallel_loop3A_874 = arith.constant 63 : i32
      %parallel_loop3A_875 = vector.broadcast %parallel_loop3A_874 : i32 to vector<16xi32>
      %parallel_loop3A_876 = arith.andi %parallel_loop3A_873, %parallel_loop3A_875 : vector<16xi32>
      %parallel_loop3A_877 = tpu.vector_load_idx %arg7[%parallel_loop3A_876, %parallel_loop3A_454] : memref<64x512xf32, #tpu.memory_space<vmem>>[vector<16xi32>, vector<16xi32>], vector<16xf32>,
      %parallel_loop3A_878 = arith.mulf %parallel_loop3A_877, %parallel_loop3A_447 : vector<16xf32>
      tpu.vector_store_idx %arg9[%parallel_loop3A_22, %parallel_loop3A_876], %parallel_loop3A_878 {add = true} : memref<64x64xf32, #tpu.memory_space<vmem>>[vector<16xi32>, vector<16xi32>], vector<16xf32>,
      %parallel_loop3A_879 = arith.constant 53 : i32
      %parallel_loop3A_880 = vector.broadcast %parallel_loop3A_879 : i32 to vector<16xi32>
      %parallel_loop3A_881 = arith.addi %iota3A, %parallel_loop3A_880 : vector<16xi32>
      %parallel_loop3A_882 = arith.constant 63 : i32
      %parallel_loop3A_883 = vector.broadcast %parallel_loop3A_882 : i32 to vector<16xi32>
      %parallel_loop3A_884 = arith.andi %parallel_loop3A_881, %parallel_loop3A_883 : vector<16xi32>
      %parallel_loop3A_885 = tpu.vector_load_idx %arg7[%parallel_loop3A_884, %parallel_loop3A_454] : memref<64x512xf32, #tpu.memory_space<vmem>>[vector<16xi32>, vector<16xi32>], vector<16xf32>,
      %parallel_loop3A_886 = arith.mulf %parallel_loop3A_885, %parallel_loop3A_447 : vector<16xf32>
      tpu.vector_store_idx %arg9[%parallel_loop3A_22, %parallel_loop3A_884], %parallel_loop3A_886 {add = true} : memref<64x64xf32, #tpu.memory_space<vmem>>[vector<16xi32>, vector<16xi32>], vector<16xf32>,
      %parallel_loop3A_887 = arith.constant 54 : i32
      %parallel_loop3A_888 = vector.broadcast %parallel_loop3A_887 : i32 to vector<16xi32>
      %parallel_loop3A_889 = arith.addi %iota3A, %parallel_loop3A_888 : vector<16xi32>
      %parallel_loop3A_890 = arith.constant 63 : i32
      %parallel_loop3A_891 = vector.broadcast %parallel_loop3A_890 : i32 to vector<16xi32>
      %parallel_loop3A_892 = arith.andi %parallel_loop3A_889, %parallel_loop3A_891 : vector<16xi32>
      %parallel_loop3A_893 = tpu.vector_load_idx %arg7[%parallel_loop3A_892, %parallel_loop3A_454] : memref<64x512xf32, #tpu.memory_space<vmem>>[vector<16xi32>, vector<16xi32>], vector<16xf32>,
      %parallel_loop3A_894 = arith.mulf %parallel_loop3A_893, %parallel_loop3A_447 : vector<16xf32>
      tpu.vector_store_idx %arg9[%parallel_loop3A_22, %parallel_loop3A_892], %parallel_loop3A_894 {add = true} : memref<64x64xf32, #tpu.memory_space<vmem>>[vector<16xi32>, vector<16xi32>], vector<16xf32>,
      %parallel_loop3A_895 = arith.constant 55 : i32
      %parallel_loop3A_896 = vector.broadcast %parallel_loop3A_895 : i32 to vector<16xi32>
      %parallel_loop3A_897 = arith.addi %iota3A, %parallel_loop3A_896 : vector<16xi32>
      %parallel_loop3A_898 = arith.constant 63 : i32
      %parallel_loop3A_899 = vector.broadcast %parallel_loop3A_898 : i32 to vector<16xi32>
      %parallel_loop3A_900 = arith.andi %parallel_loop3A_897, %parallel_loop3A_899 : vector<16xi32>
      %parallel_loop3A_901 = tpu.vector_load_idx %arg7[%parallel_loop3A_900, %parallel_loop3A_454] : memref<64x512xf32, #tpu.memory_space<vmem>>[vector<16xi32>, vector<16xi32>], vector<16xf32>,
      %parallel_loop3A_902 = arith.mulf %parallel_loop3A_901, %parallel_loop3A_447 : vector<16xf32>
      tpu.vector_store_idx %arg9[%parallel_loop3A_22, %parallel_loop3A_900], %parallel_loop3A_902 {add = true} : memref<64x64xf32, #tpu.memory_space<vmem>>[vector<16xi32>, vector<16xi32>], vector<16xf32>,
      %parallel_loop3A_903 = arith.constant 56 : i32
      %parallel_loop3A_904 = vector.broadcast %parallel_loop3A_903 : i32 to vector<16xi32>
      %parallel_loop3A_905 = arith.addi %iota3A, %parallel_loop3A_904 : vector<16xi32>
      %parallel_loop3A_906 = arith.constant 63 : i32
      %parallel_loop3A_907 = vector.broadcast %parallel_loop3A_906 : i32 to vector<16xi32>
      %parallel_loop3A_908 = arith.andi %parallel_loop3A_905, %parallel_loop3A_907 : vector<16xi32>
      %parallel_loop3A_909 = tpu.vector_load_idx %arg7[%parallel_loop3A_908, %parallel_loop3A_454] : memref<64x512xf32, #tpu.memory_space<vmem>>[vector<16xi32>, vector<16xi32>], vector<16xf32>,
      %parallel_loop3A_910 = arith.mulf %parallel_loop3A_909, %parallel_loop3A_447 : vector<16xf32>
      tpu.vector_store_idx %arg9[%parallel_loop3A_22, %parallel_loop3A_908], %parallel_loop3A_910 {add = true} : memref<64x64xf32, #tpu.memory_space<vmem>>[vector<16xi32>, vector<16xi32>], vector<16xf32>,
      %parallel_loop3A_911 = arith.constant 57 : i32
      %parallel_loop3A_912 = vector.broadcast %parallel_loop3A_911 : i32 to vector<16xi32>
      %parallel_loop3A_913 = arith.addi %iota3A, %parallel_loop3A_912 : vector<16xi32>
      %parallel_loop3A_914 = arith.constant 63 : i32
      %parallel_loop3A_915 = vector.broadcast %parallel_loop3A_914 : i32 to vector<16xi32>
      %parallel_loop3A_916 = arith.andi %parallel_loop3A_913, %parallel_loop3A_915 : vector<16xi32>
      %parallel_loop3A_917 = tpu.vector_load_idx %arg7[%parallel_loop3A_916, %parallel_loop3A_454] : memref<64x512xf32, #tpu.memory_space<vmem>>[vector<16xi32>, vector<16xi32>], vector<16xf32>,
      %parallel_loop3A_918 = arith.mulf %parallel_loop3A_917, %parallel_loop3A_447 : vector<16xf32>
      tpu.vector_store_idx %arg9[%parallel_loop3A_22, %parallel_loop3A_916], %parallel_loop3A_918 {add = true} : memref<64x64xf32, #tpu.memory_space<vmem>>[vector<16xi32>, vector<16xi32>], vector<16xf32>,
      %parallel_loop3A_919 = arith.constant 58 : i32
      %parallel_loop3A_920 = vector.broadcast %parallel_loop3A_919 : i32 to vector<16xi32>
      %parallel_loop3A_921 = arith.addi %iota3A, %parallel_loop3A_920 : vector<16xi32>
      %parallel_loop3A_922 = arith.constant 63 : i32
      %parallel_loop3A_923 = vector.broadcast %parallel_loop3A_922 : i32 to vector<16xi32>
      %parallel_loop3A_924 = arith.andi %parallel_loop3A_921, %parallel_loop3A_923 : vector<16xi32>
      %parallel_loop3A_925 = tpu.vector_load_idx %arg7[%parallel_loop3A_924, %parallel_loop3A_454] : memref<64x512xf32, #tpu.memory_space<vmem>>[vector<16xi32>, vector<16xi32>], vector<16xf32>,
      %parallel_loop3A_926 = arith.mulf %parallel_loop3A_925, %parallel_loop3A_447 : vector<16xf32>
      tpu.vector_store_idx %arg9[%parallel_loop3A_22, %parallel_loop3A_924], %parallel_loop3A_926 {add = true} : memref<64x64xf32, #tpu.memory_space<vmem>>[vector<16xi32>, vector<16xi32>], vector<16xf32>,
      %parallel_loop3A_927 = arith.constant 59 : i32
      %parallel_loop3A_928 = vector.broadcast %parallel_loop3A_927 : i32 to vector<16xi32>
      %parallel_loop3A_929 = arith.addi %iota3A, %parallel_loop3A_928 : vector<16xi32>
      %parallel_loop3A_930 = arith.constant 63 : i32
      %parallel_loop3A_931 = vector.broadcast %parallel_loop3A_930 : i32 to vector<16xi32>
      %parallel_loop3A_932 = arith.andi %parallel_loop3A_929, %parallel_loop3A_931 : vector<16xi32>
      %parallel_loop3A_933 = tpu.vector_load_idx %arg7[%parallel_loop3A_932, %parallel_loop3A_454] : memref<64x512xf32, #tpu.memory_space<vmem>>[vector<16xi32>, vector<16xi32>], vector<16xf32>,
      %parallel_loop3A_934 = arith.mulf %parallel_loop3A_933, %parallel_loop3A_447 : vector<16xf32>
      tpu.vector_store_idx %arg9[%parallel_loop3A_22, %parallel_loop3A_932], %parallel_loop3A_934 {add = true} : memref<64x64xf32, #tpu.memory_space<vmem>>[vector<16xi32>, vector<16xi32>], vector<16xf32>,
      %parallel_loop3A_935 = arith.constant 60 : i32
      %parallel_loop3A_936 = vector.broadcast %parallel_loop3A_935 : i32 to vector<16xi32>
      %parallel_loop3A_937 = arith.addi %iota3A, %parallel_loop3A_936 : vector<16xi32>
      %parallel_loop3A_938 = arith.constant 63 : i32
      %parallel_loop3A_939 = vector.broadcast %parallel_loop3A_938 : i32 to vector<16xi32>
      %parallel_loop3A_940 = arith.andi %parallel_loop3A_937, %parallel_loop3A_939 : vector<16xi32>
      %parallel_loop3A_941 = tpu.vector_load_idx %arg7[%parallel_loop3A_940, %parallel_loop3A_454] : memref<64x512xf32, #tpu.memory_space<vmem>>[vector<16xi32>, vector<16xi32>], vector<16xf32>,
      %parallel_loop3A_942 = arith.mulf %parallel_loop3A_941, %parallel_loop3A_447 : vector<16xf32>
      tpu.vector_store_idx %arg9[%parallel_loop3A_22, %parallel_loop3A_940], %parallel_loop3A_942 {add = true} : memref<64x64xf32, #tpu.memory_space<vmem>>[vector<16xi32>, vector<16xi32>], vector<16xf32>,
      %parallel_loop3A_943 = arith.constant 61 : i32
      %parallel_loop3A_944 = vector.broadcast %parallel_loop3A_943 : i32 to vector<16xi32>
      %parallel_loop3A_945 = arith.addi %iota3A, %parallel_loop3A_944 : vector<16xi32>
      %parallel_loop3A_946 = arith.constant 63 : i32
      %parallel_loop3A_947 = vector.broadcast %parallel_loop3A_946 : i32 to vector<16xi32>
      %parallel_loop3A_948 = arith.andi %parallel_loop3A_945, %parallel_loop3A_947 : vector<16xi32>
      %parallel_loop3A_949 = tpu.vector_load_idx %arg7[%parallel_loop3A_948, %parallel_loop3A_454] : memref<64x512xf32, #tpu.memory_space<vmem>>[vector<16xi32>, vector<16xi32>], vector<16xf32>,
      %parallel_loop3A_950 = arith.mulf %parallel_loop3A_949, %parallel_loop3A_447 : vector<16xf32>
      tpu.vector_store_idx %arg9[%parallel_loop3A_22, %parallel_loop3A_948], %parallel_loop3A_950 {add = true} : memref<64x64xf32, #tpu.memory_space<vmem>>[vector<16xi32>, vector<16xi32>], vector<16xf32>,
      %parallel_loop3A_951 = arith.constant 62 : i32
      %parallel_loop3A_952 = vector.broadcast %parallel_loop3A_951 : i32 to vector<16xi32>
      %parallel_loop3A_953 = arith.addi %iota3A, %parallel_loop3A_952 : vector<16xi32>
      %parallel_loop3A_954 = arith.constant 63 : i32
      %parallel_loop3A_955 = vector.broadcast %parallel_loop3A_954 : i32 to vector<16xi32>
      %parallel_loop3A_956 = arith.andi %parallel_loop3A_953, %parallel_loop3A_955 : vector<16xi32>
      %parallel_loop3A_957 = tpu.vector_load_idx %arg7[%parallel_loop3A_956, %parallel_loop3A_454] : memref<64x512xf32, #tpu.memory_space<vmem>>[vector<16xi32>, vector<16xi32>], vector<16xf32>,
      %parallel_loop3A_958 = arith.mulf %parallel_loop3A_957, %parallel_loop3A_447 : vector<16xf32>
      tpu.vector_store_idx %arg9[%parallel_loop3A_22, %parallel_loop3A_956], %parallel_loop3A_958 {add = true} : memref<64x64xf32, #tpu.memory_space<vmem>>[vector<16xi32>, vector<16xi32>], vector<16xf32>,
      %parallel_loop3A_959 = arith.constant 63 : i32
      %parallel_loop3A_960 = vector.broadcast %parallel_loop3A_959 : i32 to vector<16xi32>
      %parallel_loop3A_961 = arith.addi %iota3A, %parallel_loop3A_960 : vector<16xi32>
      %parallel_loop3A_962 = arith.constant 63 : i32
      %parallel_loop3A_963 = vector.broadcast %parallel_loop3A_962 : i32 to vector<16xi32>
      %parallel_loop3A_964 = arith.andi %parallel_loop3A_961, %parallel_loop3A_963 : vector<16xi32>
      %parallel_loop3A_965 = tpu.vector_load_idx %arg7[%parallel_loop3A_964, %parallel_loop3A_454] : memref<64x512xf32, #tpu.memory_space<vmem>>[vector<16xi32>, vector<16xi32>], vector<16xf32>,
      %parallel_loop3A_966 = arith.mulf %parallel_loop3A_965, %parallel_loop3A_447 : vector<16xf32>
      tpu.vector_store_idx %arg9[%parallel_loop3A_22, %parallel_loop3A_964], %parallel_loop3A_966 {add = true} : memref<64x64xf32, #tpu.memory_space<vmem>>[vector<16xi32>, vector<16xi32>], vector<16xf32>,
      tpu.vector_store_idx %arg10[%parallel_loop3A_22, %iota3A], %broadcast_in_dim3A_7 {add = true} : memref<64x16xf32, #tpu.memory_space<vmem>>[vector<16xi32>, vector<16xi32>], vector<16xf32>,
      scf.yield %parallel_loop3A_450 : vector<16xf32>
    } {sc.loop_unroll_factor = 3 : i64, sc.parallel_access}
    %swap3A = arith.constant 0 : index
    %swap3A_16 = tpu.vector_load %arg11[%swap3A] {strides = array<i32>} : memref<16xf32, #tpu.memory_space<vmem>>, vector<16xf32>,
    tpu.vector_store %arg11[%swap3A], %parallel_loop3A_15 {strides = array<i32>} : memref<16xf32, #tpu.memory_space<vmem>>, vector<16xf32>,
    "tpu.region"() ({
      %run_scoped3A = tpu.sem_alloc : memref<!tpu.dma_semaphore, #tpu.memory_space<semaphore_mem>>
      %dma_start3A = arith.constant 0 : i32
      %dma_start3A_17 = arith.constant 0 : i32
      %dma_start3A_18 = tpu.memref_slice %arg4[%add3A, %dma_start3A, %dma_start3A_17] : memref<32x64x64xf32, #tpu.memory_space<hbm>> -> memref<1x64x64xf32, #tpu.memory_space<hbm>>
      %dma_start3A_19 = tpu.memref_squeeze %dma_start3A_18 : memref<1x64x64xf32, #tpu.memory_space<hbm>> -> memref<64x64xf32, #tpu.memory_space<hbm>>
      %dma_start3A_20 = arith.constant 0 : i32
      %dma_start3A_21 = arith.constant 0 : i32
      %dma_start3A_22 = tpu.memref_slice %arg4[%add3A, %dma_start3A_20, %dma_start3A_21] : memref<32x64x64xf32, #tpu.memory_space<hbm>> -> memref<1x64x64xf32, #tpu.memory_space<hbm>>
      %dma_start3A_23 = tpu.memref_squeeze %dma_start3A_22 : memref<1x64x64xf32, #tpu.memory_space<hbm>> -> memref<64x64xf32, #tpu.memory_space<hbm>>
      tpu.enqueue_dma source(%arg9 : memref<64x64xf32, #tpu.memory_space<vmem>>) target(%dma_start3A_23 : memref<64x64xf32, #tpu.memory_space<hbm>>) target_semaphore(%run_scoped3A : memref<!tpu.dma_semaphore, #tpu.memory_space<semaphore_mem>>)
      %dma_wait3A = arith.constant 0 : i32
      %dma_wait3A_24 = arith.constant 0 : i32
      %dma_wait3A_25 = tpu.memref_slice %arg4[%add3A, %dma_wait3A, %dma_wait3A_24] : memref<32x64x64xf32, #tpu.memory_space<hbm>> -> memref<1x64x64xf32, #tpu.memory_space<hbm>>
      %dma_wait3A_26 = tpu.memref_squeeze %dma_wait3A_25 : memref<1x64x64xf32, #tpu.memory_space<hbm>> -> memref<64x64xf32, #tpu.memory_space<hbm>>
      %dma_wait3A_27 = arith.constant 0 : i32
      %dma_wait3A_28 = arith.constant 0 : i32
      %dma_wait3A_29 = tpu.memref_slice %arg4[%add3A, %dma_wait3A_27, %dma_wait3A_28] : memref<32x64x64xf32, #tpu.memory_space<hbm>> -> memref<1x64x64xf32, #tpu.memory_space<hbm>>
      %dma_wait3A_30 = tpu.memref_squeeze %dma_wait3A_29 : memref<1x64x64xf32, #tpu.memory_space<hbm>> -> memref<64x64xf32, #tpu.memory_space<hbm>>
      tpu.wait_dma2 semaphore(%run_scoped3A : memref<!tpu.dma_semaphore, #tpu.memory_space<semaphore_mem>>) src(%arg9 : memref<64x64xf32, #tpu.memory_space<vmem>>) dst(%dma_wait3A_30 : memref<64x64xf32, #tpu.memory_space<hbm>>)
      tpu.yield
    }) : () -> ()
    "tpu.region"() ({
      %run_scoped3A = tpu.sem_alloc : memref<!tpu.dma_semaphore, #tpu.memory_space<semaphore_mem>>
      %dma_start3A = arith.constant 0 : i32
      %dma_start3A_17 = arith.constant 0 : i32
      %dma_start3A_18 = tpu.memref_slice %arg5[%add3A, %dma_start3A, %dma_start3A_17] : memref<32x64x16xf32, #tpu.memory_space<hbm>> -> memref<1x64x16xf32, #tpu.memory_space<hbm>>
      %dma_start3A_19 = tpu.memref_squeeze %dma_start3A_18 : memref<1x64x16xf32, #tpu.memory_space<hbm>> -> memref<64x16xf32, #tpu.memory_space<hbm>>
      %dma_start3A_20 = arith.constant 0 : i32
      %dma_start3A_21 = arith.constant 0 : i32
      %dma_start3A_22 = tpu.memref_slice %arg5[%add3A, %dma_start3A_20, %dma_start3A_21] : memref<32x64x16xf32, #tpu.memory_space<hbm>> -> memref<1x64x16xf32, #tpu.memory_space<hbm>>
      %dma_start3A_23 = tpu.memref_squeeze %dma_start3A_22 : memref<1x64x16xf32, #tpu.memory_space<hbm>> -> memref<64x16xf32, #tpu.memory_space<hbm>>
      tpu.enqueue_dma source(%arg10 : memref<64x16xf32, #tpu.memory_space<vmem>>) target(%dma_start3A_23 : memref<64x16xf32, #tpu.memory_space<hbm>>) target_semaphore(%run_scoped3A : memref<!tpu.dma_semaphore, #tpu.memory_space<semaphore_mem>>)
      %dma_wait3A = arith.constant 0 : i32
      %dma_wait3A_24 = arith.constant 0 : i32
      %dma_wait3A_25 = tpu.memref_slice %arg5[%add3A, %dma_wait3A, %dma_wait3A_24] : memref<32x64x16xf32, #tpu.memory_space<hbm>> -> memref<1x64x16xf32, #tpu.memory_space<hbm>>
      %dma_wait3A_26 = tpu.memref_squeeze %dma_wait3A_25 : memref<1x64x16xf32, #tpu.memory_space<hbm>> -> memref<64x16xf32, #tpu.memory_space<hbm>>
      %dma_wait3A_27 = arith.constant 0 : i32
      %dma_wait3A_28 = arith.constant 0 : i32
      %dma_wait3A_29 = tpu.memref_slice %arg5[%add3A, %dma_wait3A_27, %dma_wait3A_28] : memref<32x64x16xf32, #tpu.memory_space<hbm>> -> memref<1x64x16xf32, #tpu.memory_space<hbm>>
      %dma_wait3A_30 = tpu.memref_squeeze %dma_wait3A_29 : memref<1x64x16xf32, #tpu.memory_space<hbm>> -> memref<64x16xf32, #tpu.memory_space<hbm>>
      tpu.wait_dma2 semaphore(%run_scoped3A : memref<!tpu.dma_semaphore, #tpu.memory_space<semaphore_mem>>) src(%arg10 : memref<64x16xf32, #tpu.memory_space<vmem>>) dst(%dma_wait3A_30 : memref<64x16xf32, #tpu.memory_space<hbm>>)
      tpu.yield
    }) : () -> ()
    "tpu.region"() ({
      %run_scoped3A = tpu.sem_alloc : memref<!tpu.dma_semaphore, #tpu.memory_space<semaphore_mem>>
      %dma_start3A = arith.constant 0 : i32
      %dma_start3A_17 = tpu.memref_slice %arg6[%add3A, %dma_start3A] : memref<32x16xf32, #tpu.memory_space<hbm>> -> memref<1x16xf32, #tpu.memory_space<hbm>>
      %dma_start3A_18 = tpu.memref_squeeze %dma_start3A_17 : memref<1x16xf32, #tpu.memory_space<hbm>> -> memref<16xf32, #tpu.memory_space<hbm>>
      %dma_start3A_19 = arith.constant 0 : i32
      %dma_start3A_20 = tpu.memref_slice %arg6[%add3A, %dma_start3A_19] : memref<32x16xf32, #tpu.memory_space<hbm>> -> memref<1x16xf32, #tpu.memory_space<hbm>>
      %dma_start3A_21 = tpu.memref_squeeze %dma_start3A_20 : memref<1x16xf32, #tpu.memory_space<hbm>> -> memref<16xf32, #tpu.memory_space<hbm>>
      tpu.enqueue_dma source(%arg11 : memref<16xf32, #tpu.memory_space<vmem>>) target(%dma_start3A_21 : memref<16xf32, #tpu.memory_space<hbm>>) target_semaphore(%run_scoped3A : memref<!tpu.dma_semaphore, #tpu.memory_space<semaphore_mem>>)
      %dma_wait3A = arith.constant 0 : i32
      %dma_wait3A_22 = tpu.memref_slice %arg6[%add3A, %dma_wait3A] : memref<32x16xf32, #tpu.memory_space<hbm>> -> memref<1x16xf32, #tpu.memory_space<hbm>>
      %dma_wait3A_23 = tpu.memref_squeeze %dma_wait3A_22 : memref<1x16xf32, #tpu.memory_space<hbm>> -> memref<16xf32, #tpu.memory_space<hbm>>
      %dma_wait3A_24 = arith.constant 0 : i32
      %dma_wait3A_25 = tpu.memref_slice %arg6[%add3A, %dma_wait3A_24] : memref<32x16xf32, #tpu.memory_space<hbm>> -> memref<1x16xf32, #tpu.memory_space<hbm>>
      %dma_wait3A_26 = tpu.memref_squeeze %dma_wait3A_25 : memref<1x16xf32, #tpu.memory_space<hbm>> -> memref<16xf32, #tpu.memory_space<hbm>>
      tpu.wait_dma2 semaphore(%run_scoped3A : memref<!tpu.dma_semaphore, #tpu.memory_space<semaphore_mem>>) src(%arg11 : memref<16xf32, #tpu.memory_space<vmem>>) dst(%dma_wait3A_26 : memref<16xf32, #tpu.memory_space<hbm>>)
      tpu.yield
    }) : () -> ()
    return
  }
}

module attributes {stable_mosaic.version = 14 : i64} {
  func.func @_epi_body(%arg0: memref<32x64x64xf32, #tpu.memory_space<vmem>>, %arg1: memref<32x64x16xf32, #tpu.memory_space<vmem>>, %arg2: memref<32x16xf32, #tpu.memory_space<vmem>>, %arg3: memref<1x1xf32, #tpu.memory_space<vmem>>) attributes {dimension_semantics = [], scalar_prefetch = 0 : i64, scratch_operands = 0 : i64, tpu.core_type = #tpu.core_type<tc>} {
    %get3A = arith.constant 0 : index
    %get3A_0 = arith.constant 0 : index
    %get3A_1 = arith.constant 0 : index
    %get3A_2 = vector.load %arg0[%get3A, %get3A_0, %get3A_1] : memref<32x64x64xf32, #tpu.memory_space<vmem>>, vector<32x64x64xf32>
    %reduce_sum3A = arith.constant dense<0.000000e+00> : vector<64x64xf32>
    %reduce_sum3A_3 = vector.multi_reduction <add>, %get3A_2, %reduce_sum3A [0] : vector<32x64x64xf32> to vector<64x64xf32>
    %get3A_4 = arith.constant 0 : index
    %get3A_5 = arith.constant 0 : index
    %get3A_6 = arith.constant 0 : index
    %get3A_7 = vector.load %arg1[%get3A_4, %get3A_5, %get3A_6] : memref<32x64x16xf32, #tpu.memory_space<vmem>>, vector<32x64x16xf32>
    %reduce_sum3A_8 = arith.constant dense<0.000000e+00> : vector<64x16xf32>
    %reduce_sum3A_9 = vector.multi_reduction <add>, %get3A_7, %reduce_sum3A_8 [0] : vector<32x64x16xf32> to vector<64x16xf32>
    %reduce_sum3A_10 = arith.constant dense<0.000000e+00> : vector<64xf32>
    %reduce_sum3A_11 = vector.multi_reduction <add>, %reduce_sum3A_9, %reduce_sum3A_10 [1] : vector<64x16xf32> to vector<64xf32>
    %get3A_12 = arith.constant 0 : index
    %get3A_13 = arith.constant 0 : index
    %get3A_14 = vector.load %arg2[%get3A_12, %get3A_13] : memref<32x16xf32, #tpu.memory_space<vmem>>, vector<32x16xf32>
    %reduce_sum3A_15 = vector.shape_cast %get3A_14 : vector<32x16xf32> to vector<1x32x16xf32>
    %reduce_sum3A_16 = arith.constant dense<0.000000e+00> : vector<1xf32>
    %reduce_sum3A_17 = vector.multi_reduction <add>, %reduce_sum3A_15, %reduce_sum3A_16 [1, 2] : vector<1x32x16xf32> to vector<1xf32>
    %reduce_sum3A_18 = vector.shape_cast %reduce_sum3A_17 : vector<1xf32> to vector<1x1x1xf32>
    %reduce_sum3A_19 = vector.extract %reduce_sum3A_18[0, 0, 0] : f32 from vector<1x1x1xf32>
    %max3A = arith.constant 1.000000e+00 : f32
    %max3A_20 = vector.broadcast %max3A : f32 to vector<64xf32>
    %max3A_21 = arith.maximumf %reduce_sum3A_11, %max3A_20 : vector<64xf32>
    %broadcast_in_dim3A = vector.shape_cast %max3A_21 : vector<64xf32> to vector<64x1xf32>
    %div3A = vector.broadcast %broadcast_in_dim3A : vector<64x1xf32> to vector<64x64xf32>
    %div3A_22 = arith.divf %reduce_sum3A_3, %div3A : vector<64x64xf32>
    %mul3A = arith.mulf %div3A_22, %div3A_22 : vector<64x64xf32>
    %reduce_sum3A_23 = arith.constant dense<0.000000e+00> : vector<64xf32>
    %reduce_sum3A_24 = vector.multi_reduction <add>, %mul3A, %reduce_sum3A_23 [1] : vector<64x64xf32> to vector<64xf32>
    %mul3A_25 = arith.mulf %reduce_sum3A_11, %reduce_sum3A_24 : vector<64xf32>
    %reduce_sum3A_26 = vector.shape_cast %mul3A_25 : vector<64xf32> to vector<1x64xf32>
    %reduce_sum3A_27 = arith.constant dense<0.000000e+00> : vector<1xf32>
    %reduce_sum3A_28 = vector.multi_reduction <add>, %reduce_sum3A_26, %reduce_sum3A_27 [1] : vector<1x64xf32> to vector<1xf32>
    %reduce_sum3A_29 = vector.shape_cast %reduce_sum3A_28 : vector<1xf32> to vector<1x1xf32>
    %reduce_sum3A_30 = vector.extract %reduce_sum3A_29[0, 0] : f32 from vector<1x1xf32>
    %sub3A = arith.subf %reduce_sum3A_19, %reduce_sum3A_30 : f32
    %div3A_31 = arith.constant 1.638400e+04 : f32
    %div3A_32 = arith.divf %sub3A, %div3A_31 : f32
    %transpose3A = tpu.transpose %div3A_22, [1, 0] : vector<64x64xf32> -> vector<64x64xf32>
    %dot_general3A = arith.constant dense<0.000000e+00> : vector<64x64xf32>
    %dot_general3A_33 = tpu.matmul %div3A_22, %transpose3A, %dot_general3A {dimension_numbers = #tpu.dot_dimension_numbers<[1], [0], [0], [1], [0, 0, 1, 1], [], []>, transpose_lhs_hint = false} : vector<64x64xf32>, vector<64x64xf32>, vector<64x64xf32> -> vector<64x64xf32>
    %broadcast_in_dim3A_34 = vector.shape_cast %reduce_sum3A_24 : vector<64xf32> to vector<64x1xf32>
    %broadcast_in_dim3A_35 = vector.shape_cast %reduce_sum3A_24 : vector<64xf32> to vector<1x64xf32>
    %add3A = vector.broadcast %broadcast_in_dim3A_34 : vector<64x1xf32> to vector<64x64xf32>
    %add3A_36 = vector.broadcast %broadcast_in_dim3A_35 : vector<1x64xf32> to vector<64x64xf32>
    %add3A_37 = arith.addf %add3A, %add3A_36 : vector<64x64xf32>
    %mul3A_38 = arith.constant 2.000000e+00 : f32
    %mul3A_39 = vector.broadcast %mul3A_38 : f32 to vector<64x64xf32>
    %mul3A_40 = arith.mulf %mul3A_39, %dot_general3A_33 : vector<64x64xf32>
    %sub3A_41 = arith.subf %add3A_37, %mul3A_40 : vector<64x64xf32>
    %max3A_42 = arith.constant 0.000000e+00 : f32
    %max3A_43 = vector.broadcast %max3A_42 : f32 to vector<64x64xf32>
    %max3A_44 = arith.maximumf %sub3A_41, %max3A_43 : vector<64x64xf32>
    %iota3A = tpu.iota {dimensions = array<i32: 0>} : vector<64x64xi32>
    %iota3A_45 = tpu.iota {dimensions = array<i32: 1>} : vector<64x64xi32>
    %gt3A = arith.constant 5.000000e-01 : f32
    %gt3A_46 = vector.broadcast %gt3A : f32 to vector<64xf32>
    %gt3A_47 = arith.cmpf ogt, %reduce_sum3A_11, %gt3A_46 : vector<64xf32>
    %ne3A = arith.cmpi ne, %iota3A, %iota3A_45 : vector<64x64xi32>
    %broadcast_in_dim3A_48 = vector.shape_cast %gt3A_47 : vector<64xi1> to vector<64x1xi1>
    %and3A = vector.broadcast %broadcast_in_dim3A_48 : vector<64x1xi1> to vector<64x64xi1>
    %and3A_49 = arith.andi %ne3A, %and3A : vector<64x64xi1>
    %broadcast_in_dim3A_50 = vector.shape_cast %gt3A_47 : vector<64xi1> to vector<1x64xi1>
    %and3A_51 = vector.broadcast %broadcast_in_dim3A_50 : vector<1x64xi1> to vector<64x64xi1>
    %and3A_52 = arith.andi %and3A_49, %and3A_51 : vector<64x64xi1>
    %jit3A = arith.constant 1.000000e+30 : f32
    %broadcast_in_dim3A_53 = vector.broadcast %jit3A : f32 to vector<64x64xf32>
    %select_n3A = arith.select %and3A_52, %max3A_44, %broadcast_in_dim3A_53 : vector<64x64xi1>, vector<64x64xf32>
    %reduce_min3A = vector.shape_cast %select_n3A : vector<64x64xf32> to vector<1x64x64xf32>
    %reduce_min3A_54 = arith.constant dense<0x7F800000> : vector<1xf32>
    %reduce_min3A_55 = vector.multi_reduction <minimumf>, %reduce_min3A, %reduce_min3A_54 [1, 2] : vector<1x64x64xf32> to vector<1xf32>
    %reduce_min3A_56 = vector.shape_cast %reduce_min3A_55 : vector<1xf32> to vector<1x1x1xf32>
    %reduce_min3A_57 = vector.extract %reduce_min3A_56[0, 0, 0] : f32 from vector<1x1x1xf32>
    %sqrt3A = math.sqrt %reduce_min3A_57 : f32
    %sub3A_58 = arith.constant 2.000000e+00 : f32
    %sub3A_59 = arith.subf %sub3A_58, %sqrt3A : f32
    %max3A_60 = arith.constant 0.000000e+00 : f32
    %max3A_61 = arith.maximumf %sub3A_59, %max3A_60 : f32
    %div3A_62 = arith.constant 2.000000e+00 : f32
    %div3A_63 = arith.divf %sqrt3A, %div3A_62 : f32
    %jit3A_64 = arith.constant 0.000000e+00 : f32
    %jit3A_65 = arith.constant 1.000000e+00 : f32
    %max3A_66 = arith.maximumf %jit3A_64, %div3A_63 : f32
    %min3A = arith.minimumf %jit3A_65, %max3A_66 : f32
    %sub3A_67 = arith.constant 1.000000e+00 : f32
    %sub3A_68 = arith.subf %sub3A_67, %min3A : f32
    %mul3A_69 = arith.constant 2.000000e+00 : f32
    %mul3A_70 = arith.mulf %mul3A_69, %sub3A_68 : f32
    %add3A_71 = arith.constant 1.000000e+00 : f32
    %add3A_72 = arith.addf %add3A_71, %mul3A_70 : f32
    %mul3A_73 = arith.mulf %add3A_72, %div3A_32 : f32
    %mul3A_74 = arith.constant 2.000000e+00 : f32
    %mul3A_75 = arith.mulf %mul3A_74, %min3A : f32
    %mul3A_76 = arith.mulf %mul3A_75, %max3A_61 : f32
    %add3A_77 = arith.addf %mul3A_73, %mul3A_76 : f32
    %convert_element_type3A = arith.extui %gt3A_47 : vector<64xi1> to vector<64xi32>
    %convert_element_type3A_78 = arith.sitofp %convert_element_type3A : vector<64xi32> to vector<64xf32>
    %reduce_sum3A_79 = vector.shape_cast %convert_element_type3A_78 : vector<64xf32> to vector<1x64xf32>
    %reduce_sum3A_80 = arith.constant dense<0.000000e+00> : vector<1xf32>
    %reduce_sum3A_81 = vector.multi_reduction <add>, %reduce_sum3A_79, %reduce_sum3A_80 [1] : vector<1x64xf32> to vector<1xf32>
    %reduce_sum3A_82 = vector.shape_cast %reduce_sum3A_81 : vector<1xf32> to vector<1x1xf32>
    %reduce_sum3A_83 = vector.extract %reduce_sum3A_82[0, 0] : f32 from vector<1x1xf32>
    %lt3A = arith.constant 1.500000e+00 : f32
    %lt3A_84 = arith.cmpf olt, %reduce_sum3A_83, %lt3A : f32
    %jit3A_85 = arith.constant 0.000000e+00 : f32
    %select_n3A_86 = arith.select %lt3A_84, %jit3A_85, %add3A_77 : f32
    %broadcast_in_dim3A_87 = vector.broadcast %select_n3A_86 : f32 to vector<1x1xf32>
    %swap3A = arith.constant 0 : index
    %swap3A_88 = arith.constant 0 : index
    %swap3A_89 = vector.load %arg3[%swap3A, %swap3A_88] : memref<1x1xf32, #tpu.memory_space<vmem>>, vector<1x1xf32>
    tpu.vector_store %arg3[%swap3A, %swap3A_88], %broadcast_in_dim3A_87 {strides = array<i32>} : memref<1x1xf32, #tpu.memory_space<vmem>>, vector<1x1xf32>,
    return
  }
}

</mosaic_0001>

<sc_bundles>
// kernel: kernel.4.cloned.1.call-start
scs
__scs_entry_jumppad:
0x0: {  	(pc) =	sbr.rel $0x88, $3  }
0x1: {  	(tag) =	ssettag $0x0;
	lr =	simm.s32 $0x1  }
0x2: {  	[smem:$0x3F9F] =	sst lr;
	_ =	strace $0xD0000000  }
0x3: {  	_ = 	snop  }
0x4: {  	_ = 	snop  }
0x5: {  	_ = 	snop  }
0x6: {  	_ = 	snop  }
0x7: {  	_ = 	snop  }
__scs_overlays_trampoline_lowered:
0x8: {  	[smem:$0x3FAE] =	sst s0  }
0x9: {  	[smem:$0x3FAF] =	sst s1  }
0xa: {  	[smem:$0x3FB0] =	sst s2  }
0xb: {  	[smem:$0x3FB1] =	sst s3  }
0xc: {  	[smem:$0x3FB2] =	sst s4  }
0xd: {  	[smem:$0x3FB3] =	sst s5  }
0xe: {  	[smem:$0x3FB4] =	sst s6  }
0xf: {  	[smem:$0x3FB5] =	sst s7  }
0x10: {  	[smem:$0x3FB6] =	sst s8  }
0x11: {  	[smem:$0x3FB7] =	sst s9;
	s0 =	simm.s32 @!p0 $0x0  }
0x12: {  	s1 =	sld [smem:$0x3F9D];
	s0 =	simm.s32 @p0 $0x1  }
0x13: {  	[smem:$0x3FB8] =	sst s0;
	s0 =	simm.s32 @!p1 $0x0  }
0x14: {  	s2 =	sld [smem:$0x3F9C];
	s0 =	simm.s32 @p1 $0x1  }
0x15: {  	[smem:$0x3FB9] =	sst s0;
	s0 =	simm.s32 @!p2 $0x0  }
0x16: {  	s3 =	sld [smem:$0x3FDB];
	s0 =	simm.s32 @p2 $0x1  }
0x17: {  	s4 =	simm.s32 $0x1BF5;
	[smem:$0x3FBB] =	sst s0  }
0x18: {  	s0 =	sld [smem:$0x3F9E];
	_ =	swait.ge [sflag:s4], $0x0  }
0x19: {  	s7 =	sld [smem:$0x3F9F]  }
0x1a: {  	s8 =	sadd.s32 $0xFFFFE003, lr  }
0x1b: {  	s9 =	sadd.s32 $0xFFFFFEF7, lr;
	s5 =	simm.s32 $0xFFFFFFFF;
	p2 =	slt.u32 s8, $0xFFFFF086  }
0x1c: {  	p1 =	slt.u32 s9, $0xF7A;
	s5 =	simm.s32 @!p2 $0x0  }
0x1d: {  	s5 =	simm.s32 @p1 $0x1;
	p0 =	seq.s32 s7, s2  }
0x1e: {  	s7 =	smul.u32 @!p0 $0xF7A, s2;
	p2 =	seq.s32 @!p0 s5, $0x0  }
0x1f: {  	s9 =	smul.u32 $0xF7A, s1;
	s8 =	simm.s32 @!p0 $0x1BF5;
	p2 =	por !p2, p0  }
0x20: {  	[sflag:s8] =	ssyncset.s32 @!p0 $0xFFFFF086;
	s6 =	sadd.s32 @!p0 s3, s7;
	s7 =	simm.s32 @!p0 $0x108  }
0x21: {  	s3 =	sadd.s32 s3, s9;
	s6 =	sadd.s32 @!p0 $0x88, s6;
	s7 =	simm.s32 @p2 $0x1082  }
0x22: {  	[simem:s7], [sflag:s8] =	dma.local @!p0 [hbm:s6], $0xF7A  }
0x23: {  	s9 =	sor.u32 $0xD0000000, s2;
	s6 =	simm.s32 $0x108;
	_ =	swait.ge @!p0 [sflag:s8], $0x0  }
0x24: {  	s3 =	sadd.s32 $0x88, s3;
	s6 =	simm.s32 @!p1 $0x1082;
	[sflag:s4] =	ssyncset.s32 $0xFFFFF086  }
0x25: {  	[simem:s6], [sflag:s4] =	dma.local [hbm:s3], $0xF7A  }
0x26: {  	[smem:$0x3F9F] =	sst s1;
	(tag) =	ssettag s2;
	_ =	strace s9  }
0x27: {  	s1 =	sld [smem:$0x3FAF]  }
0x28: {  	s2 =	sld [smem:$0x3FB0]  }
0x29: {  	s4 =	sld [smem:$0x3FB2]  }
0x2a: {  	p0 =	seq.s32 s5, $0x0;
	s5 =	sld [smem:$0x3FB3]  }
0x2b: {  	s6 =	sld [smem:$0x3FB4]  }
0x2c: {  	s7 =	sld [smem:$0x3FB5]  }
0x2d: {  	s3 =	simm.s32 $0x108;
	s8 =	sld [smem:$0x3FB6]  }
0x2e: {  	s3 =	simm.s32 @!p0 $0x1082;
	s9 =	sld [smem:$0x3FB7]  }
0x2f: {  	lr =	sadd.s32 s0, s3;
	s0 =	sld [smem:$0x3FAE]  }
0x30: {  	s3 =	sld [smem:$0x3FB1]  }
0x31: {  	[smem:$0x3FBA] =	sst s10  }
0x32: {  	s10 =	sld [smem:$0x3FB8];
	_ =	sdelay $0x3  }
0x33: {  	p0 =	seq.s32 s10, $0x1;
	s10 =	sld [smem:$0x3FBA];
	_ =	sdelay $0x3  }
0x34: {  	[smem:$0x3FBA] =	sst s10  }
0x35: {  	s10 =	sld [smem:$0x3FB9];
	_ =	sdelay $0x3  }
0x36: {  	p1 =	seq.s32 s10, $0x1;
	s10 =	sld [smem:$0x3FBA];
	_ =	sdelay $0x3  }
0x37: {  	[smem:$0x3FBA] =	sst s10  }
0x38: {  	s10 =	sld [smem:$0x3FBB]  }
0x39: {  	_ = 	snop;
	(pc) =	sbr.ind lr, $3  }
0x3a: {  	_ = 	snop  }
0x3b: {  	_ = 	snop  }
0x3c: {  	p2 =	seq.s32 s10, $0x1;
	s10 =	sld [smem:$0x3FBA]  }
0x3d: {  	_ =	shalt  }
0x3e: {  	_ =	shalt  }
0x3f: {  	_ =	shalt  }
0x40: {  	_ =	shalt  }
0x41: {  	_ =	shalt  }
0x42: {  	_ =	shalt  }
0x43: {  	_ =	shalt  }
0x44: {  	_ =	shalt  }
0x45: {  	_ =	shalt  }
0x46: {  	_ =	shalt  }
0x47: {  	_ =	shalt  }
0x48: {  	_ =	shalt  }
0x49: {  	_ =	shalt  }
0x4a: {  	_ =	shalt  }
0x4b: {  	_ =	shalt  }
0x4c: {  	_ =	shalt  }
0x4d: {  	_ =	shalt  }
0x4e: {  	_ =	shalt  }
0x4f: {  	_ =	shalt  }
0x50: {  	_ =	shalt  }
0x51: {  	_ =	shalt  }
0x52: {  	_ =	shalt  }
0x53: {  	_ =	shalt  }
0x54: {  	_ =	shalt  }
0x55: {  	_ =	shalt  }
0x56: {  	_ =	shalt  }
0x57: {  	_ =	shalt  }
0x58: {  	_ =	shalt  }
0x59: {  	_ =	shalt  }
0x5a: {  	_ =	shalt  }
0x5b: {  	_ =	shalt  }
0x5c: {  	_ =	shalt  }
0x5d: {  	_ =	shalt  }
0x5e: {  	_ =	shalt  }
0x5f: {  	_ =	shalt  }
0x60: {  	_ =	shalt  }
0x61: {  	_ =	shalt  }
0x62: {  	_ =	shalt  }
0x63: {  	_ =	shalt  }
0x64: {  	_ =	shalt  }
0x65: {  	_ =	shalt  }
0x66: {  	_ =	shalt  }
0x67: {  	_ =	shalt  }
0x68: {  	_ =	shalt  }
0x69: {  	_ =	shalt  }
0x6a: {  	_ =	shalt  }
0x6b: {  	_ =	shalt  }
0x6c: {  	_ =	shalt  }
0x6d: {  	_ =	shalt  }
0x6e: {  	_ =	shalt  }
0x6f: {  	_ =	shalt  }
0x70: {  	_ =	shalt  }
0x71: {  	_ =	shalt  }
0x72: {  	_ =	shalt  }
0x73: {  	_ =	shalt  }
0x74: {  	_ =	shalt  }
0x75: {  	_ =	shalt  }
0x76: {  	_ =	shalt  }
0x77: {  	_ =	shalt  }
0x78: {  	_ =	shalt  }
0x79: {  	_ =	shalt  }
0x7a: {  	_ =	shalt  }
0x7b: {  	_ =	shalt  }
0x7c: {  	_ =	shalt  }
0x7d: {  	_ =	shalt  }
0x7e: {  	_ =	shalt  }
0x7f: {  	_ =	shalt  }
0x80: {  	_ =	shalt  }
0x81: {  	_ =	shalt  }
0x82: {  	_ =	shalt  }
0x83: {  	_ =	shalt  }
0x84: {  	_ =	shalt  }
0x85: {  	_ =	shalt  }
0x86: {  	_ =	shalt  }
0x87: {  	_ =	shalt  }
.Lfunc_end0:
.L_simem_size_0:
called_computation_lowered:
.L_overlay_start_0:
0x88: {  	s2 =	sld [smem:$0x3FD9]  }
0x89: {  	s3 =	sld [smem:$0x3FFE];
	_ =	sdelay $0x1  }
0x8a: {  	s1 =	srdreg.scid  }
0x8b: {  	s0 =	sand.u32 $0x1, s1  }
0x8c: {  	s17 =	sshll.u32 s0, $0xA;
	s2 =	sadd.s32 s3, s2  }
0x8d: {  	s2 =	sadd.s32 s2, s17  }
0x8e: {  	[smem:$0x3FC6] =	sst s2  }
0x8f: {  	_ = 	snop  }
0x90: {  	s2 =	sld [smem:$0x3FC9]  }
0x91: {  	s18 =	sld [smem:$0x3FC8];
	(tm) =	ssettm $0x1  }
0x92: {  	s4 =	sld [smem:$0x3FFB];
	_ =	sdelay $0x3  }
0x93: {  	_ =	strace s4  }
0x94: {  	s4 =	sld [smem:$0x3FFC];
	_ =	sdelay $0x3  }
0x95: {  	_ =	strace s4  }
0x96: {  	s4 =	sld [smem:$0x3FFD];
	_ =	sdelay $0x3  }
0x97: {  	_ =	strace s4  }
0x98: {  	_ =	strace $0x8FFFFFFF  }
0x99: {  	s19 =	sld [smem:$0x3FDB];
	_ =	sdelay $0x1  }
0x9a: {  	s5 =	simm.s32 $_scs_section_size  }
0x9b: {  	s6 =	simm.s32 $_size__tile_overlayer_lowered;
	s7 =	simm.s32 $_tile_overlayer_lowered  }
0x9c: {  	s22 =	simm.s32 $0x1BFF;
	s21 =	sshll.u32 s7, $0x1;
	s4 =	sadd.s32 s5, s19  }
0x9d: {  	s8 =	simm.s32 $0x0;
	s20 =	sshll.u32 s6, $0x1;
	s6 =	sadd.s32 s21, s4  }
0x9e: {  	[timem:s8], [sflag:s22] =	dma.local [hbm:s6], s20  }
0x9f: {  	_ =	swait.ge [sflag:s22], s20  }
0xa0: {  	s5 =	ssub.s32 $0x0, s20;
	[sflag:s22] =	ssyncset.done $0x0  }
0xa1: {  	[sflag:s22] =	ssyncadd.s32 s5;
	_ =	sdelay $0x1  }
0xa2: {  	s23 =	simm.s32 $0x1B8B  }
0xa3: {  	_ =	swait.ge [sflag:s23], $0x1  }
0xa4: {  	[sflag:s23] =	ssyncset.done $0x0  }
0xa5: {  	s25 =	simm.s32 $0x1B8E;
	s24 =	sld [smem:$0x3FFE];
	[sflag:s23] =	ssyncadd.s32 $0xFFFFFFFF  }
0xa6: {  	s26 =	simm.s32 $execute0_lowered;
	[smem:$0x3FD2] =	sst s25  }
0xa7: {  	s6 =	sshll.u32 s26, $0x1;
	_ =	strace $0x80000046;
	[dreg:$0x1] =	wrdreg $0xFFFFFFFF  }
0xa8: {  	s28 =	simm.s32 $_size_execute0_lowered;
	s4 =	sadd.s32 s4, s6;
	[dreg:$0x0] =	wrdreg $0x0  }
0xa9: {  	s6 =	sshll.u32 s28, $0x1;
	[dreg:$0x2] =	wrdreg s4  }
0xaa: {  	[dreg:$0x3] =	wrdreg s6  }
0xab: {  	[dreg:$0x4] =	wrdreg $0xC0  }
0xac: {  	_ =	task [dreg:s8], $0x5FFFF  }
0xad: {  	[dreg:$0x1] =	wrdreg $0xFFFFFFFF  }
0xae: {  	[dreg:$0x0] =	wrdreg $0x60  }
0xaf: {  	[dreg:$0x2] =	wrdreg s2  }
0xb0: {  	[dreg:$0x3] =	wrdreg s18  }
0xb1: {  	[dreg:$0x4] =	wrdreg s24  }
0xb2: {  	[dreg:$0x5] =	wrdreg $0x9  }
0xb3: {  	_ =	task.clear_ibuf [dreg:s8], $0x6FFFF;
	_ =	strace $0x90000046  }
0xb4: {  	s29 =	simm.s32 $0x9;
	_ =	strace $0x80000048  }
0xb5: {  	_ =	swait.ge [sflag:s29], $0x1  }
0xb6: {  	[sflag:s29] =	ssyncadd.s32 $0xFFFFFFFF  }
0xb7: {  	_ =	strace $0x90000048  }
0xb8: {  	_ =	sfence  }
0xb9: {  	s30 =	sld [smem:$0x0];
	_ =	sdelay $0x2  }
0xba: {  	s31 =	sshll.u32 s1, $0xD;
	s1 =	sshrl.u32 s1, $0x2  }
0xbb: {  	s3 =	sand.u32 $0x4000, s31;
	s1 =	sadd.s32 s1, s30  }
0xbc: {  	s0 =	sor.u32 s3, s0;
	s1 =	sshll.u32 s1, $0x11  }
0xbd: {  	s0 =	sor.u32 s1, s0  }
0xbe: {  	s0 =	sadd.s32 $0x8F2B, s0  }
0xbf: {  	[sflag:s0] =	ssyncadd.remote.s32 $0x1  }
0xc0: {  	_ =	sfence.sel $0xFFFF  }
0xc1: {  	[dreg:$0x0] =	wrdreg $0xFFFFFFFF;
	(pc) =	sbr.abs _section_cstart, $3  }
0xc2: {  	[dreg:$0x1] =	wrdreg $0xFFFFFFFF  }
0xc3: {  	_ =	task.clear_ibuf [dreg:s8], $0x2FFFF;
	_ =	strace $0x9FFFFFFF  }
0xc4: {  	(tm) =	ssettm $0x7FFFFFFF  }
0xc5: {  	_ =	shalt  }
tec
execute0_lowered:
.L_overlay_start_1:
0x0: {  	(tag) =	ssettag $0x1  }
0x1: {  	vm7 =	vcmask $0x300  }
0x2: {  	v0 =	vimm.s32 $0x1380;
	vm4 =	vcmask $0x704;
	vm6 =	vcmask $0xB08  }
0x3: {  	vm5 =	vcmask $0xF0C;
	vm3 =	vcmask $0x1310;
	vm2 =	vcmask $0x1714  }
0x4: {  	vm1 =	vcmask $0x1B18;
	v1 =	vimm.s32 $0x2000;
	v2 =	vimm.s32 $0x2080  }
0x5: {  	v3 =	vimm.s32 $0x2100;
	v4 =	vimm.s32 $0x2180;
	v5 =	vimm.s32 $0x2200  }
0x6: {  	v6 =	vimm.s32 $0x2280;
	v7 =	vimm.s32 $0x2300;
	v8 =	vimm.s32 $0x2380  }
0x7: {  	v9 =	vimm.s32 $0x3000;
	v10 =	vimm.s32 $0x3080;
	v11 =	vimm.s32 $0x3100  }
0x8: {  	v12 =	vimm.s32 $0x3180;
	v13 =	vimm.s32 $0x3200;
	v14 =	vimm.s32 $0x3280  }
0x9: {  	v15 =	vimm.s32 $0x3300;
	v16 =	vimm.s32 $0x3380;
	v17 =	vimm.s32 $0x4000  }
0xa: {  	v18 =	vimm.s32 $0x4080;
	v19 =	vimm.s32 $0x4100;
	v20 =	vimm.s32 $0x4180  }
0xb: {  	v21 =	vimm.s32 $0x4200;
	v22 =	vimm.s32 $0x4280;
	v23 =	vimm.s32 $0x4300  }
0xc: {  	v24 =	vimm.s32 $0x4380;
	v25 =	vimm.s32 $0x5000;
	v26 =	vimm.s32 $0x5080  }
0xd: {  	v27 =	vimm.s32 $0x5100;
	v28 =	vimm.s32 $0x5180;
	v29 =	vimm.s32 $0x5200  }
0xe: {  	v30 =	vimm.s32 $0x5280;
	v31 =	vimm.s32 $0x5300;
	v32 =	vimm.s32 $0x5380  }
0xf: {  	v33 =	vimm.s32 $0x6000;
	v34 =	vimm.s32 $0x6080;
	v35 =	vimm.s32 $0x6100  }
0x10: {  	v36 =	vimm.s32 $0x6180;
	v37 =	vimm.s32 $0x6200;
	v38 =	vimm.s32 $0x6280  }
0x11: {  	v39 =	vimm.s32 $0x6300;
	v40 =	vimm.s32 $0x6380;
	v41 =	vimm.s32 $0x7000  }
0x12: {  	v42 =	vimm.s32 $0x7080;
	v43 =	vimm.s32 $0x7100;
	v44 =	vimm.s32 $0x7180  }
0x13: {  	v45 =	vimm.s32 $0x7200;
	v46 =	vimm.s32 $0x7280;
	v47 =	vimm.s32 $0x7300  }
0x14: {  	v48 =	vimm.s32 $0x7380;
	v49 =	vimm.s32 $0x0;
	v50 =	vimm.s32 $0x3F3E3D  }
0x15: {  	v51 =	vimm.s32 $0x32107654;
	v52 =	vimm.s32 $0x1003F3E;
	v53 =	vimm.s32 $0x201003F  }
0x16: {  	v60 =	vimm.s32 $0x3F3E3D3C;
	v61 =	vimm.s32 $0x43218765;
	v62 =	vimm.s32 $0x54329876  }
0x17: {  	v54 =	vimm.s32 $0x6543A987;
	vm0 =	vcmask $0x2F10;
	vm14 =	vcmask $0x1F1C  }
0x18: {  	vm15 =	vcmask $0x2320;
	v0 =	vsel vm7, $0x0, v0;
	v1 =	vsel vm7, $0x80, v1  }
0x19: {  	v2 =	vsel vm7, $0x100, v2;
	v3 =	vsel vm7, $0x180, v3;
	v4 =	vsel vm7, $0x200, v4  }
0x1a: {  	v5 =	vsel vm7, $0x280, v5;
	v6 =	vsel vm7, $0x300, v6;
	v7 =	vsel vm7, $0x380, v7  }
0x1b: {  	v8 =	vsel vm7, $0x1000, v8;
	v9 =	vsel vm7, $0x1080, v9;
	v10 =	vsel vm7, $0x1100, v10  }
0x1c: {  	v11 =	vsel vm7, $0x1180, v11;
	v12 =	vsel vm7, $0x1200, v12;
	v13 =	vsel vm7, $0x1280, v13  }
0x1d: {  	v14 =	vsel vm7, $0x1300, v14;
	v15 =	vsel vm7, $0x1380, v15;
	v16 =	vsel vm7, $0x2000, v16  }
0x1e: {  	v17 =	vsel vm7, $0x2080, v17;
	v18 =	vsel vm7, $0x2100, v18;
	v19 =	vsel vm7, $0x2180, v19  }
0x1f: {  	v20 =	vsel vm7, $0x2200, v20;
	v21 =	vsel vm7, $0x2280, v21;
	v22 =	vsel vm7, $0x2300, v22  }
0x20: {  	v23 =	vsel vm7, $0x2380, v23;
	v24 =	vsel vm7, $0x3000, v24;
	v25 =	vsel vm7, $0x3080, v25  }
0x21: {  	v26 =	vsel vm7, $0x3100, v26;
	v27 =	vsel vm7, $0x3180, v27;
	v28 =	vsel vm7, $0x3200, v28  }
0x22: {  	v29 =	vsel vm7, $0x3280, v29;
	v30 =	vsel vm7, $0x3300, v30;
	v31 =	vsel vm7, $0x3380, v31  }
0x23: {  	v32 =	vsel vm7, $0x4000, v32;
	v33 =	vsel vm7, $0x4080, v33;
	v34 =	vsel vm7, $0x4100, v34  }
0x24: {  	v35 =	vsel vm7, $0x4180, v35;
	v36 =	vsel vm7, $0x4200, v36;
	v37 =	vsel vm7, $0x4280, v37  }
0x25: {  	v38 =	vsel vm7, $0x4300, v38;
	v39 =	vsel vm7, $0x4380, v39;
	v40 =	vsel vm7, $0x5000, v40  }
0x26: {  	v41 =	vsel vm7, $0x5080, v41;
	v42 =	vsel vm7, $0x5100, v42;
	v43 =	vsel vm7, $0x5180, v43  }
0x27: {  	v44 =	vsel vm7, $0x5200, v44;
	v45 =	vsel vm7, $0x5280, v45;
	v46 =	vsel vm7, $0x5300, v46  }
0x28: {  	v47 =	vsel vm7, $0x5380, v47;
	v51 =	vunpack.c.l.s4.s8 v51;
	v55 =	vunpack.c.0.s8.s32 v50  }
0x29: {  	v56 =	vunpack.c.0.s8.s32 v52;
	v57 =	vunpack.c.0.s8.s32 v53;
	v52 =	vunpack.c.l.s4.s8 v61  }
0x2a: {  	v58 =	vunpack.c.0.s8.s32 v60;
	v63 =	vunpack.c.l.s4.s8 v62;
	v59 =	vunpack.c.l.s4.s8 v54  }
0x2b: {  	v60 =	vimm.s32 $0xB0A0908;
	v61 =	vimm.s32 $0xC0B0A09;
	v62 =	vimm.s32 $0xD0C0B0A  }
0x2c: {  	v48 =	vsel vm7, $0x6000, v48;
	v49 =	vsel vm7, $0x6080, v49;
	v0 =	vsel vm4, $0x80, v0  }
0x2d: {  	v54 =	vunpack.c.0.s8.s32 v60;
	v60 =	vimm.s32 $0x3020100;
	v1 =	vsel vm4, $0x100, v1  }
0x2e: {  	v2 =	vsel vm4, $0x180, v2;
	v3 =	vsel vm4, $0x200, v3;
	v4 =	vsel vm4, $0x280, v4  }
0x2f: {  	v5 =	vsel vm4, $0x300, v5;
	v6 =	vsel vm4, $0x380, v6;
	v7 =	vsel vm4, $0x1000, v7  }
0x30: {  	v8 =	vsel vm4, $0x1080, v8;
	v9 =	vsel vm4, $0x1100, v9;
	v10 =	vsel vm4, $0x1180, v10  }
0x31: {  	v11 =	vsel vm4, $0x1200, v11;
	v12 =	vsel vm4, $0x1280, v12;
	v13 =	vsel vm4, $0x1300, v13  }
0x32: {  	v14 =	vsel vm4, $0x1380, v14;
	v15 =	vsel vm4, $0x2000, v15;
	v16 =	vsel vm4, $0x2080, v16  }
0x33: {  	v17 =	vsel vm4, $0x2100, v17;
	v18 =	vsel vm4, $0x2180, v18;
	v19 =	vsel vm4, $0x2200, v19  }
0x34: {  	v20 =	vsel vm4, $0x2280, v20;
	v21 =	vsel vm4, $0x2300, v21;
	v22 =	vsel vm4, $0x2380, v22  }
0x35: {  	v23 =	vsel vm4, $0x3000, v23;
	v24 =	vsel vm4, $0x3080, v24;
	v25 =	vsel vm4, $0x3100, v25  }
0x36: {  	v26 =	vsel vm4, $0x3180, v26;
	v27 =	vsel vm4, $0x3200, v27;
	v28 =	vsel vm4, $0x3280, v28  }
0x37: {  	v29 =	vsel vm4, $0x3300, v29;
	v30 =	vsel vm4, $0x3380, v30;
	v31 =	vsel vm4, $0x4000, v31  }
0x38: {  	v32 =	vsel vm4, $0x4080, v32;
	v33 =	vsel vm4, $0x4100, v33;
	v34 =	vsel vm4, $0x4180, v34  }
0x39: {  	v35 =	vsel vm4, $0x4200, v35;
	v36 =	vsel vm4, $0x4280, v36;
	v37 =	vsel vm4, $0x4300, v37  }
0x3a: {  	v38 =	vsel vm4, $0x4380, v38;
	v39 =	vsel vm4, $0x5000, v39;
	v40 =	vsel vm4, $0x5080, v40  }
0x3b: {  	v41 =	vsel vm4, $0x5100, v41;
	v42 =	vsel vm4, $0x5180, v42;
	v43 =	vsel vm4, $0x5200, v43  }
0x3c: {  	v44 =	vsel vm4, $0x5280, v44;
	v45 =	vsel vm4, $0x5300, v45;
	v46 =	vsel vm4, $0x5380, v46  }
0x3d: {  	v47 =	vsel vm4, $0x6000, v47;
	v48 =	vsel vm4, $0x6080, v48;
	v49 =	vsel vm4, $0x6100, v49  }
0x3e: {  	v0 =	vsel vm6, $0x100, v0;
	v51 =	vunpack.c.0.s8.s32 v51;
	v52 =	vunpack.c.0.s8.s32 v52  }
0x3f: {  	v50 =	vunpack.c.0.s8.s32 v63;
	v53 =	vunpack.c.0.s8.s32 v59;
	v63 =	vimm.s32 $0xE0D0C0B  }
0x40: {  	v59 =	vimm.s32 $0x100;
	v1 =	vsel vm6, $0x180, v1;
	v2 =	vsel vm6, $0x200, v2  }
0x41: {  	v3 =	vsel vm6, $0x280, v3;
	v4 =	vsel vm6, $0x300, v4;
	v5 =	vsel vm6, $0x380, v5  }
0x42: {  	v6 =	vsel vm6, $0x1000, v6;
	v7 =	vsel vm6, $0x1080, v7;
	v8 =	vsel vm6, $0x1100, v8  }
0x43: {  	v9 =	vsel vm6, $0x1180, v9;
	v10 =	vsel vm6, $0x1200, v10;
	v11 =	vsel vm6, $0x1280, v11  }
0x44: {  	v12 =	vsel vm6, $0x1300, v12;
	v13 =	vsel vm6, $0x1380, v13;
	v14 =	vsel vm6, $0x2000, v14  }
0x45: {  	v15 =	vsel vm6, $0x2080, v15;
	v16 =	vsel vm6, $0x2100, v16;
	v17 =	vsel vm6, $0x2180, v17  }
0x46: {  	v18 =	vsel vm6, $0x2200, v18;
	v19 =	vsel vm6, $0x2280, v19;
	v20 =	vsel vm6, $0x2300, v20  }
0x47: {  	v21 =	vsel vm6, $0x2380, v21;
	v22 =	vsel vm6, $0x3000, v22;
	v23 =	vsel vm6, $0x3080, v23  }
0x48: {  	v24 =	vsel vm6, $0x3100, v24;
	v25 =	vsel vm6, $0x3180, v25;
	v26 =	vsel vm6, $0x3200, v26  }
0x49: {  	v27 =	vsel vm6, $0x3280, v27;
	v28 =	vsel vm6, $0x3300, v28;
	v29 =	vsel vm6, $0x3380, v29  }
0x4a: {  	v30 =	vsel vm6, $0x4000, v30;
	v31 =	vsel vm6, $0x4080, v31;
	v32 =	vsel vm6, $0x4100, v32  }
0x4b: {  	v33 =	vsel vm6, $0x4180, v33;
	v34 =	vsel vm6, $0x4200, v34;
	v35 =	vsel vm6, $0x4280, v35  }
0x4c: {  	v36 =	vsel vm6, $0x4300, v36;
	v37 =	vsel vm6, $0x4380, v37;
	v38 =	vsel vm6, $0x5000, v38  }
0x4d: {  	v39 =	vsel vm6, $0x5080, v39;
	v40 =	vsel vm6, $0x5100, v40;
	v41 =	vsel vm6, $0x5180, v41  }
0x4e: {  	v42 =	vsel vm6, $0x5200, v42;
	v43 =	vsel vm6, $0x5280, v43;
	v44 =	vsel vm6, $0x5300, v44  }
0x4f: {  	v45 =	vsel vm6, $0x5380, v45;
	v46 =	vsel vm6, $0x6000, v46;
	v47 =	vsel vm6, $0x6080, v47  }
0x50: {  	v48 =	vsel vm6, $0x6100, v48;
	v49 =	vsel vm6, $0x6180, v49;
	v0 =	vsel vm5, $0x180, v0  }
0x51: {  	v1 =	vsel vm5, $0x200, v1;
	v2 =	vsel vm5, $0x280, v2;
	v3 =	vsel vm5, $0x300, v3  }
0x52: {  	v4 =	vsel vm5, $0x380, v4;
	v5 =	vsel vm5, $0x1000, v5;
	v6 =	vsel vm5, $0x1080, v6  }
0x53: {  	v7 =	vsel vm5, $0x1100, v7;
	v8 =	vsel vm5, $0x1180, v8;
	v9 =	vsel vm5, $0x1200, v9  }
0x54: {  	v10 =	vsel vm5, $0x1280, v10;
	v11 =	vsel vm5, $0x1300, v11;
	v12 =	vsel vm5, $0x1380, v12  }
0x55: {  	v13 =	vsel vm5, $0x2000, v13;
	v14 =	vsel vm5, $0x2080, v14;
	v15 =	vsel vm5, $0x2100, v15  }
0x56: {  	v16 =	vsel vm5, $0x2180, v16;
	v17 =	vsel vm5, $0x2200, v17;
	v18 =	vsel vm5, $0x2280, v18  }
0x57: {  	v19 =	vsel vm5, $0x2300, v19;
	v20 =	vsel vm5, $0x2380, v20;
	v21 =	vsel vm5, $0x3000, v21  }
0x58: {  	v22 =	vsel vm5, $0x3080, v22;
	v23 =	vsel vm5, $0x3100, v23;
	v24 =	vsel vm5, $0x3180, v24  }
0x59: {  	v25 =	vsel vm5, $0x3200, v25;
	v26 =	vsel vm5, $0x3280, v26;
	v27 =	vsel vm5, $0x3300, v27  }
0x5a: {  	v28 =	vsel vm5, $0x3380, v28;
	v29 =	vsel vm5, $0x4000, v29;
	v30 =	vsel vm5, $0x4080, v30  }
0x5b: {  	v31 =	vsel vm5, $0x4100, v31;
	v32 =	vsel vm5, $0x4180, v32;
	v33 =	vsel vm5, $0x4200, v33  }
0x5c: {  	v34 =	vsel vm5, $0x4280, v34;
	v35 =	vsel vm5, $0x4300, v35;
	v36 =	vsel vm5, $0x4380, v36  }
0x5d: {  	v37 =	vsel vm5, $0x5000, v37;
	v38 =	vsel vm5, $0x5080, v38;
	v39 =	vsel vm5, $0x5100, v39  }
0x5e: {  	v40 =	vsel vm5, $0x5180, v40;
	v41 =	vsel vm5, $0x5200, v41;
	v42 =	vsel vm5, $0x5280, v42  }
0x5f: {  	v43 =	vsel vm5, $0x5300, v43;
	v44 =	vsel vm5, $0x5380, v44;
	v45 =	vsel vm5, $0x6000, v45  }
0x60: {  	v46 =	vsel vm5, $0x6080, v46;
	v47 =	vsel vm5, $0x6100, v47;
	v48 =	vsel vm5, $0x6180, v48  }
0x61: {  	v49 =	vsel vm5, $0x6200, v49;
	v0 =	vsel vm3, $0x200, v0;
	v51 =	vand.u32 $0xF, v51  }
0x62: {  	v52 =	vand.u32 $0xF, v52;
	v50 =	vand.u32 $0xF, v50;
	v53 =	vand.u32 $0xF, v53  }
0x63: {  	v1 =	vsel vm3, $0x280, v1;
	v2 =	vsel vm3, $0x300, v2;
	v3 =	vsel vm3, $0x380, v3  }
0x64: {  	v4 =	vsel vm3, $0x1000, v4;
	v5 =	vsel vm3, $0x1080, v5;
	v6 =	vsel vm3, $0x1100, v6  }
0x65: {  	v7 =	vsel vm3, $0x1180, v7;
	v8 =	vsel vm3, $0x1200, v8;
	v9 =	vsel vm3, $0x1280, v9  }
0x66: {  	v10 =	vsel vm3, $0x1300, v10;
	v11 =	vsel vm3, $0x1380, v11;
	v12 =	vsel vm3, $0x2000, v12  }
0x67: {  	v13 =	vsel vm3, $0x2080, v13;
	v14 =	vsel vm3, $0x2100, v14;
	v15 =	vsel vm3, $0x2180, v15  }
0x68: {  	v16 =	vsel vm3, $0x2200, v16;
	v17 =	vsel vm3, $0x2280, v17;
	v18 =	vsel vm3, $0x2300, v18  }
0x69: {  	v19 =	vsel vm3, $0x2380, v19;
	v20 =	vsel vm3, $0x3000, v20;
	v21 =	vsel vm3, $0x3080, v21  }
0x6a: {  	v22 =	vsel vm3, $0x3100, v22;
	v23 =	vsel vm3, $0x3180, v23;
	v24 =	vsel vm3, $0x3200, v24  }
0x6b: {  	v25 =	vsel vm3, $0x3280, v25;
	v26 =	vsel vm3, $0x3300, v26;
	v27 =	vsel vm3, $0x3380, v27  }
0x6c: {  	v28 =	vsel vm3, $0x4000, v28;
	v29 =	vsel vm3, $0x4080, v29;
	v30 =	vsel vm3, $0x4100, v30  }
0x6d: {  	v31 =	vsel vm3, $0x4180, v31;
	v32 =	vsel vm3, $0x4200, v32;
	v33 =	vsel vm3, $0x4280, v33  }
0x6e: {  	v34 =	vsel vm3, $0x4300, v34;
	v35 =	vsel vm3, $0x4380, v35;
	v36 =	vsel vm3, $0x5000, v36  }
0x6f: {  	v37 =	vsel vm3, $0x5080, v37;
	v38 =	vsel vm3, $0x5100, v38;
	v39 =	vsel vm3, $0x5180, v39  }
0x70: {  	v40 =	vsel vm3, $0x5200, v40;
	v41 =	vsel vm3, $0x5280, v41;
	v42 =	vsel vm3, $0x5300, v42  }
0x71: {  	v43 =	vsel vm3, $0x5380, v43;
	v44 =	vsel vm3, $0x6000, v44;
	v45 =	vsel vm3, $0x6080, v45  }
0x72: {  	v46 =	vsel vm3, $0x6100, v46;
	v47 =	vsel vm3, $0x6180, v47;
	v48 =	vsel vm3, $0x6200, v48  }
0x73: {  	v49 =	vsel vm3, $0x6280, v49;
	v0 =	vsel vm2, $0x280, v0;
	v51 =	vsel vm0, v51, v58  }
0x74: {  	[tilespmem:$0x1FAA0] =	vst v55;
	v52 =	vsel vm0, v52, v55;
	v50 =	vsel vm0, v50, v56;
	v53 =	vsel vm0, v53, v57  }
0x75: {  	[tilespmem:$0x1FAB0] =	vst v56;
	vm0 =	vcmask $0x3F30;
	v55 =	vunpack.c.0.s8.s32 v61;
	v56 =	vunpack.c.0.s8.s32 v62  }
0x76: {  	[tilespmem:$0x1FB70] =	vst v57;
	v57 =	vunpack.c.0.s8.s32 v63;
	v61 =	vimm.s32 $0x37363534;
	v62 =	vimm.s32 $0x3B3A3938  }
0x77: {  	v1 =	vsel vm2, $0x300, v1;
	v2 =	vsel vm2, $0x380, v2;
	v3 =	vsel vm2, $0x1000, v3  }
0x78: {  	v4 =	vsel vm2, $0x1080, v4;
	v5 =	vsel vm2, $0x1100, v5;
	v6 =	vsel vm2, $0x1180, v6  }
0x79: {  	v7 =	vsel vm2, $0x1200, v7;
	v8 =	vsel vm2, $0x1280, v8;
	v9 =	vsel vm2, $0x1300, v9  }
0x7a: {  	v10 =	vsel vm2, $0x1380, v10;
	v11 =	vsel vm2, $0x2000, v11;
	v12 =	vsel vm2, $0x2080, v12  }
0x7b: {  	v13 =	vsel vm2, $0x2100, v13;
	v14 =	vsel vm2, $0x2180, v14;
	v15 =	vsel vm2, $0x2200, v15  }
0x7c: {  	v16 =	vsel vm2, $0x2280, v16;
	v17 =	vsel vm2, $0x2300, v17;
	v18 =	vsel vm2, $0x2380, v18  }
0x7d: {  	v19 =	vsel vm2, $0x3000, v19;
	v20 =	vsel vm2, $0x3080, v20;
	v21 =	vsel vm2, $0x3100, v21  }
0x7e: {  	v22 =	vsel vm2, $0x3180, v22;
	v23 =	vsel vm2, $0x3200, v23;
	v24 =	vsel vm2, $0x3280, v24  }
0x7f: {  	v25 =	vsel vm2, $0x3300, v25;
	v26 =	vsel vm2, $0x3380, v26;
	v27 =	vsel vm2, $0x4000, v27  }
0x80: {  	v28 =	vsel vm2, $0x4080, v28;
	v29 =	vsel vm2, $0x4100, v29;
	v30 =	vsel vm2, $0x4180, v30  }
0x81: {  	v31 =	vsel vm2, $0x4200, v31;
	v32 =	vsel vm2, $0x4280, v32;
	v33 =	vsel vm2, $0x4300, v33  }
0x82: {  	v34 =	vsel vm2, $0x4380, v34;
	v35 =	vsel vm2, $0x5000, v35;
	v36 =	vsel vm2, $0x5080, v36  }
0x83: {  	v37 =	vsel vm2, $0x5100, v37;
	v38 =	vsel vm2, $0x5180, v38;
	v39 =	vsel vm2, $0x5200, v39  }
0x84: {  	v40 =	vsel vm2, $0x5280, v40;
	v41 =	vsel vm2, $0x5300, v41;
	v42 =	vsel vm2, $0x5380, v42  }
0x85: {  	v43 =	vsel vm2, $0x6000, v43;
	v44 =	vsel vm2, $0x6080, v44;
	v45 =	vsel vm2, $0x6100, v45  }
0x86: {  	v46 =	vsel vm2, $0x6180, v46;
	v47 =	vsel vm2, $0x6200, v47;
	v48 =	vsel vm2, $0x6280, v48  }
0x87: {  	v49 =	vsel vm2, $0x6300, v49;
	v51 =	vsel vm0, v54, v51;
	v63 =	vunpack.c.0.s8.s32 v62  }
0x88: {  	v62 =	vimm.s32 $0x1000;
	v0 =	vsel vm1, $0x300, v0;
	v1 =	vsel vm1, $0x380, v1  }
0x89: {  	v2 =	vsel vm1, $0x1000, v2;
	v3 =	vsel vm1, $0x1080, v3;
	v4 =	vsel vm1, $0x1100, v4  }
0x8a: {  	v5 =	vsel vm1, $0x1180, v5;
	v6 =	vsel vm1, $0x1200, v6;
	v7 =	vsel vm1, $0x1280, v7  }
0x8b: {  	v8 =	vsel vm1, $0x1300, v8;
	v9 =	vsel vm1, $0x1380, v9;
	v10 =	vsel vm1, $0x2000, v10  }
0x8c: {  	v11 =	vsel vm1, $0x2080, v11;
	v12 =	vsel vm1, $0x2100, v12;
	v13 =	vsel vm1, $0x2180, v13  }
0x8d: {  	v14 =	vsel vm1, $0x2200, v14;
	v15 =	vsel vm1, $0x2280, v15;
	v16 =	vsel vm1, $0x2300, v16  }
0x8e: {  	v17 =	vsel vm1, $0x2380, v17;
	v18 =	vsel vm1, $0x3000, v18;
	v19 =	vsel vm1, $0x3080, v19  }
0x8f: {  	v20 =	vsel vm1, $0x3100, v20;
	v21 =	vsel vm1, $0x3180, v21;
	v22 =	vsel vm1, $0x3200, v22  }
0x90: {  	v23 =	vsel vm1, $0x3280, v23;
	v24 =	vsel vm1, $0x3300, v24;
	v25 =	vsel vm1, $0x3380, v25  }
0x91: {  	v26 =	vsel vm1, $0x4000, v26;
	v27 =	vsel vm1, $0x4080, v27;
	v28 =	vsel vm1, $0x4100, v28  }
0x92: {  	v29 =	vsel vm1, $0x4180, v29;
	v30 =	vsel vm1, $0x4200, v30;
	v31 =	vsel vm1, $0x4280, v31  }
0x93: {  	v32 =	vsel vm1, $0x4300, v32;
	v33 =	vsel vm1, $0x4380, v33;
	v34 =	vsel vm1, $0x5000, v34  }
0x94: {  	v35 =	vsel vm1, $0x5080, v35;
	v36 =	vsel vm1, $0x5100, v36;
	v37 =	vsel vm1, $0x5180, v37  }
0x95: {  	v38 =	vsel vm1, $0x5200, v38;
	v39 =	vsel vm1, $0x5280, v39;
	v40 =	vsel vm1, $0x5300, v40  }
0x96: {  	v41 =	vsel vm1, $0x5380, v41;
	v42 =	vsel vm1, $0x6000, v42;
	v43 =	vsel vm1, $0x6080, v43  }
0x97: {  	v44 =	vsel vm1, $0x6100, v44;
	v45 =	vsel vm1, $0x6180, v45;
	v46 =	vsel vm1, $0x6200, v46  }
0x98: {  	v47 =	vsel vm1, $0x6280, v47;
	v48 =	vsel vm1, $0x6300, v48;
	v49 =	vsel vm1, $0x6380, v49  }
0x99: {  	v55 =	vsel vm0, v55, v52;
	v50 =	vsel vm0, v56, v50;
	v56 =	vsel vm0, v57, v53  }
0x9a: {  	vm0 =	vcmask $0x1F10;
	v57 =	vimm.s32 $0x80;
	v52 =	vunpack.c.0.s8.s32 v60  }
0x9b: {  	[tilespmem:$0x1F8A0] =	vst v51;
	v53 =	vunpack.c.0.s8.s32 v61;
	v51 =	vsel vm7, $0x6180, v59;
	v59 =	vimm.s32 $0x280  }
0x9c: {  	v60 =	vimm.s32 $0x300;
	v61 =	vimm.s32 $0x380;
	v0 =	vsel vm14, $0x380, v0  }
0x9d: {  	v1 =	vsel vm14, $0x1000, v1;
	v2 =	vsel vm14, $0x1080, v2;
	v3 =	vsel vm14, $0x1100, v3  }
0x9e: {  	v4 =	vsel vm14, $0x1180, v4;
	v5 =	vsel vm14, $0x1200, v5;
	v6 =	vsel vm14, $0x1280, v6  }
0x9f: {  	v7 =	vsel vm14, $0x1300, v7;
	v8 =	vsel vm14, $0x1380, v8;
	v9 =	vsel vm14, $0x2000, v9  }
0xa0: {  	v10 =	vsel vm14, $0x2080, v10;
	v11 =	vsel vm14, $0x2100, v11;
	v12 =	vsel vm14, $0x2180, v12  }
0xa1: {  	v13 =	vsel vm14, $0x2200, v13;
	v14 =	vsel vm14, $0x2280, v14;
	v15 =	vsel vm14, $0x2300, v15  }
0xa2: {  	v16 =	vsel vm14, $0x2380, v16;
	v17 =	vsel vm14, $0x3000, v17;
	v18 =	vsel vm14, $0x3080, v18  }
0xa3: {  	v19 =	vsel vm14, $0x3100, v19;
	v20 =	vsel vm14, $0x3180, v20;
	v21 =	vsel vm14, $0x3200, v21  }
0xa4: {  	v22 =	vsel vm14, $0x3280, v22;
	v23 =	vsel vm14, $0x3300, v23;
	v24 =	vsel vm14, $0x3380, v24  }
0xa5: {  	v25 =	vsel vm14, $0x4000, v25;
	v26 =	vsel vm14, $0x4080, v26;
	v27 =	vsel vm14, $0x4100, v27  }
0xa6: {  	v28 =	vsel vm14, $0x4180, v28;
	v29 =	vsel vm14, $0x4200, v29;
	v30 =	vsel vm14, $0x4280, v30  }
0xa7: {  	v31 =	vsel vm14, $0x4300, v31;
	v32 =	vsel vm14, $0x4380, v32;
	v33 =	vsel vm14, $0x5000, v33  }
0xa8: {  	v34 =	vsel vm14, $0x5080, v34;
	v35 =	vsel vm14, $0x5100, v35;
	v36 =	vsel vm14, $0x5180, v36  }
0xa9: {  	v37 =	vsel vm14, $0x5200, v37;
	v38 =	vsel vm14, $0x5280, v38;
	v39 =	vsel vm14, $0x5300, v39  }
0xaa: {  	v40 =	vsel vm14, $0x5380, v40;
	v41 =	vsel vm14, $0x6000, v41;
	v42 =	vsel vm14, $0x6080, v42  }
0xab: {  	v43 =	vsel vm14, $0x6100, v43;
	v44 =	vsel vm14, $0x6180, v44;
	v45 =	vsel vm14, $0x6200, v45  }
0xac: {  	v46 =	vsel vm14, $0x6280, v46;
	v47 =	vsel vm14, $0x6300, v47;
	v48 =	vsel vm14, $0x6380, v48;
	[tilespmem:$0x1F8B0] =	vst v55  }
0xad: {  	v49 =	vsel vm14, $0x7000, v49;
	[tilespmem:$0x1F8C0] =	vst v50;
	v50 =	vsel vm7, $0x6100, v57;
	v57 =	vimm.s32 $0x180  }
0xae: {  	[tilespmem:$0x1F8D0] =	vst v56;
	v55 =	vsel vm7, $0x6380, v60;
	v56 =	vsel vm7, $0x7000, v61;
	v60 =	vimm.s32 $0x1180  }
0xaf: {  	v61 =	vimm.s32 $0x1200;
	v51 =	vsel vm4, $0x6200, v51;
	v0 =	vsel vm15, $0x1000, v0  }
0xb0: {  	v1 =	vsel vm15, $0x1080, v1;
	v2 =	vsel vm15, $0x1100, v2;
	v3 =	vsel vm15, $0x1180, v3  }
0xb1: {  	v4 =	vsel vm15, $0x1200, v4;
	v5 =	vsel vm15, $0x1280, v5;
	v6 =	vsel vm15, $0x1300, v6  }
0xb2: {  	v7 =	vsel vm15, $0x1380, v7;
	v8 =	vsel vm15, $0x2000, v8;
	v9 =	vsel vm15, $0x2080, v9  }
0xb3: {  	v10 =	vsel vm15, $0x2100, v10;
	v11 =	vsel vm15, $0x2180, v11;
	v12 =	vsel vm15, $0x2200, v12  }
0xb4: {  	v13 =	vsel vm15, $0x2280, v13;
	v14 =	vsel vm15, $0x2300, v14;
	v15 =	vsel vm15, $0x2380, v15  }
0xb5: {  	v16 =	vsel vm15, $0x3000, v16;
	v17 =	vsel vm15, $0x3080, v17;
	v18 =	vsel vm15, $0x3100, v18  }
0xb6: {  	v19 =	vsel vm15, $0x3180, v19;
	v20 =	vsel vm15, $0x3200, v20;
	v21 =	vsel vm15, $0x3280, v21  }
0xb7: {  	v22 =	vsel vm15, $0x3300, v22;
	v23 =	vsel vm15, $0x3380, v23;
	v24 =	vsel vm15, $0x4000, v24  }
0xb8: {  	v25 =	vsel vm15, $0x4080, v25;
	v26 =	vsel vm15, $0x4100, v26;
	v27 =	vsel vm15, $0x4180, v27  }
0xb9: {  	v28 =	vsel vm15, $0x4200, v28;
	v29 =	vsel vm15, $0x4280, v29;
	v30 =	vsel vm15, $0x4300, v30  }
0xba: {  	v31 =	vsel vm15, $0x4380, v31;
	v32 =	vsel vm15, $0x5000, v32;
	v33 =	vsel vm15, $0x5080, v33  }
0xbb: {  	v34 =	vsel vm15, $0x5100, v34;
	v35 =	vsel vm15, $0x5180, v35;
	v36 =	vsel vm15, $0x5200, v36  }
0xbc: {  	v37 =	vsel vm15, $0x5280, v37;
	v38 =	vsel vm15, $0x5300, v38;
	v39 =	vsel vm15, $0x5380, v39  }
0xbd: {  	v40 =	vsel vm15, $0x6000, v40;
	v41 =	vsel vm15, $0x6080, v41;
	v42 =	vsel vm15, $0x6100, v42  }
0xbe: {  	v43 =	vsel vm15, $0x6180, v43;
	v44 =	vsel vm15, $0x6200, v44;
	v45 =	vsel vm15, $0x6280, v45  }
0xbf: {  	v46 =	vsel vm15, $0x6300, v46;
	v47 =	vsel vm15, $0x6380, v47;
	v48 =	vsel vm15, $0x7000, v48  }
0xc0: {  	v49 =	vsel vm15, $0x7080, v49;
	v54 =	vsel vm7, $0x6200, v57;
	v52 =	vsel vm0, v52, v58  }
0xc1: {  	[tilespmem:$0x1F8E0] =	vst v58;
	v53 =	vsel vm0, v63, v53;
	v58 =	vimm.s32 $0x200;
	v57 =	vsel vm7, $0x7080, v62  }
0xc2: {  	[tilespmem:$0x1F8F0] =	vst v63;
	v63 =	vimm.s32 $0x1080;
	v60 =	vsel vm7, $0x7200, v60;
	v61 =	vsel vm7, $0x7280, v61  }
0xc3: {  	v62 =	vimm.s32 $0x1280;
	v50 =	vsel vm4, $0x6180, v50;
	v55 =	vsel vm4, $0x7000, v55  }
0xc4: {  	v56 =	vsel vm4, $0x7080, v56;
	v51 =	vsel vm6, $0x6280, v51;
	v52 =	vcombine.low v53, v52  }
0xc5: {  	v53 =	vsel vm7, $0x6300, v59;
	v59 =	vimm.s32 $0x1100;
	v62 =	vsel vm7, $0x7300, v62  }
0xc6: {  	v54 =	vsel vm4, $0x6280, v54;
	v57 =	vsel vm4, $0x7100, v57;
	v60 =	vsel vm4, $0x7280, v60  }
0xc7: {  	v61 =	vsel vm4, $0x7300, v61;
	v50 =	vsel vm6, $0x6200, v50;
	v55 =	vsel vm6, $0x7080, v55  }
0xc8: {  	v56 =	vsel vm6, $0x7100, v56;
	v51 =	vsel vm5, $0x6300, v51;
	v59 =	vsel vm7, $0x7180, v59  }
0xc9: {  	v53 =	vsel vm4, $0x6380, v53;
	v62 =	vsel vm4, $0x7380, v62;
	v54 =	vsel vm6, $0x6300, v54  }
0xca: {  	v57 =	vsel vm6, $0x7180, v57;
	v60 =	vsel vm6, $0x7300, v60;
	v61 =	vsel vm6, $0x7380, v61  }
0xcb: {  	v50 =	vsel vm5, $0x6280, v50;
	v55 =	vsel vm5, $0x7100, v55;
	v56 =	vsel vm5, $0x7180, v56  }
0xcc: {  	v51 =	vsel vm3, $0x6380, v51;
	[tilespmem:$0x1F900] =	vst v52;
	v52 =	vsel vm7, $0x6280, v58;
	v58 =	vsel vm7, $0x7100, v63  }
0xcd: {  	v63 =	vimm.s32 $0x1300;
	v59 =	vsel vm4, $0x7200, v59;
	v53 =	vsel vm6, $0x7000, v53  }
0xce: {  	v62 =	vsel vm6, $0x0, v62;
	v54 =	vsel vm5, $0x6380, v54;
	v57 =	vsel vm5, $0x7200, v57  }
0xcf: {  	v60 =	vsel vm5, $0x7380, v60;
	v61 =	vsel vm5, $0x0, v61;
	v50 =	vsel vm3, $0x6300, v50  }
0xd0: {  	v55 =	vsel vm3, $0x7180, v55;
	v56 =	vsel vm3, $0x7200, v56;
	v51 =	vsel vm2, $0x7000, v51  }
0xd1: {  	v63 =	vsel vm7, $0x7380, v63;
	v52 =	vsel vm4, $0x6300, v52;
	v58 =	vsel vm4, $0x7180, v58  }
0xd2: {  	v59 =	vsel vm6, $0x7280, v59;
	v53 =	vsel vm5, $0x7080, v53;
	v62 =	vsel vm5, $0x80, v62  }
0xd3: {  	v54 =	vsel vm3, $0x7000, v54;
	v57 =	vsel vm3, $0x7280, v57;
	v60 =	vsel vm3, $0x0, v60  }
0xd4: {  	v61 =	vsel vm3, $0x80, v61;
	v50 =	vsel vm2, $0x6380, v50;
	v55 =	vsel vm2, $0x7200, v55  }
0xd5: {  	v56 =	vsel vm2, $0x7280, v56;
	v51 =	vsel vm1, $0x7080, v51;
	v63 =	vsel vm4, $0x0, v63  }
0xd6: {  	v52 =	vsel vm6, $0x6380, v52;
	v58 =	vsel vm6, $0x7200, v58;
	v59 =	vsel vm5, $0x7300, v59  }
0xd7: {  	v53 =	vsel vm3, $0x7100, v53;
	v62 =	vsel vm3, $0x100, v62;
	v54 =	vsel vm2, $0x7080, v54  }
0xd8: {  	v57 =	vsel vm2, $0x7300, v57;
	v60 =	vsel vm2, $0x80, v60;
	v61 =	vsel vm2, $0x100, v61  }
0xd9: {  	v50 =	vsel vm1, $0x7000, v50;
	v55 =	vsel vm1, $0x7280, v55;
	v56 =	vsel vm1, $0x7300, v56  }
0xda: {  	v51 =	vsel vm14, $0x7100, v51;
	v63 =	vsel vm6, $0x80, v63;
	v52 =	vsel vm5, $0x7000, v52  }
0xdb: {  	v58 =	vsel vm5, $0x7280, v58;
	v59 =	vsel vm3, $0x7380, v59;
	v53 =	vsel vm2, $0x7180, v53  }
0xdc: {  	v62 =	vsel vm2, $0x180, v62;
	v54 =	vsel vm1, $0x7100, v54;
	v57 =	vsel vm1, $0x7380, v57  }
0xdd: {  	v60 =	vsel vm1, $0x100, v60;
	v61 =	vsel vm1, $0x180, v61;
	v50 =	vsel vm14, $0x7080, v50  }
0xde: {  	v55 =	vsel vm14, $0x7300, v55;
	v56 =	vsel vm14, $0x7380, v56;
	v51 =	vsel vm15, $0x7180, v51  }
0xdf: {  	v63 =	vsel vm5, $0x100, v63;
	v52 =	vsel vm3, $0x7080, v52;
	v58 =	vsel vm3, $0x7300, v58  }
0xe0: {  	v59 =	vsel vm2, $0x0, v59;
	v53 =	vsel vm1, $0x7200, v53;
	v62 =	vsel vm1, $0x200, v62  }
0xe1: {  	v54 =	vsel vm14, $0x7180, v54;
	v57 =	vsel vm14, $0x0, v57;
	v60 =	vsel vm14, $0x180, v60  }
0xe2: {  	v61 =	vsel vm14, $0x200, v61;
	v50 =	vsel vm15, $0x7100, v50;
	v55 =	vsel vm15, $0x7380, v55  }
0xe3: {  	v56 =	vsel vm15, $0x0, v56;
	v63 =	vsel vm3, $0x180, v63;
	vm3 =	vcmask $0x2724  }
0xe4: {  	v52 =	vsel vm2, $0x7100, v52;
	v58 =	vsel vm2, $0x7380, v58;
	v59 =	vsel vm1, $0x80, v59  }
0xe5: {  	v53 =	vsel vm14, $0x7280, v53;
	v62 =	vsel vm14, $0x280, v62;
	v54 =	vsel vm15, $0x7200, v54  }
0xe6: {  	v57 =	vsel vm15, $0x80, v57;
	v60 =	vsel vm15, $0x200, v60;
	v61 =	vsel vm15, $0x280, v61  }
0xe7: {  	v63 =	vsel vm2, $0x200, v63;
	v0 =	vsel vm3, $0x1080, v0;
	v52 =	vsel vm1, $0x7180, v52  }
0xe8: {  	v58 =	vsel vm1, $0x0, v58;
	v59 =	vsel vm14, $0x100, v59;
	v53 =	vsel vm15, $0x7300, v53  }
0xe9: {  	v62 =	vsel vm15, $0x300, v62;
	vm2 =	vcmask $0x2F2C;
	v1 =	vsel vm3, $0x1100, v1  }
0xea: {  	v2 =	vsel vm3, $0x1180, v2;
	v3 =	vsel vm3, $0x1200, v3;
	v4 =	vsel vm3, $0x1280, v4  }
0xeb: {  	v5 =	vsel vm3, $0x1300, v5;
	v6 =	vsel vm3, $0x1380, v6;
	v7 =	vsel vm3, $0x2000, v7  }
0xec: {  	v8 =	vsel vm3, $0x2080, v8;
	v9 =	vsel vm3, $0x2100, v9;
	v10 =	vsel vm3, $0x2180, v10  }
0xed: {  	v11 =	vsel vm3, $0x2200, v11;
	v12 =	vsel vm3, $0x2280, v12;
	v13 =	vsel vm3, $0x2300, v13  }
0xee: {  	v14 =	vsel vm3, $0x2380, v14;
	v15 =	vsel vm3, $0x3000, v15;
	v16 =	vsel vm3, $0x3080, v16  }
0xef: {  	v17 =	vsel vm3, $0x3100, v17;
	v18 =	vsel vm3, $0x3180, v18;
	v19 =	vsel vm3, $0x3200, v19  }
0xf0: {  	v20 =	vsel vm3, $0x3280, v20;
	v21 =	vsel vm3, $0x3300, v21;
	v22 =	vsel vm3, $0x3380, v22  }
0xf1: {  	v23 =	vsel vm3, $0x4000, v23;
	v24 =	vsel vm3, $0x4080, v24;
	v25 =	vsel vm3, $0x4100, v25  }
0xf2: {  	v26 =	vsel vm3, $0x4180, v26;
	v27 =	vsel vm3, $0x4200, v27;
	v28 =	vsel vm3, $0x4280, v28  }
0xf3: {  	v29 =	vsel vm3, $0x4300, v29;
	v30 =	vsel vm3, $0x4380, v30;
	v31 =	vsel vm3, $0x5000, v31  }
0xf4: {  	v32 =	vsel vm3, $0x5080, v32;
	v33 =	vsel vm3, $0x5100, v33;
	v34 =	vsel vm3, $0x5180, v34  }
0xf5: {  	v35 =	vsel vm3, $0x5200, v35;
	v36 =	vsel vm3, $0x5280, v36;
	v37 =	vsel vm3, $0x5300, v37  }
0xf6: {  	v38 =	vsel vm3, $0x5380, v38;
	v39 =	vsel vm3, $0x6000, v39;
	v40 =	vsel vm3, $0x6080, v40  }
0xf7: {  	v41 =	vsel vm3, $0x6100, v41;
	v42 =	vsel vm3, $0x6180, v42;
	v43 =	vsel vm3, $0x6200, v43  }
0xf8: {  	v44 =	vsel vm3, $0x6280, v44;
	v45 =	vsel vm3, $0x6300, v45;
	v46 =	vsel vm3, $0x6380, v46  }
0xf9: {  	v47 =	vsel vm3, $0x7000, v47;
	v48 =	vsel vm3, $0x7080, v48;
	v49 =	vsel vm3, $0x7100, v49  }
0xfa: {  	v50 =	vsel vm3, $0x7180, v50;
	v51 =	vsel vm3, $0x7200, v51;
	v54 =	vsel vm3, $0x7280, v54  }
0xfb: {  	v55 =	vsel vm3, $0x0, v55;
	v56 =	vsel vm3, $0x80, v56;
	v57 =	vsel vm3, $0x100, v57  }
0xfc: {  	v60 =	vsel vm3, $0x280, v60;
	v61 =	vsel vm3, $0x300, v61;
	v63 =	vsel vm1, $0x280, v63  }
0xfd: {  	vm1 =	vcmask $0x2B28;
	v52 =	vsel vm14, $0x7200, v52;
	v58 =	vsel vm14, $0x80, v58  }
0xfe: {  	v59 =	vsel vm15, $0x180, v59;
	v53 =	vsel vm3, $0x7380, v53;
	v62 =	vsel vm3, $0x380, v62  }
0xff: {  	v63 =	vsel vm14, $0x300, v63;
	v0 =	vsel vm1, $0x1100, v0;
	v52 =	vsel vm15, $0x7280, v52  }
0x100: {  	v58 =	vsel vm15, $0x100, v58;
	v59 =	vsel vm3, $0x200, v59;
	v1 =	vsel vm1, $0x1180, v1  }
0x101: {  	v2 =	vsel vm1, $0x1200, v2;
	v3 =	vsel vm1, $0x1280, v3;
	v4 =	vsel vm1, $0x1300, v4  }
0x102: {  	v5 =	vsel vm1, $0x1380, v5;
	v6 =	vsel vm1, $0x2000, v6;
	v7 =	vsel vm1, $0x2080, v7  }
0x103: {  	v8 =	vsel vm1, $0x2100, v8;
	v9 =	vsel vm1, $0x2180, v9;
	v10 =	vsel vm1, $0x2200, v10  }
0x104: {  	v11 =	vsel vm1, $0x2280, v11;
	v12 =	vsel vm1, $0x2300, v12;
	v13 =	vsel vm1, $0x2380, v13  }
0x105: {  	v14 =	vsel vm1, $0x3000, v14;
	v15 =	vsel vm1, $0x3080, v15;
	v16 =	vsel vm1, $0x3100, v16  }
0x106: {  	v17 =	vsel vm1, $0x3180, v17;
	v18 =	vsel vm1, $0x3200, v18;
	v19 =	vsel vm1, $0x3280, v19  }
0x107: {  	v20 =	vsel vm1, $0x3300, v20;
	v21 =	vsel vm1, $0x3380, v21;
	v22 =	vsel vm1, $0x4000, v22  }
0x108: {  	v23 =	vsel vm1, $0x4080, v23;
	v24 =	vsel vm1, $0x4100, v24;
	v25 =	vsel vm1, $0x4180, v25  }
0x109: {  	v26 =	vsel vm1, $0x4200, v26;
	v27 =	vsel vm1, $0x4280, v27;
	v28 =	vsel vm1, $0x4300, v28  }
0x10a: {  	v29 =	vsel vm1, $0x4380, v29;
	v30 =	vsel vm1, $0x5000, v30;
	v31 =	vsel vm1, $0x5080, v31  }
0x10b: {  	v32 =	vsel vm1, $0x5100, v32;
	v33 =	vsel vm1, $0x5180, v33;
	v34 =	vsel vm1, $0x5200, v34  }
0x10c: {  	v35 =	vsel vm1, $0x5280, v35;
	v36 =	vsel vm1, $0x5300, v36;
	v37 =	vsel vm1, $0x5380, v37  }
0x10d: {  	v38 =	vsel vm1, $0x6000, v38;
	v39 =	vsel vm1, $0x6080, v39;
	v40 =	vsel vm1, $0x6100, v40  }
0x10e: {  	v41 =	vsel vm1, $0x6180, v41;
	v42 =	vsel vm1, $0x6200, v42;
	v43 =	vsel vm1, $0x6280, v43  }
0x10f: {  	v44 =	vsel vm1, $0x6300, v44;
	v45 =	vsel vm1, $0x6380, v45;
	v46 =	vsel vm1, $0x7000, v46  }
0x110: {  	v47 =	vsel vm1, $0x7080, v47;
	v48 =	vsel vm1, $0x7100, v48;
	v49 =	vsel vm1, $0x7180, v49  }
0x111: {  	v50 =	vsel vm1, $0x7200, v50;
	v51 =	vsel vm1, $0x7280, v51;
	v54 =	vsel vm1, $0x7300, v54  }
0x112: {  	v53 =	vsel vm1, $0x0, v53;
	v55 =	vsel vm1, $0x80, v55;
	v56 =	vsel vm1, $0x100, v56  }
0x113: {  	v57 =	vsel vm1, $0x180, v57;
	v60 =	vsel vm1, $0x300, v60;
	v61 =	vsel vm1, $0x380, v61  }
0x114: {  	v62 =	vsel vm1, $0x1000, v62;
	v63 =	vsel vm15, $0x380, v63;
	v0 =	vsel vm2, $0x1180, v0  }
0x115: {  	v52 =	vsel vm3, $0x7300, v52;
	v58 =	vsel vm3, $0x180, v58;
	v59 =	vsel vm1, $0x280, v59  }
0x116: {  	v1 =	vsel vm2, $0x1200, v1;
	v2 =	vsel vm2, $0x1280, v2;
	v3 =	vsel vm2, $0x1300, v3  }
0x117: {  	v4 =	vsel vm2, $0x1380, v4;
	v5 =	vsel vm2, $0x2000, v5;
	v6 =	vsel vm2, $0x2080, v6  }
0x118: {  	v7 =	vsel vm2, $0x2100, v7;
	v8 =	vsel vm2, $0x2180, v8;
	v9 =	vsel vm2, $0x2200, v9  }
0x119: {  	v10 =	vsel vm2, $0x2280, v10;
	v11 =	vsel vm2, $0x2300, v11;
	v12 =	vsel vm2, $0x2380, v12  }
0x11a: {  	v13 =	vsel vm2, $0x3000, v13;
	v14 =	vsel vm2, $0x3080, v14;
	v15 =	vsel vm2, $0x3100, v15  }
0x11b: {  	v16 =	vsel vm2, $0x3180, v16;
	v17 =	vsel vm2, $0x3200, v17;
	v18 =	vsel vm2, $0x3280, v18  }
0x11c: {  	v19 =	vsel vm2, $0x3300, v19;
	v20 =	vsel vm2, $0x3380, v20;
	v21 =	vsel vm2, $0x4000, v21  }
0x11d: {  	v22 =	vsel vm2, $0x4080, v22;
	v23 =	vsel vm2, $0x4100, v23;
	v24 =	vsel vm2, $0x4180, v24  }
0x11e: {  	v25 =	vsel vm2, $0x4200, v25;
	v26 =	vsel vm2, $0x4280, v26;
	v27 =	vsel vm2, $0x4300, v27  }
0x11f: {  	v28 =	vsel vm2, $0x4380, v28;
	v29 =	vsel vm2, $0x5000, v29;
	v30 =	vsel vm2, $0x5080, v30  }
0x120: {  	v31 =	vsel vm2, $0x5100, v31;
	v32 =	vsel vm2, $0x5180, v32;
	v33 =	vsel vm2, $0x5200, v33  }
0x121: {  	v34 =	vsel vm2, $0x5280, v34;
	v35 =	vsel vm2, $0x5300, v35;
	v36 =	vsel vm2, $0x5380, v36  }
0x122: {  	v37 =	vsel vm2, $0x6000, v37;
	v38 =	vsel vm2, $0x6080, v38;
	v39 =	vsel vm2, $0x6100, v39  }
0x123: {  	v40 =	vsel vm2, $0x6180, v40;
	v41 =	vsel vm2, $0x6200, v41;
	v42 =	vsel vm2, $0x6280, v42  }
0x124: {  	v43 =	vsel vm2, $0x6300, v43;
	v44 =	vsel vm2, $0x6380, v44;
	v45 =	vsel vm2, $0x7000, v45  }
0x125: {  	v46 =	vsel vm2, $0x7080, v46;
	v47 =	vsel vm2, $0x7100, v47;
	v48 =	vsel vm2, $0x7180, v48  }
0x126: {  	v49 =	vsel vm2, $0x7200, v49;
	v50 =	vsel vm2, $0x7280, v50;
	v51 =	vsel vm2, $0x7300, v51  }
0x127: {  	v54 =	vsel vm2, $0x7380, v54;
	v53 =	vsel vm2, $0x80, v53;
	v55 =	vsel vm2, $0x100, v55  }
0x128: {  	v56 =	vsel vm2, $0x180, v56;
	v57 =	vsel vm2, $0x200, v57;
	v60 =	vsel vm2, $0x380, v60  }
0x129: {  	v61 =	vsel vm2, $0x1000, v61;
	v62 =	vsel vm2, $0x1080, v62;
	v63 =	vsel vm3, $0x1000, v63  }
0x12a: {  	vm3 =	vcmask $0x3330;
	v52 =	vsel vm1, $0x7380, v52;
	v58 =	vsel vm1, $0x200, v58  }
0x12b: {  	v59 =	vsel vm2, $0x300, v59;
	v63 =	vsel vm1, $0x1080, v63;
	v0 =	vsel vm3, $0x1200, v0  }
0x12c: {  	v52 =	vsel vm2, $0x0, v52;
	v58 =	vsel vm2, $0x280, v58;
	vm1 =	vcmask $0x3734  }
0x12d: {  	v1 =	vsel vm3, $0x1280, v1;
	v2 =	vsel vm3, $0x1300, v2;
	v3 =	vsel vm3, $0x1380, v3  }
0x12e: {  	v4 =	vsel vm3, $0x2000, v4;
	v5 =	vsel vm3, $0x2080, v5;
	v6 =	vsel vm3, $0x2100, v6  }
0x12f: {  	v7 =	vsel vm3, $0x2180, v7;
	v8 =	vsel vm3, $0x2200, v8;
	v9 =	vsel vm3, $0x2280, v9  }
0x130: {  	v10 =	vsel vm3, $0x2300, v10;
	v11 =	vsel vm3, $0x2380, v11;
	v12 =	vsel vm3, $0x3000, v12  }
0x131: {  	v13 =	vsel vm3, $0x3080, v13;
	v14 =	vsel vm3, $0x3100, v14;
	v15 =	vsel vm3, $0x3180, v15  }
0x132: {  	v16 =	vsel vm3, $0x3200, v16;
	v17 =	vsel vm3, $0x3280, v17;
	v18 =	vsel vm3, $0x3300, v18  }
0x133: {  	v19 =	vsel vm3, $0x3380, v19;
	v20 =	vsel vm3, $0x4000, v20;
	v21 =	vsel vm3, $0x4080, v21  }
0x134: {  	v22 =	vsel vm3, $0x4100, v22;
	v23 =	vsel vm3, $0x4180, v23;
	v24 =	vsel vm3, $0x4200, v24  }
0x135: {  	v25 =	vsel vm3, $0x4280, v25;
	v26 =	vsel vm3, $0x4300, v26;
	v27 =	vsel vm3, $0x4380, v27  }
0x136: {  	v28 =	vsel vm3, $0x5000, v28;
	v29 =	vsel vm3, $0x5080, v29;
	v30 =	vsel vm3, $0x5100, v30  }
0x137: {  	v31 =	vsel vm3, $0x5180, v31;
	v32 =	vsel vm3, $0x5200, v32;
	v33 =	vsel vm3, $0x5280, v33  }
0x138: {  	v34 =	vsel vm3, $0x5300, v34;
	v35 =	vsel vm3, $0x5380, v35;
	v36 =	vsel vm3, $0x6000, v36  }
0x139: {  	v37 =	vsel vm3, $0x6080, v37;
	v38 =	vsel vm3, $0x6100, v38;
	v39 =	vsel vm3, $0x6180, v39  }
0x13a: {  	v40 =	vsel vm3, $0x6200, v40;
	v41 =	vsel vm3, $0x6280, v41;
	v42 =	vsel vm3, $0x6300, v42  }
0x13b: {  	v43 =	vsel vm3, $0x6380, v43;
	v44 =	vsel vm3, $0x7000, v44;
	v45 =	vsel vm3, $0x7080, v45  }
0x13c: {  	v46 =	vsel vm3, $0x7100, v46;
	v47 =	vsel vm3, $0x7180, v47;
	v48 =	vsel vm3, $0x7200, v48  }
0x13d: {  	v49 =	vsel vm3, $0x7280, v49;
	v50 =	vsel vm3, $0x7300, v50;
	v51 =	vsel vm3, $0x7380, v51  }
0x13e: {  	v54 =	vsel vm3, $0x0, v54;
	v53 =	vsel vm3, $0x100, v53;
	v55 =	vsel vm3, $0x180, v55  }
0x13f: {  	v56 =	vsel vm3, $0x200, v56;
	v57 =	vsel vm3, $0x280, v57;
	v59 =	vsel vm3, $0x380, v59  }
0x140: {  	v60 =	vsel vm3, $0x1000, v60;
	v61 =	vsel vm3, $0x1080, v61;
	v62 =	vsel vm3, $0x1100, v62  }
0x141: {  	v63 =	vsel vm2, $0x1100, v63;
	v52 =	vsel vm3, $0x80, v52;
	v58 =	vsel vm3, $0x300, v58  }
0x142: {  	v0 =	vsel vm1, $0x1280, v0;
	v1 =	vsel vm1, $0x1300, v1;
	v2 =	vsel vm1, $0x1380, v2  }
0x143: {  	v3 =	vsel vm1, $0x2000, v3;
	v4 =	vsel vm1, $0x2080, v4;
	v5 =	vsel vm1, $0x2100, v5  }
0x144: {  	v6 =	vsel vm1, $0x2180, v6;
	v7 =	vsel vm1, $0x2200, v7;
	v8 =	vsel vm1, $0x2280, v8  }
0x145: {  	v9 =	vsel vm1, $0x2300, v9;
	v10 =	vsel vm1, $0x2380, v10;
	v11 =	vsel vm1, $0x3000, v11  }
0x146: {  	v12 =	vsel vm1, $0x3080, v12;
	v13 =	vsel vm1, $0x3100, v13;
	v14 =	vsel vm1, $0x3180, v14  }
0x147: {  	v15 =	vsel vm1, $0x3200, v15;
	v16 =	vsel vm1, $0x3280, v16;
	v17 =	vsel vm1, $0x3300, v17  }
0x148: {  	v18 =	vsel vm1, $0x3380, v18;
	v19 =	vsel vm1, $0x4000, v19;
	v20 =	vsel vm1, $0x4080, v20  }
0x149: {  	v21 =	vsel vm1, $0x4100, v21;
	v22 =	vsel vm1, $0x4180, v22;
	v23 =	vsel vm1, $0x4200, v23  }
0x14a: {  	v24 =	vsel vm1, $0x4280, v24;
	v25 =	vsel vm1, $0x4300, v25;
	v26 =	vsel vm1, $0x4380, v26  }
0x14b: {  	v27 =	vsel vm1, $0x5000, v27;
	v28 =	vsel vm1, $0x5080, v28;
	v29 =	vsel vm1, $0x5100, v29  }
0x14c: {  	v30 =	vsel vm1, $0x5180, v30;
	v31 =	vsel vm1, $0x5200, v31;
	v32 =	vsel vm1, $0x5280, v32  }
0x14d: {  	v33 =	vsel vm1, $0x5300, v33;
	v34 =	vsel vm1, $0x5380, v34;
	v35 =	vsel vm1, $0x6000, v35  }
0x14e: {  	v36 =	vsel vm1, $0x6080, v36;
	v37 =	vsel vm1, $0x6100, v37;
	v38 =	vsel vm1, $0x6180, v38  }
0x14f: {  	v39 =	vsel vm1, $0x6200, v39;
	v40 =	vsel vm1, $0x6280, v40;
	v41 =	vsel vm1, $0x6300, v41  }
0x150: {  	v42 =	vsel vm1, $0x6380, v42;
	v43 =	vsel vm1, $0x7000, v43;
	v44 =	vsel vm1, $0x7080, v44  }
0x151: {  	v45 =	vsel vm1, $0x7100, v45;
	v46 =	vsel vm1, $0x7180, v46;
	v47 =	vsel vm1, $0x7200, v47  }
0x152: {  	v48 =	vsel vm1, $0x7280, v48;
	v49 =	vsel vm1, $0x7300, v49;
	v50 =	vsel vm1, $0x7380, v50  }
0x153: {  	v51 =	vsel vm1, $0x0, v51;
	v54 =	vsel vm1, $0x80, v54;
	v53 =	vsel vm1, $0x180, v53  }
0x154: {  	v55 =	vsel vm1, $0x200, v55;
	v56 =	vsel vm1, $0x280, v56;
	v57 =	vsel vm1, $0x300, v57  }
0x155: {  	v59 =	vsel vm1, $0x1000, v59;
	v60 =	vsel vm1, $0x1080, v60;
	v61 =	vsel vm1, $0x1100, v61  }
0x156: {  	v62 =	vsel vm1, $0x1180, v62;
	v63 =	vsel vm3, $0x1180, v63;
	v52 =	vsel vm1, $0x100, v52  }
0x157: {  	v58 =	vsel vm1, $0x380, v58;
	v63 =	vsel vm1, $0x1200, v63;
	vm1 =	vcmask $0x3B38  }
0x158: {  	v0 =	vsel vm1, $0x1300, v0  }
0x159: {  	v4 =	vsel vm1, $0x2100, v4;
	[tilespmem:$0x1F910] =	vst v0  }
0x15a: {  	v5 =	vsel vm1, $0x2180, v5;
	[tilespmem:$0x1F950] =	vst v4  }
0x15b: {  	v6 =	vsel vm1, $0x2200, v6;
	[tilespmem:$0x1F960] =	vst v5  }
0x15c: {  	v7 =	vsel vm1, $0x2280, v7;
	[tilespmem:$0x1F970] =	vst v6  }
0x15d: {  	v12 =	vsel vm1, $0x3100, v12;
	[tilespmem:$0x1F980] =	vst v7  }
0x15e: {  	v13 =	vsel vm1, $0x3180, v13;
	[tilespmem:$0x1F9D0] =	vst v12  }
0x15f: {  	v14 =	vsel vm1, $0x3200, v14;
	[tilespmem:$0x1F9E0] =	vst v13  }
0x160: {  	v15 =	vsel vm1, $0x3280, v15;
	v16 =	vsel vm1, $0x3300, v16;
	v17 =	vsel vm1, $0x3380, v17;
	[tilespmem:$0x1F9F0] =	vst v14  }
0x161: {  	v18 =	vsel vm1, $0x4000, v18;
	v19 =	vsel vm1, $0x4080, v19;
	v20 =	vsel vm1, $0x4100, v20;
	[tilespmem:$0x1FA00] =	vst v15  }
0x162: {  	v21 =	vsel vm1, $0x4180, v21;
	v22 =	vsel vm1, $0x4200, v22;
	v23 =	vsel vm1, $0x4280, v23;
	[tilespmem:$0x1FA10] =	vst v16  }
0x163: {  	v24 =	vsel vm1, $0x4300, v24;
	v0 =	vsel vm1, $0x1380, v1;
	v4 =	vsel vm1, $0x2300, v8;
	[tilespmem:$0x1FA20] =	vst v17  }
0x164: {  	v5 =	vsel vm1, $0x2380, v9;
	v6 =	vsel vm1, $0x3000, v10;
	v7 =	vsel vm1, $0x3080, v11;
	[tilespmem:$0x1FA30] =	vst v18  }
0x165: {  	[tilespmem:$0x1FA40] =	vst v19;
	v8 =	vsel vm1, $0x5080, v27;
	v9 =	vsel vm1, $0x5100, v28;
	v11 =	vsel vm1, $0x5180, v29  }
0x166: {  	[tilespmem:$0x1FA50] =	vst v20;
	v12 =	vsel vm1, $0x5200, v30;
	v13 =	vsel vm1, $0x5280, v31;
	v14 =	vsel vm1, $0x5300, v32  }
0x167: {  	[tilespmem:$0x1FA60] =	vst v21;
	v15 =	vsel vm1, $0x5380, v33;
	v16 =	vsel vm1, $0x6000, v34;
	v17 =	vsel vm1, $0x6080, v35  }
0x168: {  	[tilespmem:$0x1FA70] =	vst v22;
	v18 =	vsel vm1, $0x6100, v36;
	v19 =	vsel vm1, $0x6180, v37;
	v20 =	vsel vm1, $0x6200, v38  }
0x169: {  	[tilespmem:$0x1FA80] =	vst v23;
	v21 =	vsel vm1, $0x6280, v39;
	v22 =	vsel vm1, $0x6300, v40;
	v23 =	vsel vm1, $0x6380, v41  }
0x16a: {  	[tilespmem:$0x1FA90] =	vst v24;
	v24 =	vsel vm1, $0x7000, v42;
	v27 =	vsel vm1, $0x7180, v45;
	v28 =	vsel vm1, $0x7200, v46  }
0x16b: {  	v29 =	vsel vm1, $0x7280, v47;
	v30 =	vsel vm1, $0x7300, v48;
	v46 =	vimm.s32 $0x38373635  }
0x16c: {  	v31 =	vsel vm1, $0x7380, v49;
	v32 =	vsel vm1, $0x0, v50;
	v48 =	vimm.s32 $0x35343332;
	[tilespmem:$0x1F920] =	vst v0  }
0x16d: {  	v49 =	vimm.s32 $0x39383736;
	v33 =	vsel vm1, $0x80, v51;
	v34 =	vsel vm1, $0x100, v54;
	[tilespmem:$0x1F990] =	vst v4  }
0x16e: {  	v35 =	vsel vm1, $0x180, v52;
	v36 =	vsel vm1, $0x200, v53;
	v37 =	vsel vm1, $0x280, v55;
	[tilespmem:$0x1F9A0] =	vst v5  }
0x16f: {  	v38 =	vsel vm1, $0x300, v56;
	v39 =	vsel vm1, $0x380, v57;
	v40 =	vsel vm1, $0x1000, v58;
	[tilespmem:$0x1F9B0] =	vst v6  }
0x170: {  	v51 =	vimm.s32 $0x3D3C3B3A;
	v10 =	vlaneseq.u32;
	v0 =	vsel vm1, $0x2000, v2;
	[tilespmem:$0x1F9C0] =	vst v7  }
0x171: {  	v52 =	vimm.s32 $0x3E3D3C3B;
	v2 =	vunpack.c.0.s8.s32 v51;
	v51 =	vadd.s32 $0x6, v10;
	[tilespmem:$0x1F930] =	vst v0  }
0x172: {  	v55 =	vimm.s32 $0x5040302;
	v53 =	vunpack.c.0.s8.s32 v52;
	v52 =	vadd.s32 $0x7, v10;
	[tilespmem:$0x1FBE0] =	vst v51  }
0x173: {  	v56 =	vimm.s32 $0x6050403;
	v50 =	vunpack.c.0.s8.s32 v49;
	v0 =	vsel vm1, $0x2080, v3;
	[tilespmem:$0x1FBF0] =	vst v52  }
0x174: {  	v41 =	vsel vm1, $0x1080, v59;
	v57 =	vimm.s32 $0x87654321;
	v58 =	vimm.s32 $0x98765432;
	[tilespmem:$0x1F940] =	vst v0  }
0x175: {  	v59 =	vimm.s32 $0xA9876543;
	v7 =	vsel vm1, $0x5000, v26;
	v26 =	vsel vm1, $0x7100, v44;
	[tilespmem:$0x1FAF0] =	vst v50  }
0x176: {  	v44 =	vimm.s32 $0x34333231;
	v1 =	vunpack.c.0.s8.s32 v48;
	v3 =	vunpack.c.0.s8.s32 v46;
	[tilespmem:$0x1FB10] =	vst v2  }
0x177: {  	v42 =	vsel vm1, $0x1100, v60;
	v5 =	vimm.s32 $0x36353433;
	v48 =	vimm.s32 $0x3A393837;
	[tilespmem:$0x1FB40] =	vst v53  }
0x178: {  	v45 =	vld [tilespmem:$0x1FAA0];
	v46 =	vsel vm1, $0x1280, v63;
	v49 =	vunpack.c.0.s8.s32 v48;
	v4 =	vsel vm0, v50, v1;
	[tilespmem:$0x1FAC0] =	vst v3  }
0x179: {  	v0 =	vunpack.c.0.s8.s32 v44;
	v44 =	vsel vm1, $0x1200, v62;
	v50 =	vimm.s32 $0x4030201;
	[tilespmem:$0x1FB00] =	vst v4  }
0x17a: {  	v62 =	vimm.s32 $0x3C3B3A39;
	v1 =	vunpack.c.0.s8.s32 v50;
	[tilespmem:$0x1FB20] =	vst v49;
	v50 =	vadd.s32 $0x5, v10  }
0x17b: {  	v63 =	vunpack.c.0.s8.s32 v62;
	v4 =	vunpack.c.l.s4.s8 v59;
	v62 =	vld [tilespmem:$0x1FB70];
	v0 =	vsel vm0, v3, v0;
	[tilespmem:$0x1FBD0] =	vst v50  }
0x17c: {  	v60 =	vimm.s32 $0x76543210;
	v6 =	vsel vm1, $0x4380, v25;
	[tilespmem:$0x1FAD0] =	vst v0;
	v0 =	vunpack.c.0.s8.s32 v5  }
0x17d: {  	v47 =	vld [tilespmem:$0x1FAB0];
	v3 =	vunpack.c.l.s4.s8 v58;
	[tilespmem:$0x1FAE0] =	vst v63;
	v54 =	vsel vm0, v1, v45;
	v45 =	vunpack.c.0.s8.s32 v4  }
0x17e: {  	v25 =	vsel vm1, $0x7080, v43;
	v1 =	vunpack.c.0.s8.s32 v56;
	[tilespmem:$0x1FB50] =	vst v54;
	v0 =	vsel vm0, v49, v0  }
0x17f: {  	v2 =	vunpack.c.l.s4.s8 v57;
	v63 =	vunpack.c.0.s8.s32 v3;
	v49 =	vand.u32 $0xF, v45;
	[tilespmem:$0x1FB30] =	vst v0  }
0x180: {  	v43 =	vsel vm1, $0x1180, v61;
	v0 =	vunpack.c.0.s8.s32 v55;
	v1 =	vsel vm0, v1, v62;
	[tilespmem:$0x1FBC0] =	vst v49  }
0x181: {  	v61 =	vunpack.c.l.s4.s8 v60;
	v2 =	vunpack.c.0.s8.s32 v2;
	v48 =	vand.u32 $0xF, v63;
	[tilespmem:$0x1FB80] =	vst v1  }
0x182: {  	s3 =	rddreg [dreg:$0x0];
	[tilespmem:$0x1FBB0] =	vst v48;
	v0 =	vsel vm0, v0, v47  }
0x183: {  	s4 =	rddreg [dreg:$0x1];
	v47 =	vand.u32 $0xF, v2;
	[tilespmem:$0x1FB60] =	vst v0;
	v0 =	vunpack.c.0.s8.s32 v61  }
0x184: {  	s5 =	rddreg [dreg:$0x2];
	s2 =	simm.s32 $0x0;
	[tilespmem:$0x1FBA0] =	vst v47  }
0x185: {  	[smem:$0x7FF] =	sst s2;
	v53 =	vadd.s32 $0x8, v10;
	[tilespmem:$0x1FB90] =	vst v0  }
0x186: {  	s0 =	rddreg [dreg:$0x3];
	v54 =	vadd.s32 $0x9, v10;
	_ =	strace $0x80000047;
	[tilespmem:$0x1FC00] =	vst v53  }
0x187: {  	v56 =	vadd.s32 $0xA, v10;
	[tilespmem:$0x1FC10] =	vst v54  }
0x188: {  	v57 =	vadd.s32 $0xB, v10;
	[tilespmem:$0x1FC20] =	vst v56  }
0x189: {  	v60 =	vadd.s32 $0xC, v10;
	[tilespmem:$0x1FC30] =	vst v57  }
0x18a: {  	v61 =	vadd.s32 $0xD, v10;
	[tilespmem:$0x1FC40] =	vst v60  }
0x18b: {  	v62 =	vadd.s32 $0xE, v10;
	[tilespmem:$0x1FC50] =	vst v61  }
0x18c: {  	v4 =	vadd.s32 $0xF, v10;
	[tilespmem:$0x1FC60] =	vst v62  }
0x18d: {  	v5 =	vor.u32 $0x10, v10;
	[tilespmem:$0x1FC70] =	vst v4  }
0x18e: {  	v45 =	vadd.s32 $0x11, v10;
	[tilespmem:$0x1FC80] =	vst v5  }
0x18f: {  	v47 =	vadd.s32 $0x12, v10;
	[tilespmem:$0x1FC90] =	vst v45  }
0x190: {  	v48 =	vadd.s32 $0x13, v10;
	[tilespmem:$0x1FCA0] =	vst v47  }
0x191: {  	v49 =	vadd.s32 $0x14, v10;
	[tilespmem:$0x1FCB0] =	vst v48  }
0x192: {  	v50 =	vadd.s32 $0x15, v10;
	[tilespmem:$0x1FCC0] =	vst v49  }
0x193: {  	v51 =	vadd.s32 $0x16, v10;
	[tilespmem:$0x1FCD0] =	vst v50  }
0x194: {  	v52 =	vadd.s32 $0x17, v10;
	[tilespmem:$0x1FCE0] =	vst v51  }
0x195: {  	[tilespmem:$0x1FCF0] =	vst v52  }
0x196: {  	v55 =	vadd.s32 $0x1, v10;
	[tilespmem:$0x1FD70] =	vst v46  }
0x197: {  	[tilespmem:$0x1FD80] =	vst v55  }
0x198: {  	[tilespmem:$0x1FD90] =	vst v7  }
0x199: {  	[tilespmem:$0x1FDA0] =	vst v9  }
0x19a: {  	[tilespmem:$0x1FDB0] =	vst v12  }
0x19b: {  	[tilespmem:$0x1FDC0] =	vst v14  }
0x19c: {  	[tilespmem:$0x1FDD0] =	vst v16  }
0x19d: {  	[tilespmem:$0x1FDE0] =	vst v18  }
0x19e: {  	[tilespmem:$0x1FDF0] =	vst v20  }
0x19f: {  	[tilespmem:$0x1FE00] =	vst v22  }
0x1a0: {  	[tilespmem:$0x1FE10] =	vst v24  }
0x1a1: {  	[tilespmem:$0x1FE20] =	vst v26  }
0x1a2: {  	[tilespmem:$0x1FE30] =	vst v28  }
0x1a3: {  	[tilespmem:$0x1FE40] =	vst v30  }
0x1a4: {  	[tilespmem:$0x1FE50] =	vst v6  }
0x1a5: {  	[tilespmem:$0x1FE60] =	vst v8  }
0x1a6: {  	[tilespmem:$0x1FE70] =	vst v11  }
0x1a7: {  	[tilespmem:$0x1FE80] =	vst v13  }
0x1a8: {  	[tilespmem:$0x1FE90] =	vst v15  }
0x1a9: {  	[tilespmem:$0x1FEA0] =	vst v17  }
0x1aa: {  	[tilespmem:$0x1FEB0] =	vst v19  }
0x1ab: {  	[tilespmem:$0x1FEC0] =	vst v21  }
0x1ac: {  	[tilespmem:$0x1FED0] =	vst v23  }
0x1ad: {  	[tilespmem:$0x1FEE0] =	vst v25  }
0x1ae: {  	[tilespmem:$0x1FEF0] =	vst v27  }
0x1af: {  	[tilespmem:$0x1FF00] =	vst v29  }
0x1b0: {  	[tilespmem:$0x1FF10] =	vst v31  }
0x1b1: {  	[tilespmem:$0x1FF20] =	vst v32  }
0x1b2: {  	[tilespmem:$0x1FF30] =	vst v34  }
0x1b3: {  	[tilespmem:$0x1FF40] =	vst v36  }
0x1b4: {  	v58 =	vadd.s32 $0x2, v10;
	[tilespmem:$0x1FF50] =	vst v38  }
0x1b5: {  	v59 =	vadd.s32 $0x3, v10;
	[tilespmem:$0x1FF60] =	vst v58  }
0x1b6: {  	v63 =	vadd.s32 $0x4, v10;
	[tilespmem:$0x1FF70] =	vst v59  }
0x1b7: {  	[tilespmem:$0x1FF80] =	vst v63  }
0x1b8: {  	[tilespmem:$0x1FF90] =	vst v39  }
0x1b9: {  	[tilespmem:$0x1FFA0] =	vst v41  }
0x1ba: {  	[tilespmem:$0x1FFB0] =	vst v33  }
0x1bb: {  	[tilespmem:$0x1FFC0] =	vst v35  }
0x1bc: {  	s6 =	srdreg.scid;
	[tilespmem:$0x1FFD0] =	vst v37  }
0x1bd: {  	s1 =	stileid.u32;
	s12 =	simm.s32 $0x8000;
	s13 =	simm.s32 $0x8200;
	[tilespmem:$0x1FFE0] =	vst v43  }
0x1be: {  	s14 =	simm.s32 $0xA200;
	s6 =	sand.u32 $0x1, s6;
	s7 =	sshll.u32 s1, $0x1;
	v53 =	vadd.s32 $0x18, v10;
	[tilespmem:$0x1FFF0] =	vst v40  }
0x1bf: {  	s15 =	simm.s32 $0xC200;
	s16 =	simm.s32 $0x0;
	s7 =	sor.u32 s6, s7;
	v54 =	vadd.s32 $0x19, v10;
	[tilespmem:$0x1FD00] =	vst v53  }
0x1c0: {  	s31 =	ssub.s32 $0x2, s6;
	s8 =	sshll.u32 s7, $0xA;
	s9 =	sshll.u32 s7, $0x4;
	v56 =	vadd.s32 $0x1A, v10;
	[tilespmem:$0x1FD10] =	vst v54  }
0x1c1: {  	s6 =	sshrl.u32 s31, $0x1;
	s10 =	sshll.u32 s7, $0x9;
	s7 =	sshll.u32 s7, $0x6;
	v57 =	vadd.s32 $0x1B, v10;
	[tilespmem:$0x1FD20] =	vst v56  }
0x1c2: {  	s8 =	sadd.s32 s8, s5;
	s9 =	sadd.s32 s9, s5;
	s11 =	ssub.s32 s31, s6;
	v60 =	vadd.s32 $0x1C, v10;
	[tilespmem:$0x1FD30] =	vst v57  }
0x1c3: {  	s3 =	sadd.s32 s3, s10;
	s4 =	sadd.s32 s4, s7;
	s10 =	simm.s32 $0x20000;
	v61 =	vadd.s32 $0x1D, v10;
	[tilespmem:$0x1FD40] =	vst v60  }
0x1c4: {  	s5 =	sadd.s32 $0xE00, s8;
	s6 =	sadd.s32 $0x8E00, s8;
	s7 =	sadd.s32 $0x10E00, s9;
	v62 =	vadd.s32 $0x1E, v10;
	[tilespmem:$0x1FD50] =	vst v61  }
0x1c5: {  	s8 =	smax.u32 s11, $0x1;
	s9 =	simm.s32 $0x1000;
	s11 =	simm.s32 $0x1;
	[tilespmem:$0x1FD60] =	vst v62  }
.LBB2_1:
0x1c6: {  	[tilespmem:s2], [sflag:$0x1] =	stream.strided.gather [hbm4b:s3+s9], $0x8000, s10, s9, $0x38;
	[tilespmem:$0xC280] =	vst v63  }
0x1c7: {  	_ =	swait.ge [sflag:s11], $0x8000  }
0x1c8: {  	[sflag:s11] =	ssyncset.done $0x0  }
0x1c9: {  	[sflag:s11] =	ssyncadd.s32 $0xFFFF8000  }
0x1ca: {  	[tilespmem:s12], [sflag:$0x1] =	stream.linear.gather [hbm4b:s4+s2], $0x200, $0x38;
	[tilespmem:$0xC280] =	vst v63  }
0x1cb: {  	_ =	swait.ge [sflag:s11], $0x200  }
0x1cc: {  	[sflag:s11] =	ssyncset.done $0x0  }
0x1cd: {  	v50 =	vmov v44;
	v48 =	vmov v42;
	s17 =	simm.s32 $0x200;
	s19 =	simm.s32 $0x0;
	v41 =	vimm.f32 $0.0e+00;
	[sflag:s11] =	ssyncadd.s32 $0xFFFFFE00  }
.LBB2_2:
0x1ce: {  	p0 =	sne.s32 s17, $0x7E00;
	[tilespmem:s19+$0xA200] =	vst v41;
	s18 =	smov.u32 s17;
	s17 =	sadd.s32 $0x200, s17  }
.Ltmp0:
0x1cf: {  	[tilespmem:s19+$0x8220] =	vst v41;
	(pc) =	sbr.rel @p0 .LBB2_2-.Ltmp0, $4  }
0x1d0: {  	[tilespmem:s19+$0x8230] =	vst v41  }
0x1d1: {  	[tilespmem:s19+$0x8210] =	vst v41  }
0x1d2: {  	[tilespmem:s19+$0x8200] =	vst v41  }
0x1d3: {  	s19 =	sshra.s32 s18, $0x2  }
0x1d4: {  	v30 =	vld [tilespmem:$0x1F910]  }
0x1d5: {  	v31 =	vld [tilespmem:$0x1F950]  }
0x1d6: {  	v32 =	vld [tilespmem:$0x1F960]  }
0x1d7: {  	[tilespmem:s19+$0xA200] =	vst v41;
	v38 =	vld [tilespmem:$0x1F980]  }
0x1d8: {  	[tilespmem:s19+$0x8220] =	vst v41;
	v23 =	vld [tilespmem:$0x1FBD0]  }
0x1d9: {  	[tilespmem:s19+$0x8230] =	vst v41;
	v25 =	vld [tilespmem:$0x1FBE0]  }
0x1da: {  	[tilespmem:s19+$0x8210] =	vst v41;
	s18 =	simm.s32 $0xFFFFFFFD;
	s17 =	simm.s32 $0x0;
	v26 =	vld [tilespmem:$0x1FBF0]  }
0x1db: {  	[tilespmem:s19+$0x8200] =	vst v41;
	s19 =	simm.s32 $0x8010;
	s20 =	simm.s32 $0x0;
	s21 =	simm.s32 $0x0;
	v37 =	vmov v48;
	v36 =	vmov v50;
	v27 =	vld [tilespmem:$0x1FC00]  }
.LBB2_4:
0x1dc: {  	s22 =	sand.u32 $0x70, s20;
	s23 =	sand.u32 $0xC00, s21  }
0x1dd: {  	s22 =	sor.u32 s22, s23  }
0x1de: {  	v0 =	vld [tilespmem:s22+$0x0]  }
0x1df: {  	v1 =	vld [tilespmem:s22+$0x80]  }
0x1e0: {  	v2 =	vld [tilespmem:s22+$0x100]  }
0x1e1: {  	v3 =	vld [tilespmem:s22+$0x180]  }
0x1e2: {  	v4 =	vld [tilespmem:s22+$0x200]  }
0x1e3: {  	s26 =	sor.u32 s21, s20;
	v5 =	vld [tilespmem:s22+$0x280]  }
0x1e4: {  	s23 =	sor.u32 $0x380, s26;
	v6 =	vld [tilespmem:s22+$0x300]  }
0x1e5: {  	v7 =	vld [tilespmem:s23+$0x0]  }
0x1e6: {  	v8 =	vld [tilespmem:s22+$0x1000]  }
0x1e7: {  	v9 =	vld [tilespmem:s22+$0x1080]  }
0x1e8: {  	v11 =	vld [tilespmem:s22+$0x1100]  }
0x1e9: {  	v12 =	vld [tilespmem:s22+$0x1180]  }
0x1ea: {  	v13 =	vld [tilespmem:s22+$0x1200]  }
0x1eb: {  	v14 =	vld [tilespmem:s22+$0x1280]  }
0x1ec: {  	v15 =	vld [tilespmem:s22+$0x1300]  }
0x1ed: {  	v16 =	vld [tilespmem:s22+$0x1380]  }
0x1ee: {  	v17 =	vld [tilespmem:s22+$0x2000]  }
0x1ef: {  	v18 =	vld [tilespmem:s22+$0x2080]  }
0x1f0: {  	v19 =	vld [tilespmem:s22+$0x2100]  }
0x1f1: {  	v20 =	vld [tilespmem:s22+$0x2180]  }
0x1f2: {  	v21 =	vld [tilespmem:s22+$0x2200]  }
0x1f3: {  	v42 =	vld [tilespmem:s22+$0x2280]  }
0x1f4: {  	v43 =	vld [tilespmem:s22+$0x2300]  }
0x1f5: {  	v44 =	vld [tilespmem:s22+$0x2380]  }
0x1f6: {  	v45 =	vld [tilespmem:s22+$0x3000]  }
0x1f7: {  	v46 =	vld [tilespmem:s22+$0x3080]  }
0x1f8: {  	v47 =	vld [tilespmem:s22+$0x3100]  }
0x1f9: {  	v48 =	vld [tilespmem:s22+$0x3180]  }
0x1fa: {  	v49 =	vld [tilespmem:s22+$0x3200];
	v0 =	vmul.f32 v0, v0;
	v1 =	vmul.f32 v1, v1  }
0x1fb: {  	v50 =	vld [tilespmem:s22+$0x3280];
	v2 =	vmul.f32 v2, v2;
	v4 =	vmul.f32 v4, v4  }
0x1fc: {  	v51 =	vld [tilespmem:s22+$0x3300];
	v3 =	vmul.f32 v3, v3;
	v5 =	vmul.f32 v5, v5  }
0x1fd: {  	v35 =	vld [tilespmem:s22+$0x5200];
	v0 =	vadd.f32 v4, v0;
	v4 =	vmul.f32 v6, v6;
	v6 =	vmul.f32 v7, v7  }
0x1fe: {  	v39 =	vld [tilespmem:s22+$0x5380];
	v1 =	vadd.f32 v5, v1;
	v5 =	vmul.f32 v8, v8;
	v8 =	vmul.f32 v9, v9  }
0x1ff: {  	v7 =	vld [tilespmem:s22+$0x3380];
	v2 =	vadd.f32 v4, v2;
	v3 =	vadd.f32 v6, v3;
	v4 =	vmul.f32 v11, v11  }
0x200: {  	v9 =	vld [tilespmem:s22+$0x4000];
	v0 =	vadd.f32 v5, v0;
	v1 =	vadd.f32 v8, v1;
	v5 =	vmul.f32 v12, v12  }
0x201: {  	v6 =	vld [tilespmem:s22+$0x4080];
	v11 =	vmul.f32 v14, v14;
	v2 =	vadd.f32 v4, v2;
	v4 =	vmul.f32 v13, v13  }
0x202: {  	v8 =	vld [tilespmem:s22+$0x4100];
	v3 =	vadd.f32 v5, v3;
	v5 =	vmul.f32 v15, v15;
	v13 =	vmul.f32 v16, v16  }
0x203: {  	v12 =	vld [tilespmem:s22+$0x4180];
	v1 =	vadd.f32 v11, v1;
	v0 =	vadd.f32 v4, v0;
	v4 =	vmul.f32 v17, v17  }
0x204: {  	v14 =	vld [tilespmem:s22+$0x4200];
	v15 =	vmul.f32 v20, v20;
	v2 =	vadd.f32 v5, v2;
	v5 =	vmul.f32 v18, v18  }
0x205: {  	v11 =	vld [tilespmem:s22+$0x4280];
	v7 =	vmul.f32 v7, v7;
	v0 =	vadd.f32 v4, v0;
	v4 =	vmul.f32 v19, v19  }
0x206: {  	v16 =	vld [tilespmem:s22+$0x4380];
	v3 =	vadd.f32 v13, v3;
	v1 =	vadd.f32 v5, v1;
	v5 =	vmul.f32 v21, v21  }
0x207: {  	v20 =	vld [tilespmem:s22+$0x5180];
	v17 =	vmul.f32 v42, v42;
	v2 =	vadd.f32 v4, v2;
	v4 =	vmul.f32 v43, v43  }
0x208: {  	v13 =	vld [tilespmem:s22+$0x4300];
	v3 =	vadd.f32 v15, v3;
	v0 =	vadd.f32 v5, v0;
	v5 =	vmul.f32 v44, v44  }
0x209: {  	v18 =	vld [tilespmem:s22+$0x5000];
	v19 =	vmul.f32 v46, v46;
	v2 =	vadd.f32 v4, v2;
	v4 =	vmul.f32 v45, v45  }
0x20a: {  	v15 =	vld [tilespmem:s22+$0x5080];
	v1 =	vadd.f32 v17, v1;
	v3 =	vadd.f32 v5, v3;
	v5 =	vmul.f32 v47, v47  }
0x20b: {  	v21 =	vmul.f32 v48, v48;
	v17 =	vld [tilespmem:s22+$0x5100];
	v0 =	vadd.f32 v4, v0;
	v4 =	vmul.f32 v49, v49  }
0x20c: {  	v1 =	vadd.f32 v19, v1;
	v19 =	vld [tilespmem:s22+$0x5280];
	v2 =	vadd.f32 v5, v2;
	v5 =	vmul.f32 v50, v50  }
0x20d: {  	v3 =	vadd.f32 v21, v3;
	v21 =	vld [tilespmem:s22+$0x5300];
	v0 =	vadd.f32 v4, v0;
	v4 =	vmul.f32 v51, v51  }
0x20e: {  	v6 =	vmul.f32 v6, v6;
	v1 =	vadd.f32 v5, v1;
	v5 =	vmul.f32 v9, v9;
	v9 =	vld [tilespmem:s22+$0x6000]  }
0x20f: {  	v3 =	vadd.f32 v7, v3;
	v7 =	vld [tilespmem:s22+$0x6080];
	v2 =	vadd.f32 v4, v2;
	v4 =	vmul.f32 v8, v8  }
0x210: {  	v0 =	vadd.f32 v5, v0;
	v1 =	vadd.f32 v6, v1;
	v5 =	vmul.f32 v12, v12;
	v6 =	vld [tilespmem:s22+$0x6100]  }
0x211: {  	v8 =	vmul.f32 v11, v11;
	v11 =	vld [tilespmem:s22+$0x6180];
	v2 =	vadd.f32 v4, v2;
	v4 =	vmul.f32 v14, v14  }
0x212: {  	v12 =	vmul.f32 v16, v16;
	v3 =	vadd.f32 v5, v3;
	v5 =	vmul.f32 v13, v13;
	v13 =	vld [tilespmem:s22+$0x6200]  }
0x213: {  	v1 =	vadd.f32 v8, v1;
	v8 =	vld [tilespmem:s22+$0x6280];
	v0 =	vadd.f32 v4, v0;
	v4 =	vmul.f32 v18, v18  }
0x214: {  	v2 =	vadd.f32 v5, v2;
	v3 =	vadd.f32 v12, v3;
	v5 =	vmul.f32 v15, v15;
	v12 =	vld [tilespmem:s22+$0x6300]  }
0x215: {  	v14 =	vmul.f32 v20, v20;
	v15 =	vld [tilespmem:s22+$0x6380];
	v0 =	vadd.f32 v4, v0;
	v4 =	vmul.f32 v17, v17  }
0x216: {  	v16 =	vmul.f32 v19, v19;
	v1 =	vadd.f32 v5, v1;
	v5 =	vmul.f32 v35, v35;
	v17 =	vld [tilespmem:s22+$0x7000]  }
0x217: {  	v3 =	vadd.f32 v14, v3;
	v14 =	vld [tilespmem:s22+$0x7080];
	v2 =	vadd.f32 v4, v2;
	v4 =	vmul.f32 v21, v21  }
0x218: {  	v0 =	vadd.f32 v5, v0;
	v1 =	vadd.f32 v16, v1;
	v5 =	vmul.f32 v39, v39;
	v16 =	vld [tilespmem:s22+$0x7100]  }
0x219: {  	v7 =	vmul.f32 v7, v7;
	v2 =	vadd.f32 v4, v2;
	v4 =	vmul.f32 v9, v9;
	v9 =	vld [tilespmem:s22+$0x7180]  }
0x21a: {  	v3 =	vadd.f32 v5, v3;
	v5 =	vmul.f32 v6, v6;
	v6 =	vmul.f32 v11, v11;
	v11 =	vld [tilespmem:s22+$0x7200]  }
0x21b: {  	v1 =	vadd.f32 v7, v1;
	v7 =	vld [tilespmem:s22+$0x7280];
	v0 =	vadd.f32 v4, v0;
	v4 =	vmul.f32 v13, v13  }
0x21c: {  	v2 =	vadd.f32 v5, v2;
	v3 =	vadd.f32 v6, v3;
	v5 =	vmul.f32 v8, v8;
	v6 =	vld [tilespmem:s22+$0x7300]  }
0x21d: {  	v8 =	vmul.f32 v15, v15;
	v0 =	vadd.f32 v4, v0;
	v4 =	vmul.f32 v12, v12;
	v12 =	vld [tilespmem:s22+$0x7380]  }
0x21e: {  	v13 =	vmul.f32 v14, v14;
	v1 =	vadd.f32 v5, v1;
	v5 =	vmul.f32 v17, v17  }
0x21f: {  	v3 =	vadd.f32 v8, v3;
	v2 =	vadd.f32 v4, v2;
	v4 =	vmul.f32 v16, v16  }
0x220: {  	v7 =	vmul.f32 v7, v7;
	v0 =	vadd.f32 v5, v0;
	v5 =	vmul.f32 v9, v9  }
0x221: {  	v1 =	vadd.f32 v13, v1;
	v2 =	vadd.f32 v4, v2;
	v4 =	vmul.f32 v11, v11  }
0x222: {  	v3 =	vadd.f32 v5, v3;
	v5 =	vmul.f32 v6, v6;
	v6 =	vmul.f32 v12, v12  }
0x223: {  	v1 =	vadd.f32 v7, v1;
	v0 =	vadd.f32 v4, v0  }
0x224: {  	v2 =	vadd.f32 v5, v2;
	v3 =	vadd.f32 v6, v3;
	_ =	sdelay $0x1  }
0x225: {  	v0 =	vadd.f32 v1, v0;
	v45 =	vadd.f32 v3, v2;
	_ =	sdelay $0x1  }
0x226: {  	v0 =	vadd.f32 v45, v0;
	_ =	sdelay $0x1  }
0x227: {  	[tilespmem:$0x1F890] =	vst v0;
	v0 =	vmax.f32 v0, $1.000000020e-24  }
0x228: {  	v46 =	vshra.s32 v0, $0x1;
	v0 =	vmul.f32 $5.000000000e-01, v0  }
0x229: {  	v1 =	vsub.s32 $0x5F3759DF, v46  }
0x22a: {  	v47 =	vmul.f32 v1, v0;
	_ =	sdelay $0x1  }
0x22b: {  	v2 =	vmul.f32 v1, v47;
	_ =	sdelay $0x1  }
0x22c: {  	v2 =	vsub.f32 $1.500000000e+00, v2;
	_ =	sdelay $0x1  }
0x22d: {  	v1 =	vmul.f32 v1, v2;
	_ =	sdelay $0x1  }
0x22e: {  	v2 =	vmul.f32 v1, v0;
	_ =	sdelay $0x1  }
0x22f: {  	v3 =	vmov s20;
	v2 =	vmul.f32 v2, v1  }
0x230: {  	v4 =	vor.u32 s20, v10;
	v3 =	vshll.u32 v3, $0x3  }
0x231: {  	v4 =	vand.u32 $0x7F, v4;
	v3 =	vand.u32 $0xC00, v3;
	v2 =	vsub.f32 $1.500000000e+00, v2  }
0x232: {  	v46 =	vor.u32 v3, v4  }
0x233: {  	v48 =	vor.u32 v30, v46;
	v1 =	vmul.f32 v2, v1  }
0x234: {  	v3 =	vld [tilespmem:s19+$0xFFFFFFF0]  }
0x235: {  	v0 =	vmul.f32 v1, v0  }
0x236: {  	v40 =	vld [tilespmem:$0x1F920]  }
0x237: {  	v0 =	vmul.f32 v0, v1  }
0x238: {  	s28 =	sadd.s32 $0x80, s21;
	s22 =	sadd.s32 $0x10, s20;
	v2 =	vld.idx.msk [tilespmem:v48+s17+$0x0], $0xffff  }
0x239: {  	s25 =	sand.u32 $0x1C00, s28;
	v35 =	vld [tilespmem:$0x1F930];
	s24 =	sand.u32 $0x70, s22;
	v45 =	vshll.u32 v3, $0x7;
	v0 =	vsub.f32 $1.500000000e+00, v0  }
0x23a: {  	v39 =	vld [tilespmem:$0x1F940];
	s24 =	sor.u32 s24, s25;
	v43 =	vor.u32 v10, v45  }
0x23b: {  	v33 =	vld [tilespmem:s24+$0x0];
	v49 =	vor.u32 v40, v46;
	v44 =	vmul.f32 v0, v1  }
0x23c: {  	v34 =	vld [tilespmem:s24+$0x80]  }
0x23d: {  	v8 =	vld [tilespmem:s24+$0x1000];
	v1 =	vmul.f32 v44, v2  }
0x23e: {  	v9 =	vld [tilespmem:s24+$0x1080]  }
0x23f: {  	[tilespmem:v43+s13+$0x0] =	vst.idx.add.f32.msk $0xffff, v1  }
0x240: {  	v0 =	vld.idx.msk [tilespmem:v49+s17+$0x0], $0xffff  }
0x241: {  	v13 =	vld [tilespmem:s24+$0x1200]  }
0x242: {  	v14 =	vld [tilespmem:s24+$0x1280];
	v50 =	vor.u32 v55, v45  }
0x243: {  	v15 =	vld [tilespmem:s24+$0x1300];
	v51 =	vor.u32 v35, v46  }
0x244: {  	v16 =	vld [tilespmem:s24+$0x1380]  }
0x245: {  	v17 =	vld [tilespmem:s24+$0x2000];
	v0 =	vmul.f32 v44, v0  }
0x246: {  	v18 =	vld [tilespmem:s24+$0x2080]  }
0x247: {  	[tilespmem:v50+s13+$0x0] =	vst.idx.add.f32.msk $0xffff, v0  }
0x248: {  	v0 =	vld.idx.msk [tilespmem:v51+s17+$0x0], $0xffff  }
0x249: {  	v19 =	vld [tilespmem:s24+$0x2100]  }
0x24a: {  	v20 =	vld [tilespmem:s24+$0x2180];
	v52 =	vor.u32 v58, v45  }
0x24b: {  	v21 =	vld [tilespmem:s24+$0x2200];
	v53 =	vor.u32 v39, v46  }
0x24c: {  	v42 =	vld [tilespmem:s24+$0x4280]  }
0x24d: {  	v22 =	vld [tilespmem:s24+$0x4300];
	v0 =	vmul.f32 v44, v0  }
0x24e: {  	v24 =	vld [tilespmem:s24+$0x5000]  }
0x24f: {  	[tilespmem:v52+s13+$0x0] =	vst.idx.add.f32.msk $0xffff, v0  }
0x250: {  	v0 =	vld.idx.msk [tilespmem:v53+s17+$0x0], $0xffff  }
0x251: {  	s23 =	sor.u32 s28, s22;
	v28 =	vld [tilespmem:s24+$0x5200]  }
0x252: {  	s23 =	sor.u32 $0x380, s23;
	v29 =	vld [tilespmem:s24+$0x5280];
	v54 =	vor.u32 v59, v45  }
0x253: {  	v7 =	vld [tilespmem:s23+$0x0];
	v55 =	vor.u32 v31, v46  }
0x254: {  	v11 =	vld [tilespmem:s24+$0x1100]  }
0x255: {  	v12 =	vld [tilespmem:s24+$0x1180];
	v0 =	vmul.f32 v44, v0  }
0x256: {  	v5 =	vld [tilespmem:s24+$0x280]  }
0x257: {  	[tilespmem:v54+s13+$0x0] =	vst.idx.add.f32.msk $0xffff, v0  }
0x258: {  	v0 =	vld.idx.msk [tilespmem:v55+s17+$0x0], $0xffff  }
0x259: {  	v6 =	vld [tilespmem:s24+$0x300]  }
0x25a: {  	v4 =	vld [tilespmem:s24+$0x200];
	v56 =	vor.u32 v63, v45  }
0x25b: {  	v57 =	vor.u32 v32, v46;
	v61 =	vor.u32 v38, v46;
	v38 =	vld [tilespmem:$0x1F990]  }
0x25c: {  	v30 =	vld [tilespmem:s24+$0x5300]  }
0x25d: {  	v47 =	vld [tilespmem:s24+$0x2280];
	v0 =	vmul.f32 v44, v0  }
0x25e: {  	v59 =	vld [tilespmem:$0x1F970]  }
0x25f: {  	[tilespmem:v56+s13+$0x0] =	vst.idx.add.f32.msk $0xffff, v0  }
0x260: {  	v0 =	vld.idx.msk [tilespmem:v57+s17+$0x0], $0xffff  }
0x261: {  	v3 =	vld [tilespmem:s24+$0x180]  }
0x262: {  	v58 =	vor.u32 v23, v45;
	v23 =	vld [tilespmem:s24+$0x4380]  }
0x263: {  	v60 =	vor.u32 v25, v45;
	v25 =	vld [tilespmem:s24+$0x5080];
	v2 =	vor.u32 v59, v46  }
0x264: {  	v62 =	vor.u32 v26, v45;
	v26 =	vld [tilespmem:s24+$0x5100]  }
0x265: {  	v32 =	vor.u32 v27, v45;
	v27 =	vld [tilespmem:s24+$0x5180];
	v0 =	vmul.f32 v44, v0  }
0x266: {  	v31 =	vld [tilespmem:s24+$0x5380]  }
0x267: {  	[tilespmem:v58+s13+$0x0] =	vst.idx.add.f32.msk $0xffff, v0  }
0x268: {  	v0 =	vld.idx.msk [tilespmem:v2+s17+$0x0], $0xffff  }
0x269: {  	v48 =	vld [tilespmem:s24+$0x2300]  }
0x26a: {  	v5 =	vmul.f32 v5, v5;
	v59 =	vld [tilespmem:s24+$0x4080];
	v1 =	vmul.f32 v34, v34  }
0x26b: {  	v34 =	vld [tilespmem:s24+$0x6100]  }
0x26c: {  	v49 =	vld [tilespmem:s24+$0x2380];
	v1 =	vadd.f32 v5, v1;
	v5 =	vmul.f32 v8, v8;
	v8 =	vmul.f32 v9, v9  }
0x26d: {  	v9 =	vld [tilespmem:s24+$0x6200];
	v0 =	vmul.f32 v44, v0  }
0x26e: {  	v1 =	vadd.f32 v8, v1;
	v8 =	vld [tilespmem:s24+$0x6300]  }
0x26f: {  	[tilespmem:v60+s13+$0x0] =	vst.idx.add.f32.msk $0xffff, v0  }
0x270: {  	v0 =	vld.idx.msk [tilespmem:v61+s17+$0x0], $0xffff  }
0x271: {  	v50 =	vld [tilespmem:s24+$0x3000]  }
0x272: {  	v51 =	vld [tilespmem:s24+$0x3080]  }
0x273: {  	v63 =	vor.u32 v38, v46;
	v52 =	vld [tilespmem:s24+$0x3100]  }
0x274: {  	v53 =	vld [tilespmem:s24+$0x3180]  }
0x275: {  	v54 =	vld [tilespmem:s24+$0x3200];
	v0 =	vmul.f32 v44, v0  }
0x276: {  	v55 =	vld [tilespmem:s24+$0x3280]  }
0x277: {  	[tilespmem:v62+s13+$0x0] =	vst.idx.add.f32.msk $0xffff, v0  }
0x278: {  	v0 =	vld.idx.msk [tilespmem:v63+s17+$0x0], $0xffff  }
0x279: {  	v56 =	vld [tilespmem:s24+$0x3300]  }
0x27a: {  	v57 =	vld [tilespmem:s24+$0x3380]  }
0x27b: {  	v58 =	vld [tilespmem:s24+$0x4000]  }
0x27c: {  	v2 =	vld [tilespmem:s24+$0x100]  }
0x27d: {  	v60 =	vld [tilespmem:s24+$0x4100];
	v0 =	vmul.f32 v44, v0  }
0x27e: {  	v61 =	vld [tilespmem:s24+$0x4180]  }
0x27f: {  	v4 =	vmul.f32 v4, v4;
	[tilespmem:v32+s13+$0x0] =	vst.idx.add.f32.msk $0xffff, v0;
	v0 =	vmul.f32 v33, v33  }
0x280: {  	v62 =	vld [tilespmem:s24+$0x4200]  }
0x281: {  	v2 =	vmul.f32 v2, v2;
	v32 =	vld [tilespmem:s24+$0x6000];
	v0 =	vadd.f32 v4, v0;
	v4 =	vmul.f32 v6, v6  }
0x282: {  	v3 =	vmul.f32 v3, v3;
	v33 =	vld [tilespmem:s24+$0x6080];
	v6 =	vmul.f32 v7, v7  }
0x283: {  	v7 =	vld [tilespmem:s24+$0x6180];
	v2 =	vadd.f32 v4, v2;
	v4 =	vmul.f32 v11, v11  }
0x284: {  	v3 =	vadd.f32 v6, v3;
	v6 =	vld [tilespmem:s24+$0x6280];
	v0 =	vadd.f32 v5, v0;
	v5 =	vmul.f32 v12, v12  }
0x285: {  	v11 =	vmul.f32 v14, v14;
	v12 =	vld [tilespmem:s24+$0x6380];
	v2 =	vadd.f32 v4, v2;
	v4 =	vmul.f32 v13, v13  }
0x286: {  	v14 =	vld [tilespmem:s24+$0x7000];
	v3 =	vadd.f32 v5, v3;
	v5 =	vmul.f32 v15, v15;
	v13 =	vmul.f32 v16, v16  }
0x287: {  	v1 =	vadd.f32 v11, v1;
	v11 =	vld [tilespmem:s24+$0x7080];
	v0 =	vadd.f32 v4, v0;
	v4 =	vmul.f32 v17, v17  }
0x288: {  	s29 =	sadd.s32 $0x20, s20;
	s30 =	sadd.s32 $0x100, s21;
	v57 =	vmul.f32 v57, v57;
	v16 =	vld [tilespmem:s24+$0x7180];
	v2 =	vadd.f32 v5, v2;
	v5 =	vmul.f32 v18, v18  }
0x289: {  	s26 =	sand.u32 $0x70, s29;
	s28 =	sand.u32 $0x1C00, s30;
	v3 =	vadd.f32 v13, v3;
	v13 =	vld [tilespmem:s24+$0x7100];
	v0 =	vadd.f32 v4, v0;
	v4 =	vmul.f32 v19, v19  }
0x28a: {  	s31 =	sor.u32 s26, s28;
	v15 =	vmul.f32 v20, v20;
	v18 =	vld [tilespmem:s24+$0x7200];
	v1 =	vadd.f32 v5, v1;
	v5 =	vmul.f32 v21, v21  }
0x28b: {  	v17 =	vmul.f32 v47, v47;
	v47 =	vld [tilespmem:s31+$0x0];
	v2 =	vadd.f32 v4, v2;
	v4 =	vmul.f32 v48, v48  }
0x28c: {  	v3 =	vadd.f32 v15, v3;
	v15 =	vld [tilespmem:s24+$0x7280];
	v0 =	vadd.f32 v5, v0;
	v5 =	vmul.f32 v49, v49  }
0x28d: {  	v20 =	vmul.f32 v51, v51;
	v19 =	vld [tilespmem:s24+$0x7380];
	v2 =	vadd.f32 v4, v2;
	v4 =	vmul.f32 v50, v50  }
0x28e: {  	v1 =	vadd.f32 v17, v1;
	v17 =	vld [tilespmem:s24+$0x7300];
	v3 =	vadd.f32 v5, v3;
	v5 =	vmul.f32 v52, v52  }
0x28f: {  	v21 =	vmul.f32 v53, v53;
	v49 =	vld [tilespmem:s31+$0x180];
	v0 =	vadd.f32 v4, v0;
	v4 =	vmul.f32 v54, v54  }
0x290: {  	v1 =	vadd.f32 v20, v1;
	v20 =	vld [tilespmem:s31+$0x80];
	v2 =	vadd.f32 v5, v2;
	v5 =	vmul.f32 v55, v55  }
0x291: {  	s25 =	sor.u32 s30, s29;
	v3 =	vadd.f32 v21, v3;
	v21 =	vld [tilespmem:s31+$0x100];
	v0 =	vadd.f32 v4, v0;
	v4 =	vmul.f32 v56, v56  }
0x292: {  	s25 =	sor.u32 $0x380, s25;
	v1 =	vadd.f32 v5, v1;
	v5 =	vmul.f32 v58, v58;
	v58 =	vmul.f32 v59, v59;
	v59 =	vld [tilespmem:s31+$0x200]  }
0x293: {  	v56 =	vld [tilespmem:s25+$0x0]  }
0x294: {  	v3 =	vadd.f32 v57, v3;
	v57 =	vld [tilespmem:s31+$0x3180];
	v2 =	vadd.f32 v4, v2;
	v4 =	vmul.f32 v60, v60  }
0x295: {  	v42 =	vmul.f32 v42, v42;
	v60 =	vld [tilespmem:s31+$0x280];
	v0 =	vadd.f32 v5, v0;
	v5 =	vmul.f32 v61, v61  }
0x296: {  	v1 =	vadd.f32 v58, v1;
	v61 =	vld [tilespmem:s31+$0x300];
	v2 =	vadd.f32 v4, v2;
	v4 =	vmul.f32 v62, v62  }
0x297: {  	v3 =	vadd.f32 v5, v3;
	v5 =	vmul.f32 v22, v22;
	v22 =	vmul.f32 v23, v23;
	v23 =	vld [tilespmem:s31+$0x1000]  }
0x298: {  	v1 =	vadd.f32 v42, v1;
	v42 =	vld [tilespmem:$0x1F980]  }
0x299: {  	v0 =	vadd.f32 v4, v0;
	v4 =	vmul.f32 v24, v24;
	v24 =	vld [tilespmem:s31+$0x1080];
	v2 =	vadd.f32 v5, v2  }
0x29a: {  	v3 =	vadd.f32 v22, v3;
	v5 =	vmul.f32 v25, v25;
	v22 =	vld [tilespmem:s31+$0x1100];
	v25 =	vmul.f32 v27, v27  }
0x29b: {  	v27 =	vmul.f32 v29, v29;
	v29 =	vmul.f32 v33, v33;
	v33 =	vld [tilespmem:$0x1F970]  }
0x29c: {  	v0 =	vadd.f32 v4, v0;
	v4 =	vmul.f32 v26, v26;
	v26 =	vld [tilespmem:s31+$0x1180]  }
0x29d: {  	v1 =	vadd.f32 v5, v1;
	v5 =	vmul.f32 v28, v28;
	v28 =	vld [tilespmem:s31+$0x1200]  }
0x29e: {  	v3 =	vadd.f32 v25, v3;
	v25 =	vld [tilespmem:s31+$0x1280]  }
0x29f: {  	v1 =	vadd.f32 v27, v1;
	v27 =	vld [tilespmem:s31+$0x1300]  }
0x2a0: {  	v2 =	vadd.f32 v4, v2;
	v4 =	vmul.f32 v30, v30;
	v30 =	vld [tilespmem:s31+$0x1380]  }
0x2a1: {  	v0 =	vadd.f32 v5, v0;
	v5 =	vmul.f32 v31, v31;
	v31 =	vld [tilespmem:s31+$0x2000]  }
0x2a2: {  	v7 =	vmul.f32 v7, v7;
	v2 =	vadd.f32 v4, v2;
	v4 =	vmul.f32 v32, v32;
	v32 =	vld [tilespmem:$0x1F960]  }
0x2a3: {  	v3 =	vadd.f32 v5, v3;
	v5 =	vmul.f32 v34, v34;
	v1 =	vadd.f32 v29, v1;
	v29 =	vld [tilespmem:s31+$0x3380]  }
0x2a4: {  	v11 =	vmul.f32 v11, v11;
	v0 =	vadd.f32 v4, v0;
	v4 =	vmul.f32 v9, v9;
	v9 =	vld [tilespmem:s31+$0x2080]  }
0x2a5: {  	v2 =	vadd.f32 v5, v2;
	v3 =	vadd.f32 v7, v3;
	v5 =	vmul.f32 v6, v6;
	v6 =	vld [tilespmem:s31+$0x2100]  }
0x2a6: {  	v7 =	vmul.f32 v12, v12;
	v12 =	vld [tilespmem:s31+$0x2200];
	v0 =	vadd.f32 v4, v0;
	v4 =	vmul.f32 v8, v8  }
0x2a7: {  	v58 =	vmul.f32 v49, v49;
	v8 =	vld [tilespmem:s31+$0x2180];
	v1 =	vadd.f32 v5, v1;
	v5 =	vmul.f32 v14, v14  }
0x2a8: {  	v3 =	vadd.f32 v7, v3;
	v7 =	vld [tilespmem:s31+$0x2280];
	v2 =	vadd.f32 v4, v2;
	v4 =	vmul.f32 v13, v13  }
0x2a9: {  	v14 =	vld [tilespmem:s31+$0x2380];
	v0 =	vadd.f32 v5, v0;
	v1 =	vadd.f32 v11, v1;
	v5 =	vmul.f32 v16, v16  }
0x2aa: {  	v11 =	vld [tilespmem:s31+$0x2300];
	v13 =	vmul.f32 v15, v15;
	v2 =	vadd.f32 v4, v2;
	v4 =	vmul.f32 v18, v18  }
0x2ab: {  	v15 =	vmul.f32 v19, v19;
	v19 =	vld [tilespmem:s31+$0x3280];
	v3 =	vadd.f32 v5, v3;
	v5 =	vmul.f32 v17, v17  }
0x2ac: {  	v16 =	vld [tilespmem:s31+$0x3000];
	v1 =	vadd.f32 v13, v1;
	v13 =	vmul.f32 v20, v20;
	v0 =	vadd.f32 v4, v0  }
0x2ad: {  	v17 =	vmul.f32 v21, v21;
	v20 =	vld [tilespmem:s31+$0x3300];
	v2 =	vadd.f32 v5, v2;
	v3 =	vadd.f32 v15, v3  }
0x2ae: {  	v18 =	vmul.f32 v59, v59;
	v59 =	vmul.f32 v60, v60;
	v4 =	vld [tilespmem:s31+$0x3080]  }
0x2af: {  	v5 =	vld [tilespmem:s31+$0x3100];
	v0 =	vadd.f32 v1, v0;
	v2 =	vadd.f32 v3, v2;
	v3 =	vmul.f32 v47, v47  }
0x2b0: {  	v21 =	vmul.f32 v56, v56;
	v15 =	vld [tilespmem:s31+$0x3200];
	v60 =	vmul.f32 v19, v19  }
0x2b1: {  	v19 =	vld [tilespmem:s31+$0x6000];
	v47 =	vadd.f32 v2, v0;
	v3 =	vadd.f32 v18, v3;
	v18 =	vmul.f32 v61, v61  }
0x2b2: {  	v2 =	vadd.f32 v59, v13;
	v13 =	vmul.f32 v23, v23;
	v23 =	vmul.f32 v24, v24;
	v24 =	vld [tilespmem:s31+$0x4000]  }
0x2b3: {  	v0 =	vadd.f32 v21, v58;
	v21 =	vld [tilespmem:s31+$0x4080]  }
0x2b4: {  	v17 =	vadd.f32 v18, v17;
	v18 =	vmul.f32 v22, v22;
	v3 =	vadd.f32 v13, v3;
	v22 =	vld [tilespmem:s31+$0x4100]  }
0x2b5: {  	v2 =	vadd.f32 v23, v2;
	v13 =	vmul.f32 v26, v26;
	v23 =	vmul.f32 v25, v25;
	v25 =	vld [tilespmem:s31+$0x4180]  }
0x2b6: {  	v26 =	vmul.f32 v30, v30;
	v30 =	vld [tilespmem:$0x1F910];
	v17 =	vadd.f32 v18, v17  }
0x2b7: {  	v18 =	vmul.f32 v28, v28;
	v0 =	vadd.f32 v13, v0;
	v13 =	vmul.f32 v27, v27;
	v27 =	vld [tilespmem:s31+$0x4200]  }
0x2b8: {  	v9 =	vmul.f32 v9, v9;
	v6 =	vmul.f32 v6, v6;
	v2 =	vadd.f32 v23, v2;
	v23 =	vld [tilespmem:s31+$0x4280]  }
0x2b9: {  	v8 =	vmul.f32 v8, v8;
	v3 =	vadd.f32 v18, v3;
	v18 =	vmul.f32 v31, v31;
	v31 =	vld [tilespmem:$0x1F950]  }
0x2ba: {  	v7 =	vmul.f32 v7, v7;
	v13 =	vadd.f32 v13, v17;
	v0 =	vadd.f32 v26, v0;
	v17 =	vld [tilespmem:s31+$0x4300]  }
0x2bb: {  	v2 =	vadd.f32 v9, v2;
	v9 =	vmul.f32 v12, v12;
	v12 =	vld [tilespmem:s31+$0x5000];
	v3 =	vadd.f32 v18, v3  }
0x2bc: {  	v18 =	vld [tilespmem:s31+$0x4380];
	v6 =	vadd.f32 v6, v13;
	v0 =	vadd.f32 v8, v0;
	v8 =	vmul.f32 v11, v11  }
0x2bd: {  	v4 =	vmul.f32 v4, v4;
	v11 =	vld [tilespmem:s31+$0x5080];
	v2 =	vadd.f32 v7, v2;
	v7 =	vmul.f32 v14, v14  }
0x2be: {  	v13 =	vld [tilespmem:s31+$0x5180];
	v3 =	vadd.f32 v9, v3;
	v6 =	vadd.f32 v8, v6;
	v8 =	vmul.f32 v16, v16  }
0x2bf: {  	v1 =	vmul.f32 v57, v57;
	v5 =	vmul.f32 v5, v5;
	v9 =	vld [tilespmem:s31+$0x5100];
	v0 =	vadd.f32 v7, v0  }
0x2c0: {  	v7 =	vld [tilespmem:s31+$0x5200];
	v2 =	vadd.f32 v4, v2;
	v4 =	vmul.f32 v15, v15;
	v3 =	vadd.f32 v8, v3  }
0x2c1: {  	v14 =	vmul.f32 v29, v29;
	v15 =	vld [tilespmem:s31+$0x5380];
	v16 =	vmul.f32 v21, v21;
	v5 =	vadd.f32 v5, v6  }
0x2c2: {  	v21 =	vld [tilespmem:s31+$0x6180];
	v0 =	vadd.f32 v1, v0;
	v3 =	vadd.f32 v4, v3;
	v4 =	vmul.f32 v20, v20  }
0x2c3: {  	v61 =	vmul.f32 v24, v24;
	v8 =	vld [tilespmem:s31+$0x5280];
	v1 =	vadd.f32 v60, v2  }
0x2c4: {  	v6 =	vld [tilespmem:s31+$0x5300];
	v0 =	vadd.f32 v14, v0;
	v4 =	vadd.f32 v4, v5;
	v5 =	vmul.f32 v22, v22  }
0x2c5: {  	v14 =	vld [tilespmem:s31+$0x6080];
	v1 =	vadd.f32 v16, v1;
	v2 =	vadd.f32 v61, v3;
	v3 =	vmul.f32 v25, v25  }
0x2c6: {  	v16 =	vld [tilespmem:s31+$0x6100];
	v20 =	vmul.f32 v23, v23;
	v4 =	vadd.f32 v5, v4;
	v5 =	vmul.f32 v27, v27  }
0x2c7: {  	v0 =	vadd.f32 v3, v0;
	v3 =	vmul.f32 v17, v17;
	v17 =	vmul.f32 v18, v18;
	v18 =	vld [tilespmem:s31+$0x6200]  }
0x2c8: {  	v1 =	vadd.f32 v20, v1;
	v2 =	vadd.f32 v5, v2;
	v5 =	vmul.f32 v12, v12;
	v12 =	vld [tilespmem:s31+$0x6280]  }
0x2c9: {  	v3 =	vadd.f32 v3, v4;
	v0 =	vadd.f32 v17, v0;
	v4 =	vmul.f32 v11, v11;
	v11 =	vld [tilespmem:s31+$0x6300]  }
0x2ca: {  	v2 =	vadd.f32 v5, v2;
	v5 =	vmul.f32 v9, v9;
	v9 =	vmul.f32 v13, v13;
	v13 =	vld [tilespmem:s31+$0x6380]  }
0x2cb: {  	v1 =	vadd.f32 v4, v1;
	v4 =	vmul.f32 v7, v7;
	v7 =	vmul.f32 v8, v8;
	v8 =	vld [tilespmem:s31+$0x7000]  }
0x2cc: {  	v3 =	vadd.f32 v5, v3;
	v0 =	vadd.f32 v9, v0;
	v5 =	vmul.f32 v6, v6;
	v6 =	vld [tilespmem:s31+$0x7080]  }
0x2cd: {  	v2 =	vadd.f32 v4, v2;
	v1 =	vadd.f32 v7, v1;
	v4 =	vmul.f32 v15, v15;
	v7 =	vld [tilespmem:s31+$0x7100]  }
0x2ce: {  	v9 =	vmul.f32 v14, v14;
	v14 =	vld [tilespmem:s31+$0x7180];
	v3 =	vadd.f32 v5, v3;
	v5 =	vmul.f32 v19, v19  }
0x2cf: {  	v15 =	vmul.f32 v21, v21;
	v0 =	vadd.f32 v4, v0;
	v4 =	vmul.f32 v16, v16;
	v16 =	vld [tilespmem:s31+$0x7200]  }
0x2d0: {  	v1 =	vadd.f32 v9, v1;
	v9 =	vld [tilespmem:s31+$0x7280];
	v2 =	vadd.f32 v5, v2;
	v5 =	vmul.f32 v18, v18  }
0x2d1: {  	v3 =	vadd.f32 v4, v3;
	v0 =	vadd.f32 v15, v0;
	v4 =	vmul.f32 v12, v12;
	v12 =	vld [tilespmem:s31+$0x7300]  }
0x2d2: {  	v2 =	vadd.f32 v5, v2;
	v5 =	vmul.f32 v11, v11;
	v11 =	vmul.f32 v13, v13;
	v13 =	vld [tilespmem:s31+$0x7380]  }
0x2d3: {  	v6 =	vmul.f32 v6, v6;
	v1 =	vadd.f32 v4, v1;
	v4 =	vmul.f32 v8, v8  }
0x2d4: {  	v3 =	vadd.f32 v5, v3;
	v0 =	vadd.f32 v11, v0;
	v5 =	vmul.f32 v7, v7  }
0x2d5: {  	v2 =	vadd.f32 v4, v2;
	v1 =	vadd.f32 v6, v1;
	v4 =	vmul.f32 v14, v14  }
0x2d6: {  	v6 =	vmul.f32 v9, v9;
	v3 =	vadd.f32 v5, v3;
	v5 =	vmul.f32 v16, v16  }
0x2d7: {  	v0 =	vadd.f32 v4, v0;
	v4 =	vmul.f32 v12, v12;
	v7 =	vmul.f32 v13, v13  }
0x2d8: {  	v1 =	vadd.f32 v6, v1;
	v2 =	vadd.f32 v5, v2  }
0x2d9: {  	v5 =	vmax.f32 v47, $1.000000020e-24;
	v3 =	vadd.f32 v4, v3;
	v0 =	vadd.f32 v7, v0  }
0x2da: {  	v4 =	vshra.s32 v5, $0x1  }
0x2db: {  	v5 =	vmul.f32 $5.000000000e-01, v5;
	v1 =	vadd.f32 v1, v2;
	v0 =	vadd.f32 v0, v3  }
0x2dc: {  	v62 =	vsub.s32 $0x5F3759DF, v4  }
0x2dd: {  	v3 =	vmul.f32 v62, v5;
	v55 =	vadd.f32 v0, v1;
	_ =	sdelay $0x1  }
0x2de: {  	v63 =	vmul.f32 v62, v3;
	v1 =	vmax.f32 v55, $1.000000020e-24  }
0x2df: {  	v3 =	vshra.s32 v1, $0x1;
	v1 =	vmul.f32 $5.000000000e-01, v1  }
0x2e0: {  	v0 =	vsub.f32 $1.500000000e+00, v63;
	v3 =	vsub.s32 $0x5F3759DF, v3  }
0x2e1: {  	v4 =	vmul.f32 v3, v1  }
0x2e2: {  	v0 =	vmul.f32 v62, v0  }
0x2e3: {  	v34 =	vmul.f32 v3, v4  }
0x2e4: {  	v4 =	vmul.f32 v0, v5  }
0x2e5: {  	v2 =	vsub.f32 $1.500000000e+00, v34  }
0x2e6: {  	v6 =	vmov s22;
	v4 =	vmul.f32 v4, v0  }
0x2e7: {  	v6 =	vshll.u32 v6, $0x3;
	v7 =	vor.u32 s22, v10;
	v2 =	vmul.f32 v3, v2  }
0x2e8: {  	v6 =	vand.u32 $0x1C00, v6;
	v3 =	vsub.f32 $1.500000000e+00, v4;
	v4 =	vand.u32 $0x7F, v7  }
0x2e9: {  	v63 =	vor.u32 v4, v6;
	v4 =	vmul.f32 v2, v1  }
0x2ea: {  	v0 =	vmul.f32 v3, v0;
	v6 =	vadd.s32 v30, v63  }
0x2eb: {  	v3 =	vmul.f32 v4, v2;
	v4 =	vmov s29  }
0x2ec: {  	v8 =	vor.u32 s29, v10;
	v5 =	vmul.f32 v0, v5;
	v4 =	vshll.u32 v4, $0x3  }
0x2ed: {  	v9 =	vsub.f32 $1.500000000e+00, v3;
	v3 =	vand.u32 $0x7F, v8;
	v4 =	vand.u32 $0x1C00, v4  }
0x2ee: {  	v7 =	vld [tilespmem:s19+$0x0];
	v3 =	vor.u32 v3, v4  }
0x2ef: {  	v4 =	vmul.f32 v5, v0;
	v5 =	vld.idx.msk [tilespmem:v6+s17+$0x0], $0xffff;
	v6 =	vmul.f32 v9, v2;
	v8 =	vadd.s32 v30, v3;
	_ =	sdelay $0x1  }
0x2f0: {  	v1 =	vmul.f32 v6, v1;
	_ =	sdelay $0x1  }
0x2f1: {  	v9 =	vld [tilespmem:s19+$0x10];
	v1 =	vmul.f32 v1, v6  }
0x2f2: {  	v2 =	vshll.u32 v7, $0x7;
	v7 =	vld.idx.msk [tilespmem:v8+s17+$0x0], $0xffff  }
0x2f3: {  	v4 =	vsub.f32 $1.500000000e+00, v4;
	v1 =	vsub.f32 $1.500000000e+00, v1  }
0x2f4: {  	v58 =	vor.u32 v10, v2  }
0x2f5: {  	v0 =	vmul.f32 v4, v0;
	v4 =	vadd.s32 v40, v63;
	v1 =	vmul.f32 v1, v6  }
0x2f6: {  	v8 =	vshll.u32 v9, $0x7  }
0x2f7: {  	v5 =	vmul.f32 v0, v5;
	v59 =	vor.u32 v10, v8;
	v6 =	vmul.f32 v1, v7;
	v7 =	vld [tilespmem:$0x1FD80];
	_ =	sdelay $0x1  }
0x2f8: {  	[tilespmem:v58+s13+$0x0] =	vst.idx.add.f32.msk $0xffff, v5  }
0x2f9: {  	v4 =	vld.idx.msk [tilespmem:v4+s17+$0x0], $0xffff  }
0x2fa: {  	v5 =	vadd.s32 v40, v3  }
0x2fb: {  	[tilespmem:v59+s13+$0x0] =	vst.idx.add.f32.msk $0xffff, v6;
	v7 =	vor.u32 v7, v2  }
0x2fc: {  	v9 =	vadd.s32 v35, v63;
	v6 =	vld [tilespmem:$0x1FD80];
	_ =	sdelay $0x1  }
0x2fd: {  	v4 =	vmul.f32 v0, v4  }
0x2fe: {  	v5 =	vld.idx.msk [tilespmem:v5+s17+$0x0], $0xffff  }
0x2ff: {  	[tilespmem:v7+s13+$0x0] =	vst.idx.add.f32.msk $0xffff, v4  }
0x300: {  	v6 =	vor.u32 v6, v8;
	v7 =	vld.idx.msk [tilespmem:v9+s17+$0x0], $0xffff  }
0x301: {  	v9 =	vld [tilespmem:$0x1FF60];
	_ =	sdelay $0x1  }
0x302: {  	v5 =	vmul.f32 v1, v5  }
0x303: {  	v4 =	vadd.s32 v35, v3  }
0x304: {  	[tilespmem:v6+s13+$0x0] =	vst.idx.add.f32.msk $0xffff, v5  }
0x305: {  	v6 =	vld [tilespmem:$0x1FF60];
	v9 =	vor.u32 v9, v2;
	_ =	sdelay $0x2  }
0x306: {  	v4 =	vld.idx.msk [tilespmem:v4+s17+$0x0], $0xffff;
	v5 =	vmul.f32 v0, v7  }
0x307: {  	v11 =	vadd.s32 v39, v63  }
0x308: {  	v6 =	vor.u32 v6, v8;
	[tilespmem:v9+s13+$0x0] =	vst.idx.add.f32.msk $0xffff, v5  }
0x309: {  	v9 =	vld [tilespmem:$0x1FF70];
	_ =	sdelay $0x1  }
0x30a: {  	v4 =	vmul.f32 v1, v4  }
0x30b: {  	v5 =	vadd.s32 v39, v3;
	v7 =	vld.idx.msk [tilespmem:v11+s17+$0x0], $0xffff  }
0x30c: {  	[tilespmem:v6+s13+$0x0] =	vst.idx.add.f32.msk $0xffff, v4  }
0x30d: {  	v6 =	vld [tilespmem:$0x1FF70];
	v9 =	vor.u32 v9, v2;
	_ =	sdelay $0x2  }
0x30e: {  	v4 =	vld.idx.msk [tilespmem:v5+s17+$0x0], $0xffff;
	v5 =	vmul.f32 v0, v7  }
0x30f: {  	v11 =	vadd.s32 v31, v63  }
0x310: {  	v6 =	vor.u32 v6, v8;
	[tilespmem:v9+s13+$0x0] =	vst.idx.add.f32.msk $0xffff, v5  }
0x311: {  	v9 =	vld [tilespmem:$0x1FF80];
	_ =	sdelay $0x1  }
0x312: {  	v4 =	vmul.f32 v1, v4  }
0x313: {  	v5 =	vadd.s32 v31, v3;
	v7 =	vld.idx.msk [tilespmem:v11+s17+$0x0], $0xffff  }
0x314: {  	[tilespmem:v6+s13+$0x0] =	vst.idx.add.f32.msk $0xffff, v4  }
0x315: {  	v6 =	vld [tilespmem:$0x1FF80];
	v9 =	vor.u32 v9, v2;
	_ =	sdelay $0x2  }
0x316: {  	v4 =	vld.idx.msk [tilespmem:v5+s17+$0x0], $0xffff;
	v5 =	vmul.f32 v0, v7  }
0x317: {  	v11 =	vadd.s32 v32, v63  }
0x318: {  	v6 =	vor.u32 v6, v8;
	[tilespmem:v9+s13+$0x0] =	vst.idx.add.f32.msk $0xffff, v5  }
0x319: {  	v9 =	vld [tilespmem:$0x1FBD0];
	_ =	sdelay $0x1  }
0x31a: {  	v4 =	vmul.f32 v1, v4  }
0x31b: {  	v5 =	vadd.s32 v32, v3;
	v7 =	vld.idx.msk [tilespmem:v11+s17+$0x0], $0xffff  }
0x31c: {  	[tilespmem:v6+s13+$0x0] =	vst.idx.add.f32.msk $0xffff, v4  }
0x31d: {  	v6 =	vld [tilespmem:$0x1FBD0];
	v9 =	vor.u32 v9, v2;
	_ =	sdelay $0x2  }
0x31e: {  	v4 =	vld.idx.msk [tilespmem:v5+s17+$0x0], $0xffff;
	v5 =	vmul.f32 v0, v7  }
0x31f: {  	v11 =	vadd.s32 v33, v63  }
0x320: {  	v6 =	vor.u32 v6, v8;
	[tilespmem:v9+s13+$0x0] =	vst.idx.add.f32.msk $0xffff, v5  }
0x321: {  	v9 =	vld [tilespmem:$0x1FBE0];
	_ =	sdelay $0x1  }
0x322: {  	v4 =	vmul.f32 v1, v4  }
0x323: {  	v5 =	vadd.s32 v33, v3;
	v7 =	vld.idx.msk [tilespmem:v11+s17+$0x0], $0xffff  }
0x324: {  	[tilespmem:v6+s13+$0x0] =	vst.idx.add.f32.msk $0xffff, v4  }
0x325: {  	v6 =	vld [tilespmem:$0x1FBE0];
	v9 =	vor.u32 v9, v2;
	_ =	sdelay $0x2  }
0x326: {  	v4 =	vld.idx.msk [tilespmem:v5+s17+$0x0], $0xffff;
	v5 =	vmul.f32 v0, v7  }
0x327: {  	v11 =	vadd.s32 v42, v63  }
0x328: {  	v6 =	vor.u32 v6, v8;
	[tilespmem:v9+s13+$0x0] =	vst.idx.add.f32.msk $0xffff, v5  }
0x329: {  	v9 =	vld [tilespmem:$0x1FBF0];
	_ =	sdelay $0x1  }
0x32a: {  	v4 =	vmul.f32 v1, v4  }
0x32b: {  	v5 =	vadd.s32 v42, v3;
	v7 =	vld.idx.msk [tilespmem:v11+s17+$0x0], $0xffff  }
0x32c: {  	[tilespmem:v6+s13+$0x0] =	vst.idx.add.f32.msk $0xffff, v4  }
0x32d: {  	v6 =	vld [tilespmem:$0x1FBF0];
	v9 =	vor.u32 v9, v2  }
0x32e: {  	v11 =	vadd.s32 v38, v63;
	_ =	sdelay $0x1  }
0x32f: {  	v4 =	vld.idx.msk [tilespmem:v5+s17+$0x0], $0xffff;
	v5 =	vmul.f32 v0, v7;
	_ =	sdelay $0x1  }
0x330: {  	v6 =	vor.u32 v6, v8;
	[tilespmem:v9+s13+$0x0] =	vst.idx.add.f32.msk $0xffff, v5  }
0x331: {  	v5 =	vadd.s32 v38, v3;
	v7 =	vld.idx.msk [tilespmem:v11+s17+$0x0], $0xffff  }
0x332: {  	v11 =	vld [tilespmem:$0x1FC00]  }
0x333: {  	v13 =	vld [tilespmem:$0x1F9A0];
	v4 =	vmul.f32 v1, v4;
	_ =	sdelay $0x1  }
0x334: {  	[tilespmem:v6+s13+$0x0] =	vst.idx.add.f32.msk $0xffff, v4  }
0x335: {  	v4 =	vld.idx.msk [tilespmem:v5+s17+$0x0], $0xffff  }
0x336: {  	v11 =	vor.u32 v11, v2;
	v5 =	vmul.f32 v0, v7;
	v7 =	vld [tilespmem:$0x1FC00]  }
0x337: {  	v12 =	vadd.s32 v13, v63;
	_ =	sdelay $0x1  }
0x338: {  	v16 =	vld [tilespmem:$0x1FC10]  }
0x339: {  	v15 =	vld [tilespmem:$0x1F9B0];
	v9 =	vor.u32 v13, v46  }
0x33a: {  	v7 =	vor.u32 v7, v8;
	[tilespmem:v11+s13+$0x0] =	vst.idx.add.f32.msk $0xffff, v5  }
0x33b: {  	v5 =	vadd.s32 v13, v3;
	v11 =	vld.idx.msk [tilespmem:v12+s17+$0x0], $0xffff;
	_ =	sdelay $0x1  }
0x33c: {  	v4 =	vmul.f32 v1, v4;
	v13 =	vor.u32 v16, v2  }
0x33d: {  	v6 =	vld.idx.msk [tilespmem:v9+s17+$0x0], $0xffff  }
0x33e: {  	v14 =	vadd.s32 v15, v63;
	[tilespmem:v7+s13+$0x0] =	vst.idx.add.f32.msk $0xffff, v4  }
0x33f: {  	v4 =	vld.idx.msk [tilespmem:v5+s17+$0x0], $0xffff;
	v5 =	vmul.f32 v0, v11  }
0x340: {  	v9 =	vor.u32 v16, v45;
	v7 =	vor.u32 v16, v8;
	v16 =	vld [tilespmem:$0x1FC20]  }
0x341: {  	v12 =	vor.u32 v15, v46;
	[tilespmem:v13+s13+$0x0] =	vst.idx.add.f32.msk $0xffff, v5  }
0x342: {  	v5 =	vadd.s32 v15, v3;
	v15 =	vld [tilespmem:$0x1F9C0]  }
0x343: {  	v6 =	vmul.f32 v44, v6;
	v11 =	vld.idx.msk [tilespmem:v14+s17+$0x0], $0xffff;
	_ =	sdelay $0x1  }
0x344: {  	[tilespmem:v9+s13+$0x0] =	vst.idx.add.f32.msk $0xffff, v6;
	v13 =	vor.u32 v16, v2;
	v4 =	vmul.f32 v1, v4  }
0x345: {  	v6 =	vld.idx.msk [tilespmem:v12+s17+$0x0], $0xffff  }
0x346: {  	v14 =	vadd.s32 v15, v63;
	[tilespmem:v7+s13+$0x0] =	vst.idx.add.f32.msk $0xffff, v4  }
0x347: {  	v4 =	vld.idx.msk [tilespmem:v5+s17+$0x0], $0xffff;
	v5 =	vmul.f32 v0, v11  }
0x348: {  	v9 =	vor.u32 v16, v45;
	v7 =	vor.u32 v16, v8;
	v16 =	vld [tilespmem:$0x1FC30]  }
0x349: {  	v12 =	vor.u32 v15, v46;
	[tilespmem:v13+s13+$0x0] =	vst.idx.add.f32.msk $0xffff, v5  }
0x34a: {  	v5 =	vadd.s32 v15, v3;
	v15 =	vld [tilespmem:$0x1F9D0]  }
0x34b: {  	v6 =	vmul.f32 v44, v6;
	v11 =	vld.idx.msk [tilespmem:v14+s17+$0x0], $0xffff;
	_ =	sdelay $0x1  }
0x34c: {  	[tilespmem:v9+s13+$0x0] =	vst.idx.add.f32.msk $0xffff, v6;
	v13 =	vor.u32 v16, v2;
	v4 =	vmul.f32 v1, v4  }
0x34d: {  	v6 =	vld.idx.msk [tilespmem:v12+s17+$0x0], $0xffff  }
0x34e: {  	v14 =	vadd.s32 v15, v63;
	[tilespmem:v7+s13+$0x0] =	vst.idx.add.f32.msk $0xffff, v4  }
0x34f: {  	v4 =	vld.idx.msk [tilespmem:v5+s17+$0x0], $0xffff;
	v5 =	vmul.f32 v11, v0  }
0x350: {  	v9 =	vor.u32 v16, v45;
	v7 =	vor.u32 v16, v8;
	v16 =	vld [tilespmem:$0x1FC40]  }
0x351: {  	v12 =	vor.u32 v15, v46;
	[tilespmem:v13+s13+$0x0] =	vst.idx.add.f32.msk $0xffff, v5  }
0x352: {  	v5 =	vadd.s32 v15, v3;
	v15 =	vld [tilespmem:$0x1F9E0]  }
0x353: {  	v6 =	vmul.f32 v6, v44;
	v11 =	vld.idx.msk [tilespmem:v14+s17+$0x0], $0xffff;
	_ =	sdelay $0x1  }
0x354: {  	[tilespmem:v9+s13+$0x0] =	vst.idx.add.f32.msk $0xffff, v6;
	v13 =	vor.u32 v16, v2;
	v4 =	vmul.f32 v4, v1  }
0x355: {  	v6 =	vld.idx.msk [tilespmem:v12+s17+$0x0], $0xffff  }
0x356: {  	[tilespmem:v7+s13+$0x0] =	vst.idx.add.f32.msk $0xffff, v4;
	v14 =	vadd.s32 v15, v63  }
0x357: {  	v4 =	vld.idx.msk [tilespmem:v5+s17+$0x0], $0xffff;
	v5 =	vmul.f32 v11, v0  }
0x358: {  	v9 =	vor.u32 v16, v45;
	v7 =	vor.u32 v16, v8;
	v16 =	vld [tilespmem:$0x1FC50]  }
0x359: {  	v12 =	vor.u32 v15, v46;
	[tilespmem:v13+s13+$0x0] =	vst.idx.add.f32.msk $0xffff, v5  }
0x35a: {  	v5 =	vadd.s32 v15, v3;
	v15 =	vld [tilespmem:$0x1F9F0]  }
0x35b: {  	v6 =	vmul.f32 v6, v44;
	v11 =	vld.idx.msk [tilespmem:v14+s17+$0x0], $0xffff;
	_ =	sdelay $0x1  }
0x35c: {  	[tilespmem:v9+s13+$0x0] =	vst.idx.add.f32.msk $0xffff, v6;
	v13 =	vor.u32 v16, v2;
	v4 =	vmul.f32 v4, v1  }
0x35d: {  	v6 =	vld.idx.msk [tilespmem:v12+s17+$0x0], $0xffff  }
0x35e: {  	[tilespmem:v7+s13+$0x0] =	vst.idx.add.f32.msk $0xffff, v4;
	v14 =	vadd.s32 v15, v63  }
0x35f: {  	v4 =	vld.idx.msk [tilespmem:v5+s17+$0x0], $0xffff;
	v5 =	vmul.f32 v11, v0  }
0x360: {  	v9 =	vor.u32 v16, v45;
	v7 =	vor.u32 v16, v8;
	v16 =	vld [tilespmem:$0x1FC60]  }
0x361: {  	v12 =	vor.u32 v15, v46;
	[tilespmem:v13+s13+$0x0] =	vst.idx.add.f32.msk $0xffff, v5  }
0x362: {  	v5 =	vadd.s32 v15, v3;
	v15 =	vld [tilespmem:$0x1FA00]  }
0x363: {  	v6 =	vmul.f32 v6, v44;
	v11 =	vld.idx.msk [tilespmem:v14+s17+$0x0], $0xffff;
	_ =	sdelay $0x1  }
0x364: {  	[tilespmem:v9+s13+$0x0] =	vst.idx.add.f32.msk $0xffff, v6;
	v13 =	vor.u32 v16, v2;
	v4 =	vmul.f32 v4, v1  }
0x365: {  	v6 =	vld.idx.msk [tilespmem:v12+s17+$0x0], $0xffff  }
0x366: {  	[tilespmem:v7+s13+$0x0] =	vst.idx.add.f32.msk $0xffff, v4;
	v14 =	vadd.s32 v15, v63  }
0x367: {  	v4 =	vld.idx.msk [tilespmem:v5+s17+$0x0], $0xffff;
	v5 =	vmul.f32 v11, v0  }
0x368: {  	v9 =	vor.u32 v16, v45;
	v7 =	vor.u32 v16, v8;
	v16 =	vld [tilespmem:$0x1FC70]  }
0x369: {  	v12 =	vor.u32 v15, v46;
	[tilespmem:v13+s13+$0x0] =	vst.idx.add.f32.msk $0xffff, v5  }
0x36a: {  	v5 =	vadd.s32 v15, v3;
	v15 =	vld [tilespmem:$0x1FA10]  }
0x36b: {  	v6 =	vmul.f32 v6, v44;
	v11 =	vld.idx.msk [tilespmem:v14+s17+$0x0], $0xffff;
	_ =	sdelay $0x1  }
0x36c: {  	[tilespmem:v9+s13+$0x0] =	vst.idx.add.f32.msk $0xffff, v6;
	v13 =	vor.u32 v16, v2;
	v4 =	vmul.f32 v4, v1  }
0x36d: {  	v6 =	vld.idx.msk [tilespmem:v12+s17+$0x0], $0xffff  }
0x36e: {  	[tilespmem:v7+s13+$0x0] =	vst.idx.add.f32.msk $0xffff, v4;
	v14 =	vadd.s32 v15, v63  }
0x36f: {  	v4 =	vld.idx.msk [tilespmem:v5+s17+$0x0], $0xffff;
	v5 =	vmul.f32 v11, v0  }
0x370: {  	v9 =	vor.u32 v16, v45;
	v7 =	vor.u32 v16, v8;
	v16 =	vld [tilespmem:$0x1FC80]  }
0x371: {  	v12 =	vor.u32 v15, v46;
	[tilespmem:v13+s13+$0x0] =	vst.idx.add.f32.msk $0xffff, v5  }
0x372: {  	v5 =	vadd.s32 v15, v3;
	v15 =	vld [tilespmem:$0x1FA20]  }
0x373: {  	v6 =	vmul.f32 v6, v44;
	v11 =	vld.idx.msk [tilespmem:v14+s17+$0x0], $0xffff;
	_ =	sdelay $0x1  }
0x374: {  	[tilespmem:v9+s13+$0x0] =	vst.idx.add.f32.msk $0xffff, v6;
	v13 =	vor.u32 v16, v2;
	v4 =	vmul.f32 v4, v1  }
0x375: {  	v6 =	vld.idx.msk [tilespmem:v12+s17+$0x0], $0xffff  }
0x376: {  	[tilespmem:v7+s13+$0x0] =	vst.idx.add.f32.msk $0xffff, v4;
	v14 =	vadd.s32 v15, v63  }
0x377: {  	v4 =	vld.idx.msk [tilespmem:v5+s17+$0x0], $0xffff;
	v5 =	vmul.f32 v11, v0  }
0x378: {  	v9 =	vor.u32 v16, v45;
	v7 =	vor.u32 v16, v8;
	v16 =	vld [tilespmem:$0x1FC90]  }
0x379: {  	v12 =	vor.u32 v15, v46;
	[tilespmem:v13+s13+$0x0] =	vst.idx.add.f32.msk $0xffff, v5  }
0x37a: {  	v5 =	vadd.s32 v15, v3;
	v15 =	vld [tilespmem:$0x1FA30]  }
0x37b: {  	v6 =	vmul.f32 v6, v44;
	v11 =	vld.idx.msk [tilespmem:v14+s17+$0x0], $0xffff;
	_ =	sdelay $0x1  }
0x37c: {  	[tilespmem:v9+s13+$0x0] =	vst.idx.add.f32.msk $0xffff, v6;
	v13 =	vor.u32 v16, v2;
	v4 =	vmul.f32 v4, v1  }
0x37d: {  	v6 =	vld.idx.msk [tilespmem:v12+s17+$0x0], $0xffff  }
0x37e: {  	[tilespmem:v7+s13+$0x0] =	vst.idx.add.f32.msk $0xffff, v4;
	v14 =	vadd.s32 v15, v63  }
0x37f: {  	v4 =	vld.idx.msk [tilespmem:v5+s17+$0x0], $0xffff;
	v5 =	vmul.f32 v11, v0  }
0x380: {  	v9 =	vor.u32 v16, v45;
	v7 =	vor.u32 v16, v8;
	v16 =	vld [tilespmem:$0x1FCA0]  }
0x381: {  	v12 =	vor.u32 v15, v46;
	[tilespmem:v13+s13+$0x0] =	vst.idx.add.f32.msk $0xffff, v5  }
0x382: {  	v5 =	vadd.s32 v15, v3;
	v15 =	vld [tilespmem:$0x1FA40]  }
0x383: {  	v6 =	vmul.f32 v6, v44;
	v11 =	vld.idx.msk [tilespmem:v14+s17+$0x0], $0xffff;
	_ =	sdelay $0x1  }
0x384: {  	[tilespmem:v9+s13+$0x0] =	vst.idx.add.f32.msk $0xffff, v6;
	v13 =	vor.u32 v16, v2;
	v4 =	vmul.f32 v4, v1  }
0x385: {  	v6 =	vld.idx.msk [tilespmem:v12+s17+$0x0], $0xffff  }
0x386: {  	[tilespmem:v7+s13+$0x0] =	vst.idx.add.f32.msk $0xffff, v4;
	v14 =	vadd.s32 v15, v63  }
0x387: {  	v4 =	vld.idx.msk [tilespmem:v5+s17+$0x0], $0xffff;
	v5 =	vmul.f32 v11, v0  }
0x388: {  	v9 =	vor.u32 v16, v45;
	v7 =	vor.u32 v16, v8;
	v16 =	vld [tilespmem:$0x1FCB0]  }
0x389: {  	v12 =	vor.u32 v15, v46;
	[tilespmem:v13+s13+$0x0] =	vst.idx.add.f32.msk $0xffff, v5  }
0x38a: {  	v5 =	vadd.s32 v15, v3;
	v15 =	vld [tilespmem:$0x1FA50]  }
0x38b: {  	v6 =	vmul.f32 v6, v44;
	v11 =	vld.idx.msk [tilespmem:v14+s17+$0x0], $0xffff;
	_ =	sdelay $0x1  }
0x38c: {  	[tilespmem:v9+s13+$0x0] =	vst.idx.add.f32.msk $0xffff, v6;
	v13 =	vor.u32 v16, v2;
	v4 =	vmul.f32 v4, v1  }
0x38d: {  	v6 =	vld.idx.msk [tilespmem:v12+s17+$0x0], $0xffff  }
0x38e: {  	[tilespmem:v7+s13+$0x0] =	vst.idx.add.f32.msk $0xffff, v4;
	v14 =	vadd.s32 v15, v63  }
0x38f: {  	v4 =	vld.idx.msk [tilespmem:v5+s17+$0x0], $0xffff;
	v5 =	vmul.f32 v11, v0  }
0x390: {  	v9 =	vor.u32 v16, v45;
	v7 =	vor.u32 v16, v8;
	v16 =	vld [tilespmem:$0x1FCC0]  }
0x391: {  	v12 =	vor.u32 v15, v46;
	[tilespmem:v13+s13+$0x0] =	vst.idx.add.f32.msk $0xffff, v5  }
0x392: {  	v5 =	vadd.s32 v15, v3;
	v15 =	vld [tilespmem:$0x1FA60]  }
0x393: {  	v6 =	vmul.f32 v6, v44;
	v11 =	vld.idx.msk [tilespmem:v14+s17+$0x0], $0xffff;
	_ =	sdelay $0x1  }
0x394: {  	[tilespmem:v9+s13+$0x0] =	vst.idx.add.f32.msk $0xffff, v6;
	v13 =	vor.u32 v16, v2;
	v4 =	vmul.f32 v4, v1  }
0x395: {  	v6 =	vld.idx.msk [tilespmem:v12+s17+$0x0], $0xffff  }
0x396: {  	[tilespmem:v7+s13+$0x0] =	vst.idx.add.f32.msk $0xffff, v4;
	v14 =	vadd.s32 v15, v63  }
0x397: {  	v4 =	vld.idx.msk [tilespmem:v5+s17+$0x0], $0xffff;
	v5 =	vmul.f32 v11, v0  }
0x398: {  	v9 =	vor.u32 v16, v45;
	v7 =	vor.u32 v16, v8;
	v16 =	vld [tilespmem:$0x1FCD0]  }
0x399: {  	v12 =	vor.u32 v15, v46;
	[tilespmem:v13+s13+$0x0] =	vst.idx.add.f32.msk $0xffff, v5  }
0x39a: {  	v5 =	vadd.s32 v15, v3;
	v15 =	vld [tilespmem:$0x1FA70]  }
0x39b: {  	v6 =	vmul.f32 v6, v44;
	v11 =	vld.idx.msk [tilespmem:v14+s17+$0x0], $0xffff;
	_ =	sdelay $0x1  }
0x39c: {  	[tilespmem:v9+s13+$0x0] =	vst.idx.add.f32.msk $0xffff, v6;
	v13 =	vor.u32 v16, v2;
	v4 =	vmul.f32 v4, v1  }
0x39d: {  	v6 =	vld.idx.msk [tilespmem:v12+s17+$0x0], $0xffff  }
0x39e: {  	[tilespmem:v7+s13+$0x0] =	vst.idx.add.f32.msk $0xffff, v4;
	v14 =	vadd.s32 v15, v63  }
0x39f: {  	v4 =	vld.idx.msk [tilespmem:v5+s17+$0x0], $0xffff;
	v5 =	vmul.f32 v11, v0  }
0x3a0: {  	v9 =	vor.u32 v16, v45;
	v7 =	vor.u32 v16, v8;
	v16 =	vld [tilespmem:$0x1FCE0]  }
0x3a1: {  	v12 =	vor.u32 v15, v46;
	[tilespmem:v13+s13+$0x0] =	vst.idx.add.f32.msk $0xffff, v5  }
0x3a2: {  	v5 =	vadd.s32 v15, v3;
	v15 =	vld [tilespmem:$0x1FA80]  }
0x3a3: {  	v6 =	vmul.f32 v6, v44;
	v11 =	vld.idx.msk [tilespmem:v14+s17+$0x0], $0xffff;
	_ =	sdelay $0x1  }
0x3a4: {  	[tilespmem:v9+s13+$0x0] =	vst.idx.add.f32.msk $0xffff, v6;
	v13 =	vor.u32 v16, v2;
	v4 =	vmul.f32 v4, v1  }
0x3a5: {  	v6 =	vld.idx.msk [tilespmem:v12+s17+$0x0], $0xffff  }
0x3a6: {  	[tilespmem:v7+s13+$0x0] =	vst.idx.add.f32.msk $0xffff, v4;
	v14 =	vadd.s32 v15, v63  }
0x3a7: {  	v4 =	vld.idx.msk [tilespmem:v5+s17+$0x0], $0xffff;
	v5 =	vmul.f32 v11, v0  }
0x3a8: {  	v9 =	vor.u32 v16, v45;
	v7 =	vor.u32 v16, v8;
	v16 =	vld [tilespmem:$0x1FCF0]  }
0x3a9: {  	v12 =	vor.u32 v15, v46;
	[tilespmem:v13+s13+$0x0] =	vst.idx.add.f32.msk $0xffff, v5  }
0x3aa: {  	v5 =	vadd.s32 v15, v3;
	v15 =	vld [tilespmem:$0x1FA90]  }
0x3ab: {  	v6 =	vmul.f32 v6, v44;
	v11 =	vld.idx.msk [tilespmem:v14+s17+$0x0], $0xffff;
	_ =	sdelay $0x1  }
0x3ac: {  	[tilespmem:v9+s13+$0x0] =	vst.idx.add.f32.msk $0xffff, v6;
	v13 =	vor.u32 v16, v2;
	v4 =	vmul.f32 v4, v1  }
0x3ad: {  	v6 =	vld.idx.msk [tilespmem:v12+s17+$0x0], $0xffff  }
0x3ae: {  	[tilespmem:v7+s13+$0x0] =	vst.idx.add.f32.msk $0xffff, v4;
	v14 =	vadd.s32 v15, v63  }
0x3af: {  	v4 =	vld.idx.msk [tilespmem:v5+s17+$0x0], $0xffff;
	v5 =	vmul.f32 v11, v0  }
0x3b0: {  	v9 =	vor.u32 v16, v45;
	v7 =	vor.u32 v16, v8;
	v16 =	vld [tilespmem:$0x1FD00]  }
0x3b1: {  	v12 =	vor.u32 v15, v46;
	[tilespmem:v13+s13+$0x0] =	vst.idx.add.f32.msk $0xffff, v5  }
0x3b2: {  	v5 =	vadd.s32 v15, v3;
	v15 =	vld [tilespmem:$0x1FE50]  }
0x3b3: {  	v6 =	vmul.f32 v6, v44;
	v11 =	vld.idx.msk [tilespmem:v14+s17+$0x0], $0xffff;
	_ =	sdelay $0x1  }
0x3b4: {  	[tilespmem:v9+s13+$0x0] =	vst.idx.add.f32.msk $0xffff, v6;
	v13 =	vor.u32 v16, v2;
	v4 =	vmul.f32 v4, v1  }
0x3b5: {  	v6 =	vld.idx.msk [tilespmem:v12+s17+$0x0], $0xffff  }
0x3b6: {  	[tilespmem:v7+s13+$0x0] =	vst.idx.add.f32.msk $0xffff, v4;
	v14 =	vadd.s32 v15, v63  }
0x3b7: {  	v4 =	vld.idx.msk [tilespmem:v5+s17+$0x0], $0xffff;
	v5 =	vmul.f32 v11, v0  }
0x3b8: {  	v9 =	vor.u32 v16, v45;
	v7 =	vor.u32 v16, v8;
	v16 =	vld [tilespmem:$0x1FD10]  }
0x3b9: {  	v12 =	vor.u32 v15, v46;
	[tilespmem:v13+s13+$0x0] =	vst.idx.add.f32.msk $0xffff, v5  }
0x3ba: {  	v5 =	vadd.s32 v15, v3;
	v15 =	vld [tilespmem:$0x1FD90]  }
0x3bb: {  	v6 =	vmul.f32 v6, v44;
	v11 =	vld.idx.msk [tilespmem:v14+s17+$0x0], $0xffff;
	_ =	sdelay $0x1  }
0x3bc: {  	[tilespmem:v9+s13+$0x0] =	vst.idx.add.f32.msk $0xffff, v6;
	v13 =	vor.u32 v16, v2;
	v4 =	vmul.f32 v4, v1  }
0x3bd: {  	v6 =	vld.idx.msk [tilespmem:v12+s17+$0x0], $0xffff  }
0x3be: {  	[tilespmem:v7+s13+$0x0] =	vst.idx.add.f32.msk $0xffff, v4;
	v14 =	vadd.s32 v15, v63  }
0x3bf: {  	v4 =	vld.idx.msk [tilespmem:v5+s17+$0x0], $0xffff;
	v5 =	vmul.f32 v11, v0  }
0x3c0: {  	v9 =	vor.u32 v16, v45;
	v7 =	vor.u32 v16, v8;
	v16 =	vld [tilespmem:$0x1FD20]  }
0x3c1: {  	v12 =	vor.u32 v15, v46;
	[tilespmem:v13+s13+$0x0] =	vst.idx.add.f32.msk $0xffff, v5  }
0x3c2: {  	v5 =	vadd.s32 v15, v3;
	v15 =	vld [tilespmem:$0x1FE60]  }
0x3c3: {  	v6 =	vmul.f32 v6, v44;
	v11 =	vld.idx.msk [tilespmem:v14+s17+$0x0], $0xffff;
	_ =	sdelay $0x1  }
0x3c4: {  	[tilespmem:v9+s13+$0x0] =	vst.idx.add.f32.msk $0xffff, v6;
	v13 =	vor.u32 v16, v2;
	v4 =	vmul.f32 v4, v1  }
0x3c5: {  	v6 =	vld.idx.msk [tilespmem:v12+s17+$0x0], $0xffff  }
0x3c6: {  	[tilespmem:v7+s13+$0x0] =	vst.idx.add.f32.msk $0xffff, v4;
	v14 =	vadd.s32 v15, v63  }
0x3c7: {  	v4 =	vld.idx.msk [tilespmem:v5+s17+$0x0], $0xffff;
	v5 =	vmul.f32 v11, v0  }
0x3c8: {  	v9 =	vor.u32 v16, v45;
	v7 =	vor.u32 v16, v8;
	v16 =	vld [tilespmem:$0x1FD30]  }
0x3c9: {  	v12 =	vor.u32 v15, v46;
	[tilespmem:v13+s13+$0x0] =	vst.idx.add.f32.msk $0xffff, v5  }
0x3ca: {  	v5 =	vadd.s32 v15, v3;
	v15 =	vld [tilespmem:$0x1FDA0]  }
0x3cb: {  	v6 =	vmul.f32 v6, v44;
	v11 =	vld.idx.msk [tilespmem:v14+s17+$0x0], $0xffff;
	_ =	sdelay $0x1  }
0x3cc: {  	[tilespmem:v9+s13+$0x0] =	vst.idx.add.f32.msk $0xffff, v6;
	v13 =	vor.u32 v16, v2;
	v4 =	vmul.f32 v4, v1  }
0x3cd: {  	v6 =	vld.idx.msk [tilespmem:v12+s17+$0x0], $0xffff  }
0x3ce: {  	[tilespmem:v7+s13+$0x0] =	vst.idx.add.f32.msk $0xffff, v4;
	v14 =	vadd.s32 v15, v63  }
0x3cf: {  	v4 =	vld.idx.msk [tilespmem:v5+s17+$0x0], $0xffff;
	v5 =	vmul.f32 v11, v0  }
0x3d0: {  	v9 =	vor.u32 v16, v45;
	v7 =	vor.u32 v16, v8;
	v16 =	vld [tilespmem:$0x1FD40]  }
0x3d1: {  	v12 =	vor.u32 v15, v46;
	[tilespmem:v13+s13+$0x0] =	vst.idx.add.f32.msk $0xffff, v5  }
0x3d2: {  	v5 =	vadd.s32 v15, v3;
	v15 =	vld [tilespmem:$0x1FE70]  }
0x3d3: {  	v6 =	vmul.f32 v6, v44;
	v11 =	vld.idx.msk [tilespmem:v14+s17+$0x0], $0xffff;
	_ =	sdelay $0x1  }
0x3d4: {  	[tilespmem:v9+s13+$0x0] =	vst.idx.add.f32.msk $0xffff, v6;
	v13 =	vor.u32 v16, v2;
	v4 =	vmul.f32 v4, v1  }
0x3d5: {  	v6 =	vld.idx.msk [tilespmem:v12+s17+$0x0], $0xffff  }
0x3d6: {  	[tilespmem:v7+s13+$0x0] =	vst.idx.add.f32.msk $0xffff, v4;
	v14 =	vadd.s32 v15, v63  }
0x3d7: {  	v4 =	vld.idx.msk [tilespmem:v5+s17+$0x0], $0xffff;
	v5 =	vmul.f32 v11, v0  }
0x3d8: {  	v9 =	vor.u32 v16, v45;
	v7 =	vor.u32 v16, v8;
	v16 =	vld [tilespmem:$0x1FD50]  }
0x3d9: {  	v12 =	vor.u32 v15, v46;
	[tilespmem:v13+s13+$0x0] =	vst.idx.add.f32.msk $0xffff, v5  }
0x3da: {  	v5 =	vadd.s32 v15, v3;
	v15 =	vld [tilespmem:$0x1FDB0]  }
0x3db: {  	v6 =	vmul.f32 v6, v44;
	v11 =	vld.idx.msk [tilespmem:v14+s17+$0x0], $0xffff;
	_ =	sdelay $0x1  }
0x3dc: {  	[tilespmem:v9+s13+$0x0] =	vst.idx.add.f32.msk $0xffff, v6;
	v13 =	vor.u32 v16, v2;
	v4 =	vmul.f32 v4, v1  }
0x3dd: {  	v6 =	vld.idx.msk [tilespmem:v12+s17+$0x0], $0xffff  }
0x3de: {  	[tilespmem:v7+s13+$0x0] =	vst.idx.add.f32.msk $0xffff, v4;
	v14 =	vadd.s32 v15, v63  }
0x3df: {  	v4 =	vld.idx.msk [tilespmem:v5+s17+$0x0], $0xffff;
	v5 =	vmul.f32 v11, v0  }
0x3e0: {  	v9 =	vor.u32 v16, v45;
	v7 =	vor.u32 v16, v8;
	v16 =	vld [tilespmem:$0x1FD60]  }
0x3e1: {  	v12 =	vor.u32 v15, v46;
	[tilespmem:v13+s13+$0x0] =	vst.idx.add.f32.msk $0xffff, v5  }
0x3e2: {  	v5 =	vadd.s32 v15, v3;
	v15 =	vld [tilespmem:$0x1FE80]  }
0x3e3: {  	v6 =	vmul.f32 v6, v44;
	v11 =	vld.idx.msk [tilespmem:v14+s17+$0x0], $0xffff;
	_ =	sdelay $0x1  }
0x3e4: {  	[tilespmem:v9+s13+$0x0] =	vst.idx.add.f32.msk $0xffff, v6;
	v13 =	vor.u32 v16, v2;
	v4 =	vmul.f32 v4, v1  }
0x3e5: {  	v6 =	vld.idx.msk [tilespmem:v12+s17+$0x0], $0xffff  }
0x3e6: {  	[tilespmem:v7+s13+$0x0] =	vst.idx.add.f32.msk $0xffff, v4;
	v14 =	vadd.s32 v15, v63  }
0x3e7: {  	v4 =	vld.idx.msk [tilespmem:v5+s17+$0x0], $0xffff;
	v5 =	vmul.f32 v11, v0  }
0x3e8: {  	v9 =	vor.u32 v16, v45  }
0x3e9: {  	v12 =	vor.u32 v15, v46;
	[tilespmem:v13+s13+$0x0] =	vst.idx.add.f32.msk $0xffff, v5  }
0x3ea: {  	v7 =	vor.u32 v16, v8;
	v5 =	vadd.s32 v15, v3;
	v15 =	vld [tilespmem:$0x1FDC0]  }
0x3eb: {  	v6 =	vmul.f32 v6, v44;
	v11 =	vld.idx.msk [tilespmem:v14+s17+$0x0], $0xffff  }
0x3ec: {  	v48 =	vadd.s32 $0x1F, v10  }
0x3ed: {  	[tilespmem:v9+s13+$0x0] =	vst.idx.add.f32.msk $0xffff, v6;
	v13 =	vor.u32 v48, v2;
	v4 =	vmul.f32 v4, v1  }
0x3ee: {  	v6 =	vld.idx.msk [tilespmem:v12+s17+$0x0], $0xffff  }
0x3ef: {  	[tilespmem:v7+s13+$0x0] =	vst.idx.add.f32.msk $0xffff, v4;
	v14 =	vadd.s32 v15, v63  }
0x3f0: {  	v4 =	vld.idx.msk [tilespmem:v5+s17+$0x0], $0xffff;
	v5 =	vmul.f32 v11, v0  }
0x3f1: {  	v9 =	vor.u32 v48, v45  }
0x3f2: {  	v12 =	vor.u32 v15, v46;
	[tilespmem:v13+s13+$0x0] =	vst.idx.add.f32.msk $0xffff, v5  }
0x3f3: {  	v7 =	vor.u32 v48, v8;
	v5 =	vadd.s32 v15, v3;
	v15 =	vld [tilespmem:$0x1FE90]  }
0x3f4: {  	v6 =	vmul.f32 v6, v44;
	v11 =	vld.idx.msk [tilespmem:v14+s17+$0x0], $0xffff  }
0x3f5: {  	v49 =	vor.u32 $0x20, v10  }
0x3f6: {  	[tilespmem:v9+s13+$0x0] =	vst.idx.add.f32.msk $0xffff, v6;
	v13 =	vor.u32 v49, v2;
	v4 =	vmul.f32 v4, v1  }
0x3f7: {  	v6 =	vld.idx.msk [tilespmem:v12+s17+$0x0], $0xffff  }
0x3f8: {  	[tilespmem:v7+s13+$0x0] =	vst.idx.add.f32.msk $0xffff, v4;
	v14 =	vadd.s32 v15, v63  }
0x3f9: {  	v4 =	vld.idx.msk [tilespmem:v5+s17+$0x0], $0xffff;
	v5 =	vmul.f32 v11, v0  }
0x3fa: {  	v9 =	vor.u32 v49, v45  }
0x3fb: {  	v12 =	vor.u32 v15, v46;
	[tilespmem:v13+s13+$0x0] =	vst.idx.add.f32.msk $0xffff, v5  }
0x3fc: {  	v7 =	vor.u32 v49, v8;
	v5 =	vadd.s32 v15, v3;
	v15 =	vld [tilespmem:$0x1FDD0]  }
0x3fd: {  	v6 =	vmul.f32 v6, v44;
	v11 =	vld.idx.msk [tilespmem:v14+s17+$0x0], $0xffff  }
0x3fe: {  	v50 =	vadd.s32 $0x21, v10  }
0x3ff: {  	[tilespmem:v9+s13+$0x0] =	vst.idx.add.f32.msk $0xffff, v6;
	v13 =	vor.u32 v50, v2;
	v4 =	vmul.f32 v4, v1  }
0x400: {  	v6 =	vld.idx.msk [tilespmem:v12+s17+$0x0], $0xffff  }
0x401: {  	[tilespmem:v7+s13+$0x0] =	vst.idx.add.f32.msk $0xffff, v4;
	v14 =	vadd.s32 v15, v63  }
0x402: {  	v4 =	vld.idx.msk [tilespmem:v5+s17+$0x0], $0xffff;
	v5 =	vmul.f32 v11, v0  }
0x403: {  	v9 =	vor.u32 v50, v45  }
0x404: {  	v12 =	vor.u32 v15, v46;
	[tilespmem:v13+s13+$0x0] =	vst.idx.add.f32.msk $0xffff, v5  }
0x405: {  	v7 =	vor.u32 v50, v8;
	v5 =	vadd.s32 v15, v3;
	v15 =	vld [tilespmem:$0x1FEA0]  }
0x406: {  	v6 =	vmul.f32 v6, v44;
	v11 =	vld.idx.msk [tilespmem:v14+s17+$0x0], $0xffff  }
0x407: {  	v51 =	vadd.s32 $0x22, v10  }
0x408: {  	[tilespmem:v9+s13+$0x0] =	vst.idx.add.f32.msk $0xffff, v6;
	v13 =	vor.u32 v51, v2;
	v4 =	vmul.f32 v4, v1  }
0x409: {  	v6 =	vld.idx.msk [tilespmem:v12+s17+$0x0], $0xffff  }
0x40a: {  	[tilespmem:v7+s13+$0x0] =	vst.idx.add.f32.msk $0xffff, v4;
	v14 =	vadd.s32 v15, v63  }
0x40b: {  	v4 =	vld.idx.msk [tilespmem:v5+s17+$0x0], $0xffff;
	v5 =	vmul.f32 v11, v0  }
0x40c: {  	v9 =	vor.u32 v51, v45  }
0x40d: {  	v12 =	vor.u32 v15, v46;
	[tilespmem:v13+s13+$0x0] =	vst.idx.add.f32.msk $0xffff, v5  }
0x40e: {  	v7 =	vor.u32 v51, v8;
	v5 =	vadd.s32 v15, v3;
	v15 =	vld [tilespmem:$0x1FDE0]  }
0x40f: {  	v6 =	vmul.f32 v6, v44;
	v11 =	vld.idx.msk [tilespmem:v14+s17+$0x0], $0xffff  }
0x410: {  	v52 =	vadd.s32 $0x23, v10  }
0x411: {  	[tilespmem:v9+s13+$0x0] =	vst.idx.add.f32.msk $0xffff, v6;
	v13 =	vor.u32 v52, v2;
	v4 =	vmul.f32 v4, v1  }
0x412: {  	v6 =	vld.idx.msk [tilespmem:v12+s17+$0x0], $0xffff  }
0x413: {  	[tilespmem:v7+s13+$0x0] =	vst.idx.add.f32.msk $0xffff, v4;
	v14 =	vadd.s32 v15, v63  }
0x414: {  	v4 =	vld.idx.msk [tilespmem:v5+s17+$0x0], $0xffff;
	v5 =	vmul.f32 v11, v0  }
0x415: {  	v9 =	vor.u32 v52, v45  }
0x416: {  	v12 =	vor.u32 v15, v46;
	[tilespmem:v13+s13+$0x0] =	vst.idx.add.f32.msk $0xffff, v5  }
0x417: {  	v7 =	vor.u32 v52, v8;
	v5 =	vadd.s32 v15, v3;
	v15 =	vld [tilespmem:$0x1FEB0]  }
0x418: {  	v6 =	vmul.f32 v6, v44;
	v11 =	vld.idx.msk [tilespmem:v14+s17+$0x0], $0xffff  }
0x419: {  	v53 =	vadd.s32 $0x24, v10  }
0x41a: {  	[tilespmem:v9+s13+$0x0] =	vst.idx.add.f32.msk $0xffff, v6;
	v13 =	vor.u32 v53, v2;
	v4 =	vmul.f32 v4, v1  }
0x41b: {  	v6 =	vld.idx.msk [tilespmem:v12+s17+$0x0], $0xffff  }
0x41c: {  	[tilespmem:v7+s13+$0x0] =	vst.idx.add.f32.msk $0xffff, v4;
	v14 =	vadd.s32 v15, v63  }
0x41d: {  	v4 =	vld.idx.msk [tilespmem:v5+s17+$0x0], $0xffff;
	v5 =	vmul.f32 v11, v0  }
0x41e: {  	v9 =	vor.u32 v53, v45  }
0x41f: {  	v12 =	vor.u32 v15, v46;
	[tilespmem:v13+s13+$0x0] =	vst.idx.add.f32.msk $0xffff, v5  }
0x420: {  	v7 =	vor.u32 v53, v8;
	v5 =	vadd.s32 v15, v3;
	v15 =	vld [tilespmem:$0x1FDF0]  }
0x421: {  	v6 =	vmul.f32 v6, v44;
	v11 =	vld.idx.msk [tilespmem:v14+s17+$0x0], $0xffff  }
0x422: {  	v54 =	vadd.s32 $0x25, v10  }
0x423: {  	[tilespmem:v9+s13+$0x0] =	vst.idx.add.f32.msk $0xffff, v6;
	v13 =	vor.u32 v54, v2;
	v4 =	vmul.f32 v4, v1  }
0x424: {  	v6 =	vld.idx.msk [tilespmem:v12+s17+$0x0], $0xffff  }
0x425: {  	[tilespmem:v7+s13+$0x0] =	vst.idx.add.f32.msk $0xffff, v4;
	v14 =	vadd.s32 v15, v63  }
0x426: {  	v4 =	vld.idx.msk [tilespmem:v5+s17+$0x0], $0xffff;
	v5 =	vmul.f32 v11, v0  }
0x427: {  	v9 =	vor.u32 v54, v45  }
0x428: {  	v12 =	vor.u32 v15, v46;
	[tilespmem:v13+s13+$0x0] =	vst.idx.add.f32.msk $0xffff, v5  }
0x429: {  	v7 =	vor.u32 v54, v8;
	v5 =	vadd.s32 v15, v3;
	v15 =	vld [tilespmem:$0x1FEC0]  }
0x42a: {  	v6 =	vmul.f32 v6, v44;
	v11 =	vld.idx.msk [tilespmem:v14+s17+$0x0], $0xffff  }
0x42b: {  	v56 =	vadd.s32 $0x26, v10  }
0x42c: {  	[tilespmem:v9+s13+$0x0] =	vst.idx.add.f32.msk $0xffff, v6;
	v13 =	vor.u32 v56, v2;
	v4 =	vmul.f32 v4, v1  }
0x42d: {  	v6 =	vld.idx.msk [tilespmem:v12+s17+$0x0], $0xffff  }
0x42e: {  	[tilespmem:v7+s13+$0x0] =	vst.idx.add.f32.msk $0xffff, v4;
	v14 =	vadd.s32 v15, v63  }
0x42f: {  	v4 =	vld.idx.msk [tilespmem:v5+s17+$0x0], $0xffff;
	v5 =	vmul.f32 v11, v0  }
0x430: {  	v9 =	vor.u32 v56, v45  }
0x431: {  	v12 =	vor.u32 v15, v46;
	[tilespmem:v13+s13+$0x0] =	vst.idx.add.f32.msk $0xffff, v5  }
0x432: {  	v7 =	vor.u32 v56, v8;
	v5 =	vadd.s32 v15, v3;
	v15 =	vld [tilespmem:$0x1FE00]  }
0x433: {  	v6 =	vmul.f32 v6, v44;
	v11 =	vld.idx.msk [tilespmem:v14+s17+$0x0], $0xffff  }
0x434: {  	v57 =	vadd.s32 $0x27, v10  }
0x435: {  	[tilespmem:v9+s13+$0x0] =	vst.idx.add.f32.msk $0xffff, v6;
	v13 =	vor.u32 v57, v2;
	v4 =	vmul.f32 v4, v1  }
0x436: {  	v6 =	vld.idx.msk [tilespmem:v12+s17+$0x0], $0xffff  }
0x437: {  	[tilespmem:v7+s13+$0x0] =	vst.idx.add.f32.msk $0xffff, v4;
	v14 =	vadd.s32 v15, v63  }
0x438: {  	v4 =	vld.idx.msk [tilespmem:v5+s17+$0x0], $0xffff;
	v5 =	vmul.f32 v11, v0  }
0x439: {  	v9 =	vor.u32 v57, v45  }
0x43a: {  	v12 =	vor.u32 v15, v46;
	[tilespmem:v13+s13+$0x0] =	vst.idx.add.f32.msk $0xffff, v5  }
0x43b: {  	v7 =	vor.u32 v57, v8;
	v5 =	vadd.s32 v15, v3;
	v15 =	vld [tilespmem:$0x1FED0]  }
0x43c: {  	v6 =	vmul.f32 v6, v44;
	v11 =	vld.idx.msk [tilespmem:v14+s17+$0x0], $0xffff  }
0x43d: {  	v61 =	vadd.s32 $0x28, v10  }
0x43e: {  	[tilespmem:v9+s13+$0x0] =	vst.idx.add.f32.msk $0xffff, v6;
	v13 =	vor.u32 v61, v2;
	v4 =	vmul.f32 v4, v1  }
0x43f: {  	v6 =	vld.idx.msk [tilespmem:v12+s17+$0x0], $0xffff  }
0x440: {  	[tilespmem:v7+s13+$0x0] =	vst.idx.add.f32.msk $0xffff, v4;
	v14 =	vadd.s32 v15, v63  }
0x441: {  	v9 =	vor.u32 v61, v45;
	v4 =	vld.idx.msk [tilespmem:v5+s17+$0x0], $0xffff;
	v5 =	vmul.f32 v11, v0  }
0x442: {  	v12 =	vor.u32 v15, v46  }
0x443: {  	[tilespmem:v13+s13+$0x0] =	vst.idx.add.f32.msk $0xffff, v5  }
0x444: {  	v7 =	vor.u32 v61, v8;
	v6 =	vmul.f32 v6, v44;
	v5 =	vadd.s32 v15, v3;
	v15 =	vld [tilespmem:$0x1FE10]  }
0x445: {  	v11 =	vld.idx.msk [tilespmem:v14+s17+$0x0], $0xffff  }
0x446: {  	v60 =	vadd.s32 $0x29, v10;
	[tilespmem:v9+s13+$0x0] =	vst.idx.add.f32.msk $0xffff, v6  }
0x447: {  	v13 =	vor.u32 v60, v2;
	v6 =	vld.idx.msk [tilespmem:v12+s17+$0x0], $0xffff;
	v4 =	vmul.f32 v4, v1;
	_ =	sdelay $0x1  }
0x448: {  	v9 =	vor.u32 v60, v45;
	[tilespmem:v7+s13+$0x0] =	vst.idx.add.f32.msk $0xffff, v4  }
0x449: {  	v12 =	vor.u32 v15, v46;
	v4 =	vld.idx.msk [tilespmem:v5+s17+$0x0], $0xffff;
	v5 =	vmul.f32 v11, v0;
	_ =	sdelay $0x1  }
0x44a: {  	v14 =	vadd.s32 v15, v63;
	v6 =	vmul.f32 v6, v44;
	[tilespmem:v13+s13+$0x0] =	vst.idx.add.f32.msk $0xffff, v5  }
0x44b: {  	v5 =	vadd.s32 v15, v3;
	v15 =	vld [tilespmem:$0x1FEE0]  }
0x44c: {  	[tilespmem:v9+s13+$0x0] =	vst.idx.add.f32.msk $0xffff, v6  }
0x44d: {  	v7 =	vor.u32 v60, v8;
	v6 =	vld.idx.msk [tilespmem:v12+s17+$0x0], $0xffff  }
0x44e: {  	v62 =	vadd.s32 $0x2A, v10  }
0x44f: {  	v9 =	vor.u32 v62, v45;
	v11 =	vld.idx.msk [tilespmem:v14+s17+$0x0], $0xffff  }
0x450: {  	v4 =	vmul.f32 v4, v1;
	v12 =	vor.u32 v15, v46  }
0x451: {  	v16 =	vld [tilespmem:$0x1FE20];
	v13 =	vor.u32 v62, v2  }
0x452: {  	[tilespmem:v7+s13+$0x0] =	vst.idx.add.f32.msk $0xffff, v4;
	v14 =	vadd.s32 v15, v63;
	v6 =	vmul.f32 v6, v44  }
0x453: {  	v5 =	vld.idx.msk [tilespmem:v5+s17+$0x0], $0xffff  }
0x454: {  	[tilespmem:v9+s13+$0x0] =	vst.idx.add.f32.msk $0xffff, v6;
	v6 =	vmul.f32 v11, v0  }
0x455: {  	v9 =	vor.u32 v62, v8;
	v7 =	vld.idx.msk [tilespmem:v12+s17+$0x0], $0xffff  }
0x456: {  	v4 =	vadd.s32 $0x2B, v10;
	[tilespmem:v13+s13+$0x0] =	vst.idx.add.f32.msk $0xffff, v6;
	v6 =	vadd.s32 v15, v3  }
0x457: {  	v11 =	vor.u32 v4, v45;
	v12 =	vld.idx.msk [tilespmem:v14+s17+$0x0], $0xffff  }
0x458: {  	v13 =	vor.u32 v16, v46;
	v5 =	vmul.f32 v5, v1  }
0x459: {  	v17 =	vld [tilespmem:$0x1FEF0];
	v14 =	vor.u32 v4, v2  }
0x45a: {  	v15 =	vadd.s32 v16, v63;
	[tilespmem:v9+s13+$0x0] =	vst.idx.add.f32.msk $0xffff, v5;
	v7 =	vmul.f32 v7, v44  }
0x45b: {  	v6 =	vld.idx.msk [tilespmem:v6+s17+$0x0], $0xffff  }
0x45c: {  	[tilespmem:v11+s13+$0x0] =	vst.idx.add.f32.msk $0xffff, v7;
	v7 =	vmul.f32 v12, v0  }
0x45d: {  	v11 =	vor.u32 v4, v8;
	v9 =	vld.idx.msk [tilespmem:v13+s17+$0x0], $0xffff  }
0x45e: {  	v5 =	vadd.s32 $0x2C, v10;
	[tilespmem:v14+s13+$0x0] =	vst.idx.add.f32.msk $0xffff, v7;
	v7 =	vadd.s32 v16, v3  }
0x45f: {  	v12 =	vor.u32 v5, v45;
	v13 =	vld.idx.msk [tilespmem:v15+s17+$0x0], $0xffff  }
0x460: {  	v14 =	vor.u32 v17, v46;
	v6 =	vmul.f32 v6, v1  }
0x461: {  	v18 =	vld [tilespmem:$0x1FE30];
	v15 =	vor.u32 v5, v2  }
0x462: {  	v16 =	vadd.s32 v17, v63;
	[tilespmem:v11+s13+$0x0] =	vst.idx.add.f32.msk $0xffff, v6;
	v9 =	vmul.f32 v9, v44  }
0x463: {  	v7 =	vld.idx.msk [tilespmem:v7+s17+$0x0], $0xffff  }
0x464: {  	[tilespmem:v12+s13+$0x0] =	vst.idx.add.f32.msk $0xffff, v9;
	v9 =	vmul.f32 v13, v0  }
0x465: {  	v12 =	vor.u32 v5, v8;
	v11 =	vld.idx.msk [tilespmem:v14+s17+$0x0], $0xffff  }
0x466: {  	v6 =	vadd.s32 $0x2D, v10;
	[tilespmem:v15+s13+$0x0] =	vst.idx.add.f32.msk $0xffff, v9;
	v9 =	vadd.s32 v17, v3  }
0x467: {  	v13 =	vor.u32 v6, v45;
	v14 =	vld.idx.msk [tilespmem:v16+s17+$0x0], $0xffff  }
0x468: {  	v15 =	vor.u32 v18, v46;
	v7 =	vmul.f32 v7, v1  }
0x469: {  	v19 =	vld [tilespmem:$0x1FF00];
	v16 =	vor.u32 v6, v2  }
0x46a: {  	v17 =	vadd.s32 v18, v63;
	v11 =	vmul.f32 v11, v44;
	[tilespmem:v12+s13+$0x0] =	vst.idx.add.f32.msk $0xffff, v7  }
0x46b: {  	v9 =	vld.idx.msk [tilespmem:v9+s17+$0x0], $0xffff  }
0x46c: {  	[tilespmem:v13+s13+$0x0] =	vst.idx.add.f32.msk $0xffff, v11;
	v11 =	vmul.f32 v14, v0  }
0x46d: {  	v13 =	vor.u32 v6, v8;
	v12 =	vld.idx.msk [tilespmem:v15+s17+$0x0], $0xffff  }
0x46e: {  	v7 =	vadd.s32 $0x2E, v10;
	[tilespmem:v16+s13+$0x0] =	vst.idx.add.f32.msk $0xffff, v11;
	v11 =	vadd.s32 v18, v3  }
0x46f: {  	v14 =	vor.u32 v7, v45;
	v15 =	vld.idx.msk [tilespmem:v17+s17+$0x0], $0xffff  }
0x470: {  	v16 =	vor.u32 v19, v46;
	v9 =	vmul.f32 v9, v1  }
0x471: {  	v17 =	vor.u32 v7, v2  }
0x472: {  	v12 =	vmul.f32 v12, v44;
	[tilespmem:v13+s13+$0x0] =	vst.idx.add.f32.msk $0xffff, v9  }
0x473: {  	v11 =	vld.idx.msk [tilespmem:v11+s17+$0x0], $0xffff  }
0x474: {  	[tilespmem:v14+s13+$0x0] =	vst.idx.add.f32.msk $0xffff, v12;
	v12 =	vmul.f32 v15, v0  }
0x475: {  	v14 =	vor.u32 v7, v8;
	v13 =	vld.idx.msk [tilespmem:v16+s17+$0x0], $0xffff  }
0x476: {  	[tilespmem:v17+s13+$0x0] =	vst.idx.add.f32.msk $0xffff, v12;
	v12 =	vadd.s32 v19, v3  }
0x477: {  	v20 =	vld [tilespmem:$0x1FE40];
	v18 =	vadd.s32 v19, v63;
	v9 =	vadd.s32 $0x2F, v10  }
0x478: {  	v15 =	vor.u32 v9, v45;
	v11 =	vmul.f32 v11, v1;
	_ =	sdelay $0x1  }
0x479: {  	[tilespmem:v14+s13+$0x0] =	vst.idx.add.f32.msk $0xffff, v11  }
0x47a: {  	v13 =	vmul.f32 v13, v44;
	v12 =	vld.idx.msk [tilespmem:v12+s17+$0x0], $0xffff  }
0x47b: {  	v17 =	vor.u32 v20, v46;
	v16 =	vld.idx.msk [tilespmem:v18+s17+$0x0], $0xffff  }
0x47c: {  	[tilespmem:v15+s13+$0x0] =	vst.idx.add.f32.msk $0xffff, v13;
	v15 =	vor.u32 v9, v8;
	_ =	sdelay $0x1  }
0x47d: {  	v22 =	vld [tilespmem:$0x1FF10];
	v18 =	vor.u32 v9, v2  }
0x47e: {  	v29 =	vld [tilespmem:$0x1FAE0];
	v12 =	vmul.f32 v12, v1  }
0x47f: {  	v19 =	vadd.s32 v20, v63;
	v14 =	vld.idx.msk [tilespmem:v17+s17+$0x0], $0xffff  }
0x480: {  	v13 =	vmul.f32 v16, v0;
	[tilespmem:v15+s13+$0x0] =	vst.idx.add.f32.msk $0xffff, v12  }
0x481: {  	v12 =	vld [tilespmem:$0x1FAA0]  }
0x482: {  	[tilespmem:v18+s13+$0x0] =	vst.idx.add.f32.msk $0xffff, v13;
	v13 =	vadd.s32 v20, v3  }
0x483: {  	v11 =	vor.u32 $0x30, v10  }
0x484: {  	v16 =	vor.u32 v11, v45;
	v17 =	vld.idx.msk [tilespmem:v19+s17+$0x0], $0xffff  }
0x485: {  	v18 =	vor.u32 v22, v46  }
0x486: {  	v20 =	vor.u32 v11, v2;
	v19 =	vsel vm0, v12, v29;
	v12 =	vld [tilespmem:$0x1FAD0]  }
0x487: {  	v14 =	vmul.f32 v14, v44;
	v13 =	vld.idx.msk [tilespmem:v13+s17+$0x0], $0xffff;
	_ =	sdelay $0x1  }
0x488: {  	[tilespmem:v16+s13+$0x0] =	vst.idx.add.f32.msk $0xffff, v14;
	v14 =	vmul.f32 v17, v0;
	v16 =	vor.u32 v11, v8  }
0x489: {  	v15 =	vld.idx.msk [tilespmem:v18+s17+$0x0], $0xffff  }
0x48a: {  	[tilespmem:v20+s13+$0x0] =	vst.idx.add.f32.msk $0xffff, v14;
	v14 =	vadd.s32 v22, v3;
	v12 =	vcombine.low v12, v19  }
0x48b: {  	v24 =	vld [tilespmem:$0x1FF20];
	v13 =	vmul.f32 v13, v1  }
0x48c: {  	v38 =	vld [tilespmem:$0x1FB10];
	v17 =	vor.u32 v12, v45  }
0x48d: {  	[tilespmem:v16+s13+$0x0] =	vst.idx.add.f32.msk $0xffff, v13  }
0x48e: {  	v21 =	vadd.s32 v22, v63;
	v13 =	vld [tilespmem:$0x1FAB0]  }
0x48f: {  	v15 =	vmul.f32 v15, v44;
	v14 =	vld.idx.msk [tilespmem:v14+s17+$0x0], $0xffff;
	_ =	sdelay $0x1  }
0x490: {  	[tilespmem:v17+s13+$0x0] =	vst.idx.add.f32.msk $0xffff, v15;
	v17 =	vor.u32 v12, v8  }
0x491: {  	v26 =	vld [tilespmem:$0x1FFB0]  }
0x492: {  	v18 =	vld.idx.msk [tilespmem:v21+s17+$0x0], $0xffff  }
0x493: {  	v21 =	vor.u32 v24, v46;
	v20 =	vsel vm0, v13, v38;
	v13 =	vld [tilespmem:$0x1FB00];
	v14 =	vmul.f32 v14, v1  }
0x494: {  	v39 =	vld [tilespmem:$0x1FB40];
	v22 =	vor.u32 v12, v2  }
0x495: {  	v23 =	vadd.s32 v24, v63;
	[tilespmem:v17+s13+$0x0] =	vst.idx.add.f32.msk $0xffff, v14  }
0x496: {  	v14 =	vld [tilespmem:$0x1FB70]  }
0x497: {  	v15 =	vmul.f32 v18, v0  }
0x498: {  	v16 =	vld.idx.msk [tilespmem:v21+s17+$0x0], $0xffff;
	v13 =	vcombine.low v13, v20  }
0x499: {  	[tilespmem:v22+s13+$0x0] =	vst.idx.add.f32.msk $0xffff, v15;
	v15 =	vadd.s32 v24, v3  }
0x49a: {  	v18 =	vor.u32 v13, v45;
	v22 =	vld.idx.msk [tilespmem:v23+s17+$0x0], $0xffff  }
0x49b: {  	v23 =	vor.u32 v26, v46;
	v21 =	vsel vm0, v14, v39;
	v14 =	vld [tilespmem:$0x1FB30]  }
0x49c: {  	v24 =	vor.u32 v13, v2  }
0x49d: {  	v27 =	vld [tilespmem:$0x1FF30];
	v16 =	vmul.f32 v16, v44  }
0x49e: {  	v25 =	vadd.s32 v26, v63;
	v15 =	vld.idx.msk [tilespmem:v15+s17+$0x0], $0xffff  }
0x49f: {  	[tilespmem:v18+s13+$0x0] =	vst.idx.add.f32.msk $0xffff, v16;
	v16 =	vmul.f32 v22, v0  }
0x4a0: {  	v18 =	vor.u32 v13, v8;
	v17 =	vld.idx.msk [tilespmem:v23+s17+$0x0], $0xffff;
	v14 =	vcombine.low v14, v21  }
0x4a1: {  	[tilespmem:v24+s13+$0x0] =	vst.idx.add.f32.msk $0xffff, v16;
	v16 =	vadd.s32 v26, v3  }
0x4a2: {  	v22 =	vor.u32 v14, v45  }
0x4a3: {  	v24 =	vor.u32 v27, v46;
	v23 =	vld.idx.msk [tilespmem:v25+s17+$0x0], $0xffff;
	v15 =	vmul.f32 v15, v1  }
0x4a4: {  	v28 =	vld [tilespmem:$0x1F900]  }
0x4a5: {  	v17 =	vmul.f32 v17, v44;
	[tilespmem:v18+s13+$0x0] =	vst.idx.add.f32.msk $0xffff, v15;
	v25 =	vor.u32 v14, v2  }
0x4a6: {  	v15 =	vld.idx.msk [tilespmem:v16+s17+$0x0], $0xffff  }
0x4a7: {  	[tilespmem:v22+s13+$0x0] =	vst.idx.add.f32.msk $0xffff, v17  }
0x4a8: {  	v16 =	vmul.f32 v23, v0;
	v18 =	vor.u32 v14, v8;
	v17 =	vld.idx.msk [tilespmem:v24+s17+$0x0], $0xffff;
	_ =	sdelay $0x1  }
0x4a9: {  	[tilespmem:v25+s13+$0x0] =	vst.idx.add.f32.msk $0xffff, v16;
	v22 =	vor.u32 v28, v45  }
0x4aa: {  	v26 =	vadd.s32 v27, v63;
	v15 =	vmul.f32 v15, v1;
	v16 =	vadd.s32 v27, v3;
	v27 =	vld [tilespmem:$0x1FFC0];
	_ =	sdelay $0x1  }
0x4ab: {  	[tilespmem:v18+s13+$0x0] =	vst.idx.add.f32.msk $0xffff, v15;
	v17 =	vmul.f32 v17, v44  }
0x4ac: {  	v15 =	vld [tilespmem:$0x1FAC0]  }
0x4ad: {  	[tilespmem:v22+s13+$0x0] =	vst.idx.add.f32.msk $0xffff, v17  }
0x4ae: {  	v24 =	vor.u32 v27, v46;
	v22 =	vld [tilespmem:$0x1FB50];
	_ =	sdelay $0x1  }
0x4af: {  	v23 =	vld.idx.msk [tilespmem:v26+s17+$0x0], $0xffff  }
0x4b0: {  	v16 =	vld.idx.msk [tilespmem:v16+s17+$0x0], $0xffff  }
0x4b1: {  	v25 =	vor.u32 v28, v2;
	v15 =	vsel vm0, v29, v15  }
0x4b2: {  	v18 =	vld.idx.msk [tilespmem:v24+s17+$0x0], $0xffff;
	v15 =	vcombine.low v15, v22;
	v22 =	vor.u32 v28, v8;
	_ =	sdelay $0x1  }
0x4b3: {  	v17 =	vmul.f32 v23, v0;
	v23 =	vor.u32 v15, v45  }
0x4b4: {  	v16 =	vmul.f32 v16, v1;
	v28 =	vld [tilespmem:$0x1FF40]  }
0x4b5: {  	[tilespmem:v25+s13+$0x0] =	vst.idx.add.f32.msk $0xffff, v17  }
0x4b6: {  	v26 =	vadd.s32 v27, v63;
	v18 =	vmul.f32 v18, v44;
	[tilespmem:v22+s13+$0x0] =	vst.idx.add.f32.msk $0xffff, v16  }
0x4b7: {  	v17 =	vadd.s32 v27, v3;
	v16 =	vld [tilespmem:$0x1FAF0]  }
0x4b8: {  	[tilespmem:v23+s13+$0x0] =	vst.idx.add.f32.msk $0xffff, v18  }
0x4b9: {  	v25 =	vor.u32 v28, v46;
	v23 =	vld [tilespmem:$0x1FB60];
	_ =	sdelay $0x1  }
0x4ba: {  	v24 =	vld.idx.msk [tilespmem:v26+s17+$0x0], $0xffff  }
0x4bb: {  	v17 =	vld.idx.msk [tilespmem:v17+s17+$0x0], $0xffff  }
0x4bc: {  	v26 =	vor.u32 v15, v2;
	v16 =	vsel vm0, v38, v16  }
0x4bd: {  	v22 =	vld.idx.msk [tilespmem:v25+s17+$0x0], $0xffff;
	v16 =	vcombine.low v16, v23;
	v23 =	vor.u32 v15, v8;
	_ =	sdelay $0x1  }
0x4be: {  	v18 =	vmul.f32 v24, v0;
	v24 =	vor.u32 v16, v45  }
0x4bf: {  	v29 =	vld [tilespmem:$0x1FFD0];
	v17 =	vmul.f32 v17, v1  }
0x4c0: {  	[tilespmem:v26+s13+$0x0] =	vst.idx.add.f32.msk $0xffff, v18  }
0x4c1: {  	v27 =	vadd.s32 v28, v63;
	v22 =	vmul.f32 v22, v44;
	[tilespmem:v23+s13+$0x0] =	vst.idx.add.f32.msk $0xffff, v17  }
0x4c2: {  	v18 =	vadd.s32 v28, v3;
	v17 =	vld [tilespmem:$0x1FB20]  }
0x4c3: {  	[tilespmem:v24+s13+$0x0] =	vst.idx.add.f32.msk $0xffff, v22  }
0x4c4: {  	v26 =	vor.u32 v29, v46;
	v24 =	vld [tilespmem:$0x1FB80];
	_ =	sdelay $0x1  }
0x4c5: {  	v25 =	vld.idx.msk [tilespmem:v27+s17+$0x0], $0xffff  }
0x4c6: {  	v18 =	vld.idx.msk [tilespmem:v18+s17+$0x0], $0xffff  }
0x4c7: {  	v27 =	vor.u32 v16, v2;
	v17 =	vsel vm0, v39, v17  }
0x4c8: {  	v23 =	vld.idx.msk [tilespmem:v26+s17+$0x0], $0xffff;
	v17 =	vcombine.low v17, v24;
	v24 =	vor.u32 v16, v8;
	_ =	sdelay $0x1  }
0x4c9: {  	v22 =	vmul.f32 v25, v0;
	v25 =	vor.u32 v17, v45  }
0x4ca: {  	v40 =	vld [tilespmem:$0x1FF50];
	v18 =	vmul.f32 v18, v1  }
0x4cb: {  	[tilespmem:v27+s13+$0x0] =	vst.idx.add.f32.msk $0xffff, v22  }
0x4cc: {  	v23 =	vmul.f32 v23, v44;
	[tilespmem:v24+s13+$0x0] =	vst.idx.add.f32.msk $0xffff, v18  }
0x4cd: {  	v28 =	vadd.s32 v29, v63;
	v18 =	vld [tilespmem:$0x1F8E0]  }
0x4ce: {  	[tilespmem:v25+s13+$0x0] =	vst.idx.add.f32.msk $0xffff, v23  }
0x4cf: {  	v23 =	vld [tilespmem:$0x1F8F0]  }
0x4d0: {  	v27 =	vor.u32 v40, v46;
	v25 =	vld [tilespmem:$0x1FB90];
	_ =	sdelay $0x1  }
0x4d1: {  	v26 =	vld.idx.msk [tilespmem:v28+s17+$0x0], $0xffff  }
0x4d2: {  	v22 =	vadd.s32 v29, v3  }
0x4d3: {  	v18 =	vsel vm0, v18, v23  }
0x4d4: {  	v24 =	vld.idx.msk [tilespmem:v27+s17+$0x0], $0xffff;
	v18 =	vcombine.low v18, v25  }
0x4d5: {  	v28 =	vor.u32 v17, v2  }
0x4d6: {  	v23 =	vmul.f32 v26, v0;
	v26 =	vor.u32 v18, v45  }
0x4d7: {  	v22 =	vld.idx.msk [tilespmem:v22+s17+$0x0], $0xffff  }
0x4d8: {  	v29 =	vadd.s32 v40, v63  }
0x4d9: {  	v39 =	vld [tilespmem:$0x1FF90];
	v25 =	vor.u32 v17, v8;
	v24 =	vmul.f32 v24, v44  }
0x4da: {  	[tilespmem:v28+s13+$0x0] =	vst.idx.add.f32.msk $0xffff, v23;
	v23 =	vadd.s32 v40, v3  }
0x4db: {  	[tilespmem:v26+s13+$0x0] =	vst.idx.add.f32.msk $0xffff, v24  }
0x4dc: {  	v22 =	vmul.f32 v22, v1;
	v26 =	vld [tilespmem:$0x1FBA0]  }
0x4dd: {  	v27 =	vld.idx.msk [tilespmem:v29+s17+$0x0], $0xffff  }
0x4de: {  	v28 =	vor.u32 v39, v46;
	[tilespmem:v25+s13+$0x0] =	vst.idx.add.f32.msk $0xffff, v22  }
0x4df: {  	v29 =	vor.u32 v18, v2;
	v23 =	vld.idx.msk [tilespmem:v23+s17+$0x0], $0xffff  }
0x4e0: {  	v22 =	vadd.s32 v39, v63  }
0x4e1: {  	v19 =	vcombine.low v19, v26;
	v26 =	vor.u32 v18, v8  }
0x4e2: {  	v38 =	vld [tilespmem:$0x1FFF0];
	v24 =	vmul.f32 v27, v0  }
0x4e3: {  	v25 =	vld.idx.msk [tilespmem:v28+s17+$0x0], $0xffff  }
0x4e4: {  	[tilespmem:v29+s13+$0x0] =	vst.idx.add.f32.msk $0xffff, v24;
	v23 =	vmul.f32 v23, v1  }
0x4e5: {  	v24 =	vadd.s32 v39, v3;
	v22 =	vld.idx.msk [tilespmem:v22+s17+$0x0], $0xffff  }
0x4e6: {  	[tilespmem:v26+s13+$0x0] =	vst.idx.add.f32.msk $0xffff, v23  }
0x4e7: {  	v26 =	vld [tilespmem:$0x1FBB0]  }
0x4e8: {  	v27 =	vor.u32 v19, v45  }
0x4e9: {  	v29 =	vor.u32 v19, v2  }
0x4ea: {  	v28 =	vor.u32 v38, v46;
	v24 =	vld.idx.msk [tilespmem:v24+s17+$0x0], $0xffff  }
0x4eb: {  	v25 =	vmul.f32 v25, v44;
	v23 =	vadd.s32 v38, v63  }
0x4ec: {  	v40 =	vld [tilespmem:$0x1FFA0];
	v22 =	vmul.f32 v22, v0;
	v20 =	vcombine.low v20, v26;
	v26 =	vor.u32 v19, v8  }
0x4ed: {  	[tilespmem:v27+s13+$0x0] =	vst.idx.add.f32.msk $0xffff, v25  }
0x4ee: {  	[tilespmem:v29+s13+$0x0] =	vst.idx.add.f32.msk $0xffff, v22  }
0x4ef: {  	v25 =	vld.idx.msk [tilespmem:v28+s17+$0x0], $0xffff;
	v24 =	vmul.f32 v24, v1  }
0x4f0: {  	v22 =	vadd.s32 v38, v3;
	v23 =	vld.idx.msk [tilespmem:v23+s17+$0x0], $0xffff  }
0x4f1: {  	v27 =	vor.u32 v20, v45;
	[tilespmem:v26+s13+$0x0] =	vst.idx.add.f32.msk $0xffff, v24  }
0x4f2: {  	v28 =	vor.u32 v40, v46;
	v26 =	vld [tilespmem:$0x1FBC0]  }
0x4f3: {  	v29 =	vor.u32 v20, v2  }
0x4f4: {  	v25 =	vmul.f32 v25, v44;
	v24 =	vadd.s32 v40, v63  }
0x4f5: {  	v22 =	vld.idx.msk [tilespmem:v22+s17+$0x0], $0xffff  }
0x4f6: {  	v23 =	vmul.f32 v23, v0;
	[tilespmem:v27+s13+$0x0] =	vst.idx.add.f32.msk $0xffff, v25  }
0x4f7: {  	v25 =	vld.idx.msk [tilespmem:v28+s17+$0x0], $0xffff;
	v21 =	vcombine.low v21, v26;
	v26 =	vor.u32 v20, v8  }
0x4f8: {  	[tilespmem:v29+s13+$0x0] =	vst.idx.add.f32.msk $0xffff, v23;
	v23 =	vadd.s32 v40, v3  }
0x4f9: {  	v24 =	vld.idx.msk [tilespmem:v24+s17+$0x0], $0xffff;
	v27 =	vor.u32 v21, v45  }
0x4fa: {  	v39 =	vld [tilespmem:$0x1F8A0];
	v28 =	vor.u32 v37, v46;
	v22 =	vmul.f32 v22, v1  }
0x4fb: {  	v38 =	vld [tilespmem:$0x1FFE0];
	v29 =	vor.u32 v21, v2  }
0x4fc: {  	v25 =	vmul.f32 v25, v44;
	[tilespmem:v26+s13+$0x0] =	vst.idx.add.f32.msk $0xffff, v22;
	v22 =	vadd.s32 v37, v63  }
0x4fd: {  	v23 =	vld.idx.msk [tilespmem:v23+s17+$0x0], $0xffff  }
0x4fe: {  	v24 =	vmul.f32 v24, v0;
	[tilespmem:v27+s13+$0x0] =	vst.idx.add.f32.msk $0xffff, v25  }
0x4ff: {  	v26 =	vor.u32 v21, v8;
	v25 =	vld.idx.msk [tilespmem:v28+s17+$0x0], $0xffff  }
0x500: {  	[tilespmem:v29+s13+$0x0] =	vst.idx.add.f32.msk $0xffff, v24;
	v24 =	vadd.s32 v37, v3  }
0x501: {  	v27 =	vor.u32 v39, v45;
	v22 =	vld.idx.msk [tilespmem:v22+s17+$0x0], $0xffff  }
0x502: {  	v28 =	vor.u32 v38, v46;
	v23 =	vmul.f32 v23, v1  }
0x503: {  	v40 =	vld [tilespmem:$0x1F8B0];
	v29 =	vor.u32 v39, v2  }
0x504: {  	[tilespmem:v26+s13+$0x0] =	vst.idx.add.f32.msk $0xffff, v23;
	v23 =	vmul.f32 v25, v44  }
0x505: {  	v25 =	vadd.s32 v38, v63;
	v24 =	vld.idx.msk [tilespmem:v24+s17+$0x0], $0xffff  }
0x506: {  	[tilespmem:v27+s13+$0x0] =	vst.idx.add.f32.msk $0xffff, v23;
	v22 =	vmul.f32 v22, v0  }
0x507: {  	v26 =	vor.u32 v39, v8;
	v23 =	vld.idx.msk [tilespmem:v28+s17+$0x0], $0xffff  }
0x508: {  	[tilespmem:v29+s13+$0x0] =	vst.idx.add.f32.msk $0xffff, v22;
	v22 =	vadd.s32 v38, v3;
	_ =	sdelay $0x1  }
0x509: {  	v27 =	vor.u32 v40, v45;
	v25 =	vld.idx.msk [tilespmem:v25+s17+$0x0], $0xffff;
	v24 =	vmul.f32 v24, v1;
	_ =	sdelay $0x1  }
0x50a: {  	v28 =	vor.u32 v40, v2;
	[tilespmem:v26+s13+$0x0] =	vst.idx.add.f32.msk $0xffff, v24  }
0x50b: {  	v23 =	vmul.f32 v23, v44;
	v26 =	vadd.s32 v36, v63;
	v22 =	vld.idx.msk [tilespmem:v22+s17+$0x0], $0xffff  }
0x50c: {  	v33 =	vld [tilespmem:$0x1F8C0]  }
0x50d: {  	v25 =	vmul.f32 v25, v0;
	[tilespmem:v27+s13+$0x0] =	vst.idx.add.f32.msk $0xffff, v23;
	v23 =	vor.u32 v40, v8  }
0x50e: {  	v24 =	vor.u32 v36, v46  }
0x50f: {  	[tilespmem:v28+s13+$0x0] =	vst.idx.add.f32.msk $0xffff, v25  }
0x510: {  	v26 =	vld.idx.msk [tilespmem:v26+s17+$0x0], $0xffff;
	v22 =	vmul.f32 v22, v1  }
0x511: {  	v38 =	vmov v42;
	v42 =	vld [tilespmem:$0x1FD70];
	v25 =	vadd.s32 v36, v3  }
0x512: {  	[tilespmem:v23+s13+$0x0] =	vst.idx.add.f32.msk $0xffff, v22;
	v22 =	vor.u32 v33, v2  }
0x513: {  	v24 =	vld.idx.msk [tilespmem:v24+s17+$0x0], $0xffff;
	_ =	sdelay $0x1  }
0x514: {  	v27 =	vor.u32 v33, v45;
	v26 =	vmul.f32 v26, v0  }
0x515: {  	v23 =	vor.u32 v42, v46;
	v25 =	vld.idx.msk [tilespmem:v25+s17+$0x0], $0xffff  }
0x516: {  	[tilespmem:v22+s13+$0x0] =	vst.idx.add.f32.msk $0xffff, v26  }
0x517: {  	v29 =	vor.u32 v33, v8;
	v24 =	vmul.f32 v24, v44;
	v26 =	vld [tilespmem:$0x1F8D0];
	_ =	sdelay $0x1  }
0x518: {  	v28 =	vadd.s32 v42, v63;
	[tilespmem:v27+s13+$0x0] =	vst.idx.add.f32.msk $0xffff, v24  }
0x519: {  	v3 =	vadd.s32 v42, v3;
	v22 =	vld.idx.msk [tilespmem:v23+s17+$0x0], $0xffff;
	v23 =	vmul.f32 v25, v1;
	_ =	sdelay $0x1  }
0x51a: {  	[tilespmem:v29+s13+$0x0] =	vst.idx.add.f32.msk $0xffff, v23;
	v23 =	vor.u32 v26, v45  }
0x51b: {  	v63 =	vld [tilespmem:$0x1FF80]  }
0x51c: {  	v24 =	vld.idx.msk [tilespmem:v28+s17+$0x0], $0xffff  }
0x51d: {  	v3 =	vld.idx.msk [tilespmem:v3+s17+$0x0], $0xffff;
	v22 =	vmul.f32 v22, v44  }
0x51e: {  	v27 =	vld [tilespmem:$0x1FC00];
	v2 =	vor.u32 v26, v2  }
0x51f: {  	v8 =	vor.u32 v26, v8;
	[tilespmem:v23+s13+$0x0] =	vst.idx.add.f32.msk $0xffff, v22  }
0x520: {  	v22 =	vld [tilespmem:$0x1F890]  }
0x521: {  	v26 =	vld [tilespmem:$0x1FBF0];
	v24 =	vmul.f32 v24, v0  }
0x522: {  	v0 =	vmul.f32 v0, v0;
	v46 =	vmul.f32 v3, v1;
	v23 =	vld [tilespmem:$0x1FBD0]  }
0x523: {  	v25 =	vmul.f32 v44, v44;
	[tilespmem:v2+s13+$0x0] =	vst.idx.add.f32.msk $0xffff, v24  }
0x524: {  	v0 =	vmul.f32 v0, v47;
	v47 =	vimm.f32 $1.000000000e+00;
	v1 =	vmul.f32 v1, v1;
	[tilespmem:v8+s13+$0x0] =	vst.idx.add.f32.msk $0xffff, v46  }
0x525: {  	s18 =	sadd.s32 $0x3, s18;
	[tilespmem:v43+s14+$0x0] =	vst.idx.add.f32.msk $0xffff, v47;
	v22 =	vmul.f32 v25, v22  }
0x526: {  	p0 =	slt.u32 s18, $0x1B;
	v1 =	vmul.f32 v1, v55;
	v55 =	vld [tilespmem:$0x1FD80]  }
.Ltmp1:
0x527: {  	[tilespmem:v58+s14+$0x0] =	vst.idx.add.f32.msk $0xffff, v47;
	v3 =	vadd.f32 v22, v41;
	(pc) =	sbr.rel @p0 .LBB2_4-.Ltmp1, $4  }
0x528: {  	v58 =	vld [tilespmem:$0x1FF60]  }
0x529: {  	[tilespmem:v59+s14+$0x0] =	vst.idx.add.f32.msk $0xffff, v47;
	v0 =	vadd.f32 v0, v3  }
0x52a: {  	s21 =	sadd.s32 $0x180, s21;
	s23 =	simm.s32 $0x1E0;
	v59 =	vld [tilespmem:$0x1FF70]  }
0x52b: {  	s20 =	sadd.s32 $0x30, s20;
	s22 =	simm.s32 $0xF00;
	s19 =	sadd.s32 $0x30, s19;
	v25 =	vld [tilespmem:$0x1FBE0];
	v41 =	vadd.f32 v1, v0  }
0x52c: {  	v40 =	vmov v37;
	v39 =	vmov v36;
	v38 =	vld [tilespmem:$0x1F9A0]  }
.LBB2_6:
0x52d: {  	s18 =	sshra.s32 s17, $0x2  }
0x52e: {  	v0 =	vld [tilespmem:s18+$0xC60]  }
0x52f: {  	v1 =	vld [tilespmem:s18+$0xCE0]  }
0x530: {  	v2 =	vld [tilespmem:s18+$0xD60]  }
0x531: {  	v3 =	vld [tilespmem:s18+$0xDE0]  }
0x532: {  	v8 =	vld [tilespmem:s18+$0xE60]  }
0x533: {  	v22 =	vld [tilespmem:s18+$0xEE0]  }
0x534: {  	v23 =	vld [tilespmem:s18+$0xF60]  }
0x535: {  	v25 =	vld [tilespmem:s18+$0x1C60]  }
0x536: {  	v26 =	vld [tilespmem:s18+$0x1CE0]  }
0x537: {  	v27 =	vld [tilespmem:s18+$0x1D60]  }
0x538: {  	v28 =	vld [tilespmem:s18+$0x1DE0]  }
0x539: {  	v29 =	vld [tilespmem:s18+$0x1E60]  }
0x53a: {  	v30 =	vld [tilespmem:s18+$0x1EE0]  }
0x53b: {  	v31 =	vld [tilespmem:s18+$0x1F60]  }
0x53c: {  	v32 =	vld [tilespmem:s18+$0x1FE0]  }
0x53d: {  	v33 =	vld [tilespmem:s18+$0x2C60]  }
0x53e: {  	v34 =	vld [tilespmem:s18+$0x2CE0]  }
0x53f: {  	v42 =	vld [tilespmem:s18+$0x2D60]  }
0x540: {  	v43 =	vld [tilespmem:s18+$0x2DE0]  }
0x541: {  	v44 =	vld [tilespmem:s18+$0x2E60]  }
0x542: {  	v45 =	vld [tilespmem:s18+$0x2EE0]  }
0x543: {  	v46 =	vld [tilespmem:s18+$0x2F60]  }
0x544: {  	v47 =	vld [tilespmem:s18+$0x2FE0]  }
0x545: {  	s19 =	sor.u32 s22, s23;
	v55 =	vld [tilespmem:s18+$0x3C60]  }
0x546: {  	s19 =	sor.u32 $0x380, s19;
	v58 =	vld [tilespmem:s18+$0x3CE0]  }
0x547: {  	v24 =	vld [tilespmem:s19+$0x0]  }
0x548: {  	v59 =	vld [tilespmem:s18+$0x3D60]  }
0x549: {  	v63 =	vld [tilespmem:s18+$0x3DE0];
	v0 =	vmul.f32 v0, v0;
	v1 =	vmul.f32 v1, v1  }
0x54a: {  	v35 =	vld [tilespmem:s18+$0x3E60];
	v2 =	vmul.f32 v2, v2;
	v8 =	vmul.f32 v8, v8  }
0x54b: {  	v36 =	vld [tilespmem:s18+$0x3EE0];
	v3 =	vmul.f32 v3, v3;
	v22 =	vmul.f32 v22, v22  }
0x54c: {  	v37 =	vld [tilespmem:s18+$0x3F60];
	v0 =	vadd.f32 v8, v0;
	v8 =	vmul.f32 v23, v23;
	v23 =	vmul.f32 v24, v24  }
0x54d: {  	v24 =	vld [tilespmem:s18+$0x3FE0];
	v1 =	vadd.f32 v22, v1;
	v22 =	vmul.f32 v25, v25  }
0x54e: {  	v25 =	vmul.f32 v26, v26;
	v26 =	vld [tilespmem:s18+$0x4C60];
	v2 =	vadd.f32 v8, v2;
	v3 =	vadd.f32 v23, v3  }
0x54f: {  	v8 =	vmul.f32 v27, v27;
	v23 =	vld [tilespmem:s18+$0x4CE0];
	v0 =	vadd.f32 v22, v0;
	v22 =	vmul.f32 v28, v28  }
0x550: {  	v1 =	vadd.f32 v25, v1;
	v25 =	vld [tilespmem:s18+$0x4D60];
	v27 =	vmul.f32 v30, v30  }
0x551: {  	v28 =	vld [tilespmem:s18+$0x4DE0];
	v2 =	vadd.f32 v8, v2;
	v8 =	vmul.f32 v29, v29;
	v3 =	vadd.f32 v22, v3  }
0x552: {  	v30 =	vld [tilespmem:s18+$0x4E60];
	v22 =	vmul.f32 v31, v31;
	v29 =	vmul.f32 v32, v32;
	v1 =	vadd.f32 v27, v1  }
0x553: {  	v27 =	vld [tilespmem:s18+$0x4EE0];
	v24 =	vmul.f32 v24, v24;
	v0 =	vadd.f32 v8, v0;
	v8 =	vmul.f32 v33, v33  }
0x554: {  	v32 =	vld [tilespmem:s18+$0x4FE0];
	v2 =	vadd.f32 v22, v2;
	v3 =	vadd.f32 v29, v3;
	v22 =	vmul.f32 v34, v34  }
0x555: {  	v31 =	vld [tilespmem:s18+$0x5CE0];
	v0 =	vadd.f32 v8, v0;
	v8 =	vmul.f32 v42, v42;
	v42 =	vmul.f32 v43, v43  }
0x556: {  	v29 =	vld [tilespmem:s18+$0x4F60];
	v1 =	vadd.f32 v22, v1;
	v22 =	vmul.f32 v44, v44;
	v43 =	vmul.f32 v45, v45  }
0x557: {  	v34 =	vld [tilespmem:s18+$0x5C60];
	v44 =	vmul.f32 v63, v63;
	v2 =	vadd.f32 v8, v2;
	v8 =	vmul.f32 v46, v46  }
0x558: {  	v33 =	vld [tilespmem:s18+$0x5D60];
	v3 =	vadd.f32 v42, v3;
	v0 =	vadd.f32 v22, v0;
	v22 =	vmul.f32 v47, v47  }
0x559: {  	v1 =	vadd.f32 v43, v1;
	v43 =	vld [tilespmem:s18+$0x5DE0];
	v2 =	vadd.f32 v8, v2;
	v8 =	vmul.f32 v55, v55  }
0x55a: {  	v45 =	vld [tilespmem:s18+$0x5E60];
	v42 =	vmul.f32 v58, v58;
	v3 =	vadd.f32 v22, v3;
	v22 =	vmul.f32 v59, v59  }
0x55b: {  	v47 =	vmul.f32 v27, v27;
	v27 =	vld [tilespmem:s18+$0x6DE0];
	v0 =	vadd.f32 v8, v0;
	v8 =	vmul.f32 v35, v35  }
0x55c: {  	v1 =	vadd.f32 v42, v1;
	v35 =	vld [tilespmem:s18+$0x5EE0];
	v2 =	vadd.f32 v22, v2;
	v22 =	vmul.f32 v36, v36  }
0x55d: {  	v3 =	vadd.f32 v44, v3;
	v36 =	vld [tilespmem:s18+$0x5F60];
	v0 =	vadd.f32 v8, v0;
	v8 =	vmul.f32 v37, v37  }
0x55e: {  	v44 =	vmul.f32 v43, v43;
	v43 =	vld [tilespmem:s18+$0x7D60];
	v1 =	vadd.f32 v22, v1;
	v22 =	vmul.f32 v26, v26  }
0x55f: {  	v23 =	vmul.f32 v23, v23;
	v37 =	vld [tilespmem:s18+$0x5FE0];
	v2 =	vadd.f32 v8, v2;
	v8 =	vmul.f32 v25, v25  }
0x560: {  	v26 =	vld [tilespmem:s18+$0x6C60];
	v3 =	vadd.f32 v24, v3;
	v0 =	vadd.f32 v22, v0;
	v22 =	vmul.f32 v28, v28  }
0x561: {  	v24 =	vld [tilespmem:s18+$0x6CE0];
	v2 =	vadd.f32 v8, v2;
	v8 =	vmul.f32 v30, v30  }
0x562: {  	v1 =	vadd.f32 v23, v1;
	v23 =	vld [tilespmem:s18+$0x6D60];
	v3 =	vadd.f32 v22, v3;
	v22 =	vmul.f32 v29, v29  }
0x563: {  	v42 =	vmul.f32 v32, v32;
	v25 =	vld [tilespmem:s18+$0x6EE0];
	v0 =	vadd.f32 v8, v0;
	v8 =	vmul.f32 v34, v34  }
0x564: {  	v28 =	vld [tilespmem:s18+$0x6F60];
	v1 =	vadd.f32 v47, v1;
	v2 =	vadd.f32 v22, v2;
	v22 =	vmul.f32 v31, v31  }
0x565: {  	v47 =	vmul.f32 v35, v35;
	v31 =	vld [tilespmem:s18+$0x6FE0];
	v0 =	vadd.f32 v8, v0;
	v8 =	vmul.f32 v33, v33  }
0x566: {  	v29 =	vld [tilespmem:s18+$0x6E60];
	v3 =	vadd.f32 v42, v3;
	v1 =	vadd.f32 v22, v1;
	v22 =	vmul.f32 v45, v45  }
0x567: {  	v35 =	vld [tilespmem:s18+$0x7FE0];
	v24 =	vmul.f32 v24, v24;
	v2 =	vadd.f32 v8, v2;
	v8 =	vmul.f32 v36, v36  }
0x568: {  	v42 =	vld [tilespmem:s18+$0x7CE0];
	v3 =	vadd.f32 v44, v3;
	v0 =	vadd.f32 v22, v0;
	v22 =	vmul.f32 v37, v37  }
0x569: {  	v33 =	vld [tilespmem:s18+$0x7C60];
	v1 =	vadd.f32 v47, v1;
	v2 =	vadd.f32 v8, v2;
	v8 =	vmul.f32 v26, v26  }
0x56a: {  	v47 =	vld [tilespmem:s18+$0x7EE0];
	v34 =	vmul.f32 v31, v31;
	v3 =	vadd.f32 v22, v3;
	v22 =	vmul.f32 v23, v23  }
0x56b: {  	v44 =	vld [tilespmem:s18+$0x7DE0];
	v23 =	vmul.f32 v27, v27;
	v0 =	vadd.f32 v8, v0;
	v8 =	vmul.f32 v29, v29  }
0x56c: {  	v45 =	vld [tilespmem:s18+$0x7E60];
	v1 =	vadd.f32 v24, v1;
	v2 =	vadd.f32 v22, v2;
	v22 =	vmul.f32 v25, v25  }
0x56d: {  	v3 =	vadd.f32 v23, v3;
	v23 =	vld [tilespmem:s18+$0x7F60];
	v0 =	vadd.f32 v8, v0;
	v8 =	vmul.f32 v28, v28  }
0x56e: {  	v36 =	vmul.f32 v42, v42;
	v1 =	vadd.f32 v22, v1;
	v22 =	vmul.f32 v33, v33  }
0x56f: {  	v24 =	vmul.f32 v47, v47;
	v2 =	vadd.f32 v8, v2;
	v8 =	vmul.f32 v43, v43  }
0x570: {  	v3 =	vadd.f32 v34, v3;
	v0 =	vadd.f32 v22, v0;
	v22 =	vmul.f32 v44, v44  }
0x571: {  	v1 =	vadd.f32 v36, v1;
	v2 =	vadd.f32 v8, v2;
	v8 =	vmul.f32 v45, v45  }
0x572: {  	v3 =	vadd.f32 v22, v3;
	v22 =	vmul.f32 v23, v23;
	v23 =	vmul.f32 v35, v35  }
0x573: {  	v1 =	vadd.f32 v24, v1;
	v0 =	vadd.f32 v8, v0  }
0x574: {  	v2 =	vadd.f32 v22, v2;
	v3 =	vadd.f32 v23, v3;
	_ =	sdelay $0x1  }
0x575: {  	v0 =	vadd.f32 v1, v0;
	v37 =	vadd.f32 v3, v2;
	_ =	sdelay $0x1  }
0x576: {  	v0 =	vadd.f32 v37, v0;
	_ =	sdelay $0x1  }
0x577: {  	v1 =	vmax.f32 v0, $1.000000020e-24  }
0x578: {  	v42 =	vshra.s32 v1, $0x1;
	v1 =	vmul.f32 $5.000000000e-01, v1  }
0x579: {  	v2 =	vsub.s32 $0x5F3759DF, v42  }
0x57a: {  	v3 =	vmul.f32 v2, v1;
	_ =	sdelay $0x1  }
0x57b: {  	v3 =	vmul.f32 v2, v3;
	_ =	sdelay $0x1  }
0x57c: {  	v3 =	vsub.f32 $1.500000000e+00, v3;
	_ =	sdelay $0x1  }
0x57d: {  	v3 =	vmul.f32 v2, v3;
	_ =	sdelay $0x1  }
0x57e: {  	v2 =	vmul.f32 v3, v1  }
0x57f: {  	v8 =	vmov s23  }
0x580: {  	v22 =	vor.u32 s23, v10;
	v8 =	vshll.u32 v8, $0x3;
	v2 =	vmul.f32 v2, v3  }
0x581: {  	v43 =	vand.u32 $0x7F, v22;
	v8 =	vand.u32 $0xC00, v8  }
0x582: {  	v23 =	vsub.f32 $1.500000000e+00, v2;
	v2 =	vor.u32 v8, v43;
	v8 =	vld [tilespmem:$0x1F910];
	_ =	sdelay $0x4  }
0x583: {  	v8 =	vor.u32 v8, v2  }
0x584: {  	v22 =	vld [tilespmem:s18+$0x81E0];
	_ =	sdelay $0x1  }
0x585: {  	v3 =	vmul.f32 v23, v3;
	_ =	sdelay $0x1  }
0x586: {  	v1 =	vmul.f32 v3, v1;
	v23 =	vld.idx.msk [tilespmem:v8+s2+$0x0], $0xffff  }
0x587: {  	v8 =	vshll.u32 v22, $0x7;
	v22 =	vld [tilespmem:$0x1F920]  }
0x588: {  	v1 =	vmul.f32 v1, v3;
	_ =	sdelay $0x1  }
0x589: {  	v44 =	vsub.f32 $1.500000000e+00, v1  }
0x58a: {  	v1 =	vor.u32 v10, v8  }
0x58b: {  	v3 =	vmul.f32 v44, v3;
	v22 =	vor.u32 v22, v2;
	_ =	sdelay $0x1  }
0x58c: {  	v55 =	vld [tilespmem:$0x1FD80];
	v23 =	vmul.f32 v3, v23  }
0x58d: {  	v45 =	vld [tilespmem:$0x1F930]  }
0x58e: {  	[tilespmem:v1+s13+$0x0] =	vst.idx.add.f32.msk $0xffff, v23  }
0x58f: {  	v22 =	vld.idx.msk [tilespmem:v22+s2+$0x0], $0xffff;
	_ =	sdelay $0x1  }
0x590: {  	v23 =	vor.u32 v55, v8  }
0x591: {  	v24 =	vor.u32 v45, v2;
	_ =	sdelay $0x1  }
0x592: {  	v58 =	vld [tilespmem:$0x1FF60];
	v22 =	vmul.f32 v3, v22  }
0x593: {  	v47 =	vld [tilespmem:$0x1F940]  }
0x594: {  	[tilespmem:v23+s13+$0x0] =	vst.idx.add.f32.msk $0xffff, v22  }
0x595: {  	v22 =	vld.idx.msk [tilespmem:v24+s2+$0x0], $0xffff;
	_ =	sdelay $0x1  }
0x596: {  	v23 =	vor.u32 v58, v8  }
0x597: {  	v24 =	vor.u32 v47, v2;
	_ =	sdelay $0x1  }
0x598: {  	v59 =	vld [tilespmem:$0x1FF70];
	v22 =	vmul.f32 v3, v22  }
0x599: {  	v28 =	vld [tilespmem:$0x1F950]  }
0x59a: {  	[tilespmem:v23+s13+$0x0] =	vst.idx.add.f32.msk $0xffff, v22  }
0x59b: {  	v22 =	vld.idx.msk [tilespmem:v24+s2+$0x0], $0xffff;
	_ =	sdelay $0x1  }
0x59c: {  	v23 =	vor.u32 v59, v8  }
0x59d: {  	v24 =	vor.u32 v28, v2;
	_ =	sdelay $0x1  }
0x59e: {  	v63 =	vld [tilespmem:$0x1FF80];
	v22 =	vmul.f32 v3, v22;
	_ =	sdelay $0x1  }
0x59f: {  	[tilespmem:v23+s13+$0x0] =	vst.idx.add.f32.msk $0xffff, v22  }
0x5a0: {  	v22 =	vld.idx.msk [tilespmem:v24+s2+$0x0], $0xffff  }
0x5a1: {  	v29 =	vld [tilespmem:$0x1F960]  }
0x5a2: {  	v23 =	vor.u32 v63, v8;
	_ =	sdelay $0x2  }
0x5a3: {  	v22 =	vmul.f32 v3, v22  }
0x5a4: {  	v24 =	vor.u32 v29, v2  }
0x5a5: {  	[tilespmem:v23+s13+$0x0] =	vst.idx.add.f32.msk $0xffff, v22  }
0x5a6: {  	v23 =	vld [tilespmem:$0x1FBD0];
	_ =	sdelay $0x2  }
0x5a7: {  	v22 =	vld.idx.msk [tilespmem:v24+s2+$0x0], $0xffff  }
0x5a8: {  	v30 =	vld [tilespmem:$0x1F970]  }
0x5a9: {  	v23 =	vor.u32 v23, v8;
	_ =	sdelay $0x2  }
0x5aa: {  	v22 =	vmul.f32 v3, v22  }
0x5ab: {  	v24 =	vor.u32 v30, v2  }
0x5ac: {  	[tilespmem:v23+s13+$0x0] =	vst.idx.add.f32.msk $0xffff, v22  }
0x5ad: {  	v23 =	vld [tilespmem:$0x1FBE0];
	_ =	sdelay $0x2  }
0x5ae: {  	v22 =	vld.idx.msk [tilespmem:v24+s2+$0x0], $0xffff  }
0x5af: {  	v31 =	vld [tilespmem:$0x1F980]  }
0x5b0: {  	v23 =	vor.u32 v23, v8;
	_ =	sdelay $0x2  }
0x5b1: {  	v22 =	vmul.f32 v3, v22  }
0x5b2: {  	v24 =	vor.u32 v31, v2  }
0x5b3: {  	[tilespmem:v23+s13+$0x0] =	vst.idx.add.f32.msk $0xffff, v22  }
0x5b4: {  	v23 =	vld [tilespmem:$0x1FBF0];
	_ =	sdelay $0x2  }
0x5b5: {  	v22 =	vld.idx.msk [tilespmem:v24+s2+$0x0], $0xffff  }
0x5b6: {  	v32 =	vld [tilespmem:$0x1F990]  }
0x5b7: {  	v23 =	vor.u32 v23, v8;
	_ =	sdelay $0x2  }
0x5b8: {  	v22 =	vmul.f32 v3, v22  }
0x5b9: {  	v24 =	vor.u32 v32, v2  }
0x5ba: {  	[tilespmem:v23+s13+$0x0] =	vst.idx.add.f32.msk $0xffff, v22  }
0x5bb: {  	v23 =	vld [tilespmem:$0x1FC00];
	_ =	sdelay $0x2  }
0x5bc: {  	v22 =	vld.idx.msk [tilespmem:v24+s2+$0x0], $0xffff;
	_ =	sdelay $0x1  }
0x5bd: {  	v23 =	vor.u32 v23, v8;
	_ =	sdelay $0x2  }
0x5be: {  	v22 =	vmul.f32 v3, v22  }
0x5bf: {  	v33 =	vor.u32 v38, v2  }
0x5c0: {  	[tilespmem:v23+s13+$0x0] =	vst.idx.add.f32.msk $0xffff, v22  }
0x5c1: {  	v23 =	vld [tilespmem:$0x1FC10];
	_ =	sdelay $0x2  }
0x5c2: {  	v22 =	vld.idx.msk [tilespmem:v33+s2+$0x0], $0xffff  }
0x5c3: {  	v34 =	vld [tilespmem:$0x1F9B0]  }
0x5c4: {  	v23 =	vor.u32 v23, v8;
	_ =	sdelay $0x2  }
0x5c5: {  	v22 =	vmul.f32 v3, v22  }
0x5c6: {  	v24 =	vor.u32 v34, v2  }
0x5c7: {  	[tilespmem:v23+s13+$0x0] =	vst.idx.add.f32.msk $0xffff, v22  }
0x5c8: {  	v23 =	vld [tilespmem:$0x1FC20];
	_ =	sdelay $0x2  }
0x5c9: {  	v22 =	vld.idx.msk [tilespmem:v24+s2+$0x0], $0xffff  }
0x5ca: {  	v35 =	vld [tilespmem:$0x1F9C0]  }
0x5cb: {  	v23 =	vor.u32 v23, v8;
	_ =	sdelay $0x2  }
0x5cc: {  	v22 =	vmul.f32 v3, v22  }
0x5cd: {  	v24 =	vor.u32 v35, v2  }
0x5ce: {  	[tilespmem:v23+s13+$0x0] =	vst.idx.add.f32.msk $0xffff, v22  }
0x5cf: {  	v23 =	vld [tilespmem:$0x1FC30];
	_ =	sdelay $0x2  }
0x5d0: {  	v22 =	vld.idx.msk [tilespmem:v24+s2+$0x0], $0xffff  }
0x5d1: {  	v36 =	vld [tilespmem:$0x1F9D0]  }
0x5d2: {  	v23 =	vor.u32 v23, v8;
	_ =	sdelay $0x2  }
0x5d3: {  	v22 =	vmul.f32 v22, v3  }
0x5d4: {  	v24 =	vor.u32 v36, v2  }
0x5d5: {  	[tilespmem:v23+s13+$0x0] =	vst.idx.add.f32.msk $0xffff, v22  }
0x5d6: {  	v23 =	vld [tilespmem:$0x1FC40];
	_ =	sdelay $0x2  }
0x5d7: {  	v22 =	vld.idx.msk [tilespmem:v24+s2+$0x0], $0xffff  }
0x5d8: {  	v37 =	vld [tilespmem:$0x1F9E0]  }
0x5d9: {  	v23 =	vor.u32 v23, v8;
	_ =	sdelay $0x2  }
0x5da: {  	v22 =	vmul.f32 v22, v3  }
0x5db: {  	v24 =	vor.u32 v37, v2  }
0x5dc: {  	[tilespmem:v23+s13+$0x0] =	vst.idx.add.f32.msk $0xffff, v22  }
0x5dd: {  	v23 =	vld [tilespmem:$0x1FC50];
	_ =	sdelay $0x2  }
0x5de: {  	v22 =	vld.idx.msk [tilespmem:v24+s2+$0x0], $0xffff  }
0x5df: {  	v42 =	vld [tilespmem:$0x1F9F0]  }
0x5e0: {  	v23 =	vor.u32 v23, v8;
	_ =	sdelay $0x2  }
0x5e1: {  	v22 =	vmul.f32 v22, v3  }
0x5e2: {  	v24 =	vor.u32 v42, v2  }
0x5e3: {  	[tilespmem:v23+s13+$0x0] =	vst.idx.add.f32.msk $0xffff, v22  }
0x5e4: {  	v23 =	vld [tilespmem:$0x1FC60];
	_ =	sdelay $0x2  }
0x5e5: {  	v22 =	vld.idx.msk [tilespmem:v24+s2+$0x0], $0xffff  }
0x5e6: {  	v43 =	vld [tilespmem:$0x1FA00]  }
0x5e7: {  	v23 =	vor.u32 v23, v8;
	_ =	sdelay $0x2  }
0x5e8: {  	v22 =	vmul.f32 v22, v3  }
0x5e9: {  	v24 =	vor.u32 v43, v2  }
0x5ea: {  	[tilespmem:v23+s13+$0x0] =	vst.idx.add.f32.msk $0xffff, v22  }
0x5eb: {  	v23 =	vld [tilespmem:$0x1FC70];
	_ =	sdelay $0x2  }
0x5ec: {  	v22 =	vld.idx.msk [tilespmem:v24+s2+$0x0], $0xffff  }
0x5ed: {  	v44 =	vld [tilespmem:$0x1FA10]  }
0x5ee: {  	v23 =	vor.u32 v23, v8;
	_ =	sdelay $0x2  }
0x5ef: {  	v22 =	vmul.f32 v22, v3  }
0x5f0: {  	v24 =	vor.u32 v44, v2  }
0x5f1: {  	[tilespmem:v23+s13+$0x0] =	vst.idx.add.f32.msk $0xffff, v22  }
0x5f2: {  	v23 =	vld [tilespmem:$0x1FC80];
	_ =	sdelay $0x2  }
0x5f3: {  	v22 =	vld.idx.msk [tilespmem:v24+s2+$0x0], $0xffff  }
0x5f4: {  	v45 =	vld [tilespmem:$0x1FA20]  }
0x5f5: {  	v23 =	vor.u32 v23, v8;
	_ =	sdelay $0x2  }
0x5f6: {  	v22 =	vmul.f32 v22, v3  }
0x5f7: {  	v24 =	vor.u32 v45, v2  }
0x5f8: {  	[tilespmem:v23+s13+$0x0] =	vst.idx.add.f32.msk $0xffff, v22  }
0x5f9: {  	v23 =	vld [tilespmem:$0x1FC90];
	_ =	sdelay $0x2  }
0x5fa: {  	v22 =	vld.idx.msk [tilespmem:v24+s2+$0x0], $0xffff  }
0x5fb: {  	v47 =	vld [tilespmem:$0x1FA30]  }
0x5fc: {  	v23 =	vor.u32 v23, v8;
	_ =	sdelay $0x2  }
0x5fd: {  	v22 =	vmul.f32 v22, v3  }
0x5fe: {  	v24 =	vor.u32 v47, v2  }
0x5ff: {  	[tilespmem:v23+s13+$0x0] =	vst.idx.add.f32.msk $0xffff, v22  }
0x600: {  	v23 =	vld [tilespmem:$0x1FCA0];
	_ =	sdelay $0x2  }
0x601: {  	v22 =	vld.idx.msk [tilespmem:v24+s2+$0x0], $0xffff  }
0x602: {  	v28 =	vld [tilespmem:$0x1FA40]  }
0x603: {  	v23 =	vor.u32 v23, v8;
	_ =	sdelay $0x2  }
0x604: {  	v22 =	vmul.f32 v22, v3  }
0x605: {  	v24 =	vor.u32 v28, v2  }
0x606: {  	[tilespmem:v23+s13+$0x0] =	vst.idx.add.f32.msk $0xffff, v22  }
0x607: {  	v23 =	vld [tilespmem:$0x1FCB0];
	_ =	sdelay $0x2  }
0x608: {  	v22 =	vld.idx.msk [tilespmem:v24+s2+$0x0], $0xffff  }
0x609: {  	v29 =	vld [tilespmem:$0x1FA50]  }
0x60a: {  	v23 =	vor.u32 v23, v8;
	_ =	sdelay $0x2  }
0x60b: {  	v22 =	vmul.f32 v22, v3  }
0x60c: {  	v24 =	vor.u32 v29, v2  }
0x60d: {  	[tilespmem:v23+s13+$0x0] =	vst.idx.add.f32.msk $0xffff, v22  }
0x60e: {  	v23 =	vld [tilespmem:$0x1FCC0];
	_ =	sdelay $0x2  }
0x60f: {  	v22 =	vld.idx.msk [tilespmem:v24+s2+$0x0], $0xffff  }
0x610: {  	v30 =	vld [tilespmem:$0x1FA60]  }
0x611: {  	v23 =	vor.u32 v23, v8;
	_ =	sdelay $0x2  }
0x612: {  	v22 =	vmul.f32 v22, v3  }
0x613: {  	v24 =	vor.u32 v30, v2  }
0x614: {  	[tilespmem:v23+s13+$0x0] =	vst.idx.add.f32.msk $0xffff, v22  }
0x615: {  	v23 =	vld [tilespmem:$0x1FCD0];
	_ =	sdelay $0x2  }
0x616: {  	v22 =	vld.idx.msk [tilespmem:v24+s2+$0x0], $0xffff  }
0x617: {  	v31 =	vld [tilespmem:$0x1FA70]  }
0x618: {  	v23 =	vor.u32 v23, v8;
	_ =	sdelay $0x2  }
0x619: {  	v22 =	vmul.f32 v22, v3  }
0x61a: {  	v24 =	vor.u32 v31, v2  }
0x61b: {  	[tilespmem:v23+s13+$0x0] =	vst.idx.add.f32.msk $0xffff, v22  }
0x61c: {  	v23 =	vld [tilespmem:$0x1FCE0];
	_ =	sdelay $0x2  }
0x61d: {  	v22 =	vld.idx.msk [tilespmem:v24+s2+$0x0], $0xffff  }
0x61e: {  	v32 =	vld [tilespmem:$0x1FA80]  }
0x61f: {  	v23 =	vor.u32 v23, v8;
	_ =	sdelay $0x2  }
0x620: {  	v22 =	vmul.f32 v22, v3  }
0x621: {  	v24 =	vor.u32 v32, v2  }
0x622: {  	[tilespmem:v23+s13+$0x0] =	vst.idx.add.f32.msk $0xffff, v22  }
0x623: {  	v23 =	vld [tilespmem:$0x1FCF0];
	_ =	sdelay $0x2  }
0x624: {  	v22 =	vld.idx.msk [tilespmem:v24+s2+$0x0], $0xffff  }
0x625: {  	v33 =	vld [tilespmem:$0x1FA90]  }
0x626: {  	v23 =	vor.u32 v23, v8;
	_ =	sdelay $0x2  }
0x627: {  	v22 =	vmul.f32 v22, v3  }
0x628: {  	v24 =	vor.u32 v33, v2  }
0x629: {  	[tilespmem:v23+s13+$0x0] =	vst.idx.add.f32.msk $0xffff, v22  }
0x62a: {  	v23 =	vld [tilespmem:$0x1FD00];
	_ =	sdelay $0x2  }
0x62b: {  	v22 =	vld.idx.msk [tilespmem:v24+s2+$0x0], $0xffff  }
0x62c: {  	v34 =	vld [tilespmem:$0x1FE50]  }
0x62d: {  	v23 =	vor.u32 v23, v8;
	_ =	sdelay $0x2  }
0x62e: {  	v22 =	vmul.f32 v22, v3  }
0x62f: {  	v24 =	vor.u32 v34, v2  }
0x630: {  	[tilespmem:v23+s13+$0x0] =	vst.idx.add.f32.msk $0xffff, v22  }
0x631: {  	v23 =	vld [tilespmem:$0x1FD10];
	_ =	sdelay $0x2  }
0x632: {  	v22 =	vld.idx.msk [tilespmem:v24+s2+$0x0], $0xffff  }
0x633: {  	v35 =	vld [tilespmem:$0x1FD90]  }
0x634: {  	v23 =	vor.u32 v23, v8;
	_ =	sdelay $0x2  }
0x635: {  	v22 =	vmul.f32 v22, v3  }
0x636: {  	v24 =	vor.u32 v35, v2  }
0x637: {  	[tilespmem:v23+s13+$0x0] =	vst.idx.add.f32.msk $0xffff, v22  }
0x638: {  	v23 =	vld [tilespmem:$0x1FD20];
	_ =	sdelay $0x2  }
0x639: {  	v22 =	vld.idx.msk [tilespmem:v24+s2+$0x0], $0xffff  }
0x63a: {  	v36 =	vld [tilespmem:$0x1FE60]  }
0x63b: {  	v23 =	vor.u32 v23, v8;
	_ =	sdelay $0x2  }
0x63c: {  	v22 =	vmul.f32 v22, v3  }
0x63d: {  	v24 =	vor.u32 v36, v2  }
0x63e: {  	[tilespmem:v23+s13+$0x0] =	vst.idx.add.f32.msk $0xffff, v22  }
0x63f: {  	v23 =	vld [tilespmem:$0x1FD30];
	_ =	sdelay $0x2  }
0x640: {  	v22 =	vld.idx.msk [tilespmem:v24+s2+$0x0], $0xffff  }
0x641: {  	v37 =	vld [tilespmem:$0x1FDA0]  }
0x642: {  	v23 =	vor.u32 v23, v8;
	_ =	sdelay $0x2  }
0x643: {  	v22 =	vmul.f32 v22, v3  }
0x644: {  	v24 =	vor.u32 v37, v2  }
0x645: {  	[tilespmem:v23+s13+$0x0] =	vst.idx.add.f32.msk $0xffff, v22  }
0x646: {  	v23 =	vld [tilespmem:$0x1FD40];
	_ =	sdelay $0x2  }
0x647: {  	v22 =	vld.idx.msk [tilespmem:v24+s2+$0x0], $0xffff  }
0x648: {  	v42 =	vld [tilespmem:$0x1FE70]  }
0x649: {  	v23 =	vor.u32 v23, v8;
	_ =	sdelay $0x2  }
0x64a: {  	v22 =	vmul.f32 v22, v3  }
0x64b: {  	v24 =	vor.u32 v42, v2  }
0x64c: {  	[tilespmem:v23+s13+$0x0] =	vst.idx.add.f32.msk $0xffff, v22  }
0x64d: {  	v23 =	vld [tilespmem:$0x1FD50];
	_ =	sdelay $0x2  }
0x64e: {  	v22 =	vld.idx.msk [tilespmem:v24+s2+$0x0], $0xffff  }
0x64f: {  	v43 =	vld [tilespmem:$0x1FDB0]  }
0x650: {  	v23 =	vor.u32 v23, v8;
	_ =	sdelay $0x2  }
0x651: {  	v22 =	vmul.f32 v22, v3  }
0x652: {  	v24 =	vor.u32 v43, v2  }
0x653: {  	[tilespmem:v23+s13+$0x0] =	vst.idx.add.f32.msk $0xffff, v22  }
0x654: {  	v23 =	vld [tilespmem:$0x1FD60]  }
0x655: {  	v44 =	vld [tilespmem:$0x1FE80];
	_ =	sdelay $0x1  }
0x656: {  	v22 =	vld.idx.msk [tilespmem:v24+s2+$0x0], $0xffff;
	_ =	sdelay $0x1  }
0x657: {  	v23 =	vor.u32 v23, v8  }
0x658: {  	v24 =	vor.u32 v44, v2;
	_ =	sdelay $0x1  }
0x659: {  	v22 =	vmul.f32 v22, v3  }
0x65a: {  	v45 =	vld [tilespmem:$0x1FDC0]  }
0x65b: {  	[tilespmem:v23+s13+$0x0] =	vst.idx.add.f32.msk $0xffff, v22  }
0x65c: {  	v22 =	vld.idx.msk [tilespmem:v24+s2+$0x0], $0xffff;
	_ =	sdelay $0x1  }
0x65d: {  	v23 =	vor.u32 v48, v8  }
0x65e: {  	v24 =	vor.u32 v45, v2;
	_ =	sdelay $0x1  }
0x65f: {  	v22 =	vmul.f32 v22, v3  }
0x660: {  	v47 =	vld [tilespmem:$0x1FE90]  }
0x661: {  	[tilespmem:v23+s13+$0x0] =	vst.idx.add.f32.msk $0xffff, v22  }
0x662: {  	v22 =	vld.idx.msk [tilespmem:v24+s2+$0x0], $0xffff;
	_ =	sdelay $0x1  }
0x663: {  	v23 =	vor.u32 v49, v8  }
0x664: {  	v24 =	vor.u32 v47, v2;
	_ =	sdelay $0x1  }
0x665: {  	v22 =	vmul.f32 v22, v3  }
0x666: {  	v28 =	vld [tilespmem:$0x1FDD0]  }
0x667: {  	[tilespmem:v23+s13+$0x0] =	vst.idx.add.f32.msk $0xffff, v22  }
0x668: {  	v22 =	vld.idx.msk [tilespmem:v24+s2+$0x0], $0xffff;
	_ =	sdelay $0x1  }
0x669: {  	v23 =	vor.u32 v50, v8  }
0x66a: {  	v24 =	vor.u32 v28, v2;
	_ =	sdelay $0x1  }
0x66b: {  	v22 =	vmul.f32 v22, v3  }
0x66c: {  	v29 =	vld [tilespmem:$0x1FEA0]  }
0x66d: {  	[tilespmem:v23+s13+$0x0] =	vst.idx.add.f32.msk $0xffff, v22  }
0x66e: {  	v22 =	vld.idx.msk [tilespmem:v24+s2+$0x0], $0xffff;
	_ =	sdelay $0x1  }
0x66f: {  	v23 =	vor.u32 v51, v8  }
0x670: {  	v24 =	vor.u32 v29, v2;
	_ =	sdelay $0x1  }
0x671: {  	v22 =	vmul.f32 v22, v3  }
0x672: {  	v30 =	vld [tilespmem:$0x1FDE0]  }
0x673: {  	[tilespmem:v23+s13+$0x0] =	vst.idx.add.f32.msk $0xffff, v22  }
0x674: {  	v22 =	vld.idx.msk [tilespmem:v24+s2+$0x0], $0xffff;
	_ =	sdelay $0x1  }
0x675: {  	v23 =	vor.u32 v52, v8  }
0x676: {  	v24 =	vor.u32 v30, v2;
	_ =	sdelay $0x1  }
0x677: {  	v22 =	vmul.f32 v22, v3  }
0x678: {  	v31 =	vld [tilespmem:$0x1FEB0]  }
0x679: {  	[tilespmem:v23+s13+$0x0] =	vst.idx.add.f32.msk $0xffff, v22  }
0x67a: {  	v22 =	vld.idx.msk [tilespmem:v24+s2+$0x0], $0xffff;
	_ =	sdelay $0x1  }
0x67b: {  	v23 =	vor.u32 v53, v8  }
0x67c: {  	v24 =	vor.u32 v31, v2;
	_ =	sdelay $0x1  }
0x67d: {  	v22 =	vmul.f32 v22, v3  }
0x67e: {  	v32 =	vld [tilespmem:$0x1FDF0]  }
0x67f: {  	[tilespmem:v23+s13+$0x0] =	vst.idx.add.f32.msk $0xffff, v22  }
0x680: {  	v22 =	vld.idx.msk [tilespmem:v24+s2+$0x0], $0xffff;
	_ =	sdelay $0x1  }
0x681: {  	v23 =	vor.u32 v54, v8  }
0x682: {  	v24 =	vor.u32 v32, v2;
	_ =	sdelay $0x1  }
0x683: {  	v22 =	vmul.f32 v22, v3  }
0x684: {  	v33 =	vld [tilespmem:$0x1FEC0]  }
0x685: {  	[tilespmem:v23+s13+$0x0] =	vst.idx.add.f32.msk $0xffff, v22  }
0x686: {  	v22 =	vld.idx.msk [tilespmem:v24+s2+$0x0], $0xffff;
	_ =	sdelay $0x1  }
0x687: {  	v23 =	vor.u32 v56, v8  }
0x688: {  	v24 =	vor.u32 v33, v2;
	_ =	sdelay $0x1  }
0x689: {  	v22 =	vmul.f32 v22, v3  }
0x68a: {  	v34 =	vld [tilespmem:$0x1FE00]  }
0x68b: {  	[tilespmem:v23+s13+$0x0] =	vst.idx.add.f32.msk $0xffff, v22  }
0x68c: {  	v22 =	vld.idx.msk [tilespmem:v24+s2+$0x0], $0xffff;
	_ =	sdelay $0x1  }
0x68d: {  	v23 =	vor.u32 v57, v8  }
0x68e: {  	v24 =	vor.u32 v34, v2;
	_ =	sdelay $0x1  }
0x68f: {  	v22 =	vmul.f32 v22, v3  }
0x690: {  	v35 =	vld [tilespmem:$0x1FED0]  }
0x691: {  	[tilespmem:v23+s13+$0x0] =	vst.idx.add.f32.msk $0xffff, v22  }
0x692: {  	v22 =	vld.idx.msk [tilespmem:v24+s2+$0x0], $0xffff;
	_ =	sdelay $0x1  }
0x693: {  	v23 =	vor.u32 v61, v8  }
0x694: {  	v24 =	vor.u32 v35, v2;
	_ =	sdelay $0x1  }
0x695: {  	v22 =	vmul.f32 v22, v3  }
0x696: {  	v36 =	vld [tilespmem:$0x1FE10]  }
0x697: {  	[tilespmem:v23+s13+$0x0] =	vst.idx.add.f32.msk $0xffff, v22  }
0x698: {  	v22 =	vld.idx.msk [tilespmem:v24+s2+$0x0], $0xffff;
	_ =	sdelay $0x1  }
0x699: {  	v23 =	vor.u32 v60, v8  }
0x69a: {  	v24 =	vor.u32 v36, v2;
	_ =	sdelay $0x1  }
0x69b: {  	v22 =	vmul.f32 v22, v3  }
0x69c: {  	v37 =	vld [tilespmem:$0x1FEE0]  }
0x69d: {  	[tilespmem:v23+s13+$0x0] =	vst.idx.add.f32.msk $0xffff, v22  }
0x69e: {  	v22 =	vld.idx.msk [tilespmem:v24+s2+$0x0], $0xffff;
	_ =	sdelay $0x1  }
0x69f: {  	v23 =	vor.u32 v62, v8  }
0x6a0: {  	v24 =	vor.u32 v37, v2;
	_ =	sdelay $0x1  }
0x6a1: {  	v22 =	vmul.f32 v22, v3  }
0x6a2: {  	v42 =	vld [tilespmem:$0x1FE20]  }
0x6a3: {  	[tilespmem:v23+s13+$0x0] =	vst.idx.add.f32.msk $0xffff, v22  }
0x6a4: {  	v22 =	vld.idx.msk [tilespmem:v24+s2+$0x0], $0xffff;
	_ =	sdelay $0x1  }
0x6a5: {  	v23 =	vor.u32 v4, v8  }
0x6a6: {  	v24 =	vor.u32 v42, v2;
	_ =	sdelay $0x1  }
0x6a7: {  	v22 =	vmul.f32 v22, v3  }
0x6a8: {  	v43 =	vld [tilespmem:$0x1FEF0]  }
0x6a9: {  	[tilespmem:v23+s13+$0x0] =	vst.idx.add.f32.msk $0xffff, v22  }
0x6aa: {  	v22 =	vld.idx.msk [tilespmem:v24+s2+$0x0], $0xffff;
	_ =	sdelay $0x1  }
0x6ab: {  	v23 =	vor.u32 v5, v8  }
0x6ac: {  	v24 =	vor.u32 v43, v2;
	_ =	sdelay $0x1  }
0x6ad: {  	v22 =	vmul.f32 v22, v3  }
0x6ae: {  	v44 =	vld [tilespmem:$0x1FE30]  }
0x6af: {  	[tilespmem:v23+s13+$0x0] =	vst.idx.add.f32.msk $0xffff, v22  }
0x6b0: {  	v22 =	vld.idx.msk [tilespmem:v24+s2+$0x0], $0xffff;
	_ =	sdelay $0x1  }
0x6b1: {  	v23 =	vor.u32 v6, v8  }
0x6b2: {  	v24 =	vor.u32 v44, v2;
	_ =	sdelay $0x1  }
0x6b3: {  	v22 =	vmul.f32 v22, v3  }
0x6b4: {  	v45 =	vld [tilespmem:$0x1FF00]  }
0x6b5: {  	[tilespmem:v23+s13+$0x0] =	vst.idx.add.f32.msk $0xffff, v22  }
0x6b6: {  	v22 =	vld.idx.msk [tilespmem:v24+s2+$0x0], $0xffff;
	_ =	sdelay $0x1  }
0x6b7: {  	v23 =	vor.u32 v7, v8  }
0x6b8: {  	v24 =	vor.u32 v45, v2;
	_ =	sdelay $0x1  }
0x6b9: {  	v22 =	vmul.f32 v22, v3  }
0x6ba: {  	v47 =	vld [tilespmem:$0x1FE40]  }
0x6bb: {  	[tilespmem:v23+s13+$0x0] =	vst.idx.add.f32.msk $0xffff, v22  }
0x6bc: {  	v22 =	vld.idx.msk [tilespmem:v24+s2+$0x0], $0xffff;
	_ =	sdelay $0x1  }
0x6bd: {  	v23 =	vor.u32 v9, v8  }
0x6be: {  	v24 =	vor.u32 v47, v2;
	_ =	sdelay $0x1  }
0x6bf: {  	v22 =	vmul.f32 v22, v3  }
0x6c0: {  	v28 =	vld [tilespmem:$0x1FF10]  }
0x6c1: {  	[tilespmem:v23+s13+$0x0] =	vst.idx.add.f32.msk $0xffff, v22  }
0x6c2: {  	v22 =	vld.idx.msk [tilespmem:v24+s2+$0x0], $0xffff;
	_ =	sdelay $0x1  }
0x6c3: {  	v23 =	vor.u32 v11, v8  }
0x6c4: {  	v24 =	vor.u32 v28, v2;
	_ =	sdelay $0x1  }
0x6c5: {  	v22 =	vmul.f32 v22, v3  }
0x6c6: {  	v29 =	vld [tilespmem:$0x1FF20]  }
0x6c7: {  	[tilespmem:v23+s13+$0x0] =	vst.idx.add.f32.msk $0xffff, v22  }
0x6c8: {  	v22 =	vld.idx.msk [tilespmem:v24+s2+$0x0], $0xffff;
	_ =	sdelay $0x1  }
0x6c9: {  	v23 =	vor.u32 v12, v8  }
0x6ca: {  	v24 =	vor.u32 v29, v2;
	_ =	sdelay $0x1  }
0x6cb: {  	v22 =	vmul.f32 v22, v3  }
0x6cc: {  	v30 =	vld [tilespmem:$0x1FFB0]  }
0x6cd: {  	[tilespmem:v23+s13+$0x0] =	vst.idx.add.f32.msk $0xffff, v22  }
0x6ce: {  	v22 =	vld.idx.msk [tilespmem:v24+s2+$0x0], $0xffff;
	_ =	sdelay $0x1  }
0x6cf: {  	v23 =	vor.u32 v13, v8  }
0x6d0: {  	v24 =	vor.u32 v30, v2;
	_ =	sdelay $0x1  }
0x6d1: {  	v22 =	vmul.f32 v22, v3;
	_ =	sdelay $0x1  }
0x6d2: {  	[tilespmem:v23+s13+$0x0] =	vst.idx.add.f32.msk $0xffff, v22  }
0x6d3: {  	v22 =	vld.idx.msk [tilespmem:v24+s2+$0x0], $0xffff  }
0x6d4: {  	v31 =	vld [tilespmem:$0x1FF30]  }
0x6d5: {  	v23 =	vor.u32 v14, v8;
	_ =	sdelay $0x2  }
0x6d6: {  	v22 =	vmul.f32 v22, v3  }
0x6d7: {  	v24 =	vor.u32 v31, v2  }
0x6d8: {  	[tilespmem:v23+s13+$0x0] =	vst.idx.add.f32.msk $0xffff, v22  }
0x6d9: {  	v23 =	vld [tilespmem:$0x1F900]  }
0x6da: {  	v32 =	vld [tilespmem:$0x1FFC0];
	_ =	sdelay $0x1  }
0x6db: {  	v22 =	vld.idx.msk [tilespmem:v24+s2+$0x0], $0xffff;
	_ =	sdelay $0x1  }
0x6dc: {  	v23 =	vor.u32 v23, v8  }
0x6dd: {  	v24 =	vor.u32 v32, v2;
	_ =	sdelay $0x1  }
0x6de: {  	v22 =	vmul.f32 v22, v3  }
0x6df: {  	v33 =	vld [tilespmem:$0x1FF40]  }
0x6e0: {  	[tilespmem:v23+s13+$0x0] =	vst.idx.add.f32.msk $0xffff, v22  }
0x6e1: {  	v22 =	vld.idx.msk [tilespmem:v24+s2+$0x0], $0xffff;
	_ =	sdelay $0x1  }
0x6e2: {  	v23 =	vor.u32 v15, v8  }
0x6e3: {  	v24 =	vor.u32 v33, v2;
	_ =	sdelay $0x1  }
0x6e4: {  	v22 =	vmul.f32 v22, v3  }
0x6e5: {  	v34 =	vld [tilespmem:$0x1FFD0]  }
0x6e6: {  	[tilespmem:v23+s13+$0x0] =	vst.idx.add.f32.msk $0xffff, v22  }
0x6e7: {  	v22 =	vld.idx.msk [tilespmem:v24+s2+$0x0], $0xffff;
	_ =	sdelay $0x1  }
0x6e8: {  	v23 =	vor.u32 v16, v8  }
0x6e9: {  	v24 =	vor.u32 v34, v2;
	_ =	sdelay $0x1  }
0x6ea: {  	v22 =	vmul.f32 v22, v3  }
0x6eb: {  	v35 =	vld [tilespmem:$0x1FF50]  }
0x6ec: {  	[tilespmem:v23+s13+$0x0] =	vst.idx.add.f32.msk $0xffff, v22  }
0x6ed: {  	v22 =	vld.idx.msk [tilespmem:v24+s2+$0x0], $0xffff;
	_ =	sdelay $0x1  }
0x6ee: {  	v23 =	vor.u32 v17, v8  }
0x6ef: {  	v24 =	vor.u32 v35, v2;
	_ =	sdelay $0x1  }
0x6f0: {  	v22 =	vmul.f32 v22, v3  }
0x6f1: {  	v36 =	vld [tilespmem:$0x1FF90]  }
0x6f2: {  	[tilespmem:v23+s13+$0x0] =	vst.idx.add.f32.msk $0xffff, v22  }
0x6f3: {  	v22 =	vld.idx.msk [tilespmem:v24+s2+$0x0], $0xffff;
	_ =	sdelay $0x1  }
0x6f4: {  	v23 =	vor.u32 v18, v8  }
0x6f5: {  	v24 =	vor.u32 v36, v2;
	_ =	sdelay $0x1  }
0x6f6: {  	v22 =	vmul.f32 v22, v3  }
0x6f7: {  	v37 =	vld [tilespmem:$0x1FFF0]  }
0x6f8: {  	[tilespmem:v23+s13+$0x0] =	vst.idx.add.f32.msk $0xffff, v22  }
0x6f9: {  	v22 =	vld.idx.msk [tilespmem:v24+s2+$0x0], $0xffff;
	_ =	sdelay $0x1  }
0x6fa: {  	v23 =	vor.u32 v19, v8  }
0x6fb: {  	v24 =	vor.u32 v37, v2;
	_ =	sdelay $0x1  }
0x6fc: {  	v22 =	vmul.f32 v22, v3  }
0x6fd: {  	v42 =	vld [tilespmem:$0x1FFA0]  }
0x6fe: {  	[tilespmem:v23+s13+$0x0] =	vst.idx.add.f32.msk $0xffff, v22  }
0x6ff: {  	v22 =	vld.idx.msk [tilespmem:v24+s2+$0x0], $0xffff;
	_ =	sdelay $0x1  }
0x700: {  	v23 =	vor.u32 v20, v8  }
0x701: {  	v24 =	vor.u32 v42, v2;
	_ =	sdelay $0x1  }
0x702: {  	v22 =	vmul.f32 v22, v3;
	_ =	sdelay $0x1  }
0x703: {  	[tilespmem:v23+s13+$0x0] =	vst.idx.add.f32.msk $0xffff, v22  }
0x704: {  	v22 =	vld.idx.msk [tilespmem:v24+s2+$0x0], $0xffff;
	_ =	sdelay $0x1  }
0x705: {  	v23 =	vor.u32 v21, v8;
	_ =	sdelay $0x2  }
0x706: {  	v22 =	vmul.f32 v22, v3  }
0x707: {  	v43 =	vor.u32 v40, v2  }
0x708: {  	[tilespmem:v23+s13+$0x0] =	vst.idx.add.f32.msk $0xffff, v22  }
0x709: {  	v23 =	vld [tilespmem:$0x1F8A0];
	_ =	sdelay $0x2  }
0x70a: {  	v22 =	vld.idx.msk [tilespmem:v43+s2+$0x0], $0xffff  }
0x70b: {  	v44 =	vld [tilespmem:$0x1FFE0]  }
0x70c: {  	v23 =	vor.u32 v23, v8;
	_ =	sdelay $0x2  }
0x70d: {  	v22 =	vmul.f32 v22, v3  }
0x70e: {  	v24 =	vor.u32 v44, v2  }
0x70f: {  	[tilespmem:v23+s13+$0x0] =	vst.idx.add.f32.msk $0xffff, v22  }
0x710: {  	v23 =	vld [tilespmem:$0x1F8B0];
	_ =	sdelay $0x2  }
0x711: {  	v22 =	vld.idx.msk [tilespmem:v24+s2+$0x0], $0xffff;
	_ =	sdelay $0x1  }
0x712: {  	v23 =	vor.u32 v23, v8;
	_ =	sdelay $0x2  }
0x713: {  	v22 =	vmul.f32 v22, v3  }
0x714: {  	v45 =	vor.u32 v39, v2  }
0x715: {  	[tilespmem:v23+s13+$0x0] =	vst.idx.add.f32.msk $0xffff, v22  }
0x716: {  	v23 =	vld [tilespmem:$0x1F8C0];
	_ =	sdelay $0x2  }
0x717: {  	v22 =	vld.idx.msk [tilespmem:v45+s2+$0x0], $0xffff  }
0x718: {  	v46 =	vld [tilespmem:$0x1FD70]  }
0x719: {  	v23 =	vor.u32 v23, v8;
	_ =	sdelay $0x2  }
0x71a: {  	v22 =	vmul.f32 v22, v3  }
0x71b: {  	v2 =	vor.u32 v46, v2  }
0x71c: {  	[tilespmem:v23+s13+$0x0] =	vst.idx.add.f32.msk $0xffff, v22  }
0x71d: {  	v22 =	vld [tilespmem:$0x1F8D0];
	_ =	sdelay $0x2  }
0x71e: {  	v2 =	vld.idx.msk [tilespmem:v2+s2+$0x0], $0xffff;
	_ =	sdelay $0x1  }
0x71f: {  	v8 =	vor.u32 v22, v8  }
0x720: {  	p0 =	sne.s32 s17, $0x40  }
.Ltmp2:
0x721: {  	v22 =	vmul.f32 v3, v3;
	(pc) =	sbr.rel @p0 .LBB2_6-.Ltmp2, $4  }
0x722: {  	v2 =	vmul.f32 v2, v3  }
0x723: {  	v0 =	vmul.f32 v22, v0  }
0x724: {  	v47 =	vimm.f32 $1.000000000e+00;
	[tilespmem:v8+s13+$0x0] =	vst.idx.add.f32.msk $0xffff, v2  }
0x725: {  	s22 =	sadd.s32 $0x80, s22;
	s17 =	sadd.s32 $0x40, s17;
	s23 =	sadd.s32 $0x10, s23;
	v41 =	vadd.f32 v0, v41;
	[tilespmem:v1+s14+$0x0] =	vst.idx.add.f32.msk $0xffff, v47  }
0x726: {  	_ = 	snop  }
0x727: {  	[tilespmem:$0xC200] =	vst v41  }
0x728: {  	[hbm4b:s5+s2] =	stream.linear.scatter [tilespmem:s13], [sflag:$0x1], $0x2000, $0x38;
	[tilespmem:$0xC280] =	vst v63  }
0x729: {  	_ =	swait.ge [sflag:s11], $0x2000  }
0x72a: {  	[sflag:s11] =	ssyncset.done $0x0  }
0x72b: {  	[sflag:s11] =	ssyncadd.s32 $0xFFFFE000  }
0x72c: {  	[hbm4b:s6+s2] =	stream.linear.scatter [tilespmem:s14], [sflag:$0x1], $0x2000, $0x38;
	[tilespmem:$0xC280] =	vst v63  }
0x72d: {  	s16 =	sadd.s32 $0x1, s16;
	_ =	swait.ge [sflag:s11], $0x2000  }
0x72e: {  	p0 =	sne.s32 s16, s8;
	[sflag:s11] =	ssyncset.done $0x0  }
.Ltmp3:
0x72f: {  	[sflag:s11] =	ssyncadd.s32 $0xFFFFE000;
	(pc) =	sbr.rel @p0 .LBB2_1-.Ltmp3, $4  }
0x730: {  	[hbm4b:s7+s2] =	stream.linear.scatter [tilespmem:s15], [sflag:$0x1], $0x80, $0x38;
	[tilespmem:$0xC280] =	vst v63  }
0x731: {  	_ =	swait.ge [sflag:s11], $0x80  }
0x732: {  	[sflag:s11] =	ssyncset.done $0x0  }
0x733: {  	v44 =	vmov v39;
	v42 =	vmov v40;
	[sflag:s11] =	ssyncadd.s32 $0xFFFFFF80  }
0x734: {  	_ =	sfence.sel $0x180000  }
0x735: {  	[bflag:$0x0] =	sbarrier.arrive $0xFFFF  }
0x736: {  	p0 =	sne.s32 s1, $0x0;
	_ =	strace $0x90000047  }
0x737: {  	s0 =	sadd.s32 @!p0 $0x100000, s0;
	[bflag:$0x2] =	sbarrier.arrive $0xFFFF  }
0x738: {  	[sflag:s0] =	ssyncadd.tile.s32 @!p0 $0x1;
	_ =	shalt  }
.Lfunc_end2:
_tile_overlayer_lowered:
.L_overlay_start_2:
0x739: {  	(tag) =	ssettag $0x2  }
0x73a: {  	s0 =	rddreg [dreg:$0x0];
	s2 =	stileid.u32  }
0x73b: {  	s1 =	rddreg [dreg:$0x1];
	p0 =	sne.s32 s2, $0x0  }
0x73c: {  	s3 =	rddreg [dreg:$0x2];
	[bflag:$0x3] =	sbarrier.arrive $0xFFFF;
	s2 =	simm.s32 @!p0 $0x1C01  }
0x73d: {  	[timem:s3], [sflag:s2] =	dma.local @!p0 [hbm:s0], s1  }
0x73e: {  	s0 =	simm.s32 @!p0 $0x1  }
0x73f: {  	_ =	swait.ge @!p0 [sflag:s0], s1  }
0x740: {  	s1 =	ssub.s32 @!p0 $0x0, s1;
	[sflag:s0] =	ssyncset.done @!p0 $0x0  }
0x741: {  	[sflag:s0] =	ssyncadd.s32 @!p0 s1  }
0x742: {  	[bflag:$0x3] =	sbarrier.arrive $0xFFFF  }
0x743: {  	_ =	shalt  }

</sc_bundles>
